<compile_context>
chip_gen: v7x
topology: tpu7x:2x2x1
jax: 0.10.2.dev20260603
libtpu: 0.0.44.dev20260713+nightly
codegen_flags: <defaults>
</compile_context>

<pallas_src>
import functools

import jax
import jax.numpy as jnp
import numpy as np
from jax import lax
from jax.experimental import pallas as pl
from jax.experimental.pallas import tpu as pltpu
from jax.experimental.pallas import tpu_sc as plsc

N = 10000
E = 320000
F = 16
NC = 2
NS = 16
NW = NC * NS
EPW = E // NW
CH = 2000
NCH = EPW // CH
NPS = N // NS
NP = N // 8
EP = E // 8

_R_np = np.zeros((F, F * F), np.float32)
for _i in range(F):
    _R_np[_i, _i * F:(_i + 1) * F] = 1.0


def _unpack(x):
    b = x.shape[0]
    return jnp.concatenate([x[:, 16 * a:16 * (a + 1)] for a in range(8)], axis=0)


def _pack(m):
    b = m.shape[0] // 8
    return jnp.concatenate([m[a * b:(a + 1) * b, :] for a in range(8)], axis=1)



def _gather_body(h_hbm, src_hbm, out_hbm, idx_all, rows2, semg, semw2):
    c = lax.axis_index("c")
    s = lax.axis_index("s")
    w = c * NS + s
    base = w * EPW
    pltpu.sync_copy(src_hbm.at[pl.ds(base, EPW)], idx_all)
    writes = [None, None]
    for k in range(NCH):
        b = k % 2
        if writes[b] is not None:
            writes[b].wait()
        pltpu.async_copy(
            h_hbm.at[idx_all.at[pl.ds(k * CH, CH)]], rows2.at[b], semg).wait()
        writes[b] = pltpu.async_copy(
            rows2.at[b], out_hbm.at[w * NCH + k], semw2.at[b])
    for wcp in writes:
        if wcp is not None:
            wcp.wait()


@functools.lru_cache(maxsize=None)
def _sc_gather():
    return pl.kernel(
        _gather_body,
        out_type=jax.ShapeDtypeStruct((NW * NCH, CH, F), jnp.float32),
        mesh=plsc.VectorSubcoreMesh(core_axis_name="c", subcore_axis_name="s"),
        scratch_types=[
            pltpu.VMEM((EPW,), jnp.int32),
            pltpu.VMEM((2, CH, F), jnp.float32),
            pltpu.SemaphoreType.DMA,
            pltpu.SemaphoreType.DMA((2,)),
        ],
        compiler_params=pltpu.CompilerParams(use_tc_tiling_on_sc=False),
    )


def _scatter_body(m_hbm, dst_hbm, zeros_hbm, out_hbm, idx2, rows2, acc, semr2):
    c = lax.axis_index("c")
    s = lax.axis_index("s")
    pltpu.sync_copy(zeros_hbm.at[pl.ds(s * NPS, NPS)], acc.at[pl.ds(s * NPS, NPS)])
    w = c * NS + s
    base = w * EPW

    def start_read(k, b):
        pltpu.async_copy(dst_hbm.at[pl.ds(base + k * CH, CH)], idx2.at[b], semr2.at[b])
        pltpu.async_copy(m_hbm.at[w * NCH + k], rows2.at[b], semr2.at[b])

    def wait_read(b):
        pltpu.make_async_copy(
            dst_hbm.at[pl.ds(base, CH)], idx2.at[b], semr2.at[b]).wait()
        pltpu.make_async_copy(
            m_hbm.at[w * NCH], rows2.at[b], semr2.at[b]).wait()

    start_read(0, 0)
    plsc.subcore_barrier()
    for k in range(NCH):
        b = k % 2
        wait_read(b)
        if k + 1 < NCH:
            start_read(k + 1, 1 - b)
        pltpu.sync_copy(rows2.at[b], acc.at[idx2.at[b]], add=True)
    plsc.subcore_barrier()
    pltpu.sync_copy(acc.at[pl.ds(s * NPS, NPS)], out_hbm.at[c, pl.ds(s * NPS, NPS)])


@functools.lru_cache(maxsize=None)
def _sc_scatter():
    return pl.kernel(
        _scatter_body,
        out_type=jax.ShapeDtypeStruct((NC, N, F), jnp.float32),
        mesh=plsc.VectorSubcoreMesh(core_axis_name="c", subcore_axis_name="s"),
        scratch_types=[
            pltpu.VMEM((2, CH), jnp.int32),
            pltpu.VMEM((2, CH, F), jnp.float32),
            pltpu.VMEM_SHARED((N, F), jnp.float32),
            pltpu.SemaphoreType.DMA((2,)),
        ],
        compiler_params=pltpu.CompilerParams(use_tc_tiling_on_sc=False),
    )



BMP = 1000
BM = BMP * 8

_S_np = np.tile(np.eye(F, dtype=np.float32), (F, 1))


def _msg_math(y_h, y_ef, We, be, Rm, Sm):
    wf = jnp.dot(y_ef, We, preferred_element_type=jnp.float32) + be
    hexp = jnp.dot(y_h, Rm, preferred_element_type=jnp.float32)
    return jnp.dot(hexp * wf, Sm, preferred_element_type=jnp.float32)


def _msg1_body(hsrcp_ref, efraw_ref, We_ref, be_ref, R_ref, S_ref, mp_ref, efp_ref):
    y_ef = efraw_ref[...]
    m16 = _msg_math(_unpack(hsrcp_ref[...]), y_ef, We_ref[...], be_ref[...],
                    R_ref[...], S_ref[...])
    mp_ref[...] = _pack(m16)
    efp_ref[...] = _pack(y_ef)


def _msg2_body(hsrcp_ref, efp_ref, We_ref, be_ref, R_ref, S_ref, mp_ref):
    y_ef = _unpack(efp_ref[...])
    m16 = _msg_math(_unpack(hsrcp_ref[...]), y_ef, We_ref[...], be_ref[...],
                    R_ref[...], S_ref[...])
    mp_ref[...] = _pack(m16)


def _messages1(h_srcp, efeat, We, be2, Rm, Sm):
    return pl.pallas_call(
        _msg1_body,
        grid=(EP // BMP,),
        in_specs=[
            pl.BlockSpec((BMP, 128), lambda i: (i, 0)),
            pl.BlockSpec((BM, F), lambda i: (i, 0)),
            pl.BlockSpec((F, F * F), lambda i: (0, 0)),
            pl.BlockSpec((1, F * F), lambda i: (0, 0)),
            pl.BlockSpec((F, F * F), lambda i: (0, 0)),
            pl.BlockSpec((F * F, F), lambda i: (0, 0)),
        ],
        out_specs=[
            pl.BlockSpec((BMP, 128), lambda i: (i, 0)),
            pl.BlockSpec((BMP, 128), lambda i: (i, 0)),
        ],
        out_shape=[
            jax.ShapeDtypeStruct((EP, 128), jnp.float32),
            jax.ShapeDtypeStruct((EP, 128), jnp.float32),
        ],
    )(h_srcp, efeat, We, be2, Rm, Sm)


def _messages2(h_srcp, efeat_p, We, be2, Rm, Sm):
    return pl.pallas_call(
        _msg2_body,
        grid=(EP // BMP,),
        in_specs=[
            pl.BlockSpec((BMP, 128), lambda i: (i, 0)),
            pl.BlockSpec((BMP, 128), lambda i: (i, 0)),
            pl.BlockSpec((F, F * F), lambda i: (0, 0)),
            pl.BlockSpec((1, F * F), lambda i: (0, 0)),
            pl.BlockSpec((F, F * F), lambda i: (0, 0)),
            pl.BlockSpec((F * F, F), lambda i: (0, 0)),
        ],
        out_specs=pl.BlockSpec((BMP, 128), lambda i: (i, 0)),
        out_shape=jax.ShapeDtypeStruct((EP, 128), jnp.float32),
    )(h_srcp, efeat_p, We, be2, Rm, Sm)


def _gru_body(rst2p_ref, hp_ref, WihT_ref, WhhT_ref, bih_ref, bhh_ref, outp_ref):
    rst_p = rst2p_ref[0:NP, :] + rst2p_ref[NP:2 * NP, :]
    rst = _unpack(rst_p)
    h = _unpack(hp_ref[...])
    gi = jnp.dot(rst, WihT_ref[...], preferred_element_type=jnp.float32) + bih_ref[...]
    gh = jnp.dot(h, WhhT_ref[...], preferred_element_type=jnp.float32) + bhh_ref[...]
    r = jax.nn.sigmoid(gi[:, 0:F] + gh[:, 0:F])
    z = jax.nn.sigmoid(gi[:, F:2 * F] + gh[:, F:2 * F])
    n = jnp.tanh(gi[:, 2 * F:3 * F] + r * gh[:, 2 * F:3 * F])
    outp_ref[...] = _pack((1.0 - z) * n + z * h)


def _gru(rst2_p, h_p, WihT, WhhT, bih2, bhh2):
    return pl.pallas_call(
        _gru_body,
        out_shape=jax.ShapeDtypeStruct((NP, 128), jnp.float32),
    )(rst2_p, h_p, WihT, WhhT, bih2, bhh2)


def kernel(feat, edge_index, efeat, W_edge, b_edge, W_ih, W_hh, b_ih, b_hh):
    Rm = jnp.asarray(_R_np)
    Sm = jnp.asarray(_S_np)
    be2 = b_edge.reshape(1, F * F)
    WihT = W_ih.T
    WhhT = W_hh.T
    bih2 = b_ih.reshape(1, 3 * F)
    bhh2 = b_hh.reshape(1, 3 * F)
    zeros_nf = jnp.zeros((N, F), jnp.float32)

    def _eperm(v):
        return v.reshape(EP // BMP, 8, BMP).transpose(0, 2, 1).reshape(E)

    src_p = _eperm(edge_index[0])
    dst_p = _eperm(edge_index[1])

    h_p = feat.reshape(NP, 128)
    efeat_p = None
    for step in range(2):
        h_lin = h_p.reshape(N, F)
        h_src3 = _sc_gather()(h_lin, src_p)
        h_srcp = h_src3.reshape(EP, 128)
        if step == 0:
            m_p, efeat_p = _messages1(h_srcp, efeat, W_edge, be2, Rm, Sm)
        else:
            m_p = _messages2(h_srcp, efeat_p, W_edge, be2, Rm, Sm)
        m3 = m_p.reshape(NW * NCH, CH, F)
        rst2 = _sc_scatter()(m3, dst_p, zeros_nf)
        rst2_p = rst2.reshape(2 * NP, 128)
        h_p = _gru(rst2_p, h_p, WihT, WhhT, bih2, bhh2)
    return h_p.reshape(N, F)

# --- scband reference (transcript-rebuilt; emitter-appended) ---
"""Pipeline reference for scband-gated-graph-conv-7782480740942 (READ-ONLY COPY).

The authoritative reference and input builder live on the scoring server;
editing this copy changes nothing except your own understanding.
"""

import jax, jax.numpy as jnp
import numpy as np

N = 10000
E = 320000
IN_FEATS = 16
OUT_FEATS = 16
EDGE_FEATS = 16
N_STEPS = 2


def setup_inputs(seed: int = 0) -> dict:
    key = jax.random.key(seed)
    ks = jax.random.split(key, 9)
    feat = jax.random.normal(ks[0], (N, IN_FEATS), dtype=jnp.float32)
    edge_index = jax.random.randint(ks[1], (2, E), 0, N, dtype=jnp.int32)
    efeat = jax.random.normal(ks[2], (E, EDGE_FEATS), dtype=jnp.float32)
    # edge_func = nn.Linear(edge_feats, in_feats*out_feats)
    W_edge = jax.random.normal(ks[3], (EDGE_FEATS, IN_FEATS * OUT_FEATS), dtype=jnp.float32) * 0.05
    b_edge = jnp.zeros((IN_FEATS * OUT_FEATS,), dtype=jnp.float32)
    # GRUCell(in_feats, out_feats) params (PyTorch layout)
    W_ih = jax.random.normal(ks[4], (3 * OUT_FEATS, OUT_FEATS), dtype=jnp.float32) * 0.1
    W_hh = jax.random.normal(ks[5], (3 * OUT_FEATS, OUT_FEATS), dtype=jnp.float32) * 0.1
    b_ih = jnp.zeros((3 * OUT_FEATS,), dtype=jnp.float32)
    b_hh = jnp.zeros((3 * OUT_FEATS,), dtype=jnp.float32)
    return {"feat": feat, "edge_index": edge_index, "efeat": efeat,
            "W_edge": W_edge, "b_edge": b_edge,
            "W_ih": W_ih, "W_hh": W_hh, "b_ih": b_ih, "b_hh": b_hh}


def _gru_cell(x, h, W_ih, W_hh, b_ih, b_hh):
    gi = x @ W_ih.T + b_ih
    gh = h @ W_hh.T + b_hh
    i_r, i_z, i_n = jnp.split(gi, 3, axis=1)
    h_r, h_z, h_n = jnp.split(gh, 3, axis=1)
    r = jax.nn.sigmoid(i_r + h_r)
    z = jax.nn.sigmoid(i_z + h_z)
    n = jnp.tanh(i_n + r * h_n)
    return (1.0 - z) * n + z * h


def reference(feat, edge_index, efeat, W_edge, b_edge, W_ih, W_hh, b_ih, b_hh):
    src = edge_index[0]
    dst = edge_index[1]
    h = feat
    for step in range(N_STEPS):
        # edge_nn(efeat).view(-1, in_feats, out_feats)
        w = (efeat @ W_edge + b_edge).reshape(E, IN_FEATS, OUT_FEATS)
        # u_mul_e('h','w','m') with h (N, in, 1) broadcast against w (E, in, out),
        # fn.sum reduce to dst, then .sum(dim=1): equivalent to per-edge h_src @ w_e
        # followed by segment-sum over destination nodes (sum commutes).
        h_src = jnp.take(h, src, axis=0)
        m = jnp.einsum('ei,eio->eo', h_src, w)
        rst = jax.ops.segment_sum(m, dst, num_segments=N)
        h = _gru_cell(rst, h, W_ih, W_hh, b_ih, b_hh)
        # dropout is identity in eval mode
    return h

if __name__ == "__main__":
    import jax
    _d = setup_inputs()
    print(jax.jit(kernel)(*tuple(_d.values())))

</pallas_src>

<mosaic_0001>
#map = affine_map<(d0, d1) -> (0, 0, 0)>
#map1 = affine_map<(d0, d1) -> (0)>
#map2 = affine_map<(d0, d1) -> (0, 0)>
module attributes {stable_mosaic.version = 14 : i64} {
  func.func @_scatter_body(%arg0: i32, %arg1: i32, %arg2: memref<160x2000x16xf32, #tpu.memory_space<hbm>>, %arg3: memref<320000xi32, #tpu.memory_space<hbm>>, %arg4: memref<10000x16xf32, #tpu.memory_space<hbm>>, %arg5: memref<2x10000x16xf32, #tpu.memory_space<hbm>>, %arg6: memref<2x2000xi32, #tpu.memory_space<vmem>>, %arg7: memref<2x2000x16xf32, #tpu.memory_space<vmem>>, %arg8: memref<10000x16xf32, #tpu.memory_space<vmem_shared>>, %arg9: memref<2x!tpu.dma_semaphore, #tpu.memory_space<semaphore_mem>>) attributes {dimension_semantics = [#tpu.dimension_semantics<core_parallel>, #tpu.dimension_semantics<subcore_parallel>], iteration_bounds = array<i64: 2, 16>, scalar_prefetch = 0 : i64, scratch_operands = 4 : i64, tpu.core_type = #tpu.core_type<sc_vector_subcore>, window_params = [{transform_indices = #map}, {transform_indices = #map1}, {transform_indices = #map2}, {transform_indices = #map}]} {
    %mul3A = arith.constant 625 : i32
    %mul3A_0 = arith.muli %arg1, %mul3A : i32
    %mul3A_1 = arith.constant 625 : i32
    %mul3A_2 = arith.muli %arg1, %mul3A_1 : i32
    "tpu.region"() ({
      %run_scoped3A_379 = tpu.sem_alloc : memref<!tpu.dma_semaphore, #tpu.memory_space<semaphore_mem>>
      %dma_start3A_380 = arith.constant 0 : i32
      %dma_start3A_381 = tpu.memref_slice %arg8[%mul3A_2, %dma_start3A_380] : memref<10000x16xf32, #tpu.memory_space<vmem_shared>> -> memref<625x16xf32, #tpu.memory_space<vmem_shared>>
      %dma_start3A_382 = arith.constant 0 : i32
      %dma_start3A_383 = tpu.memref_slice %arg4[%mul3A_0, %dma_start3A_382] : memref<10000x16xf32, #tpu.memory_space<hbm>> -> memref<625x16xf32, #tpu.memory_space<hbm>>
      tpu.enqueue_dma source(%dma_start3A_383 : memref<625x16xf32, #tpu.memory_space<hbm>>) target(%dma_start3A_381 : memref<625x16xf32, #tpu.memory_space<vmem_shared>>) target_semaphore(%run_scoped3A_379 : memref<!tpu.dma_semaphore, #tpu.memory_space<semaphore_mem>>)
      %dma_wait3A_384 = arith.constant 0 : i32
      %dma_wait3A_385 = tpu.memref_slice %arg8[%mul3A_2, %dma_wait3A_384] : memref<10000x16xf32, #tpu.memory_space<vmem_shared>> -> memref<625x16xf32, #tpu.memory_space<vmem_shared>>
      %dma_wait3A_386 = arith.constant 0 : i32
      %dma_wait3A_387 = tpu.memref_slice %arg4[%mul3A_0, %dma_wait3A_386] : memref<10000x16xf32, #tpu.memory_space<hbm>> -> memref<625x16xf32, #tpu.memory_space<hbm>>
      tpu.wait_dma2 semaphore(%run_scoped3A_379 : memref<!tpu.dma_semaphore, #tpu.memory_space<semaphore_mem>>) src(%dma_wait3A_387 : memref<625x16xf32, #tpu.memory_space<hbm>>) dst(%dma_wait3A_385 : memref<625x16xf32, #tpu.memory_space<vmem_shared>>)
      tpu.yield
    }) : () -> ()
    %mul3A_3 = arith.constant 16 : i32
    %mul3A_4 = arith.muli %arg0, %mul3A_3 : i32
    %add3A = arith.addi %mul3A_4, %arg1 : i32
    %mul3A_5 = arith.constant 10000 : i32
    %mul3A_6 = arith.muli %add3A, %mul3A_5 : i32
    %add3A_7 = arith.constant 0 : i32
    %add3A_8 = arith.addi %mul3A_6, %add3A_7 : i32
    %dma_start3A = arith.constant 0 : i32
    %dma_start3A_9 = arith.constant 0 : i32
    %dma_start3A_10 = arith.constant 0 : i32
    %dma_start3A_11 = tpu.memref_slice %arg6[%dma_start3A, %dma_start3A_10] : memref<2x2000xi32, #tpu.memory_space<vmem>> -> memref<1x2000xi32, #tpu.memory_space<vmem>>
    %dma_start3A_12 = tpu.memref_squeeze %dma_start3A_11 : memref<1x2000xi32, #tpu.memory_space<vmem>> -> memref<2000xi32, #tpu.memory_space<vmem>>
    %dma_start3A_13 = tpu.memref_slice %arg3[%add3A_8] : memref<320000xi32, #tpu.memory_space<hbm>> -> memref<2000xi32, #tpu.memory_space<hbm>>
    %dma_start3A_14 = tpu.memref_slice %arg9[%dma_start3A_9] : memref<2x!tpu.dma_semaphore, #tpu.memory_space<semaphore_mem>> -> memref<1x!tpu.dma_semaphore, #tpu.memory_space<semaphore_mem>>
    %dma_start3A_15 = tpu.memref_squeeze %dma_start3A_14 : memref<1x!tpu.dma_semaphore, #tpu.memory_space<semaphore_mem>> -> memref<!tpu.dma_semaphore, #tpu.memory_space<semaphore_mem>>
    %dma_start3A_16 = arith.constant 0 : i32
    %dma_start3A_17 = tpu.memref_slice %arg6[%dma_start3A, %dma_start3A_16] : memref<2x2000xi32, #tpu.memory_space<vmem>> -> memref<1x2000xi32, #tpu.memory_space<vmem>>
    %dma_start3A_18 = tpu.memref_squeeze %dma_start3A_17 : memref<1x2000xi32, #tpu.memory_space<vmem>> -> memref<2000xi32, #tpu.memory_space<vmem>>
    %dma_start3A_19 = tpu.memref_slice %arg3[%add3A_8] : memref<320000xi32, #tpu.memory_space<hbm>> -> memref<2000xi32, #tpu.memory_space<hbm>>
    tpu.enqueue_dma source(%dma_start3A_19 : memref<2000xi32, #tpu.memory_space<hbm>>) target(%dma_start3A_18 : memref<2000xi32, #tpu.memory_space<vmem>>) target_semaphore(%dma_start3A_15 : memref<!tpu.dma_semaphore, #tpu.memory_space<semaphore_mem>>)
    %mul3A_20 = arith.constant 5 : i32
    %mul3A_21 = arith.muli %add3A, %mul3A_20 : i32
    %add3A_22 = arith.constant 0 : i32
    %add3A_23 = arith.addi %mul3A_21, %add3A_22 : i32
    %dma_start3A_24 = arith.constant 0 : i32
    %dma_start3A_25 = arith.constant 0 : i32
    %dma_start3A_26 = arith.constant 0 : i32
    %dma_start3A_27 = arith.constant 0 : i32
    %dma_start3A_28 = tpu.memref_slice %arg7[%dma_start3A_24, %dma_start3A_26, %dma_start3A_27] : memref<2x2000x16xf32, #tpu.memory_space<vmem>> -> memref<1x2000x16xf32, #tpu.memory_space<vmem>>
    %dma_start3A_29 = tpu.memref_squeeze %dma_start3A_28 : memref<1x2000x16xf32, #tpu.memory_space<vmem>> -> memref<2000x16xf32, #tpu.memory_space<vmem>>
    %dma_start3A_30 = arith.constant 0 : i32
    %dma_start3A_31 = arith.constant 0 : i32
    %dma_start3A_32 = tpu.memref_slice %arg2[%add3A_23, %dma_start3A_30, %dma_start3A_31] : memref<160x2000x16xf32, #tpu.memory_space<hbm>> -> memref<1x2000x16xf32, #tpu.memory_space<hbm>>
    %dma_start3A_33 = tpu.memref_squeeze %dma_start3A_32 : memref<1x2000x16xf32, #tpu.memory_space<hbm>> -> memref<2000x16xf32, #tpu.memory_space<hbm>>
    %dma_start3A_34 = tpu.memref_slice %arg9[%dma_start3A_25] : memref<2x!tpu.dma_semaphore, #tpu.memory_space<semaphore_mem>> -> memref<1x!tpu.dma_semaphore, #tpu.memory_space<semaphore_mem>>
    %dma_start3A_35 = tpu.memref_squeeze %dma_start3A_34 : memref<1x!tpu.dma_semaphore, #tpu.memory_space<semaphore_mem>> -> memref<!tpu.dma_semaphore, #tpu.memory_space<semaphore_mem>>
    %dma_start3A_36 = arith.constant 0 : i32
    %dma_start3A_37 = arith.constant 0 : i32
    %dma_start3A_38 = tpu.memref_slice %arg7[%dma_start3A_24, %dma_start3A_36, %dma_start3A_37] : memref<2x2000x16xf32, #tpu.memory_space<vmem>> -> memref<1x2000x16xf32, #tpu.memory_space<vmem>>
    %dma_start3A_39 = tpu.memref_squeeze %dma_start3A_38 : memref<1x2000x16xf32, #tpu.memory_space<vmem>> -> memref<2000x16xf32, #tpu.memory_space<vmem>>
    %dma_start3A_40 = arith.constant 0 : i32
    %dma_start3A_41 = arith.constant 0 : i32
    %dma_start3A_42 = tpu.memref_slice %arg2[%add3A_23, %dma_start3A_40, %dma_start3A_41] : memref<160x2000x16xf32, #tpu.memory_space<hbm>> -> memref<1x2000x16xf32, #tpu.memory_space<hbm>>
    %dma_start3A_43 = tpu.memref_squeeze %dma_start3A_42 : memref<1x2000x16xf32, #tpu.memory_space<hbm>> -> memref<2000x16xf32, #tpu.memory_space<hbm>>
    tpu.enqueue_dma source(%dma_start3A_43 : memref<2000x16xf32, #tpu.memory_space<hbm>>) target(%dma_start3A_39 : memref<2000x16xf32, #tpu.memory_space<vmem>>) target_semaphore(%dma_start3A_35 : memref<!tpu.dma_semaphore, #tpu.memory_space<semaphore_mem>>)
    %barrier3A = arith.constant 0 : index
    tpu.barrier barrier_id(%barrier3A)
    %dma_wait3A = arith.constant 0 : i32
    %dma_wait3A_44 = arith.constant 0 : i32
    %dma_wait3A_45 = arith.constant 0 : i32
    %dma_wait3A_46 = tpu.memref_slice %arg6[%dma_wait3A, %dma_wait3A_45] : memref<2x2000xi32, #tpu.memory_space<vmem>> -> memref<1x2000xi32, #tpu.memory_space<vmem>>
    %dma_wait3A_47 = tpu.memref_squeeze %dma_wait3A_46 : memref<1x2000xi32, #tpu.memory_space<vmem>> -> memref<2000xi32, #tpu.memory_space<vmem>>
    %dma_wait3A_48 = tpu.memref_slice %arg3[%mul3A_6] : memref<320000xi32, #tpu.memory_space<hbm>> -> memref<2000xi32, #tpu.memory_space<hbm>>
    %dma_wait3A_49 = tpu.memref_slice %arg9[%dma_wait3A_44] : memref<2x!tpu.dma_semaphore, #tpu.memory_space<semaphore_mem>> -> memref<1x!tpu.dma_semaphore, #tpu.memory_space<semaphore_mem>>
    %dma_wait3A_50 = tpu.memref_squeeze %dma_wait3A_49 : memref<1x!tpu.dma_semaphore, #tpu.memory_space<semaphore_mem>> -> memref<!tpu.dma_semaphore, #tpu.memory_space<semaphore_mem>>
    %dma_wait3A_51 = arith.constant 0 : i32
    %dma_wait3A_52 = tpu.memref_slice %arg6[%dma_wait3A, %dma_wait3A_51] : memref<2x2000xi32, #tpu.memory_space<vmem>> -> memref<1x2000xi32, #tpu.memory_space<vmem>>
    %dma_wait3A_53 = tpu.memref_squeeze %dma_wait3A_52 : memref<1x2000xi32, #tpu.memory_space<vmem>> -> memref<2000xi32, #tpu.memory_space<vmem>>
    %dma_wait3A_54 = tpu.memref_slice %arg3[%mul3A_6] : memref<320000xi32, #tpu.memory_space<hbm>> -> memref<2000xi32, #tpu.memory_space<hbm>>
    tpu.wait_dma2 semaphore(%dma_wait3A_50 : memref<!tpu.dma_semaphore, #tpu.memory_space<semaphore_mem>>) src(%dma_wait3A_54 : memref<2000xi32, #tpu.memory_space<hbm>>) dst(%dma_wait3A_53 : memref<2000xi32, #tpu.memory_space<vmem>>)
    %mul3A_55 = arith.constant 5 : i32
    %mul3A_56 = arith.muli %add3A, %mul3A_55 : i32
    %dma_wait3A_57 = arith.constant 0 : i32
    %dma_wait3A_58 = arith.constant 0 : i32
    %dma_wait3A_59 = arith.constant 0 : i32
    %dma_wait3A_60 = arith.constant 0 : i32
    %dma_wait3A_61 = tpu.memref_slice %arg7[%dma_wait3A_57, %dma_wait3A_59, %dma_wait3A_60] : memref<2x2000x16xf32, #tpu.memory_space<vmem>> -> memref<1x2000x16xf32, #tpu.memory_space<vmem>>
    %dma_wait3A_62 = tpu.memref_squeeze %dma_wait3A_61 : memref<1x2000x16xf32, #tpu.memory_space<vmem>> -> memref<2000x16xf32, #tpu.memory_space<vmem>>
    %dma_wait3A_63 = arith.constant 0 : i32
    %dma_wait3A_64 = arith.constant 0 : i32
    %dma_wait3A_65 = tpu.memref_slice %arg2[%mul3A_56, %dma_wait3A_63, %dma_wait3A_64] : memref<160x2000x16xf32, #tpu.memory_space<hbm>> -> memref<1x2000x16xf32, #tpu.memory_space<hbm>>
    %dma_wait3A_66 = tpu.memref_squeeze %dma_wait3A_65 : memref<1x2000x16xf32, #tpu.memory_space<hbm>> -> memref<2000x16xf32, #tpu.memory_space<hbm>>
    %dma_wait3A_67 = tpu.memref_slice %arg9[%dma_wait3A_58] : memref<2x!tpu.dma_semaphore, #tpu.memory_space<semaphore_mem>> -> memref<1x!tpu.dma_semaphore, #tpu.memory_space<semaphore_mem>>
    %dma_wait3A_68 = tpu.memref_squeeze %dma_wait3A_67 : memref<1x!tpu.dma_semaphore, #tpu.memory_space<semaphore_mem>> -> memref<!tpu.dma_semaphore, #tpu.memory_space<semaphore_mem>>
    %dma_wait3A_69 = arith.constant 0 : i32
    %dma_wait3A_70 = arith.constant 0 : i32
    %dma_wait3A_71 = tpu.memref_slice %arg7[%dma_wait3A_57, %dma_wait3A_69, %dma_wait3A_70] : memref<2x2000x16xf32, #tpu.memory_space<vmem>> -> memref<1x2000x16xf32, #tpu.memory_space<vmem>>
    %dma_wait3A_72 = tpu.memref_squeeze %dma_wait3A_71 : memref<1x2000x16xf32, #tpu.memory_space<vmem>> -> memref<2000x16xf32, #tpu.memory_space<vmem>>
    %dma_wait3A_73 = arith.constant 0 : i32
    %dma_wait3A_74 = arith.constant 0 : i32
    %dma_wait3A_75 = tpu.memref_slice %arg2[%mul3A_56, %dma_wait3A_73, %dma_wait3A_74] : memref<160x2000x16xf32, #tpu.memory_space<hbm>> -> memref<1x2000x16xf32, #tpu.memory_space<hbm>>
    %dma_wait3A_76 = tpu.memref_squeeze %dma_wait3A_75 : memref<1x2000x16xf32, #tpu.memory_space<hbm>> -> memref<2000x16xf32, #tpu.memory_space<hbm>>
    tpu.wait_dma2 semaphore(%dma_wait3A_68 : memref<!tpu.dma_semaphore, #tpu.memory_space<semaphore_mem>>) src(%dma_wait3A_76 : memref<2000x16xf32, #tpu.memory_space<hbm>>) dst(%dma_wait3A_72 : memref<2000x16xf32, #tpu.memory_space<vmem>>)
    %add3A_77 = arith.constant 2000 : i32
    %add3A_78 = arith.addi %mul3A_6, %add3A_77 : i32
    %dma_start3A_79 = arith.constant 1 : i32
    %dma_start3A_80 = arith.constant 1 : i32
    %dma_start3A_81 = arith.constant 0 : i32
    %dma_start3A_82 = tpu.memref_slice %arg6[%dma_start3A_79, %dma_start3A_81] : memref<2x2000xi32, #tpu.memory_space<vmem>> -> memref<1x2000xi32, #tpu.memory_space<vmem>>
    %dma_start3A_83 = tpu.memref_squeeze %dma_start3A_82 : memref<1x2000xi32, #tpu.memory_space<vmem>> -> memref<2000xi32, #tpu.memory_space<vmem>>
    %dma_start3A_84 = tpu.memref_slice %arg3[%add3A_78] : memref<320000xi32, #tpu.memory_space<hbm>> -> memref<2000xi32, #tpu.memory_space<hbm>>
    %dma_start3A_85 = tpu.memref_slice %arg9[%dma_start3A_80] : memref<2x!tpu.dma_semaphore, #tpu.memory_space<semaphore_mem>> -> memref<1x!tpu.dma_semaphore, #tpu.memory_space<semaphore_mem>>
    %dma_start3A_86 = tpu.memref_squeeze %dma_start3A_85 : memref<1x!tpu.dma_semaphore, #tpu.memory_space<semaphore_mem>> -> memref<!tpu.dma_semaphore, #tpu.memory_space<semaphore_mem>>
    %dma_start3A_87 = arith.constant 0 : i32
    %dma_start3A_88 = tpu.memref_slice %arg6[%dma_start3A_79, %dma_start3A_87] : memref<2x2000xi32, #tpu.memory_space<vmem>> -> memref<1x2000xi32, #tpu.memory_space<vmem>>
    %dma_start3A_89 = tpu.memref_squeeze %dma_start3A_88 : memref<1x2000xi32, #tpu.memory_space<vmem>> -> memref<2000xi32, #tpu.memory_space<vmem>>
    %dma_start3A_90 = tpu.memref_slice %arg3[%add3A_78] : memref<320000xi32, #tpu.memory_space<hbm>> -> memref<2000xi32, #tpu.memory_space<hbm>>
    tpu.enqueue_dma source(%dma_start3A_90 : memref<2000xi32, #tpu.memory_space<hbm>>) target(%dma_start3A_89 : memref<2000xi32, #tpu.memory_space<vmem>>) target_semaphore(%dma_start3A_86 : memref<!tpu.dma_semaphore, #tpu.memory_space<semaphore_mem>>)
    %mul3A_91 = arith.constant 5 : i32
    %mul3A_92 = arith.muli %add3A, %mul3A_91 : i32
    %add3A_93 = arith.constant 1 : i32
    %add3A_94 = arith.addi %mul3A_92, %add3A_93 : i32
    %dma_start3A_95 = arith.constant 1 : i32
    %dma_start3A_96 = arith.constant 1 : i32
    %dma_start3A_97 = arith.constant 0 : i32
    %dma_start3A_98 = arith.constant 0 : i32
    %dma_start3A_99 = tpu.memref_slice %arg7[%dma_start3A_95, %dma_start3A_97, %dma_start3A_98] : memref<2x2000x16xf32, #tpu.memory_space<vmem>> -> memref<1x2000x16xf32, #tpu.memory_space<vmem>>
    %dma_start3A_100 = tpu.memref_squeeze %dma_start3A_99 : memref<1x2000x16xf32, #tpu.memory_space<vmem>> -> memref<2000x16xf32, #tpu.memory_space<vmem>>
    %dma_start3A_101 = arith.constant 0 : i32
    %dma_start3A_102 = arith.constant 0 : i32
    %dma_start3A_103 = tpu.memref_slice %arg2[%add3A_94, %dma_start3A_101, %dma_start3A_102] : memref<160x2000x16xf32, #tpu.memory_space<hbm>> -> memref<1x2000x16xf32, #tpu.memory_space<hbm>>
    %dma_start3A_104 = tpu.memref_squeeze %dma_start3A_103 : memref<1x2000x16xf32, #tpu.memory_space<hbm>> -> memref<2000x16xf32, #tpu.memory_space<hbm>>
    %dma_start3A_105 = tpu.memref_slice %arg9[%dma_start3A_96] : memref<2x!tpu.dma_semaphore, #tpu.memory_space<semaphore_mem>> -> memref<1x!tpu.dma_semaphore, #tpu.memory_space<semaphore_mem>>
    %dma_start3A_106 = tpu.memref_squeeze %dma_start3A_105 : memref<1x!tpu.dma_semaphore, #tpu.memory_space<semaphore_mem>> -> memref<!tpu.dma_semaphore, #tpu.memory_space<semaphore_mem>>
    %dma_start3A_107 = arith.constant 0 : i32
    %dma_start3A_108 = arith.constant 0 : i32
    %dma_start3A_109 = tpu.memref_slice %arg7[%dma_start3A_95, %dma_start3A_107, %dma_start3A_108] : memref<2x2000x16xf32, #tpu.memory_space<vmem>> -> memref<1x2000x16xf32, #tpu.memory_space<vmem>>
    %dma_start3A_110 = tpu.memref_squeeze %dma_start3A_109 : memref<1x2000x16xf32, #tpu.memory_space<vmem>> -> memref<2000x16xf32, #tpu.memory_space<vmem>>
    %dma_start3A_111 = arith.constant 0 : i32
    %dma_start3A_112 = arith.constant 0 : i32
    %dma_start3A_113 = tpu.memref_slice %arg2[%add3A_94, %dma_start3A_111, %dma_start3A_112] : memref<160x2000x16xf32, #tpu.memory_space<hbm>> -> memref<1x2000x16xf32, #tpu.memory_space<hbm>>
    %dma_start3A_114 = tpu.memref_squeeze %dma_start3A_113 : memref<1x2000x16xf32, #tpu.memory_space<hbm>> -> memref<2000x16xf32, #tpu.memory_space<hbm>>
    tpu.enqueue_dma source(%dma_start3A_114 : memref<2000x16xf32, #tpu.memory_space<hbm>>) target(%dma_start3A_110 : memref<2000x16xf32, #tpu.memory_space<vmem>>) target_semaphore(%dma_start3A_106 : memref<!tpu.dma_semaphore, #tpu.memory_space<semaphore_mem>>)
    %run_scoped3A = arith.constant 0 : i32
    %run_scoped3A_115 = arith.constant 0 : i32
    "tpu.region"() ({
      %run_scoped3A_379 = tpu.sem_alloc : memref<!tpu.dma_semaphore, #tpu.memory_space<semaphore_mem>>
      %dma_start3A_380 = arith.constant 0 : i32
      %dma_start3A_381 = arith.constant 0 : i32
      %dma_start3A_382 = tpu.memref_slice %arg7[%run_scoped3A, %dma_start3A_380, %dma_start3A_381] : memref<2x2000x16xf32, #tpu.memory_space<vmem>> -> memref<1x2000x16xf32, #tpu.memory_space<vmem>>
      %dma_start3A_383 = tpu.memref_squeeze %dma_start3A_382 : memref<1x2000x16xf32, #tpu.memory_space<vmem>> -> memref<2000x16xf32, #tpu.memory_space<vmem>>
      %dma_start3A_384 = arith.constant 0 : i32
      %dma_start3A_385 = tpu.memref_slice %arg6[%run_scoped3A_115, %dma_start3A_384] : memref<2x2000xi32, #tpu.memory_space<vmem>> -> memref<1x2000xi32, #tpu.memory_space<vmem>>
      %dma_start3A_386 = tpu.memref_squeeze %dma_start3A_385 : memref<1x2000xi32, #tpu.memory_space<vmem>> -> memref<2000xi32, #tpu.memory_space<vmem>>
      %dma_start3A_387 = arith.constant 0 : i32
      %dma_start3A_388 = arith.constant 0 : i32
      %dma_start3A_389 = tpu.memref_slice %arg8[%dma_start3A_387, %dma_start3A_388] : memref<10000x16xf32, #tpu.memory_space<vmem_shared>> -> memref<10000x16xf32, #tpu.memory_space<vmem_shared>>
      tpu.enqueue_indirect_dma source(%dma_start3A_383 : memref<2000x16xf32, #tpu.memory_space<vmem>>) target(%dma_start3A_389 : memref<10000x16xf32, #tpu.memory_space<vmem_shared>>) offsets(%dma_start3A_386 : memref<2000xi32, #tpu.memory_space<vmem>>) semaphore(%run_scoped3A_379 : memref<!tpu.dma_semaphore, #tpu.memory_space<semaphore_mem>>) {add = true}
      %dma_wait3A_390 = arith.constant 0 : i32
      %dma_wait3A_391 = arith.constant 0 : i32
      %dma_wait3A_392 = tpu.memref_slice %arg7[%run_scoped3A, %dma_wait3A_390, %dma_wait3A_391] : memref<2x2000x16xf32, #tpu.memory_space<vmem>> -> memref<1x2000x16xf32, #tpu.memory_space<vmem>>
      %dma_wait3A_393 = tpu.memref_squeeze %dma_wait3A_392 : memref<1x2000x16xf32, #tpu.memory_space<vmem>> -> memref<2000x16xf32, #tpu.memory_space<vmem>>
      %dma_wait3A_394 = arith.constant 0 : i32
      %dma_wait3A_395 = tpu.memref_slice %arg6[%run_scoped3A_115, %dma_wait3A_394] : memref<2x2000xi32, #tpu.memory_space<vmem>> -> memref<1x2000xi32, #tpu.memory_space<vmem>>
      %dma_wait3A_396 = tpu.memref_squeeze %dma_wait3A_395 : memref<1x2000xi32, #tpu.memory_space<vmem>> -> memref<2000xi32, #tpu.memory_space<vmem>>
      %dma_wait3A_397 = arith.constant 0 : i32
      %dma_wait3A_398 = arith.constant 0 : i32
      %dma_wait3A_399 = tpu.memref_slice %arg8[%dma_wait3A_397, %dma_wait3A_398] : memref<10000x16xf32, #tpu.memory_space<vmem_shared>> -> memref<10000x16xf32, #tpu.memory_space<vmem_shared>>
      tpu.wait_indirect_dma semaphore(%run_scoped3A_379 : memref<!tpu.dma_semaphore, #tpu.memory_space<semaphore_mem>>) src(%dma_wait3A_393 : memref<2000x16xf32, #tpu.memory_space<vmem>>) dst(%dma_wait3A_399 : memref<10000x16xf32, #tpu.memory_space<vmem_shared>>)
      tpu.yield
    }) : () -> ()
    %dma_wait3A_116 = arith.constant 1 : i32
    %dma_wait3A_117 = arith.constant 1 : i32
    %dma_wait3A_118 = arith.constant 0 : i32
    %dma_wait3A_119 = tpu.memref_slice %arg6[%dma_wait3A_116, %dma_wait3A_118] : memref<2x2000xi32, #tpu.memory_space<vmem>> -> memref<1x2000xi32, #tpu.memory_space<vmem>>
    %dma_wait3A_120 = tpu.memref_squeeze %dma_wait3A_119 : memref<1x2000xi32, #tpu.memory_space<vmem>> -> memref<2000xi32, #tpu.memory_space<vmem>>
    %dma_wait3A_121 = tpu.memref_slice %arg3[%mul3A_6] : memref<320000xi32, #tpu.memory_space<hbm>> -> memref<2000xi32, #tpu.memory_space<hbm>>
    %dma_wait3A_122 = tpu.memref_slice %arg9[%dma_wait3A_117] : memref<2x!tpu.dma_semaphore, #tpu.memory_space<semaphore_mem>> -> memref<1x!tpu.dma_semaphore, #tpu.memory_space<semaphore_mem>>
    %dma_wait3A_123 = tpu.memref_squeeze %dma_wait3A_122 : memref<1x!tpu.dma_semaphore, #tpu.memory_space<semaphore_mem>> -> memref<!tpu.dma_semaphore, #tpu.memory_space<semaphore_mem>>
    %dma_wait3A_124 = arith.constant 0 : i32
    %dma_wait3A_125 = tpu.memref_slice %arg6[%dma_wait3A_116, %dma_wait3A_124] : memref<2x2000xi32, #tpu.memory_space<vmem>> -> memref<1x2000xi32, #tpu.memory_space<vmem>>
    %dma_wait3A_126 = tpu.memref_squeeze %dma_wait3A_125 : memref<1x2000xi32, #tpu.memory_space<vmem>> -> memref<2000xi32, #tpu.memory_space<vmem>>
    %dma_wait3A_127 = tpu.memref_slice %arg3[%mul3A_6] : memref<320000xi32, #tpu.memory_space<hbm>> -> memref<2000xi32, #tpu.memory_space<hbm>>
    tpu.wait_dma2 semaphore(%dma_wait3A_123 : memref<!tpu.dma_semaphore, #tpu.memory_space<semaphore_mem>>) src(%dma_wait3A_127 : memref<2000xi32, #tpu.memory_space<hbm>>) dst(%dma_wait3A_126 : memref<2000xi32, #tpu.memory_space<vmem>>)
    %mul3A_128 = arith.constant 5 : i32
    %mul3A_129 = arith.muli %add3A, %mul3A_128 : i32
    %dma_wait3A_130 = arith.constant 1 : i32
    %dma_wait3A_131 = arith.constant 1 : i32
    %dma_wait3A_132 = arith.constant 0 : i32
    %dma_wait3A_133 = arith.constant 0 : i32
    %dma_wait3A_134 = tpu.memref_slice %arg7[%dma_wait3A_130, %dma_wait3A_132, %dma_wait3A_133] : memref<2x2000x16xf32, #tpu.memory_space<vmem>> -> memref<1x2000x16xf32, #tpu.memory_space<vmem>>
    %dma_wait3A_135 = tpu.memref_squeeze %dma_wait3A_134 : memref<1x2000x16xf32, #tpu.memory_space<vmem>> -> memref<2000x16xf32, #tpu.memory_space<vmem>>
    %dma_wait3A_136 = arith.constant 0 : i32
    %dma_wait3A_137 = arith.constant 0 : i32
    %dma_wait3A_138 = tpu.memref_slice %arg2[%mul3A_129, %dma_wait3A_136, %dma_wait3A_137] : memref<160x2000x16xf32, #tpu.memory_space<hbm>> -> memref<1x2000x16xf32, #tpu.memory_space<hbm>>
    %dma_wait3A_139 = tpu.memref_squeeze %dma_wait3A_138 : memref<1x2000x16xf32, #tpu.memory_space<hbm>> -> memref<2000x16xf32, #tpu.memory_space<hbm>>
    %dma_wait3A_140 = tpu.memref_slice %arg9[%dma_wait3A_131] : memref<2x!tpu.dma_semaphore, #tpu.memory_space<semaphore_mem>> -> memref<1x!tpu.dma_semaphore, #tpu.memory_space<semaphore_mem>>
    %dma_wait3A_141 = tpu.memref_squeeze %dma_wait3A_140 : memref<1x!tpu.dma_semaphore, #tpu.memory_space<semaphore_mem>> -> memref<!tpu.dma_semaphore, #tpu.memory_space<semaphore_mem>>
    %dma_wait3A_142 = arith.constant 0 : i32
    %dma_wait3A_143 = arith.constant 0 : i32
    %dma_wait3A_144 = tpu.memref_slice %arg7[%dma_wait3A_130, %dma_wait3A_142, %dma_wait3A_143] : memref<2x2000x16xf32, #tpu.memory_space<vmem>> -> memref<1x2000x16xf32, #tpu.memory_space<vmem>>
    %dma_wait3A_145 = tpu.memref_squeeze %dma_wait3A_144 : memref<1x2000x16xf32, #tpu.memory_space<vmem>> -> memref<2000x16xf32, #tpu.memory_space<vmem>>
    %dma_wait3A_146 = arith.constant 0 : i32
    %dma_wait3A_147 = arith.constant 0 : i32
    %dma_wait3A_148 = tpu.memref_slice %arg2[%mul3A_129, %dma_wait3A_146, %dma_wait3A_147] : memref<160x2000x16xf32, #tpu.memory_space<hbm>> -> memref<1x2000x16xf32, #tpu.memory_space<hbm>>
    %dma_wait3A_149 = tpu.memref_squeeze %dma_wait3A_148 : memref<1x2000x16xf32, #tpu.memory_space<hbm>> -> memref<2000x16xf32, #tpu.memory_space<hbm>>
    tpu.wait_dma2 semaphore(%dma_wait3A_141 : memref<!tpu.dma_semaphore, #tpu.memory_space<semaphore_mem>>) src(%dma_wait3A_149 : memref<2000x16xf32, #tpu.memory_space<hbm>>) dst(%dma_wait3A_145 : memref<2000x16xf32, #tpu.memory_space<vmem>>)
    %add3A_150 = arith.constant 4000 : i32
    %add3A_151 = arith.addi %mul3A_6, %add3A_150 : i32
    %dma_start3A_152 = arith.constant 0 : i32
    %dma_start3A_153 = arith.constant 0 : i32
    %dma_start3A_154 = arith.constant 0 : i32
    %dma_start3A_155 = tpu.memref_slice %arg6[%dma_start3A_152, %dma_start3A_154] : memref<2x2000xi32, #tpu.memory_space<vmem>> -> memref<1x2000xi32, #tpu.memory_space<vmem>>
    %dma_start3A_156 = tpu.memref_squeeze %dma_start3A_155 : memref<1x2000xi32, #tpu.memory_space<vmem>> -> memref<2000xi32, #tpu.memory_space<vmem>>
    %dma_start3A_157 = tpu.memref_slice %arg3[%add3A_151] : memref<320000xi32, #tpu.memory_space<hbm>> -> memref<2000xi32, #tpu.memory_space<hbm>>
    %dma_start3A_158 = tpu.memref_slice %arg9[%dma_start3A_153] : memref<2x!tpu.dma_semaphore, #tpu.memory_space<semaphore_mem>> -> memref<1x!tpu.dma_semaphore, #tpu.memory_space<semaphore_mem>>
    %dma_start3A_159 = tpu.memref_squeeze %dma_start3A_158 : memref<1x!tpu.dma_semaphore, #tpu.memory_space<semaphore_mem>> -> memref<!tpu.dma_semaphore, #tpu.memory_space<semaphore_mem>>
    %dma_start3A_160 = arith.constant 0 : i32
    %dma_start3A_161 = tpu.memref_slice %arg6[%dma_start3A_152, %dma_start3A_160] : memref<2x2000xi32, #tpu.memory_space<vmem>> -> memref<1x2000xi32, #tpu.memory_space<vmem>>
    %dma_start3A_162 = tpu.memref_squeeze %dma_start3A_161 : memref<1x2000xi32, #tpu.memory_space<vmem>> -> memref<2000xi32, #tpu.memory_space<vmem>>
    %dma_start3A_163 = tpu.memref_slice %arg3[%add3A_151] : memref<320000xi32, #tpu.memory_space<hbm>> -> memref<2000xi32, #tpu.memory_space<hbm>>
    tpu.enqueue_dma source(%dma_start3A_163 : memref<2000xi32, #tpu.memory_space<hbm>>) target(%dma_start3A_162 : memref<2000xi32, #tpu.memory_space<vmem>>) target_semaphore(%dma_start3A_159 : memref<!tpu.dma_semaphore, #tpu.memory_space<semaphore_mem>>)
    %mul3A_164 = arith.constant 5 : i32
    %mul3A_165 = arith.muli %add3A, %mul3A_164 : i32
    %add3A_166 = arith.constant 2 : i32
    %add3A_167 = arith.addi %mul3A_165, %add3A_166 : i32
    %dma_start3A_168 = arith.constant 0 : i32
    %dma_start3A_169 = arith.constant 0 : i32
    %dma_start3A_170 = arith.constant 0 : i32
    %dma_start3A_171 = arith.constant 0 : i32
    %dma_start3A_172 = tpu.memref_slice %arg7[%dma_start3A_168, %dma_start3A_170, %dma_start3A_171] : memref<2x2000x16xf32, #tpu.memory_space<vmem>> -> memref<1x2000x16xf32, #tpu.memory_space<vmem>>
    %dma_start3A_173 = tpu.memref_squeeze %dma_start3A_172 : memref<1x2000x16xf32, #tpu.memory_space<vmem>> -> memref<2000x16xf32, #tpu.memory_space<vmem>>
    %dma_start3A_174 = arith.constant 0 : i32
    %dma_start3A_175 = arith.constant 0 : i32
    %dma_start3A_176 = tpu.memref_slice %arg2[%add3A_167, %dma_start3A_174, %dma_start3A_175] : memref<160x2000x16xf32, #tpu.memory_space<hbm>> -> memref<1x2000x16xf32, #tpu.memory_space<hbm>>
    %dma_start3A_177 = tpu.memref_squeeze %dma_start3A_176 : memref<1x2000x16xf32, #tpu.memory_space<hbm>> -> memref<2000x16xf32, #tpu.memory_space<hbm>>
    %dma_start3A_178 = tpu.memref_slice %arg9[%dma_start3A_169] : memref<2x!tpu.dma_semaphore, #tpu.memory_space<semaphore_mem>> -> memref<1x!tpu.dma_semaphore, #tpu.memory_space<semaphore_mem>>
    %dma_start3A_179 = tpu.memref_squeeze %dma_start3A_178 : memref<1x!tpu.dma_semaphore, #tpu.memory_space<semaphore_mem>> -> memref<!tpu.dma_semaphore, #tpu.memory_space<semaphore_mem>>
    %dma_start3A_180 = arith.constant 0 : i32
    %dma_start3A_181 = arith.constant 0 : i32
    %dma_start3A_182 = tpu.memref_slice %arg7[%dma_start3A_168, %dma_start3A_180, %dma_start3A_181] : memref<2x2000x16xf32, #tpu.memory_space<vmem>> -> memref<1x2000x16xf32, #tpu.memory_space<vmem>>
    %dma_start3A_183 = tpu.memref_squeeze %dma_start3A_182 : memref<1x2000x16xf32, #tpu.memory_space<vmem>> -> memref<2000x16xf32, #tpu.memory_space<vmem>>
    %dma_start3A_184 = arith.constant 0 : i32
    %dma_start3A_185 = arith.constant 0 : i32
    %dma_start3A_186 = tpu.memref_slice %arg2[%add3A_167, %dma_start3A_184, %dma_start3A_185] : memref<160x2000x16xf32, #tpu.memory_space<hbm>> -> memref<1x2000x16xf32, #tpu.memory_space<hbm>>
    %dma_start3A_187 = tpu.memref_squeeze %dma_start3A_186 : memref<1x2000x16xf32, #tpu.memory_space<hbm>> -> memref<2000x16xf32, #tpu.memory_space<hbm>>
    tpu.enqueue_dma source(%dma_start3A_187 : memref<2000x16xf32, #tpu.memory_space<hbm>>) target(%dma_start3A_183 : memref<2000x16xf32, #tpu.memory_space<vmem>>) target_semaphore(%dma_start3A_179 : memref<!tpu.dma_semaphore, #tpu.memory_space<semaphore_mem>>)
    %run_scoped3A_188 = arith.constant 1 : i32
    %run_scoped3A_189 = arith.constant 1 : i32
    "tpu.region"() ({
      %run_scoped3A_379 = tpu.sem_alloc : memref<!tpu.dma_semaphore, #tpu.memory_space<semaphore_mem>>
      %dma_start3A_380 = arith.constant 0 : i32
      %dma_start3A_381 = arith.constant 0 : i32
      %dma_start3A_382 = tpu.memref_slice %arg7[%run_scoped3A_188, %dma_start3A_380, %dma_start3A_381] : memref<2x2000x16xf32, #tpu.memory_space<vmem>> -> memref<1x2000x16xf32, #tpu.memory_space<vmem>>
      %dma_start3A_383 = tpu.memref_squeeze %dma_start3A_382 : memref<1x2000x16xf32, #tpu.memory_space<vmem>> -> memref<2000x16xf32, #tpu.memory_space<vmem>>
      %dma_start3A_384 = arith.constant 0 : i32
      %dma_start3A_385 = tpu.memref_slice %arg6[%run_scoped3A_189, %dma_start3A_384] : memref<2x2000xi32, #tpu.memory_space<vmem>> -> memref<1x2000xi32, #tpu.memory_space<vmem>>
      %dma_start3A_386 = tpu.memref_squeeze %dma_start3A_385 : memref<1x2000xi32, #tpu.memory_space<vmem>> -> memref<2000xi32, #tpu.memory_space<vmem>>
      %dma_start3A_387 = arith.constant 0 : i32
      %dma_start3A_388 = arith.constant 0 : i32
      %dma_start3A_389 = tpu.memref_slice %arg8[%dma_start3A_387, %dma_start3A_388] : memref<10000x16xf32, #tpu.memory_space<vmem_shared>> -> memref<10000x16xf32, #tpu.memory_space<vmem_shared>>
      tpu.enqueue_indirect_dma source(%dma_start3A_383 : memref<2000x16xf32, #tpu.memory_space<vmem>>) target(%dma_start3A_389 : memref<10000x16xf32, #tpu.memory_space<vmem_shared>>) offsets(%dma_start3A_386 : memref<2000xi32, #tpu.memory_space<vmem>>) semaphore(%run_scoped3A_379 : memref<!tpu.dma_semaphore, #tpu.memory_space<semaphore_mem>>) {add = true}
      %dma_wait3A_390 = arith.constant 0 : i32
      %dma_wait3A_391 = arith.constant 0 : i32
      %dma_wait3A_392 = tpu.memref_slice %arg7[%run_scoped3A_188, %dma_wait3A_390, %dma_wait3A_391] : memref<2x2000x16xf32, #tpu.memory_space<vmem>> -> memref<1x2000x16xf32, #tpu.memory_space<vmem>>
      %dma_wait3A_393 = tpu.memref_squeeze %dma_wait3A_392 : memref<1x2000x16xf32, #tpu.memory_space<vmem>> -> memref<2000x16xf32, #tpu.memory_space<vmem>>
      %dma_wait3A_394 = arith.constant 0 : i32
      %dma_wait3A_395 = tpu.memref_slice %arg6[%run_scoped3A_189, %dma_wait3A_394] : memref<2x2000xi32, #tpu.memory_space<vmem>> -> memref<1x2000xi32, #tpu.memory_space<vmem>>
      %dma_wait3A_396 = tpu.memref_squeeze %dma_wait3A_395 : memref<1x2000xi32, #tpu.memory_space<vmem>> -> memref<2000xi32, #tpu.memory_space<vmem>>
      %dma_wait3A_397 = arith.constant 0 : i32
      %dma_wait3A_398 = arith.constant 0 : i32
      %dma_wait3A_399 = tpu.memref_slice %arg8[%dma_wait3A_397, %dma_wait3A_398] : memref<10000x16xf32, #tpu.memory_space<vmem_shared>> -> memref<10000x16xf32, #tpu.memory_space<vmem_shared>>
      tpu.wait_indirect_dma semaphore(%run_scoped3A_379 : memref<!tpu.dma_semaphore, #tpu.memory_space<semaphore_mem>>) src(%dma_wait3A_393 : memref<2000x16xf32, #tpu.memory_space<vmem>>) dst(%dma_wait3A_399 : memref<10000x16xf32, #tpu.memory_space<vmem_shared>>)
      tpu.yield
    }) : () -> ()
    %dma_wait3A_190 = arith.constant 0 : i32
    %dma_wait3A_191 = arith.constant 0 : i32
    %dma_wait3A_192 = arith.constant 0 : i32
    %dma_wait3A_193 = tpu.memref_slice %arg6[%dma_wait3A_190, %dma_wait3A_192] : memref<2x2000xi32, #tpu.memory_space<vmem>> -> memref<1x2000xi32, #tpu.memory_space<vmem>>
    %dma_wait3A_194 = tpu.memref_squeeze %dma_wait3A_193 : memref<1x2000xi32, #tpu.memory_space<vmem>> -> memref<2000xi32, #tpu.memory_space<vmem>>
    %dma_wait3A_195 = tpu.memref_slice %arg3[%mul3A_6] : memref<320000xi32, #tpu.memory_space<hbm>> -> memref<2000xi32, #tpu.memory_space<hbm>>
    %dma_wait3A_196 = tpu.memref_slice %arg9[%dma_wait3A_191] : memref<2x!tpu.dma_semaphore, #tpu.memory_space<semaphore_mem>> -> memref<1x!tpu.dma_semaphore, #tpu.memory_space<semaphore_mem>>
    %dma_wait3A_197 = tpu.memref_squeeze %dma_wait3A_196 : memref<1x!tpu.dma_semaphore, #tpu.memory_space<semaphore_mem>> -> memref<!tpu.dma_semaphore, #tpu.memory_space<semaphore_mem>>
    %dma_wait3A_198 = arith.constant 0 : i32
    %dma_wait3A_199 = tpu.memref_slice %arg6[%dma_wait3A_190, %dma_wait3A_198] : memref<2x2000xi32, #tpu.memory_space<vmem>> -> memref<1x2000xi32, #tpu.memory_space<vmem>>
    %dma_wait3A_200 = tpu.memref_squeeze %dma_wait3A_199 : memref<1x2000xi32, #tpu.memory_space<vmem>> -> memref<2000xi32, #tpu.memory_space<vmem>>
    %dma_wait3A_201 = tpu.memref_slice %arg3[%mul3A_6] : memref<320000xi32, #tpu.memory_space<hbm>> -> memref<2000xi32, #tpu.memory_space<hbm>>
    tpu.wait_dma2 semaphore(%dma_wait3A_197 : memref<!tpu.dma_semaphore, #tpu.memory_space<semaphore_mem>>) src(%dma_wait3A_201 : memref<2000xi32, #tpu.memory_space<hbm>>) dst(%dma_wait3A_200 : memref<2000xi32, #tpu.memory_space<vmem>>)
    %mul3A_202 = arith.constant 5 : i32
    %mul3A_203 = arith.muli %add3A, %mul3A_202 : i32
    %dma_wait3A_204 = arith.constant 0 : i32
    %dma_wait3A_205 = arith.constant 0 : i32
    %dma_wait3A_206 = arith.constant 0 : i32
    %dma_wait3A_207 = arith.constant 0 : i32
    %dma_wait3A_208 = tpu.memref_slice %arg7[%dma_wait3A_204, %dma_wait3A_206, %dma_wait3A_207] : memref<2x2000x16xf32, #tpu.memory_space<vmem>> -> memref<1x2000x16xf32, #tpu.memory_space<vmem>>
    %dma_wait3A_209 = tpu.memref_squeeze %dma_wait3A_208 : memref<1x2000x16xf32, #tpu.memory_space<vmem>> -> memref<2000x16xf32, #tpu.memory_space<vmem>>
    %dma_wait3A_210 = arith.constant 0 : i32
    %dma_wait3A_211 = arith.constant 0 : i32
    %dma_wait3A_212 = tpu.memref_slice %arg2[%mul3A_203, %dma_wait3A_210, %dma_wait3A_211] : memref<160x2000x16xf32, #tpu.memory_space<hbm>> -> memref<1x2000x16xf32, #tpu.memory_space<hbm>>
    %dma_wait3A_213 = tpu.memref_squeeze %dma_wait3A_212 : memref<1x2000x16xf32, #tpu.memory_space<hbm>> -> memref<2000x16xf32, #tpu.memory_space<hbm>>
    %dma_wait3A_214 = tpu.memref_slice %arg9[%dma_wait3A_205] : memref<2x!tpu.dma_semaphore, #tpu.memory_space<semaphore_mem>> -> memref<1x!tpu.dma_semaphore, #tpu.memory_space<semaphore_mem>>
    %dma_wait3A_215 = tpu.memref_squeeze %dma_wait3A_214 : memref<1x!tpu.dma_semaphore, #tpu.memory_space<semaphore_mem>> -> memref<!tpu.dma_semaphore, #tpu.memory_space<semaphore_mem>>
    %dma_wait3A_216 = arith.constant 0 : i32
    %dma_wait3A_217 = arith.constant 0 : i32
    %dma_wait3A_218 = tpu.memref_slice %arg7[%dma_wait3A_204, %dma_wait3A_216, %dma_wait3A_217] : memref<2x2000x16xf32, #tpu.memory_space<vmem>> -> memref<1x2000x16xf32, #tpu.memory_space<vmem>>
    %dma_wait3A_219 = tpu.memref_squeeze %dma_wait3A_218 : memref<1x2000x16xf32, #tpu.memory_space<vmem>> -> memref<2000x16xf32, #tpu.memory_space<vmem>>
    %dma_wait3A_220 = arith.constant 0 : i32
    %dma_wait3A_221 = arith.constant 0 : i32
    %dma_wait3A_222 = tpu.memref_slice %arg2[%mul3A_203, %dma_wait3A_220, %dma_wait3A_221] : memref<160x2000x16xf32, #tpu.memory_space<hbm>> -> memref<1x2000x16xf32, #tpu.memory_space<hbm>>
    %dma_wait3A_223 = tpu.memref_squeeze %dma_wait3A_222 : memref<1x2000x16xf32, #tpu.memory_space<hbm>> -> memref<2000x16xf32, #tpu.memory_space<hbm>>
    tpu.wait_dma2 semaphore(%dma_wait3A_215 : memref<!tpu.dma_semaphore, #tpu.memory_space<semaphore_mem>>) src(%dma_wait3A_223 : memref<2000x16xf32, #tpu.memory_space<hbm>>) dst(%dma_wait3A_219 : memref<2000x16xf32, #tpu.memory_space<vmem>>)
    %add3A_224 = arith.constant 6000 : i32
    %add3A_225 = arith.addi %mul3A_6, %add3A_224 : i32
    %dma_start3A_226 = arith.constant 1 : i32
    %dma_start3A_227 = arith.constant 1 : i32
    %dma_start3A_228 = arith.constant 0 : i32
    %dma_start3A_229 = tpu.memref_slice %arg6[%dma_start3A_226, %dma_start3A_228] : memref<2x2000xi32, #tpu.memory_space<vmem>> -> memref<1x2000xi32, #tpu.memory_space<vmem>>
    %dma_start3A_230 = tpu.memref_squeeze %dma_start3A_229 : memref<1x2000xi32, #tpu.memory_space<vmem>> -> memref<2000xi32, #tpu.memory_space<vmem>>
    %dma_start3A_231 = tpu.memref_slice %arg3[%add3A_225] : memref<320000xi32, #tpu.memory_space<hbm>> -> memref<2000xi32, #tpu.memory_space<hbm>>
    %dma_start3A_232 = tpu.memref_slice %arg9[%dma_start3A_227] : memref<2x!tpu.dma_semaphore, #tpu.memory_space<semaphore_mem>> -> memref<1x!tpu.dma_semaphore, #tpu.memory_space<semaphore_mem>>
    %dma_start3A_233 = tpu.memref_squeeze %dma_start3A_232 : memref<1x!tpu.dma_semaphore, #tpu.memory_space<semaphore_mem>> -> memref<!tpu.dma_semaphore, #tpu.memory_space<semaphore_mem>>
    %dma_start3A_234 = arith.constant 0 : i32
    %dma_start3A_235 = tpu.memref_slice %arg6[%dma_start3A_226, %dma_start3A_234] : memref<2x2000xi32, #tpu.memory_space<vmem>> -> memref<1x2000xi32, #tpu.memory_space<vmem>>
    %dma_start3A_236 = tpu.memref_squeeze %dma_start3A_235 : memref<1x2000xi32, #tpu.memory_space<vmem>> -> memref<2000xi32, #tpu.memory_space<vmem>>
    %dma_start3A_237 = tpu.memref_slice %arg3[%add3A_225] : memref<320000xi32, #tpu.memory_space<hbm>> -> memref<2000xi32, #tpu.memory_space<hbm>>
    tpu.enqueue_dma source(%dma_start3A_237 : memref<2000xi32, #tpu.memory_space<hbm>>) target(%dma_start3A_236 : memref<2000xi32, #tpu.memory_space<vmem>>) target_semaphore(%dma_start3A_233 : memref<!tpu.dma_semaphore, #tpu.memory_space<semaphore_mem>>)
    %mul3A_238 = arith.constant 5 : i32
    %mul3A_239 = arith.muli %add3A, %mul3A_238 : i32
    %add3A_240 = arith.constant 3 : i32
    %add3A_241 = arith.addi %mul3A_239, %add3A_240 : i32
    %dma_start3A_242 = arith.constant 1 : i32
    %dma_start3A_243 = arith.constant 1 : i32
    %dma_start3A_244 = arith.constant 0 : i32
    %dma_start3A_245 = arith.constant 0 : i32
    %dma_start3A_246 = tpu.memref_slice %arg7[%dma_start3A_242, %dma_start3A_244, %dma_start3A_245] : memref<2x2000x16xf32, #tpu.memory_space<vmem>> -> memref<1x2000x16xf32, #tpu.memory_space<vmem>>
    %dma_start3A_247 = tpu.memref_squeeze %dma_start3A_246 : memref<1x2000x16xf32, #tpu.memory_space<vmem>> -> memref<2000x16xf32, #tpu.memory_space<vmem>>
    %dma_start3A_248 = arith.constant 0 : i32
    %dma_start3A_249 = arith.constant 0 : i32
    %dma_start3A_250 = tpu.memref_slice %arg2[%add3A_241, %dma_start3A_248, %dma_start3A_249] : memref<160x2000x16xf32, #tpu.memory_space<hbm>> -> memref<1x2000x16xf32, #tpu.memory_space<hbm>>
    %dma_start3A_251 = tpu.memref_squeeze %dma_start3A_250 : memref<1x2000x16xf32, #tpu.memory_space<hbm>> -> memref<2000x16xf32, #tpu.memory_space<hbm>>
    %dma_start3A_252 = tpu.memref_slice %arg9[%dma_start3A_243] : memref<2x!tpu.dma_semaphore, #tpu.memory_space<semaphore_mem>> -> memref<1x!tpu.dma_semaphore, #tpu.memory_space<semaphore_mem>>
    %dma_start3A_253 = tpu.memref_squeeze %dma_start3A_252 : memref<1x!tpu.dma_semaphore, #tpu.memory_space<semaphore_mem>> -> memref<!tpu.dma_semaphore, #tpu.memory_space<semaphore_mem>>
    %dma_start3A_254 = arith.constant 0 : i32
    %dma_start3A_255 = arith.constant 0 : i32
    %dma_start3A_256 = tpu.memref_slice %arg7[%dma_start3A_242, %dma_start3A_254, %dma_start3A_255] : memref<2x2000x16xf32, #tpu.memory_space<vmem>> -> memref<1x2000x16xf32, #tpu.memory_space<vmem>>
    %dma_start3A_257 = tpu.memref_squeeze %dma_start3A_256 : memref<1x2000x16xf32, #tpu.memory_space<vmem>> -> memref<2000x16xf32, #tpu.memory_space<vmem>>
    %dma_start3A_258 = arith.constant 0 : i32
    %dma_start3A_259 = arith.constant 0 : i32
    %dma_start3A_260 = tpu.memref_slice %arg2[%add3A_241, %dma_start3A_258, %dma_start3A_259] : memref<160x2000x16xf32, #tpu.memory_space<hbm>> -> memref<1x2000x16xf32, #tpu.memory_space<hbm>>
    %dma_start3A_261 = tpu.memref_squeeze %dma_start3A_260 : memref<1x2000x16xf32, #tpu.memory_space<hbm>> -> memref<2000x16xf32, #tpu.memory_space<hbm>>
    tpu.enqueue_dma source(%dma_start3A_261 : memref<2000x16xf32, #tpu.memory_space<hbm>>) target(%dma_start3A_257 : memref<2000x16xf32, #tpu.memory_space<vmem>>) target_semaphore(%dma_start3A_253 : memref<!tpu.dma_semaphore, #tpu.memory_space<semaphore_mem>>)
    %run_scoped3A_262 = arith.constant 0 : i32
    %run_scoped3A_263 = arith.constant 0 : i32
    "tpu.region"() ({
      %run_scoped3A_379 = tpu.sem_alloc : memref<!tpu.dma_semaphore, #tpu.memory_space<semaphore_mem>>
      %dma_start3A_380 = arith.constant 0 : i32
      %dma_start3A_381 = arith.constant 0 : i32
      %dma_start3A_382 = tpu.memref_slice %arg7[%run_scoped3A_262, %dma_start3A_380, %dma_start3A_381] : memref<2x2000x16xf32, #tpu.memory_space<vmem>> -> memref<1x2000x16xf32, #tpu.memory_space<vmem>>
      %dma_start3A_383 = tpu.memref_squeeze %dma_start3A_382 : memref<1x2000x16xf32, #tpu.memory_space<vmem>> -> memref<2000x16xf32, #tpu.memory_space<vmem>>
      %dma_start3A_384 = arith.constant 0 : i32
      %dma_start3A_385 = tpu.memref_slice %arg6[%run_scoped3A_263, %dma_start3A_384] : memref<2x2000xi32, #tpu.memory_space<vmem>> -> memref<1x2000xi32, #tpu.memory_space<vmem>>
      %dma_start3A_386 = tpu.memref_squeeze %dma_start3A_385 : memref<1x2000xi32, #tpu.memory_space<vmem>> -> memref<2000xi32, #tpu.memory_space<vmem>>
      %dma_start3A_387 = arith.constant 0 : i32
      %dma_start3A_388 = arith.constant 0 : i32
      %dma_start3A_389 = tpu.memref_slice %arg8[%dma_start3A_387, %dma_start3A_388] : memref<10000x16xf32, #tpu.memory_space<vmem_shared>> -> memref<10000x16xf32, #tpu.memory_space<vmem_shared>>
      tpu.enqueue_indirect_dma source(%dma_start3A_383 : memref<2000x16xf32, #tpu.memory_space<vmem>>) target(%dma_start3A_389 : memref<10000x16xf32, #tpu.memory_space<vmem_shared>>) offsets(%dma_start3A_386 : memref<2000xi32, #tpu.memory_space<vmem>>) semaphore(%run_scoped3A_379 : memref<!tpu.dma_semaphore, #tpu.memory_space<semaphore_mem>>) {add = true}
      %dma_wait3A_390 = arith.constant 0 : i32
      %dma_wait3A_391 = arith.constant 0 : i32
      %dma_wait3A_392 = tpu.memref_slice %arg7[%run_scoped3A_262, %dma_wait3A_390, %dma_wait3A_391] : memref<2x2000x16xf32, #tpu.memory_space<vmem>> -> memref<1x2000x16xf32, #tpu.memory_space<vmem>>
      %dma_wait3A_393 = tpu.memref_squeeze %dma_wait3A_392 : memref<1x2000x16xf32, #tpu.memory_space<vmem>> -> memref<2000x16xf32, #tpu.memory_space<vmem>>
      %dma_wait3A_394 = arith.constant 0 : i32
      %dma_wait3A_395 = tpu.memref_slice %arg6[%run_scoped3A_263, %dma_wait3A_394] : memref<2x2000xi32, #tpu.memory_space<vmem>> -> memref<1x2000xi32, #tpu.memory_space<vmem>>
      %dma_wait3A_396 = tpu.memref_squeeze %dma_wait3A_395 : memref<1x2000xi32, #tpu.memory_space<vmem>> -> memref<2000xi32, #tpu.memory_space<vmem>>
      %dma_wait3A_397 = arith.constant 0 : i32
      %dma_wait3A_398 = arith.constant 0 : i32
      %dma_wait3A_399 = tpu.memref_slice %arg8[%dma_wait3A_397, %dma_wait3A_398] : memref<10000x16xf32, #tpu.memory_space<vmem_shared>> -> memref<10000x16xf32, #tpu.memory_space<vmem_shared>>
      tpu.wait_indirect_dma semaphore(%run_scoped3A_379 : memref<!tpu.dma_semaphore, #tpu.memory_space<semaphore_mem>>) src(%dma_wait3A_393 : memref<2000x16xf32, #tpu.memory_space<vmem>>) dst(%dma_wait3A_399 : memref<10000x16xf32, #tpu.memory_space<vmem_shared>>)
      tpu.yield
    }) : () -> ()
    %dma_wait3A_264 = arith.constant 1 : i32
    %dma_wait3A_265 = arith.constant 1 : i32
    %dma_wait3A_266 = arith.constant 0 : i32
    %dma_wait3A_267 = tpu.memref_slice %arg6[%dma_wait3A_264, %dma_wait3A_266] : memref<2x2000xi32, #tpu.memory_space<vmem>> -> memref<1x2000xi32, #tpu.memory_space<vmem>>
    %dma_wait3A_268 = tpu.memref_squeeze %dma_wait3A_267 : memref<1x2000xi32, #tpu.memory_space<vmem>> -> memref<2000xi32, #tpu.memory_space<vmem>>
    %dma_wait3A_269 = tpu.memref_slice %arg3[%mul3A_6] : memref<320000xi32, #tpu.memory_space<hbm>> -> memref<2000xi32, #tpu.memory_space<hbm>>
    %dma_wait3A_270 = tpu.memref_slice %arg9[%dma_wait3A_265] : memref<2x!tpu.dma_semaphore, #tpu.memory_space<semaphore_mem>> -> memref<1x!tpu.dma_semaphore, #tpu.memory_space<semaphore_mem>>
    %dma_wait3A_271 = tpu.memref_squeeze %dma_wait3A_270 : memref<1x!tpu.dma_semaphore, #tpu.memory_space<semaphore_mem>> -> memref<!tpu.dma_semaphore, #tpu.memory_space<semaphore_mem>>
    %dma_wait3A_272 = arith.constant 0 : i32
    %dma_wait3A_273 = tpu.memref_slice %arg6[%dma_wait3A_264, %dma_wait3A_272] : memref<2x2000xi32, #tpu.memory_space<vmem>> -> memref<1x2000xi32, #tpu.memory_space<vmem>>
    %dma_wait3A_274 = tpu.memref_squeeze %dma_wait3A_273 : memref<1x2000xi32, #tpu.memory_space<vmem>> -> memref<2000xi32, #tpu.memory_space<vmem>>
    %dma_wait3A_275 = tpu.memref_slice %arg3[%mul3A_6] : memref<320000xi32, #tpu.memory_space<hbm>> -> memref<2000xi32, #tpu.memory_space<hbm>>
    tpu.wait_dma2 semaphore(%dma_wait3A_271 : memref<!tpu.dma_semaphore, #tpu.memory_space<semaphore_mem>>) src(%dma_wait3A_275 : memref<2000xi32, #tpu.memory_space<hbm>>) dst(%dma_wait3A_274 : memref<2000xi32, #tpu.memory_space<vmem>>)
    %mul3A_276 = arith.constant 5 : i32
    %mul3A_277 = arith.muli %add3A, %mul3A_276 : i32
    %dma_wait3A_278 = arith.constant 1 : i32
    %dma_wait3A_279 = arith.constant 1 : i32
    %dma_wait3A_280 = arith.constant 0 : i32
    %dma_wait3A_281 = arith.constant 0 : i32
    %dma_wait3A_282 = tpu.memref_slice %arg7[%dma_wait3A_278, %dma_wait3A_280, %dma_wait3A_281] : memref<2x2000x16xf32, #tpu.memory_space<vmem>> -> memref<1x2000x16xf32, #tpu.memory_space<vmem>>
    %dma_wait3A_283 = tpu.memref_squeeze %dma_wait3A_282 : memref<1x2000x16xf32, #tpu.memory_space<vmem>> -> memref<2000x16xf32, #tpu.memory_space<vmem>>
    %dma_wait3A_284 = arith.constant 0 : i32
    %dma_wait3A_285 = arith.constant 0 : i32
    %dma_wait3A_286 = tpu.memref_slice %arg2[%mul3A_277, %dma_wait3A_284, %dma_wait3A_285] : memref<160x2000x16xf32, #tpu.memory_space<hbm>> -> memref<1x2000x16xf32, #tpu.memory_space<hbm>>
    %dma_wait3A_287 = tpu.memref_squeeze %dma_wait3A_286 : memref<1x2000x16xf32, #tpu.memory_space<hbm>> -> memref<2000x16xf32, #tpu.memory_space<hbm>>
    %dma_wait3A_288 = tpu.memref_slice %arg9[%dma_wait3A_279] : memref<2x!tpu.dma_semaphore, #tpu.memory_space<semaphore_mem>> -> memref<1x!tpu.dma_semaphore, #tpu.memory_space<semaphore_mem>>
    %dma_wait3A_289 = tpu.memref_squeeze %dma_wait3A_288 : memref<1x!tpu.dma_semaphore, #tpu.memory_space<semaphore_mem>> -> memref<!tpu.dma_semaphore, #tpu.memory_space<semaphore_mem>>
    %dma_wait3A_290 = arith.constant 0 : i32
    %dma_wait3A_291 = arith.constant 0 : i32
    %dma_wait3A_292 = tpu.memref_slice %arg7[%dma_wait3A_278, %dma_wait3A_290, %dma_wait3A_291] : memref<2x2000x16xf32, #tpu.memory_space<vmem>> -> memref<1x2000x16xf32, #tpu.memory_space<vmem>>
    %dma_wait3A_293 = tpu.memref_squeeze %dma_wait3A_292 : memref<1x2000x16xf32, #tpu.memory_space<vmem>> -> memref<2000x16xf32, #tpu.memory_space<vmem>>
    %dma_wait3A_294 = arith.constant 0 : i32
    %dma_wait3A_295 = arith.constant 0 : i32
    %dma_wait3A_296 = tpu.memref_slice %arg2[%mul3A_277, %dma_wait3A_294, %dma_wait3A_295] : memref<160x2000x16xf32, #tpu.memory_space<hbm>> -> memref<1x2000x16xf32, #tpu.memory_space<hbm>>
    %dma_wait3A_297 = tpu.memref_squeeze %dma_wait3A_296 : memref<1x2000x16xf32, #tpu.memory_space<hbm>> -> memref<2000x16xf32, #tpu.memory_space<hbm>>
    tpu.wait_dma2 semaphore(%dma_wait3A_289 : memref<!tpu.dma_semaphore, #tpu.memory_space<semaphore_mem>>) src(%dma_wait3A_297 : memref<2000x16xf32, #tpu.memory_space<hbm>>) dst(%dma_wait3A_293 : memref<2000x16xf32, #tpu.memory_space<vmem>>)
    %add3A_298 = arith.constant 8000 : i32
    %add3A_299 = arith.addi %mul3A_6, %add3A_298 : i32
    %dma_start3A_300 = arith.constant 0 : i32
    %dma_start3A_301 = arith.constant 0 : i32
    %dma_start3A_302 = arith.constant 0 : i32
    %dma_start3A_303 = tpu.memref_slice %arg6[%dma_start3A_300, %dma_start3A_302] : memref<2x2000xi32, #tpu.memory_space<vmem>> -> memref<1x2000xi32, #tpu.memory_space<vmem>>
    %dma_start3A_304 = tpu.memref_squeeze %dma_start3A_303 : memref<1x2000xi32, #tpu.memory_space<vmem>> -> memref<2000xi32, #tpu.memory_space<vmem>>
    %dma_start3A_305 = tpu.memref_slice %arg3[%add3A_299] : memref<320000xi32, #tpu.memory_space<hbm>> -> memref<2000xi32, #tpu.memory_space<hbm>>
    %dma_start3A_306 = tpu.memref_slice %arg9[%dma_start3A_301] : memref<2x!tpu.dma_semaphore, #tpu.memory_space<semaphore_mem>> -> memref<1x!tpu.dma_semaphore, #tpu.memory_space<semaphore_mem>>
    %dma_start3A_307 = tpu.memref_squeeze %dma_start3A_306 : memref<1x!tpu.dma_semaphore, #tpu.memory_space<semaphore_mem>> -> memref<!tpu.dma_semaphore, #tpu.memory_space<semaphore_mem>>
    %dma_start3A_308 = arith.constant 0 : i32
    %dma_start3A_309 = tpu.memref_slice %arg6[%dma_start3A_300, %dma_start3A_308] : memref<2x2000xi32, #tpu.memory_space<vmem>> -> memref<1x2000xi32, #tpu.memory_space<vmem>>
    %dma_start3A_310 = tpu.memref_squeeze %dma_start3A_309 : memref<1x2000xi32, #tpu.memory_space<vmem>> -> memref<2000xi32, #tpu.memory_space<vmem>>
    %dma_start3A_311 = tpu.memref_slice %arg3[%add3A_299] : memref<320000xi32, #tpu.memory_space<hbm>> -> memref<2000xi32, #tpu.memory_space<hbm>>
    tpu.enqueue_dma source(%dma_start3A_311 : memref<2000xi32, #tpu.memory_space<hbm>>) target(%dma_start3A_310 : memref<2000xi32, #tpu.memory_space<vmem>>) target_semaphore(%dma_start3A_307 : memref<!tpu.dma_semaphore, #tpu.memory_space<semaphore_mem>>)
    %mul3A_312 = arith.constant 5 : i32
    %mul3A_313 = arith.muli %add3A, %mul3A_312 : i32
    %add3A_314 = arith.constant 4 : i32
    %add3A_315 = arith.addi %mul3A_313, %add3A_314 : i32
    %dma_start3A_316 = arith.constant 0 : i32
    %dma_start3A_317 = arith.constant 0 : i32
    %dma_start3A_318 = arith.constant 0 : i32
    %dma_start3A_319 = arith.constant 0 : i32
    %dma_start3A_320 = tpu.memref_slice %arg7[%dma_start3A_316, %dma_start3A_318, %dma_start3A_319] : memref<2x2000x16xf32, #tpu.memory_space<vmem>> -> memref<1x2000x16xf32, #tpu.memory_space<vmem>>
    %dma_start3A_321 = tpu.memref_squeeze %dma_start3A_320 : memref<1x2000x16xf32, #tpu.memory_space<vmem>> -> memref<2000x16xf32, #tpu.memory_space<vmem>>
    %dma_start3A_322 = arith.constant 0 : i32
    %dma_start3A_323 = arith.constant 0 : i32
    %dma_start3A_324 = tpu.memref_slice %arg2[%add3A_315, %dma_start3A_322, %dma_start3A_323] : memref<160x2000x16xf32, #tpu.memory_space<hbm>> -> memref<1x2000x16xf32, #tpu.memory_space<hbm>>
    %dma_start3A_325 = tpu.memref_squeeze %dma_start3A_324 : memref<1x2000x16xf32, #tpu.memory_space<hbm>> -> memref<2000x16xf32, #tpu.memory_space<hbm>>
    %dma_start3A_326 = tpu.memref_slice %arg9[%dma_start3A_317] : memref<2x!tpu.dma_semaphore, #tpu.memory_space<semaphore_mem>> -> memref<1x!tpu.dma_semaphore, #tpu.memory_space<semaphore_mem>>
    %dma_start3A_327 = tpu.memref_squeeze %dma_start3A_326 : memref<1x!tpu.dma_semaphore, #tpu.memory_space<semaphore_mem>> -> memref<!tpu.dma_semaphore, #tpu.memory_space<semaphore_mem>>
    %dma_start3A_328 = arith.constant 0 : i32
    %dma_start3A_329 = arith.constant 0 : i32
    %dma_start3A_330 = tpu.memref_slice %arg7[%dma_start3A_316, %dma_start3A_328, %dma_start3A_329] : memref<2x2000x16xf32, #tpu.memory_space<vmem>> -> memref<1x2000x16xf32, #tpu.memory_space<vmem>>
    %dma_start3A_331 = tpu.memref_squeeze %dma_start3A_330 : memref<1x2000x16xf32, #tpu.memory_space<vmem>> -> memref<2000x16xf32, #tpu.memory_space<vmem>>
    %dma_start3A_332 = arith.constant 0 : i32
    %dma_start3A_333 = arith.constant 0 : i32
    %dma_start3A_334 = tpu.memref_slice %arg2[%add3A_315, %dma_start3A_332, %dma_start3A_333] : memref<160x2000x16xf32, #tpu.memory_space<hbm>> -> memref<1x2000x16xf32, #tpu.memory_space<hbm>>
    %dma_start3A_335 = tpu.memref_squeeze %dma_start3A_334 : memref<1x2000x16xf32, #tpu.memory_space<hbm>> -> memref<2000x16xf32, #tpu.memory_space<hbm>>
    tpu.enqueue_dma source(%dma_start3A_335 : memref<2000x16xf32, #tpu.memory_space<hbm>>) target(%dma_start3A_331 : memref<2000x16xf32, #tpu.memory_space<vmem>>) target_semaphore(%dma_start3A_327 : memref<!tpu.dma_semaphore, #tpu.memory_space<semaphore_mem>>)
    %run_scoped3A_336 = arith.constant 1 : i32
    %run_scoped3A_337 = arith.constant 1 : i32
    "tpu.region"() ({
      %run_scoped3A_379 = tpu.sem_alloc : memref<!tpu.dma_semaphore, #tpu.memory_space<semaphore_mem>>
      %dma_start3A_380 = arith.constant 0 : i32
      %dma_start3A_381 = arith.constant 0 : i32
      %dma_start3A_382 = tpu.memref_slice %arg7[%run_scoped3A_336, %dma_start3A_380, %dma_start3A_381] : memref<2x2000x16xf32, #tpu.memory_space<vmem>> -> memref<1x2000x16xf32, #tpu.memory_space<vmem>>
      %dma_start3A_383 = tpu.memref_squeeze %dma_start3A_382 : memref<1x2000x16xf32, #tpu.memory_space<vmem>> -> memref<2000x16xf32, #tpu.memory_space<vmem>>
      %dma_start3A_384 = arith.constant 0 : i32
      %dma_start3A_385 = tpu.memref_slice %arg6[%run_scoped3A_337, %dma_start3A_384] : memref<2x2000xi32, #tpu.memory_space<vmem>> -> memref<1x2000xi32, #tpu.memory_space<vmem>>
      %dma_start3A_386 = tpu.memref_squeeze %dma_start3A_385 : memref<1x2000xi32, #tpu.memory_space<vmem>> -> memref<2000xi32, #tpu.memory_space<vmem>>
      %dma_start3A_387 = arith.constant 0 : i32
      %dma_start3A_388 = arith.constant 0 : i32
      %dma_start3A_389 = tpu.memref_slice %arg8[%dma_start3A_387, %dma_start3A_388] : memref<10000x16xf32, #tpu.memory_space<vmem_shared>> -> memref<10000x16xf32, #tpu.memory_space<vmem_shared>>
      tpu.enqueue_indirect_dma source(%dma_start3A_383 : memref<2000x16xf32, #tpu.memory_space<vmem>>) target(%dma_start3A_389 : memref<10000x16xf32, #tpu.memory_space<vmem_shared>>) offsets(%dma_start3A_386 : memref<2000xi32, #tpu.memory_space<vmem>>) semaphore(%run_scoped3A_379 : memref<!tpu.dma_semaphore, #tpu.memory_space<semaphore_mem>>) {add = true}
      %dma_wait3A_390 = arith.constant 0 : i32
      %dma_wait3A_391 = arith.constant 0 : i32
      %dma_wait3A_392 = tpu.memref_slice %arg7[%run_scoped3A_336, %dma_wait3A_390, %dma_wait3A_391] : memref<2x2000x16xf32, #tpu.memory_space<vmem>> -> memref<1x2000x16xf32, #tpu.memory_space<vmem>>
      %dma_wait3A_393 = tpu.memref_squeeze %dma_wait3A_392 : memref<1x2000x16xf32, #tpu.memory_space<vmem>> -> memref<2000x16xf32, #tpu.memory_space<vmem>>
      %dma_wait3A_394 = arith.constant 0 : i32
      %dma_wait3A_395 = tpu.memref_slice %arg6[%run_scoped3A_337, %dma_wait3A_394] : memref<2x2000xi32, #tpu.memory_space<vmem>> -> memref<1x2000xi32, #tpu.memory_space<vmem>>
      %dma_wait3A_396 = tpu.memref_squeeze %dma_wait3A_395 : memref<1x2000xi32, #tpu.memory_space<vmem>> -> memref<2000xi32, #tpu.memory_space<vmem>>
      %dma_wait3A_397 = arith.constant 0 : i32
      %dma_wait3A_398 = arith.constant 0 : i32
      %dma_wait3A_399 = tpu.memref_slice %arg8[%dma_wait3A_397, %dma_wait3A_398] : memref<10000x16xf32, #tpu.memory_space<vmem_shared>> -> memref<10000x16xf32, #tpu.memory_space<vmem_shared>>
      tpu.wait_indirect_dma semaphore(%run_scoped3A_379 : memref<!tpu.dma_semaphore, #tpu.memory_space<semaphore_mem>>) src(%dma_wait3A_393 : memref<2000x16xf32, #tpu.memory_space<vmem>>) dst(%dma_wait3A_399 : memref<10000x16xf32, #tpu.memory_space<vmem_shared>>)
      tpu.yield
    }) : () -> ()
    %dma_wait3A_338 = arith.constant 0 : i32
    %dma_wait3A_339 = arith.constant 0 : i32
    %dma_wait3A_340 = arith.constant 0 : i32
    %dma_wait3A_341 = tpu.memref_slice %arg6[%dma_wait3A_338, %dma_wait3A_340] : memref<2x2000xi32, #tpu.memory_space<vmem>> -> memref<1x2000xi32, #tpu.memory_space<vmem>>
    %dma_wait3A_342 = tpu.memref_squeeze %dma_wait3A_341 : memref<1x2000xi32, #tpu.memory_space<vmem>> -> memref<2000xi32, #tpu.memory_space<vmem>>
    %dma_wait3A_343 = tpu.memref_slice %arg3[%mul3A_6] : memref<320000xi32, #tpu.memory_space<hbm>> -> memref<2000xi32, #tpu.memory_space<hbm>>
    %dma_wait3A_344 = tpu.memref_slice %arg9[%dma_wait3A_339] : memref<2x!tpu.dma_semaphore, #tpu.memory_space<semaphore_mem>> -> memref<1x!tpu.dma_semaphore, #tpu.memory_space<semaphore_mem>>
    %dma_wait3A_345 = tpu.memref_squeeze %dma_wait3A_344 : memref<1x!tpu.dma_semaphore, #tpu.memory_space<semaphore_mem>> -> memref<!tpu.dma_semaphore, #tpu.memory_space<semaphore_mem>>
    %dma_wait3A_346 = arith.constant 0 : i32
    %dma_wait3A_347 = tpu.memref_slice %arg6[%dma_wait3A_338, %dma_wait3A_346] : memref<2x2000xi32, #tpu.memory_space<vmem>> -> memref<1x2000xi32, #tpu.memory_space<vmem>>
    %dma_wait3A_348 = tpu.memref_squeeze %dma_wait3A_347 : memref<1x2000xi32, #tpu.memory_space<vmem>> -> memref<2000xi32, #tpu.memory_space<vmem>>
    %dma_wait3A_349 = tpu.memref_slice %arg3[%mul3A_6] : memref<320000xi32, #tpu.memory_space<hbm>> -> memref<2000xi32, #tpu.memory_space<hbm>>
    tpu.wait_dma2 semaphore(%dma_wait3A_345 : memref<!tpu.dma_semaphore, #tpu.memory_space<semaphore_mem>>) src(%dma_wait3A_349 : memref<2000xi32, #tpu.memory_space<hbm>>) dst(%dma_wait3A_348 : memref<2000xi32, #tpu.memory_space<vmem>>)
    %mul3A_350 = arith.constant 5 : i32
    %mul3A_351 = arith.muli %add3A, %mul3A_350 : i32
    %dma_wait3A_352 = arith.constant 0 : i32
    %dma_wait3A_353 = arith.constant 0 : i32
    %dma_wait3A_354 = arith.constant 0 : i32
    %dma_wait3A_355 = arith.constant 0 : i32
    %dma_wait3A_356 = tpu.memref_slice %arg7[%dma_wait3A_352, %dma_wait3A_354, %dma_wait3A_355] : memref<2x2000x16xf32, #tpu.memory_space<vmem>> -> memref<1x2000x16xf32, #tpu.memory_space<vmem>>
    %dma_wait3A_357 = tpu.memref_squeeze %dma_wait3A_356 : memref<1x2000x16xf32, #tpu.memory_space<vmem>> -> memref<2000x16xf32, #tpu.memory_space<vmem>>
    %dma_wait3A_358 = arith.constant 0 : i32
    %dma_wait3A_359 = arith.constant 0 : i32
    %dma_wait3A_360 = tpu.memref_slice %arg2[%mul3A_351, %dma_wait3A_358, %dma_wait3A_359] : memref<160x2000x16xf32, #tpu.memory_space<hbm>> -> memref<1x2000x16xf32, #tpu.memory_space<hbm>>
    %dma_wait3A_361 = tpu.memref_squeeze %dma_wait3A_360 : memref<1x2000x16xf32, #tpu.memory_space<hbm>> -> memref<2000x16xf32, #tpu.memory_space<hbm>>
    %dma_wait3A_362 = tpu.memref_slice %arg9[%dma_wait3A_353] : memref<2x!tpu.dma_semaphore, #tpu.memory_space<semaphore_mem>> -> memref<1x!tpu.dma_semaphore, #tpu.memory_space<semaphore_mem>>
    %dma_wait3A_363 = tpu.memref_squeeze %dma_wait3A_362 : memref<1x!tpu.dma_semaphore, #tpu.memory_space<semaphore_mem>> -> memref<!tpu.dma_semaphore, #tpu.memory_space<semaphore_mem>>
    %dma_wait3A_364 = arith.constant 0 : i32
    %dma_wait3A_365 = arith.constant 0 : i32
    %dma_wait3A_366 = tpu.memref_slice %arg7[%dma_wait3A_352, %dma_wait3A_364, %dma_wait3A_365] : memref<2x2000x16xf32, #tpu.memory_space<vmem>> -> memref<1x2000x16xf32, #tpu.memory_space<vmem>>
    %dma_wait3A_367 = tpu.memref_squeeze %dma_wait3A_366 : memref<1x2000x16xf32, #tpu.memory_space<vmem>> -> memref<2000x16xf32, #tpu.memory_space<vmem>>
    %dma_wait3A_368 = arith.constant 0 : i32
    %dma_wait3A_369 = arith.constant 0 : i32
    %dma_wait3A_370 = tpu.memref_slice %arg2[%mul3A_351, %dma_wait3A_368, %dma_wait3A_369] : memref<160x2000x16xf32, #tpu.memory_space<hbm>> -> memref<1x2000x16xf32, #tpu.memory_space<hbm>>
    %dma_wait3A_371 = tpu.memref_squeeze %dma_wait3A_370 : memref<1x2000x16xf32, #tpu.memory_space<hbm>> -> memref<2000x16xf32, #tpu.memory_space<hbm>>
    tpu.wait_dma2 semaphore(%dma_wait3A_363 : memref<!tpu.dma_semaphore, #tpu.memory_space<semaphore_mem>>) src(%dma_wait3A_371 : memref<2000x16xf32, #tpu.memory_space<hbm>>) dst(%dma_wait3A_367 : memref<2000x16xf32, #tpu.memory_space<vmem>>)
    %run_scoped3A_372 = arith.constant 0 : i32
    %run_scoped3A_373 = arith.constant 0 : i32
    "tpu.region"() ({
      %run_scoped3A_379 = tpu.sem_alloc : memref<!tpu.dma_semaphore, #tpu.memory_space<semaphore_mem>>
      %dma_start3A_380 = arith.constant 0 : i32
      %dma_start3A_381 = arith.constant 0 : i32
      %dma_start3A_382 = tpu.memref_slice %arg7[%run_scoped3A_372, %dma_start3A_380, %dma_start3A_381] : memref<2x2000x16xf32, #tpu.memory_space<vmem>> -> memref<1x2000x16xf32, #tpu.memory_space<vmem>>
      %dma_start3A_383 = tpu.memref_squeeze %dma_start3A_382 : memref<1x2000x16xf32, #tpu.memory_space<vmem>> -> memref<2000x16xf32, #tpu.memory_space<vmem>>
      %dma_start3A_384 = arith.constant 0 : i32
      %dma_start3A_385 = tpu.memref_slice %arg6[%run_scoped3A_373, %dma_start3A_384] : memref<2x2000xi32, #tpu.memory_space<vmem>> -> memref<1x2000xi32, #tpu.memory_space<vmem>>
      %dma_start3A_386 = tpu.memref_squeeze %dma_start3A_385 : memref<1x2000xi32, #tpu.memory_space<vmem>> -> memref<2000xi32, #tpu.memory_space<vmem>>
      %dma_start3A_387 = arith.constant 0 : i32
      %dma_start3A_388 = arith.constant 0 : i32
      %dma_start3A_389 = tpu.memref_slice %arg8[%dma_start3A_387, %dma_start3A_388] : memref<10000x16xf32, #tpu.memory_space<vmem_shared>> -> memref<10000x16xf32, #tpu.memory_space<vmem_shared>>
      tpu.enqueue_indirect_dma source(%dma_start3A_383 : memref<2000x16xf32, #tpu.memory_space<vmem>>) target(%dma_start3A_389 : memref<10000x16xf32, #tpu.memory_space<vmem_shared>>) offsets(%dma_start3A_386 : memref<2000xi32, #tpu.memory_space<vmem>>) semaphore(%run_scoped3A_379 : memref<!tpu.dma_semaphore, #tpu.memory_space<semaphore_mem>>) {add = true}
      %dma_wait3A_390 = arith.constant 0 : i32
      %dma_wait3A_391 = arith.constant 0 : i32
      %dma_wait3A_392 = tpu.memref_slice %arg7[%run_scoped3A_372, %dma_wait3A_390, %dma_wait3A_391] : memref<2x2000x16xf32, #tpu.memory_space<vmem>> -> memref<1x2000x16xf32, #tpu.memory_space<vmem>>
      %dma_wait3A_393 = tpu.memref_squeeze %dma_wait3A_392 : memref<1x2000x16xf32, #tpu.memory_space<vmem>> -> memref<2000x16xf32, #tpu.memory_space<vmem>>
      %dma_wait3A_394 = arith.constant 0 : i32
      %dma_wait3A_395 = tpu.memref_slice %arg6[%run_scoped3A_373, %dma_wait3A_394] : memref<2x2000xi32, #tpu.memory_space<vmem>> -> memref<1x2000xi32, #tpu.memory_space<vmem>>
      %dma_wait3A_396 = tpu.memref_squeeze %dma_wait3A_395 : memref<1x2000xi32, #tpu.memory_space<vmem>> -> memref<2000xi32, #tpu.memory_space<vmem>>
      %dma_wait3A_397 = arith.constant 0 : i32
      %dma_wait3A_398 = arith.constant 0 : i32
      %dma_wait3A_399 = tpu.memref_slice %arg8[%dma_wait3A_397, %dma_wait3A_398] : memref<10000x16xf32, #tpu.memory_space<vmem_shared>> -> memref<10000x16xf32, #tpu.memory_space<vmem_shared>>
      tpu.wait_indirect_dma semaphore(%run_scoped3A_379 : memref<!tpu.dma_semaphore, #tpu.memory_space<semaphore_mem>>) src(%dma_wait3A_393 : memref<2000x16xf32, #tpu.memory_space<vmem>>) dst(%dma_wait3A_399 : memref<10000x16xf32, #tpu.memory_space<vmem_shared>>)
      tpu.yield
    }) : () -> ()
    %barrier3A_374 = arith.constant 0 : index
    tpu.barrier barrier_id(%barrier3A_374)
    %mul3A_375 = arith.constant 625 : i32
    %mul3A_376 = arith.muli %arg1, %mul3A_375 : i32
    %mul3A_377 = arith.constant 625 : i32
    %mul3A_378 = arith.muli %arg1, %mul3A_377 : i32
    "tpu.region"() ({
      %run_scoped3A_379 = tpu.sem_alloc : memref<!tpu.dma_semaphore, #tpu.memory_space<semaphore_mem>>
      %dma_start3A_380 = arith.constant 0 : i32
      %dma_start3A_381 = tpu.memref_slice %arg5[%arg0, %mul3A_378, %dma_start3A_380] : memref<2x10000x16xf32, #tpu.memory_space<hbm>> -> memref<1x625x16xf32, #tpu.memory_space<hbm>>
      %dma_start3A_382 = tpu.memref_squeeze %dma_start3A_381 : memref<1x625x16xf32, #tpu.memory_space<hbm>> -> memref<625x16xf32, #tpu.memory_space<hbm>>
      %dma_start3A_383 = arith.constant 0 : i32
      %dma_start3A_384 = tpu.memref_slice %arg8[%mul3A_376, %dma_start3A_383] : memref<10000x16xf32, #tpu.memory_space<vmem_shared>> -> memref<625x16xf32, #tpu.memory_space<vmem_shared>>
      tpu.enqueue_dma source(%dma_start3A_384 : memref<625x16xf32, #tpu.memory_space<vmem_shared>>) target(%dma_start3A_382 : memref<625x16xf32, #tpu.memory_space<hbm>>) target_semaphore(%run_scoped3A_379 : memref<!tpu.dma_semaphore, #tpu.memory_space<semaphore_mem>>)
      %dma_wait3A_385 = arith.constant 0 : i32
      %dma_wait3A_386 = tpu.memref_slice %arg5[%arg0, %mul3A_378, %dma_wait3A_385] : memref<2x10000x16xf32, #tpu.memory_space<hbm>> -> memref<1x625x16xf32, #tpu.memory_space<hbm>>
      %dma_wait3A_387 = tpu.memref_squeeze %dma_wait3A_386 : memref<1x625x16xf32, #tpu.memory_space<hbm>> -> memref<625x16xf32, #tpu.memory_space<hbm>>
      %dma_wait3A_388 = arith.constant 0 : i32
      %dma_wait3A_389 = tpu.memref_slice %arg8[%mul3A_376, %dma_wait3A_388] : memref<10000x16xf32, #tpu.memory_space<vmem_shared>> -> memref<625x16xf32, #tpu.memory_space<vmem_shared>>
      tpu.wait_dma2 semaphore(%run_scoped3A_379 : memref<!tpu.dma_semaphore, #tpu.memory_space<semaphore_mem>>) src(%dma_wait3A_389 : memref<625x16xf32, #tpu.memory_space<vmem_shared>>) dst(%dma_wait3A_387 : memref<625x16xf32, #tpu.memory_space<hbm>>)
      tpu.yield
    }) : () -> ()
    return
  }
}

#map = affine_map<(d0, d1) -> (0, 0, 0)>
#map1 = affine_map<(d0, d1) -> (0)>
#map2 = affine_map<(d0, d1) -> (0, 0)>
module attributes {stable_mosaic.version = 14 : i64} {
  func.func @_scatter_body(%arg0: i32, %arg1: i32, %arg2: memref<160x2000x16xf32, #tpu.memory_space<hbm>>, %arg3: memref<320000xi32, #tpu.memory_space<hbm>>, %arg4: memref<10000x16xf32, #tpu.memory_space<hbm>>, %arg5: memref<2x10000x16xf32, #tpu.memory_space<hbm>>, %arg6: memref<2x2000xi32, #tpu.memory_space<vmem>>, %arg7: memref<2x2000x16xf32, #tpu.memory_space<vmem>>, %arg8: memref<10000x16xf32, #tpu.memory_space<vmem_shared>>, %arg9: memref<2x!tpu.dma_semaphore, #tpu.memory_space<semaphore_mem>>) attributes {dimension_semantics = [#tpu.dimension_semantics<core_parallel>, #tpu.dimension_semantics<subcore_parallel>], iteration_bounds = array<i64: 2, 16>, scalar_prefetch = 0 : i64, scratch_operands = 4 : i64, tpu.core_type = #tpu.core_type<sc_vector_subcore>, window_params = [{transform_indices = #map}, {transform_indices = #map1}, {transform_indices = #map2}, {transform_indices = #map}]} {
    %mul3A = arith.constant 625 : i32
    %mul3A_0 = arith.muli %arg1, %mul3A : i32
    %mul3A_1 = arith.constant 625 : i32
    %mul3A_2 = arith.muli %arg1, %mul3A_1 : i32
    "tpu.region"() ({
      %run_scoped3A_379 = tpu.sem_alloc : memref<!tpu.dma_semaphore, #tpu.memory_space<semaphore_mem>>
      %dma_start3A_380 = arith.constant 0 : i32
      %dma_start3A_381 = tpu.memref_slice %arg8[%mul3A_2, %dma_start3A_380] : memref<10000x16xf32, #tpu.memory_space<vmem_shared>> -> memref<625x16xf32, #tpu.memory_space<vmem_shared>>
      %dma_start3A_382 = arith.constant 0 : i32
      %dma_start3A_383 = tpu.memref_slice %arg4[%mul3A_0, %dma_start3A_382] : memref<10000x16xf32, #tpu.memory_space<hbm>> -> memref<625x16xf32, #tpu.memory_space<hbm>>
      tpu.enqueue_dma source(%dma_start3A_383 : memref<625x16xf32, #tpu.memory_space<hbm>>) target(%dma_start3A_381 : memref<625x16xf32, #tpu.memory_space<vmem_shared>>) target_semaphore(%run_scoped3A_379 : memref<!tpu.dma_semaphore, #tpu.memory_space<semaphore_mem>>)
      %dma_wait3A_384 = arith.constant 0 : i32
      %dma_wait3A_385 = tpu.memref_slice %arg8[%mul3A_2, %dma_wait3A_384] : memref<10000x16xf32, #tpu.memory_space<vmem_shared>> -> memref<625x16xf32, #tpu.memory_space<vmem_shared>>
      %dma_wait3A_386 = arith.constant 0 : i32
      %dma_wait3A_387 = tpu.memref_slice %arg4[%mul3A_0, %dma_wait3A_386] : memref<10000x16xf32, #tpu.memory_space<hbm>> -> memref<625x16xf32, #tpu.memory_space<hbm>>
      tpu.wait_dma2 semaphore(%run_scoped3A_379 : memref<!tpu.dma_semaphore, #tpu.memory_space<semaphore_mem>>) src(%dma_wait3A_387 : memref<625x16xf32, #tpu.memory_space<hbm>>) dst(%dma_wait3A_385 : memref<625x16xf32, #tpu.memory_space<vmem_shared>>)
      tpu.yield
    }) : () -> ()
    %mul3A_3 = arith.constant 16 : i32
    %mul3A_4 = arith.muli %arg0, %mul3A_3 : i32
    %add3A = arith.addi %mul3A_4, %arg1 : i32
    %mul3A_5 = arith.constant 10000 : i32
    %mul3A_6 = arith.muli %add3A, %mul3A_5 : i32
    %add3A_7 = arith.constant 0 : i32
    %add3A_8 = arith.addi %mul3A_6, %add3A_7 : i32
    %dma_start3A = arith.constant 0 : i32
    %dma_start3A_9 = arith.constant 0 : i32
    %dma_start3A_10 = arith.constant 0 : i32
    %dma_start3A_11 = tpu.memref_slice %arg6[%dma_start3A, %dma_start3A_10] : memref<2x2000xi32, #tpu.memory_space<vmem>> -> memref<1x2000xi32, #tpu.memory_space<vmem>>
    %dma_start3A_12 = tpu.memref_squeeze %dma_start3A_11 : memref<1x2000xi32, #tpu.memory_space<vmem>> -> memref<2000xi32, #tpu.memory_space<vmem>>
    %dma_start3A_13 = tpu.memref_slice %arg3[%add3A_8] : memref<320000xi32, #tpu.memory_space<hbm>> -> memref<2000xi32, #tpu.memory_space<hbm>>
    %dma_start3A_14 = tpu.memref_slice %arg9[%dma_start3A_9] : memref<2x!tpu.dma_semaphore, #tpu.memory_space<semaphore_mem>> -> memref<1x!tpu.dma_semaphore, #tpu.memory_space<semaphore_mem>>
    %dma_start3A_15 = tpu.memref_squeeze %dma_start3A_14 : memref<1x!tpu.dma_semaphore, #tpu.memory_space<semaphore_mem>> -> memref<!tpu.dma_semaphore, #tpu.memory_space<semaphore_mem>>
    %dma_start3A_16 = arith.constant 0 : i32
    %dma_start3A_17 = tpu.memref_slice %arg6[%dma_start3A, %dma_start3A_16] : memref<2x2000xi32, #tpu.memory_space<vmem>> -> memref<1x2000xi32, #tpu.memory_space<vmem>>
    %dma_start3A_18 = tpu.memref_squeeze %dma_start3A_17 : memref<1x2000xi32, #tpu.memory_space<vmem>> -> memref<2000xi32, #tpu.memory_space<vmem>>
    %dma_start3A_19 = tpu.memref_slice %arg3[%add3A_8] : memref<320000xi32, #tpu.memory_space<hbm>> -> memref<2000xi32, #tpu.memory_space<hbm>>
    tpu.enqueue_dma source(%dma_start3A_19 : memref<2000xi32, #tpu.memory_space<hbm>>) target(%dma_start3A_18 : memref<2000xi32, #tpu.memory_space<vmem>>) target_semaphore(%dma_start3A_15 : memref<!tpu.dma_semaphore, #tpu.memory_space<semaphore_mem>>)
    %mul3A_20 = arith.constant 5 : i32
    %mul3A_21 = arith.muli %add3A, %mul3A_20 : i32
    %add3A_22 = arith.constant 0 : i32
    %add3A_23 = arith.addi %mul3A_21, %add3A_22 : i32
    %dma_start3A_24 = arith.constant 0 : i32
    %dma_start3A_25 = arith.constant 0 : i32
    %dma_start3A_26 = arith.constant 0 : i32
    %dma_start3A_27 = arith.constant 0 : i32
    %dma_start3A_28 = tpu.memref_slice %arg7[%dma_start3A_24, %dma_start3A_26, %dma_start3A_27] : memref<2x2000x16xf32, #tpu.memory_space<vmem>> -> memref<1x2000x16xf32, #tpu.memory_space<vmem>>
    %dma_start3A_29 = tpu.memref_squeeze %dma_start3A_28 : memref<1x2000x16xf32, #tpu.memory_space<vmem>> -> memref<2000x16xf32, #tpu.memory_space<vmem>>
    %dma_start3A_30 = arith.constant 0 : i32
    %dma_start3A_31 = arith.constant 0 : i32
    %dma_start3A_32 = tpu.memref_slice %arg2[%add3A_23, %dma_start3A_30, %dma_start3A_31] : memref<160x2000x16xf32, #tpu.memory_space<hbm>> -> memref<1x2000x16xf32, #tpu.memory_space<hbm>>
    %dma_start3A_33 = tpu.memref_squeeze %dma_start3A_32 : memref<1x2000x16xf32, #tpu.memory_space<hbm>> -> memref<2000x16xf32, #tpu.memory_space<hbm>>
    %dma_start3A_34 = tpu.memref_slice %arg9[%dma_start3A_25] : memref<2x!tpu.dma_semaphore, #tpu.memory_space<semaphore_mem>> -> memref<1x!tpu.dma_semaphore, #tpu.memory_space<semaphore_mem>>
    %dma_start3A_35 = tpu.memref_squeeze %dma_start3A_34 : memref<1x!tpu.dma_semaphore, #tpu.memory_space<semaphore_mem>> -> memref<!tpu.dma_semaphore, #tpu.memory_space<semaphore_mem>>
    %dma_start3A_36 = arith.constant 0 : i32
    %dma_start3A_37 = arith.constant 0 : i32
    %dma_start3A_38 = tpu.memref_slice %arg7[%dma_start3A_24, %dma_start3A_36, %dma_start3A_37] : memref<2x2000x16xf32, #tpu.memory_space<vmem>> -> memref<1x2000x16xf32, #tpu.memory_space<vmem>>
    %dma_start3A_39 = tpu.memref_squeeze %dma_start3A_38 : memref<1x2000x16xf32, #tpu.memory_space<vmem>> -> memref<2000x16xf32, #tpu.memory_space<vmem>>
    %dma_start3A_40 = arith.constant 0 : i32
    %dma_start3A_41 = arith.constant 0 : i32
    %dma_start3A_42 = tpu.memref_slice %arg2[%add3A_23, %dma_start3A_40, %dma_start3A_41] : memref<160x2000x16xf32, #tpu.memory_space<hbm>> -> memref<1x2000x16xf32, #tpu.memory_space<hbm>>
    %dma_start3A_43 = tpu.memref_squeeze %dma_start3A_42 : memref<1x2000x16xf32, #tpu.memory_space<hbm>> -> memref<2000x16xf32, #tpu.memory_space<hbm>>
    tpu.enqueue_dma source(%dma_start3A_43 : memref<2000x16xf32, #tpu.memory_space<hbm>>) target(%dma_start3A_39 : memref<2000x16xf32, #tpu.memory_space<vmem>>) target_semaphore(%dma_start3A_35 : memref<!tpu.dma_semaphore, #tpu.memory_space<semaphore_mem>>)
    %barrier3A = arith.constant 0 : index
    tpu.barrier barrier_id(%barrier3A)
    %dma_wait3A = arith.constant 0 : i32
    %dma_wait3A_44 = arith.constant 0 : i32
    %dma_wait3A_45 = arith.constant 0 : i32
    %dma_wait3A_46 = tpu.memref_slice %arg6[%dma_wait3A, %dma_wait3A_45] : memref<2x2000xi32, #tpu.memory_space<vmem>> -> memref<1x2000xi32, #tpu.memory_space<vmem>>
    %dma_wait3A_47 = tpu.memref_squeeze %dma_wait3A_46 : memref<1x2000xi32, #tpu.memory_space<vmem>> -> memref<2000xi32, #tpu.memory_space<vmem>>
    %dma_wait3A_48 = tpu.memref_slice %arg3[%mul3A_6] : memref<320000xi32, #tpu.memory_space<hbm>> -> memref<2000xi32, #tpu.memory_space<hbm>>
    %dma_wait3A_49 = tpu.memref_slice %arg9[%dma_wait3A_44] : memref<2x!tpu.dma_semaphore, #tpu.memory_space<semaphore_mem>> -> memref<1x!tpu.dma_semaphore, #tpu.memory_space<semaphore_mem>>
    %dma_wait3A_50 = tpu.memref_squeeze %dma_wait3A_49 : memref<1x!tpu.dma_semaphore, #tpu.memory_space<semaphore_mem>> -> memref<!tpu.dma_semaphore, #tpu.memory_space<semaphore_mem>>
    %dma_wait3A_51 = arith.constant 0 : i32
    %dma_wait3A_52 = tpu.memref_slice %arg6[%dma_wait3A, %dma_wait3A_51] : memref<2x2000xi32, #tpu.memory_space<vmem>> -> memref<1x2000xi32, #tpu.memory_space<vmem>>
    %dma_wait3A_53 = tpu.memref_squeeze %dma_wait3A_52 : memref<1x2000xi32, #tpu.memory_space<vmem>> -> memref<2000xi32, #tpu.memory_space<vmem>>
    %dma_wait3A_54 = tpu.memref_slice %arg3[%mul3A_6] : memref<320000xi32, #tpu.memory_space<hbm>> -> memref<2000xi32, #tpu.memory_space<hbm>>
    tpu.wait_dma2 semaphore(%dma_wait3A_50 : memref<!tpu.dma_semaphore, #tpu.memory_space<semaphore_mem>>) src(%dma_wait3A_54 : memref<2000xi32, #tpu.memory_space<hbm>>) dst(%dma_wait3A_53 : memref<2000xi32, #tpu.memory_space<vmem>>)
    %mul3A_55 = arith.constant 5 : i32
    %mul3A_56 = arith.muli %add3A, %mul3A_55 : i32
    %dma_wait3A_57 = arith.constant 0 : i32
    %dma_wait3A_58 = arith.constant 0 : i32
    %dma_wait3A_59 = arith.constant 0 : i32
    %dma_wait3A_60 = arith.constant 0 : i32
    %dma_wait3A_61 = tpu.memref_slice %arg7[%dma_wait3A_57, %dma_wait3A_59, %dma_wait3A_60] : memref<2x2000x16xf32, #tpu.memory_space<vmem>> -> memref<1x2000x16xf32, #tpu.memory_space<vmem>>
    %dma_wait3A_62 = tpu.memref_squeeze %dma_wait3A_61 : memref<1x2000x16xf32, #tpu.memory_space<vmem>> -> memref<2000x16xf32, #tpu.memory_space<vmem>>
    %dma_wait3A_63 = arith.constant 0 : i32
    %dma_wait3A_64 = arith.constant 0 : i32
    %dma_wait3A_65 = tpu.memref_slice %arg2[%mul3A_56, %dma_wait3A_63, %dma_wait3A_64] : memref<160x2000x16xf32, #tpu.memory_space<hbm>> -> memref<1x2000x16xf32, #tpu.memory_space<hbm>>
    %dma_wait3A_66 = tpu.memref_squeeze %dma_wait3A_65 : memref<1x2000x16xf32, #tpu.memory_space<hbm>> -> memref<2000x16xf32, #tpu.memory_space<hbm>>
    %dma_wait3A_67 = tpu.memref_slice %arg9[%dma_wait3A_58] : memref<2x!tpu.dma_semaphore, #tpu.memory_space<semaphore_mem>> -> memref<1x!tpu.dma_semaphore, #tpu.memory_space<semaphore_mem>>
    %dma_wait3A_68 = tpu.memref_squeeze %dma_wait3A_67 : memref<1x!tpu.dma_semaphore, #tpu.memory_space<semaphore_mem>> -> memref<!tpu.dma_semaphore, #tpu.memory_space<semaphore_mem>>
    %dma_wait3A_69 = arith.constant 0 : i32
    %dma_wait3A_70 = arith.constant 0 : i32
    %dma_wait3A_71 = tpu.memref_slice %arg7[%dma_wait3A_57, %dma_wait3A_69, %dma_wait3A_70] : memref<2x2000x16xf32, #tpu.memory_space<vmem>> -> memref<1x2000x16xf32, #tpu.memory_space<vmem>>
    %dma_wait3A_72 = tpu.memref_squeeze %dma_wait3A_71 : memref<1x2000x16xf32, #tpu.memory_space<vmem>> -> memref<2000x16xf32, #tpu.memory_space<vmem>>
    %dma_wait3A_73 = arith.constant 0 : i32
    %dma_wait3A_74 = arith.constant 0 : i32
    %dma_wait3A_75 = tpu.memref_slice %arg2[%mul3A_56, %dma_wait3A_73, %dma_wait3A_74] : memref<160x2000x16xf32, #tpu.memory_space<hbm>> -> memref<1x2000x16xf32, #tpu.memory_space<hbm>>
    %dma_wait3A_76 = tpu.memref_squeeze %dma_wait3A_75 : memref<1x2000x16xf32, #tpu.memory_space<hbm>> -> memref<2000x16xf32, #tpu.memory_space<hbm>>
    tpu.wait_dma2 semaphore(%dma_wait3A_68 : memref<!tpu.dma_semaphore, #tpu.memory_space<semaphore_mem>>) src(%dma_wait3A_76 : memref<2000x16xf32, #tpu.memory_space<hbm>>) dst(%dma_wait3A_72 : memref<2000x16xf32, #tpu.memory_space<vmem>>)
    %add3A_77 = arith.constant 2000 : i32
    %add3A_78 = arith.addi %mul3A_6, %add3A_77 : i32
    %dma_start3A_79 = arith.constant 1 : i32
    %dma_start3A_80 = arith.constant 1 : i32
    %dma_start3A_81 = arith.constant 0 : i32
    %dma_start3A_82 = tpu.memref_slice %arg6[%dma_start3A_79, %dma_start3A_81] : memref<2x2000xi32, #tpu.memory_space<vmem>> -> memref<1x2000xi32, #tpu.memory_space<vmem>>
    %dma_start3A_83 = tpu.memref_squeeze %dma_start3A_82 : memref<1x2000xi32, #tpu.memory_space<vmem>> -> memref<2000xi32, #tpu.memory_space<vmem>>
    %dma_start3A_84 = tpu.memref_slice %arg3[%add3A_78] : memref<320000xi32, #tpu.memory_space<hbm>> -> memref<2000xi32, #tpu.memory_space<hbm>>
    %dma_start3A_85 = tpu.memref_slice %arg9[%dma_start3A_80] : memref<2x!tpu.dma_semaphore, #tpu.memory_space<semaphore_mem>> -> memref<1x!tpu.dma_semaphore, #tpu.memory_space<semaphore_mem>>
    %dma_start3A_86 = tpu.memref_squeeze %dma_start3A_85 : memref<1x!tpu.dma_semaphore, #tpu.memory_space<semaphore_mem>> -> memref<!tpu.dma_semaphore, #tpu.memory_space<semaphore_mem>>
    %dma_start3A_87 = arith.constant 0 : i32
    %dma_start3A_88 = tpu.memref_slice %arg6[%dma_start3A_79, %dma_start3A_87] : memref<2x2000xi32, #tpu.memory_space<vmem>> -> memref<1x2000xi32, #tpu.memory_space<vmem>>
    %dma_start3A_89 = tpu.memref_squeeze %dma_start3A_88 : memref<1x2000xi32, #tpu.memory_space<vmem>> -> memref<2000xi32, #tpu.memory_space<vmem>>
    %dma_start3A_90 = tpu.memref_slice %arg3[%add3A_78] : memref<320000xi32, #tpu.memory_space<hbm>> -> memref<2000xi32, #tpu.memory_space<hbm>>
    tpu.enqueue_dma source(%dma_start3A_90 : memref<2000xi32, #tpu.memory_space<hbm>>) target(%dma_start3A_89 : memref<2000xi32, #tpu.memory_space<vmem>>) target_semaphore(%dma_start3A_86 : memref<!tpu.dma_semaphore, #tpu.memory_space<semaphore_mem>>)
    %mul3A_91 = arith.constant 5 : i32
    %mul3A_92 = arith.muli %add3A, %mul3A_91 : i32
    %add3A_93 = arith.constant 1 : i32
    %add3A_94 = arith.addi %mul3A_92, %add3A_93 : i32
    %dma_start3A_95 = arith.constant 1 : i32
    %dma_start3A_96 = arith.constant 1 : i32
    %dma_start3A_97 = arith.constant 0 : i32
    %dma_start3A_98 = arith.constant 0 : i32
    %dma_start3A_99 = tpu.memref_slice %arg7[%dma_start3A_95, %dma_start3A_97, %dma_start3A_98] : memref<2x2000x16xf32, #tpu.memory_space<vmem>> -> memref<1x2000x16xf32, #tpu.memory_space<vmem>>
    %dma_start3A_100 = tpu.memref_squeeze %dma_start3A_99 : memref<1x2000x16xf32, #tpu.memory_space<vmem>> -> memref<2000x16xf32, #tpu.memory_space<vmem>>
    %dma_start3A_101 = arith.constant 0 : i32
    %dma_start3A_102 = arith.constant 0 : i32
    %dma_start3A_103 = tpu.memref_slice %arg2[%add3A_94, %dma_start3A_101, %dma_start3A_102] : memref<160x2000x16xf32, #tpu.memory_space<hbm>> -> memref<1x2000x16xf32, #tpu.memory_space<hbm>>
    %dma_start3A_104 = tpu.memref_squeeze %dma_start3A_103 : memref<1x2000x16xf32, #tpu.memory_space<hbm>> -> memref<2000x16xf32, #tpu.memory_space<hbm>>
    %dma_start3A_105 = tpu.memref_slice %arg9[%dma_start3A_96] : memref<2x!tpu.dma_semaphore, #tpu.memory_space<semaphore_mem>> -> memref<1x!tpu.dma_semaphore, #tpu.memory_space<semaphore_mem>>
    %dma_start3A_106 = tpu.memref_squeeze %dma_start3A_105 : memref<1x!tpu.dma_semaphore, #tpu.memory_space<semaphore_mem>> -> memref<!tpu.dma_semaphore, #tpu.memory_space<semaphore_mem>>
    %dma_start3A_107 = arith.constant 0 : i32
    %dma_start3A_108 = arith.constant 0 : i32
    %dma_start3A_109 = tpu.memref_slice %arg7[%dma_start3A_95, %dma_start3A_107, %dma_start3A_108] : memref<2x2000x16xf32, #tpu.memory_space<vmem>> -> memref<1x2000x16xf32, #tpu.memory_space<vmem>>
    %dma_start3A_110 = tpu.memref_squeeze %dma_start3A_109 : memref<1x2000x16xf32, #tpu.memory_space<vmem>> -> memref<2000x16xf32, #tpu.memory_space<vmem>>
    %dma_start3A_111 = arith.constant 0 : i32
    %dma_start3A_112 = arith.constant 0 : i32
    %dma_start3A_113 = tpu.memref_slice %arg2[%add3A_94, %dma_start3A_111, %dma_start3A_112] : memref<160x2000x16xf32, #tpu.memory_space<hbm>> -> memref<1x2000x16xf32, #tpu.memory_space<hbm>>
    %dma_start3A_114 = tpu.memref_squeeze %dma_start3A_113 : memref<1x2000x16xf32, #tpu.memory_space<hbm>> -> memref<2000x16xf32, #tpu.memory_space<hbm>>
    tpu.enqueue_dma source(%dma_start3A_114 : memref<2000x16xf32, #tpu.memory_space<hbm>>) target(%dma_start3A_110 : memref<2000x16xf32, #tpu.memory_space<vmem>>) target_semaphore(%dma_start3A_106 : memref<!tpu.dma_semaphore, #tpu.memory_space<semaphore_mem>>)
    %run_scoped3A = arith.constant 0 : i32
    %run_scoped3A_115 = arith.constant 0 : i32
    "tpu.region"() ({
      %run_scoped3A_379 = tpu.sem_alloc : memref<!tpu.dma_semaphore, #tpu.memory_space<semaphore_mem>>
      %dma_start3A_380 = arith.constant 0 : i32
      %dma_start3A_381 = arith.constant 0 : i32
      %dma_start3A_382 = tpu.memref_slice %arg7[%run_scoped3A, %dma_start3A_380, %dma_start3A_381] : memref<2x2000x16xf32, #tpu.memory_space<vmem>> -> memref<1x2000x16xf32, #tpu.memory_space<vmem>>
      %dma_start3A_383 = tpu.memref_squeeze %dma_start3A_382 : memref<1x2000x16xf32, #tpu.memory_space<vmem>> -> memref<2000x16xf32, #tpu.memory_space<vmem>>
      %dma_start3A_384 = arith.constant 0 : i32
      %dma_start3A_385 = tpu.memref_slice %arg6[%run_scoped3A_115, %dma_start3A_384] : memref<2x2000xi32, #tpu.memory_space<vmem>> -> memref<1x2000xi32, #tpu.memory_space<vmem>>
      %dma_start3A_386 = tpu.memref_squeeze %dma_start3A_385 : memref<1x2000xi32, #tpu.memory_space<vmem>> -> memref<2000xi32, #tpu.memory_space<vmem>>
      %dma_start3A_387 = arith.constant 0 : i32
      %dma_start3A_388 = arith.constant 0 : i32
      %dma_start3A_389 = tpu.memref_slice %arg8[%dma_start3A_387, %dma_start3A_388] : memref<10000x16xf32, #tpu.memory_space<vmem_shared>> -> memref<10000x16xf32, #tpu.memory_space<vmem_shared>>
      tpu.enqueue_indirect_dma source(%dma_start3A_383 : memref<2000x16xf32, #tpu.memory_space<vmem>>) target(%dma_start3A_389 : memref<10000x16xf32, #tpu.memory_space<vmem_shared>>) offsets(%dma_start3A_386 : memref<2000xi32, #tpu.memory_space<vmem>>) semaphore(%run_scoped3A_379 : memref<!tpu.dma_semaphore, #tpu.memory_space<semaphore_mem>>) {add = true}
      %dma_wait3A_390 = arith.constant 0 : i32
      %dma_wait3A_391 = arith.constant 0 : i32
      %dma_wait3A_392 = tpu.memref_slice %arg7[%run_scoped3A, %dma_wait3A_390, %dma_wait3A_391] : memref<2x2000x16xf32, #tpu.memory_space<vmem>> -> memref<1x2000x16xf32, #tpu.memory_space<vmem>>
      %dma_wait3A_393 = tpu.memref_squeeze %dma_wait3A_392 : memref<1x2000x16xf32, #tpu.memory_space<vmem>> -> memref<2000x16xf32, #tpu.memory_space<vmem>>
      %dma_wait3A_394 = arith.constant 0 : i32
      %dma_wait3A_395 = tpu.memref_slice %arg6[%run_scoped3A_115, %dma_wait3A_394] : memref<2x2000xi32, #tpu.memory_space<vmem>> -> memref<1x2000xi32, #tpu.memory_space<vmem>>
      %dma_wait3A_396 = tpu.memref_squeeze %dma_wait3A_395 : memref<1x2000xi32, #tpu.memory_space<vmem>> -> memref<2000xi32, #tpu.memory_space<vmem>>
      %dma_wait3A_397 = arith.constant 0 : i32
      %dma_wait3A_398 = arith.constant 0 : i32
      %dma_wait3A_399 = tpu.memref_slice %arg8[%dma_wait3A_397, %dma_wait3A_398] : memref<10000x16xf32, #tpu.memory_space<vmem_shared>> -> memref<10000x16xf32, #tpu.memory_space<vmem_shared>>
      tpu.wait_indirect_dma semaphore(%run_scoped3A_379 : memref<!tpu.dma_semaphore, #tpu.memory_space<semaphore_mem>>) src(%dma_wait3A_393 : memref<2000x16xf32, #tpu.memory_space<vmem>>) dst(%dma_wait3A_399 : memref<10000x16xf32, #tpu.memory_space<vmem_shared>>)
      tpu.yield
    }) : () -> ()
    %dma_wait3A_116 = arith.constant 1 : i32
    %dma_wait3A_117 = arith.constant 1 : i32
    %dma_wait3A_118 = arith.constant 0 : i32
    %dma_wait3A_119 = tpu.memref_slice %arg6[%dma_wait3A_116, %dma_wait3A_118] : memref<2x2000xi32, #tpu.memory_space<vmem>> -> memref<1x2000xi32, #tpu.memory_space<vmem>>
    %dma_wait3A_120 = tpu.memref_squeeze %dma_wait3A_119 : memref<1x2000xi32, #tpu.memory_space<vmem>> -> memref<2000xi32, #tpu.memory_space<vmem>>
    %dma_wait3A_121 = tpu.memref_slice %arg3[%mul3A_6] : memref<320000xi32, #tpu.memory_space<hbm>> -> memref<2000xi32, #tpu.memory_space<hbm>>
    %dma_wait3A_122 = tpu.memref_slice %arg9[%dma_wait3A_117] : memref<2x!tpu.dma_semaphore, #tpu.memory_space<semaphore_mem>> -> memref<1x!tpu.dma_semaphore, #tpu.memory_space<semaphore_mem>>
    %dma_wait3A_123 = tpu.memref_squeeze %dma_wait3A_122 : memref<1x!tpu.dma_semaphore, #tpu.memory_space<semaphore_mem>> -> memref<!tpu.dma_semaphore, #tpu.memory_space<semaphore_mem>>
    %dma_wait3A_124 = arith.constant 0 : i32
    %dma_wait3A_125 = tpu.memref_slice %arg6[%dma_wait3A_116, %dma_wait3A_124] : memref<2x2000xi32, #tpu.memory_space<vmem>> -> memref<1x2000xi32, #tpu.memory_space<vmem>>
    %dma_wait3A_126 = tpu.memref_squeeze %dma_wait3A_125 : memref<1x2000xi32, #tpu.memory_space<vmem>> -> memref<2000xi32, #tpu.memory_space<vmem>>
    %dma_wait3A_127 = tpu.memref_slice %arg3[%mul3A_6] : memref<320000xi32, #tpu.memory_space<hbm>> -> memref<2000xi32, #tpu.memory_space<hbm>>
    tpu.wait_dma2 semaphore(%dma_wait3A_123 : memref<!tpu.dma_semaphore, #tpu.memory_space<semaphore_mem>>) src(%dma_wait3A_127 : memref<2000xi32, #tpu.memory_space<hbm>>) dst(%dma_wait3A_126 : memref<2000xi32, #tpu.memory_space<vmem>>)
    %mul3A_128 = arith.constant 5 : i32
    %mul3A_129 = arith.muli %add3A, %mul3A_128 : i32
    %dma_wait3A_130 = arith.constant 1 : i32
    %dma_wait3A_131 = arith.constant 1 : i32
    %dma_wait3A_132 = arith.constant 0 : i32
    %dma_wait3A_133 = arith.constant 0 : i32
    %dma_wait3A_134 = tpu.memref_slice %arg7[%dma_wait3A_130, %dma_wait3A_132, %dma_wait3A_133] : memref<2x2000x16xf32, #tpu.memory_space<vmem>> -> memref<1x2000x16xf32, #tpu.memory_space<vmem>>
    %dma_wait3A_135 = tpu.memref_squeeze %dma_wait3A_134 : memref<1x2000x16xf32, #tpu.memory_space<vmem>> -> memref<2000x16xf32, #tpu.memory_space<vmem>>
    %dma_wait3A_136 = arith.constant 0 : i32
    %dma_wait3A_137 = arith.constant 0 : i32
    %dma_wait3A_138 = tpu.memref_slice %arg2[%mul3A_129, %dma_wait3A_136, %dma_wait3A_137] : memref<160x2000x16xf32, #tpu.memory_space<hbm>> -> memref<1x2000x16xf32, #tpu.memory_space<hbm>>
    %dma_wait3A_139 = tpu.memref_squeeze %dma_wait3A_138 : memref<1x2000x16xf32, #tpu.memory_space<hbm>> -> memref<2000x16xf32, #tpu.memory_space<hbm>>
    %dma_wait3A_140 = tpu.memref_slice %arg9[%dma_wait3A_131] : memref<2x!tpu.dma_semaphore, #tpu.memory_space<semaphore_mem>> -> memref<1x!tpu.dma_semaphore, #tpu.memory_space<semaphore_mem>>
    %dma_wait3A_141 = tpu.memref_squeeze %dma_wait3A_140 : memref<1x!tpu.dma_semaphore, #tpu.memory_space<semaphore_mem>> -> memref<!tpu.dma_semaphore, #tpu.memory_space<semaphore_mem>>
    %dma_wait3A_142 = arith.constant 0 : i32
    %dma_wait3A_143 = arith.constant 0 : i32
    %dma_wait3A_144 = tpu.memref_slice %arg7[%dma_wait3A_130, %dma_wait3A_142, %dma_wait3A_143] : memref<2x2000x16xf32, #tpu.memory_space<vmem>> -> memref<1x2000x16xf32, #tpu.memory_space<vmem>>
    %dma_wait3A_145 = tpu.memref_squeeze %dma_wait3A_144 : memref<1x2000x16xf32, #tpu.memory_space<vmem>> -> memref<2000x16xf32, #tpu.memory_space<vmem>>
    %dma_wait3A_146 = arith.constant 0 : i32
    %dma_wait3A_147 = arith.constant 0 : i32
    %dma_wait3A_148 = tpu.memref_slice %arg2[%mul3A_129, %dma_wait3A_146, %dma_wait3A_147] : memref<160x2000x16xf32, #tpu.memory_space<hbm>> -> memref<1x2000x16xf32, #tpu.memory_space<hbm>>
    %dma_wait3A_149 = tpu.memref_squeeze %dma_wait3A_148 : memref<1x2000x16xf32, #tpu.memory_space<hbm>> -> memref<2000x16xf32, #tpu.memory_space<hbm>>
    tpu.wait_dma2 semaphore(%dma_wait3A_141 : memref<!tpu.dma_semaphore, #tpu.memory_space<semaphore_mem>>) src(%dma_wait3A_149 : memref<2000x16xf32, #tpu.memory_space<hbm>>) dst(%dma_wait3A_145 : memref<2000x16xf32, #tpu.memory_space<vmem>>)
    %add3A_150 = arith.constant 4000 : i32
    %add3A_151 = arith.addi %mul3A_6, %add3A_150 : i32
    %dma_start3A_152 = arith.constant 0 : i32
    %dma_start3A_153 = arith.constant 0 : i32
    %dma_start3A_154 = arith.constant 0 : i32
    %dma_start3A_155 = tpu.memref_slice %arg6[%dma_start3A_152, %dma_start3A_154] : memref<2x2000xi32, #tpu.memory_space<vmem>> -> memref<1x2000xi32, #tpu.memory_space<vmem>>
    %dma_start3A_156 = tpu.memref_squeeze %dma_start3A_155 : memref<1x2000xi32, #tpu.memory_space<vmem>> -> memref<2000xi32, #tpu.memory_space<vmem>>
    %dma_start3A_157 = tpu.memref_slice %arg3[%add3A_151] : memref<320000xi32, #tpu.memory_space<hbm>> -> memref<2000xi32, #tpu.memory_space<hbm>>
    %dma_start3A_158 = tpu.memref_slice %arg9[%dma_start3A_153] : memref<2x!tpu.dma_semaphore, #tpu.memory_space<semaphore_mem>> -> memref<1x!tpu.dma_semaphore, #tpu.memory_space<semaphore_mem>>
    %dma_start3A_159 = tpu.memref_squeeze %dma_start3A_158 : memref<1x!tpu.dma_semaphore, #tpu.memory_space<semaphore_mem>> -> memref<!tpu.dma_semaphore, #tpu.memory_space<semaphore_mem>>
    %dma_start3A_160 = arith.constant 0 : i32
    %dma_start3A_161 = tpu.memref_slice %arg6[%dma_start3A_152, %dma_start3A_160] : memref<2x2000xi32, #tpu.memory_space<vmem>> -> memref<1x2000xi32, #tpu.memory_space<vmem>>
    %dma_start3A_162 = tpu.memref_squeeze %dma_start3A_161 : memref<1x2000xi32, #tpu.memory_space<vmem>> -> memref<2000xi32, #tpu.memory_space<vmem>>
    %dma_start3A_163 = tpu.memref_slice %arg3[%add3A_151] : memref<320000xi32, #tpu.memory_space<hbm>> -> memref<2000xi32, #tpu.memory_space<hbm>>
    tpu.enqueue_dma source(%dma_start3A_163 : memref<2000xi32, #tpu.memory_space<hbm>>) target(%dma_start3A_162 : memref<2000xi32, #tpu.memory_space<vmem>>) target_semaphore(%dma_start3A_159 : memref<!tpu.dma_semaphore, #tpu.memory_space<semaphore_mem>>)
    %mul3A_164 = arith.constant 5 : i32
    %mul3A_165 = arith.muli %add3A, %mul3A_164 : i32
    %add3A_166 = arith.constant 2 : i32
    %add3A_167 = arith.addi %mul3A_165, %add3A_166 : i32
    %dma_start3A_168 = arith.constant 0 : i32
    %dma_start3A_169 = arith.constant 0 : i32
    %dma_start3A_170 = arith.constant 0 : i32
    %dma_start3A_171 = arith.constant 0 : i32
    %dma_start3A_172 = tpu.memref_slice %arg7[%dma_start3A_168, %dma_start3A_170, %dma_start3A_171] : memref<2x2000x16xf32, #tpu.memory_space<vmem>> -> memref<1x2000x16xf32, #tpu.memory_space<vmem>>
    %dma_start3A_173 = tpu.memref_squeeze %dma_start3A_172 : memref<1x2000x16xf32, #tpu.memory_space<vmem>> -> memref<2000x16xf32, #tpu.memory_space<vmem>>
    %dma_start3A_174 = arith.constant 0 : i32
    %dma_start3A_175 = arith.constant 0 : i32
    %dma_start3A_176 = tpu.memref_slice %arg2[%add3A_167, %dma_start3A_174, %dma_start3A_175] : memref<160x2000x16xf32, #tpu.memory_space<hbm>> -> memref<1x2000x16xf32, #tpu.memory_space<hbm>>
    %dma_start3A_177 = tpu.memref_squeeze %dma_start3A_176 : memref<1x2000x16xf32, #tpu.memory_space<hbm>> -> memref<2000x16xf32, #tpu.memory_space<hbm>>
    %dma_start3A_178 = tpu.memref_slice %arg9[%dma_start3A_169] : memref<2x!tpu.dma_semaphore, #tpu.memory_space<semaphore_mem>> -> memref<1x!tpu.dma_semaphore, #tpu.memory_space<semaphore_mem>>
    %dma_start3A_179 = tpu.memref_squeeze %dma_start3A_178 : memref<1x!tpu.dma_semaphore, #tpu.memory_space<semaphore_mem>> -> memref<!tpu.dma_semaphore, #tpu.memory_space<semaphore_mem>>
    %dma_start3A_180 = arith.constant 0 : i32
    %dma_start3A_181 = arith.constant 0 : i32
    %dma_start3A_182 = tpu.memref_slice %arg7[%dma_start3A_168, %dma_start3A_180, %dma_start3A_181] : memref<2x2000x16xf32, #tpu.memory_space<vmem>> -> memref<1x2000x16xf32, #tpu.memory_space<vmem>>
    %dma_start3A_183 = tpu.memref_squeeze %dma_start3A_182 : memref<1x2000x16xf32, #tpu.memory_space<vmem>> -> memref<2000x16xf32, #tpu.memory_space<vmem>>
    %dma_start3A_184 = arith.constant 0 : i32
    %dma_start3A_185 = arith.constant 0 : i32
    %dma_start3A_186 = tpu.memref_slice %arg2[%add3A_167, %dma_start3A_184, %dma_start3A_185] : memref<160x2000x16xf32, #tpu.memory_space<hbm>> -> memref<1x2000x16xf32, #tpu.memory_space<hbm>>
    %dma_start3A_187 = tpu.memref_squeeze %dma_start3A_186 : memref<1x2000x16xf32, #tpu.memory_space<hbm>> -> memref<2000x16xf32, #tpu.memory_space<hbm>>
    tpu.enqueue_dma source(%dma_start3A_187 : memref<2000x16xf32, #tpu.memory_space<hbm>>) target(%dma_start3A_183 : memref<2000x16xf32, #tpu.memory_space<vmem>>) target_semaphore(%dma_start3A_179 : memref<!tpu.dma_semaphore, #tpu.memory_space<semaphore_mem>>)
    %run_scoped3A_188 = arith.constant 1 : i32
    %run_scoped3A_189 = arith.constant 1 : i32
    "tpu.region"() ({
      %run_scoped3A_379 = tpu.sem_alloc : memref<!tpu.dma_semaphore, #tpu.memory_space<semaphore_mem>>
      %dma_start3A_380 = arith.constant 0 : i32
      %dma_start3A_381 = arith.constant 0 : i32
      %dma_start3A_382 = tpu.memref_slice %arg7[%run_scoped3A_188, %dma_start3A_380, %dma_start3A_381] : memref<2x2000x16xf32, #tpu.memory_space<vmem>> -> memref<1x2000x16xf32, #tpu.memory_space<vmem>>
      %dma_start3A_383 = tpu.memref_squeeze %dma_start3A_382 : memref<1x2000x16xf32, #tpu.memory_space<vmem>> -> memref<2000x16xf32, #tpu.memory_space<vmem>>
      %dma_start3A_384 = arith.constant 0 : i32
      %dma_start3A_385 = tpu.memref_slice %arg6[%run_scoped3A_189, %dma_start3A_384] : memref<2x2000xi32, #tpu.memory_space<vmem>> -> memref<1x2000xi32, #tpu.memory_space<vmem>>
      %dma_start3A_386 = tpu.memref_squeeze %dma_start3A_385 : memref<1x2000xi32, #tpu.memory_space<vmem>> -> memref<2000xi32, #tpu.memory_space<vmem>>
      %dma_start3A_387 = arith.constant 0 : i32
      %dma_start3A_388 = arith.constant 0 : i32
      %dma_start3A_389 = tpu.memref_slice %arg8[%dma_start3A_387, %dma_start3A_388] : memref<10000x16xf32, #tpu.memory_space<vmem_shared>> -> memref<10000x16xf32, #tpu.memory_space<vmem_shared>>
      tpu.enqueue_indirect_dma source(%dma_start3A_383 : memref<2000x16xf32, #tpu.memory_space<vmem>>) target(%dma_start3A_389 : memref<10000x16xf32, #tpu.memory_space<vmem_shared>>) offsets(%dma_start3A_386 : memref<2000xi32, #tpu.memory_space<vmem>>) semaphore(%run_scoped3A_379 : memref<!tpu.dma_semaphore, #tpu.memory_space<semaphore_mem>>) {add = true}
      %dma_wait3A_390 = arith.constant 0 : i32
      %dma_wait3A_391 = arith.constant 0 : i32
      %dma_wait3A_392 = tpu.memref_slice %arg7[%run_scoped3A_188, %dma_wait3A_390, %dma_wait3A_391] : memref<2x2000x16xf32, #tpu.memory_space<vmem>> -> memref<1x2000x16xf32, #tpu.memory_space<vmem>>
      %dma_wait3A_393 = tpu.memref_squeeze %dma_wait3A_392 : memref<1x2000x16xf32, #tpu.memory_space<vmem>> -> memref<2000x16xf32, #tpu.memory_space<vmem>>
      %dma_wait3A_394 = arith.constant 0 : i32
      %dma_wait3A_395 = tpu.memref_slice %arg6[%run_scoped3A_189, %dma_wait3A_394] : memref<2x2000xi32, #tpu.memory_space<vmem>> -> memref<1x2000xi32, #tpu.memory_space<vmem>>
      %dma_wait3A_396 = tpu.memref_squeeze %dma_wait3A_395 : memref<1x2000xi32, #tpu.memory_space<vmem>> -> memref<2000xi32, #tpu.memory_space<vmem>>
      %dma_wait3A_397 = arith.constant 0 : i32
      %dma_wait3A_398 = arith.constant 0 : i32
      %dma_wait3A_399 = tpu.memref_slice %arg8[%dma_wait3A_397, %dma_wait3A_398] : memref<10000x16xf32, #tpu.memory_space<vmem_shared>> -> memref<10000x16xf32, #tpu.memory_space<vmem_shared>>
      tpu.wait_indirect_dma semaphore(%run_scoped3A_379 : memref<!tpu.dma_semaphore, #tpu.memory_space<semaphore_mem>>) src(%dma_wait3A_393 : memref<2000x16xf32, #tpu.memory_space<vmem>>) dst(%dma_wait3A_399 : memref<10000x16xf32, #tpu.memory_space<vmem_shared>>)
      tpu.yield
    }) : () -> ()
    %dma_wait3A_190 = arith.constant 0 : i32
    %dma_wait3A_191 = arith.constant 0 : i32
    %dma_wait3A_192 = arith.constant 0 : i32
    %dma_wait3A_193 = tpu.memref_slice %arg6[%dma_wait3A_190, %dma_wait3A_192] : memref<2x2000xi32, #tpu.memory_space<vmem>> -> memref<1x2000xi32, #tpu.memory_space<vmem>>
    %dma_wait3A_194 = tpu.memref_squeeze %dma_wait3A_193 : memref<1x2000xi32, #tpu.memory_space<vmem>> -> memref<2000xi32, #tpu.memory_space<vmem>>
    %dma_wait3A_195 = tpu.memref_slice %arg3[%mul3A_6] : memref<320000xi32, #tpu.memory_space<hbm>> -> memref<2000xi32, #tpu.memory_space<hbm>>
    %dma_wait3A_196 = tpu.memref_slice %arg9[%dma_wait3A_191] : memref<2x!tpu.dma_semaphore, #tpu.memory_space<semaphore_mem>> -> memref<1x!tpu.dma_semaphore, #tpu.memory_space<semaphore_mem>>
    %dma_wait3A_197 = tpu.memref_squeeze %dma_wait3A_196 : memref<1x!tpu.dma_semaphore, #tpu.memory_space<semaphore_mem>> -> memref<!tpu.dma_semaphore, #tpu.memory_space<semaphore_mem>>
    %dma_wait3A_198 = arith.constant 0 : i32
    %dma_wait3A_199 = tpu.memref_slice %arg6[%dma_wait3A_190, %dma_wait3A_198] : memref<2x2000xi32, #tpu.memory_space<vmem>> -> memref<1x2000xi32, #tpu.memory_space<vmem>>
    %dma_wait3A_200 = tpu.memref_squeeze %dma_wait3A_199 : memref<1x2000xi32, #tpu.memory_space<vmem>> -> memref<2000xi32, #tpu.memory_space<vmem>>
    %dma_wait3A_201 = tpu.memref_slice %arg3[%mul3A_6] : memref<320000xi32, #tpu.memory_space<hbm>> -> memref<2000xi32, #tpu.memory_space<hbm>>
    tpu.wait_dma2 semaphore(%dma_wait3A_197 : memref<!tpu.dma_semaphore, #tpu.memory_space<semaphore_mem>>) src(%dma_wait3A_201 : memref<2000xi32, #tpu.memory_space<hbm>>) dst(%dma_wait3A_200 : memref<2000xi32, #tpu.memory_space<vmem>>)
    %mul3A_202 = arith.constant 5 : i32
    %mul3A_203 = arith.muli %add3A, %mul3A_202 : i32
    %dma_wait3A_204 = arith.constant 0 : i32
    %dma_wait3A_205 = arith.constant 0 : i32
    %dma_wait3A_206 = arith.constant 0 : i32
    %dma_wait3A_207 = arith.constant 0 : i32
    %dma_wait3A_208 = tpu.memref_slice %arg7[%dma_wait3A_204, %dma_wait3A_206, %dma_wait3A_207] : memref<2x2000x16xf32, #tpu.memory_space<vmem>> -> memref<1x2000x16xf32, #tpu.memory_space<vmem>>
    %dma_wait3A_209 = tpu.memref_squeeze %dma_wait3A_208 : memref<1x2000x16xf32, #tpu.memory_space<vmem>> -> memref<2000x16xf32, #tpu.memory_space<vmem>>
    %dma_wait3A_210 = arith.constant 0 : i32
    %dma_wait3A_211 = arith.constant 0 : i32
    %dma_wait3A_212 = tpu.memref_slice %arg2[%mul3A_203, %dma_wait3A_210, %dma_wait3A_211] : memref<160x2000x16xf32, #tpu.memory_space<hbm>> -> memref<1x2000x16xf32, #tpu.memory_space<hbm>>
    %dma_wait3A_213 = tpu.memref_squeeze %dma_wait3A_212 : memref<1x2000x16xf32, #tpu.memory_space<hbm>> -> memref<2000x16xf32, #tpu.memory_space<hbm>>
    %dma_wait3A_214 = tpu.memref_slice %arg9[%dma_wait3A_205] : memref<2x!tpu.dma_semaphore, #tpu.memory_space<semaphore_mem>> -> memref<1x!tpu.dma_semaphore, #tpu.memory_space<semaphore_mem>>
    %dma_wait3A_215 = tpu.memref_squeeze %dma_wait3A_214 : memref<1x!tpu.dma_semaphore, #tpu.memory_space<semaphore_mem>> -> memref<!tpu.dma_semaphore, #tpu.memory_space<semaphore_mem>>
    %dma_wait3A_216 = arith.constant 0 : i32
    %dma_wait3A_217 = arith.constant 0 : i32
    %dma_wait3A_218 = tpu.memref_slice %arg7[%dma_wait3A_204, %dma_wait3A_216, %dma_wait3A_217] : memref<2x2000x16xf32, #tpu.memory_space<vmem>> -> memref<1x2000x16xf32, #tpu.memory_space<vmem>>
    %dma_wait3A_219 = tpu.memref_squeeze %dma_wait3A_218 : memref<1x2000x16xf32, #tpu.memory_space<vmem>> -> memref<2000x16xf32, #tpu.memory_space<vmem>>
    %dma_wait3A_220 = arith.constant 0 : i32
    %dma_wait3A_221 = arith.constant 0 : i32
    %dma_wait3A_222 = tpu.memref_slice %arg2[%mul3A_203, %dma_wait3A_220, %dma_wait3A_221] : memref<160x2000x16xf32, #tpu.memory_space<hbm>> -> memref<1x2000x16xf32, #tpu.memory_space<hbm>>
    %dma_wait3A_223 = tpu.memref_squeeze %dma_wait3A_222 : memref<1x2000x16xf32, #tpu.memory_space<hbm>> -> memref<2000x16xf32, #tpu.memory_space<hbm>>
    tpu.wait_dma2 semaphore(%dma_wait3A_215 : memref<!tpu.dma_semaphore, #tpu.memory_space<semaphore_mem>>) src(%dma_wait3A_223 : memref<2000x16xf32, #tpu.memory_space<hbm>>) dst(%dma_wait3A_219 : memref<2000x16xf32, #tpu.memory_space<vmem>>)
    %add3A_224 = arith.constant 6000 : i32
    %add3A_225 = arith.addi %mul3A_6, %add3A_224 : i32
    %dma_start3A_226 = arith.constant 1 : i32
    %dma_start3A_227 = arith.constant 1 : i32
    %dma_start3A_228 = arith.constant 0 : i32
    %dma_start3A_229 = tpu.memref_slice %arg6[%dma_start3A_226, %dma_start3A_228] : memref<2x2000xi32, #tpu.memory_space<vmem>> -> memref<1x2000xi32, #tpu.memory_space<vmem>>
    %dma_start3A_230 = tpu.memref_squeeze %dma_start3A_229 : memref<1x2000xi32, #tpu.memory_space<vmem>> -> memref<2000xi32, #tpu.memory_space<vmem>>
    %dma_start3A_231 = tpu.memref_slice %arg3[%add3A_225] : memref<320000xi32, #tpu.memory_space<hbm>> -> memref<2000xi32, #tpu.memory_space<hbm>>
    %dma_start3A_232 = tpu.memref_slice %arg9[%dma_start3A_227] : memref<2x!tpu.dma_semaphore, #tpu.memory_space<semaphore_mem>> -> memref<1x!tpu.dma_semaphore, #tpu.memory_space<semaphore_mem>>
    %dma_start3A_233 = tpu.memref_squeeze %dma_start3A_232 : memref<1x!tpu.dma_semaphore, #tpu.memory_space<semaphore_mem>> -> memref<!tpu.dma_semaphore, #tpu.memory_space<semaphore_mem>>
    %dma_start3A_234 = arith.constant 0 : i32
    %dma_start3A_235 = tpu.memref_slice %arg6[%dma_start3A_226, %dma_start3A_234] : memref<2x2000xi32, #tpu.memory_space<vmem>> -> memref<1x2000xi32, #tpu.memory_space<vmem>>
    %dma_start3A_236 = tpu.memref_squeeze %dma_start3A_235 : memref<1x2000xi32, #tpu.memory_space<vmem>> -> memref<2000xi32, #tpu.memory_space<vmem>>
    %dma_start3A_237 = tpu.memref_slice %arg3[%add3A_225] : memref<320000xi32, #tpu.memory_space<hbm>> -> memref<2000xi32, #tpu.memory_space<hbm>>
    tpu.enqueue_dma source(%dma_start3A_237 : memref<2000xi32, #tpu.memory_space<hbm>>) target(%dma_start3A_236 : memref<2000xi32, #tpu.memory_space<vmem>>) target_semaphore(%dma_start3A_233 : memref<!tpu.dma_semaphore, #tpu.memory_space<semaphore_mem>>)
    %mul3A_238 = arith.constant 5 : i32
    %mul3A_239 = arith.muli %add3A, %mul3A_238 : i32
    %add3A_240 = arith.constant 3 : i32
    %add3A_241 = arith.addi %mul3A_239, %add3A_240 : i32
    %dma_start3A_242 = arith.constant 1 : i32
    %dma_start3A_243 = arith.constant 1 : i32
    %dma_start3A_244 = arith.constant 0 : i32
    %dma_start3A_245 = arith.constant 0 : i32
    %dma_start3A_246 = tpu.memref_slice %arg7[%dma_start3A_242, %dma_start3A_244, %dma_start3A_245] : memref<2x2000x16xf32, #tpu.memory_space<vmem>> -> memref<1x2000x16xf32, #tpu.memory_space<vmem>>
    %dma_start3A_247 = tpu.memref_squeeze %dma_start3A_246 : memref<1x2000x16xf32, #tpu.memory_space<vmem>> -> memref<2000x16xf32, #tpu.memory_space<vmem>>
    %dma_start3A_248 = arith.constant 0 : i32
    %dma_start3A_249 = arith.constant 0 : i32
    %dma_start3A_250 = tpu.memref_slice %arg2[%add3A_241, %dma_start3A_248, %dma_start3A_249] : memref<160x2000x16xf32, #tpu.memory_space<hbm>> -> memref<1x2000x16xf32, #tpu.memory_space<hbm>>
    %dma_start3A_251 = tpu.memref_squeeze %dma_start3A_250 : memref<1x2000x16xf32, #tpu.memory_space<hbm>> -> memref<2000x16xf32, #tpu.memory_space<hbm>>
    %dma_start3A_252 = tpu.memref_slice %arg9[%dma_start3A_243] : memref<2x!tpu.dma_semaphore, #tpu.memory_space<semaphore_mem>> -> memref<1x!tpu.dma_semaphore, #tpu.memory_space<semaphore_mem>>
    %dma_start3A_253 = tpu.memref_squeeze %dma_start3A_252 : memref<1x!tpu.dma_semaphore, #tpu.memory_space<semaphore_mem>> -> memref<!tpu.dma_semaphore, #tpu.memory_space<semaphore_mem>>
    %dma_start3A_254 = arith.constant 0 : i32
    %dma_start3A_255 = arith.constant 0 : i32
    %dma_start3A_256 = tpu.memref_slice %arg7[%dma_start3A_242, %dma_start3A_254, %dma_start3A_255] : memref<2x2000x16xf32, #tpu.memory_space<vmem>> -> memref<1x2000x16xf32, #tpu.memory_space<vmem>>
    %dma_start3A_257 = tpu.memref_squeeze %dma_start3A_256 : memref<1x2000x16xf32, #tpu.memory_space<vmem>> -> memref<2000x16xf32, #tpu.memory_space<vmem>>
    %dma_start3A_258 = arith.constant 0 : i32
    %dma_start3A_259 = arith.constant 0 : i32
    %dma_start3A_260 = tpu.memref_slice %arg2[%add3A_241, %dma_start3A_258, %dma_start3A_259] : memref<160x2000x16xf32, #tpu.memory_space<hbm>> -> memref<1x2000x16xf32, #tpu.memory_space<hbm>>
    %dma_start3A_261 = tpu.memref_squeeze %dma_start3A_260 : memref<1x2000x16xf32, #tpu.memory_space<hbm>> -> memref<2000x16xf32, #tpu.memory_space<hbm>>
    tpu.enqueue_dma source(%dma_start3A_261 : memref<2000x16xf32, #tpu.memory_space<hbm>>) target(%dma_start3A_257 : memref<2000x16xf32, #tpu.memory_space<vmem>>) target_semaphore(%dma_start3A_253 : memref<!tpu.dma_semaphore, #tpu.memory_space<semaphore_mem>>)
    %run_scoped3A_262 = arith.constant 0 : i32
    %run_scoped3A_263 = arith.constant 0 : i32
    "tpu.region"() ({
      %run_scoped3A_379 = tpu.sem_alloc : memref<!tpu.dma_semaphore, #tpu.memory_space<semaphore_mem>>
      %dma_start3A_380 = arith.constant 0 : i32
      %dma_start3A_381 = arith.constant 0 : i32
      %dma_start3A_382 = tpu.memref_slice %arg7[%run_scoped3A_262, %dma_start3A_380, %dma_start3A_381] : memref<2x2000x16xf32, #tpu.memory_space<vmem>> -> memref<1x2000x16xf32, #tpu.memory_space<vmem>>
      %dma_start3A_383 = tpu.memref_squeeze %dma_start3A_382 : memref<1x2000x16xf32, #tpu.memory_space<vmem>> -> memref<2000x16xf32, #tpu.memory_space<vmem>>
      %dma_start3A_384 = arith.constant 0 : i32
      %dma_start3A_385 = tpu.memref_slice %arg6[%run_scoped3A_263, %dma_start3A_384] : memref<2x2000xi32, #tpu.memory_space<vmem>> -> memref<1x2000xi32, #tpu.memory_space<vmem>>
      %dma_start3A_386 = tpu.memref_squeeze %dma_start3A_385 : memref<1x2000xi32, #tpu.memory_space<vmem>> -> memref<2000xi32, #tpu.memory_space<vmem>>
      %dma_start3A_387 = arith.constant 0 : i32
      %dma_start3A_388 = arith.constant 0 : i32
      %dma_start3A_389 = tpu.memref_slice %arg8[%dma_start3A_387, %dma_start3A_388] : memref<10000x16xf32, #tpu.memory_space<vmem_shared>> -> memref<10000x16xf32, #tpu.memory_space<vmem_shared>>
      tpu.enqueue_indirect_dma source(%dma_start3A_383 : memref<2000x16xf32, #tpu.memory_space<vmem>>) target(%dma_start3A_389 : memref<10000x16xf32, #tpu.memory_space<vmem_shared>>) offsets(%dma_start3A_386 : memref<2000xi32, #tpu.memory_space<vmem>>) semaphore(%run_scoped3A_379 : memref<!tpu.dma_semaphore, #tpu.memory_space<semaphore_mem>>) {add = true}
      %dma_wait3A_390 = arith.constant 0 : i32
      %dma_wait3A_391 = arith.constant 0 : i32
      %dma_wait3A_392 = tpu.memref_slice %arg7[%run_scoped3A_262, %dma_wait3A_390, %dma_wait3A_391] : memref<2x2000x16xf32, #tpu.memory_space<vmem>> -> memref<1x2000x16xf32, #tpu.memory_space<vmem>>
      %dma_wait3A_393 = tpu.memref_squeeze %dma_wait3A_392 : memref<1x2000x16xf32, #tpu.memory_space<vmem>> -> memref<2000x16xf32, #tpu.memory_space<vmem>>
      %dma_wait3A_394 = arith.constant 0 : i32
      %dma_wait3A_395 = tpu.memref_slice %arg6[%run_scoped3A_263, %dma_wait3A_394] : memref<2x2000xi32, #tpu.memory_space<vmem>> -> memref<1x2000xi32, #tpu.memory_space<vmem>>
      %dma_wait3A_396 = tpu.memref_squeeze %dma_wait3A_395 : memref<1x2000xi32, #tpu.memory_space<vmem>> -> memref<2000xi32, #tpu.memory_space<vmem>>
      %dma_wait3A_397 = arith.constant 0 : i32
      %dma_wait3A_398 = arith.constant 0 : i32
      %dma_wait3A_399 = tpu.memref_slice %arg8[%dma_wait3A_397, %dma_wait3A_398] : memref<10000x16xf32, #tpu.memory_space<vmem_shared>> -> memref<10000x16xf32, #tpu.memory_space<vmem_shared>>
      tpu.wait_indirect_dma semaphore(%run_scoped3A_379 : memref<!tpu.dma_semaphore, #tpu.memory_space<semaphore_mem>>) src(%dma_wait3A_393 : memref<2000x16xf32, #tpu.memory_space<vmem>>) dst(%dma_wait3A_399 : memref<10000x16xf32, #tpu.memory_space<vmem_shared>>)
      tpu.yield
    }) : () -> ()
    %dma_wait3A_264 = arith.constant 1 : i32
    %dma_wait3A_265 = arith.constant 1 : i32
    %dma_wait3A_266 = arith.constant 0 : i32
    %dma_wait3A_267 = tpu.memref_slice %arg6[%dma_wait3A_264, %dma_wait3A_266] : memref<2x2000xi32, #tpu.memory_space<vmem>> -> memref<1x2000xi32, #tpu.memory_space<vmem>>
    %dma_wait3A_268 = tpu.memref_squeeze %dma_wait3A_267 : memref<1x2000xi32, #tpu.memory_space<vmem>> -> memref<2000xi32, #tpu.memory_space<vmem>>
    %dma_wait3A_269 = tpu.memref_slice %arg3[%mul3A_6] : memref<320000xi32, #tpu.memory_space<hbm>> -> memref<2000xi32, #tpu.memory_space<hbm>>
    %dma_wait3A_270 = tpu.memref_slice %arg9[%dma_wait3A_265] : memref<2x!tpu.dma_semaphore, #tpu.memory_space<semaphore_mem>> -> memref<1x!tpu.dma_semaphore, #tpu.memory_space<semaphore_mem>>
    %dma_wait3A_271 = tpu.memref_squeeze %dma_wait3A_270 : memref<1x!tpu.dma_semaphore, #tpu.memory_space<semaphore_mem>> -> memref<!tpu.dma_semaphore, #tpu.memory_space<semaphore_mem>>
    %dma_wait3A_272 = arith.constant 0 : i32
    %dma_wait3A_273 = tpu.memref_slice %arg6[%dma_wait3A_264, %dma_wait3A_272] : memref<2x2000xi32, #tpu.memory_space<vmem>> -> memref<1x2000xi32, #tpu.memory_space<vmem>>
    %dma_wait3A_274 = tpu.memref_squeeze %dma_wait3A_273 : memref<1x2000xi32, #tpu.memory_space<vmem>> -> memref<2000xi32, #tpu.memory_space<vmem>>
    %dma_wait3A_275 = tpu.memref_slice %arg3[%mul3A_6] : memref<320000xi32, #tpu.memory_space<hbm>> -> memref<2000xi32, #tpu.memory_space<hbm>>
    tpu.wait_dma2 semaphore(%dma_wait3A_271 : memref<!tpu.dma_semaphore, #tpu.memory_space<semaphore_mem>>) src(%dma_wait3A_275 : memref<2000xi32, #tpu.memory_space<hbm>>) dst(%dma_wait3A_274 : memref<2000xi32, #tpu.memory_space<vmem>>)
    %mul3A_276 = arith.constant 5 : i32
    %mul3A_277 = arith.muli %add3A, %mul3A_276 : i32
    %dma_wait3A_278 = arith.constant 1 : i32
    %dma_wait3A_279 = arith.constant 1 : i32
    %dma_wait3A_280 = arith.constant 0 : i32
    %dma_wait3A_281 = arith.constant 0 : i32
    %dma_wait3A_282 = tpu.memref_slice %arg7[%dma_wait3A_278, %dma_wait3A_280, %dma_wait3A_281] : memref<2x2000x16xf32, #tpu.memory_space<vmem>> -> memref<1x2000x16xf32, #tpu.memory_space<vmem>>
    %dma_wait3A_283 = tpu.memref_squeeze %dma_wait3A_282 : memref<1x2000x16xf32, #tpu.memory_space<vmem>> -> memref<2000x16xf32, #tpu.memory_space<vmem>>
    %dma_wait3A_284 = arith.constant 0 : i32
    %dma_wait3A_285 = arith.constant 0 : i32
    %dma_wait3A_286 = tpu.memref_slice %arg2[%mul3A_277, %dma_wait3A_284, %dma_wait3A_285] : memref<160x2000x16xf32, #tpu.memory_space<hbm>> -> memref<1x2000x16xf32, #tpu.memory_space<hbm>>
    %dma_wait3A_287 = tpu.memref_squeeze %dma_wait3A_286 : memref<1x2000x16xf32, #tpu.memory_space<hbm>> -> memref<2000x16xf32, #tpu.memory_space<hbm>>
    %dma_wait3A_288 = tpu.memref_slice %arg9[%dma_wait3A_279] : memref<2x!tpu.dma_semaphore, #tpu.memory_space<semaphore_mem>> -> memref<1x!tpu.dma_semaphore, #tpu.memory_space<semaphore_mem>>
    %dma_wait3A_289 = tpu.memref_squeeze %dma_wait3A_288 : memref<1x!tpu.dma_semaphore, #tpu.memory_space<semaphore_mem>> -> memref<!tpu.dma_semaphore, #tpu.memory_space<semaphore_mem>>
    %dma_wait3A_290 = arith.constant 0 : i32
    %dma_wait3A_291 = arith.constant 0 : i32
    %dma_wait3A_292 = tpu.memref_slice %arg7[%dma_wait3A_278, %dma_wait3A_290, %dma_wait3A_291] : memref<2x2000x16xf32, #tpu.memory_space<vmem>> -> memref<1x2000x16xf32, #tpu.memory_space<vmem>>
    %dma_wait3A_293 = tpu.memref_squeeze %dma_wait3A_292 : memref<1x2000x16xf32, #tpu.memory_space<vmem>> -> memref<2000x16xf32, #tpu.memory_space<vmem>>
    %dma_wait3A_294 = arith.constant 0 : i32
    %dma_wait3A_295 = arith.constant 0 : i32
    %dma_wait3A_296 = tpu.memref_slice %arg2[%mul3A_277, %dma_wait3A_294, %dma_wait3A_295] : memref<160x2000x16xf32, #tpu.memory_space<hbm>> -> memref<1x2000x16xf32, #tpu.memory_space<hbm>>
    %dma_wait3A_297 = tpu.memref_squeeze %dma_wait3A_296 : memref<1x2000x16xf32, #tpu.memory_space<hbm>> -> memref<2000x16xf32, #tpu.memory_space<hbm>>
    tpu.wait_dma2 semaphore(%dma_wait3A_289 : memref<!tpu.dma_semaphore, #tpu.memory_space<semaphore_mem>>) src(%dma_wait3A_297 : memref<2000x16xf32, #tpu.memory_space<hbm>>) dst(%dma_wait3A_293 : memref<2000x16xf32, #tpu.memory_space<vmem>>)
    %add3A_298 = arith.constant 8000 : i32
    %add3A_299 = arith.addi %mul3A_6, %add3A_298 : i32
    %dma_start3A_300 = arith.constant 0 : i32
    %dma_start3A_301 = arith.constant 0 : i32
    %dma_start3A_302 = arith.constant 0 : i32
    %dma_start3A_303 = tpu.memref_slice %arg6[%dma_start3A_300, %dma_start3A_302] : memref<2x2000xi32, #tpu.memory_space<vmem>> -> memref<1x2000xi32, #tpu.memory_space<vmem>>
    %dma_start3A_304 = tpu.memref_squeeze %dma_start3A_303 : memref<1x2000xi32, #tpu.memory_space<vmem>> -> memref<2000xi32, #tpu.memory_space<vmem>>
    %dma_start3A_305 = tpu.memref_slice %arg3[%add3A_299] : memref<320000xi32, #tpu.memory_space<hbm>> -> memref<2000xi32, #tpu.memory_space<hbm>>
    %dma_start3A_306 = tpu.memref_slice %arg9[%dma_start3A_301] : memref<2x!tpu.dma_semaphore, #tpu.memory_space<semaphore_mem>> -> memref<1x!tpu.dma_semaphore, #tpu.memory_space<semaphore_mem>>
    %dma_start3A_307 = tpu.memref_squeeze %dma_start3A_306 : memref<1x!tpu.dma_semaphore, #tpu.memory_space<semaphore_mem>> -> memref<!tpu.dma_semaphore, #tpu.memory_space<semaphore_mem>>
    %dma_start3A_308 = arith.constant 0 : i32
    %dma_start3A_309 = tpu.memref_slice %arg6[%dma_start3A_300, %dma_start3A_308] : memref<2x2000xi32, #tpu.memory_space<vmem>> -> memref<1x2000xi32, #tpu.memory_space<vmem>>
    %dma_start3A_310 = tpu.memref_squeeze %dma_start3A_309 : memref<1x2000xi32, #tpu.memory_space<vmem>> -> memref<2000xi32, #tpu.memory_space<vmem>>
    %dma_start3A_311 = tpu.memref_slice %arg3[%add3A_299] : memref<320000xi32, #tpu.memory_space<hbm>> -> memref<2000xi32, #tpu.memory_space<hbm>>
    tpu.enqueue_dma source(%dma_start3A_311 : memref<2000xi32, #tpu.memory_space<hbm>>) target(%dma_start3A_310 : memref<2000xi32, #tpu.memory_space<vmem>>) target_semaphore(%dma_start3A_307 : memref<!tpu.dma_semaphore, #tpu.memory_space<semaphore_mem>>)
    %mul3A_312 = arith.constant 5 : i32
    %mul3A_313 = arith.muli %add3A, %mul3A_312 : i32
    %add3A_314 = arith.constant 4 : i32
    %add3A_315 = arith.addi %mul3A_313, %add3A_314 : i32
    %dma_start3A_316 = arith.constant 0 : i32
    %dma_start3A_317 = arith.constant 0 : i32
    %dma_start3A_318 = arith.constant 0 : i32
    %dma_start3A_319 = arith.constant 0 : i32
    %dma_start3A_320 = tpu.memref_slice %arg7[%dma_start3A_316, %dma_start3A_318, %dma_start3A_319] : memref<2x2000x16xf32, #tpu.memory_space<vmem>> -> memref<1x2000x16xf32, #tpu.memory_space<vmem>>
    %dma_start3A_321 = tpu.memref_squeeze %dma_start3A_320 : memref<1x2000x16xf32, #tpu.memory_space<vmem>> -> memref<2000x16xf32, #tpu.memory_space<vmem>>
    %dma_start3A_322 = arith.constant 0 : i32
    %dma_start3A_323 = arith.constant 0 : i32
    %dma_start3A_324 = tpu.memref_slice %arg2[%add3A_315, %dma_start3A_322, %dma_start3A_323] : memref<160x2000x16xf32, #tpu.memory_space<hbm>> -> memref<1x2000x16xf32, #tpu.memory_space<hbm>>
    %dma_start3A_325 = tpu.memref_squeeze %dma_start3A_324 : memref<1x2000x16xf32, #tpu.memory_space<hbm>> -> memref<2000x16xf32, #tpu.memory_space<hbm>>
    %dma_start3A_326 = tpu.memref_slice %arg9[%dma_start3A_317] : memref<2x!tpu.dma_semaphore, #tpu.memory_space<semaphore_mem>> -> memref<1x!tpu.dma_semaphore, #tpu.memory_space<semaphore_mem>>
    %dma_start3A_327 = tpu.memref_squeeze %dma_start3A_326 : memref<1x!tpu.dma_semaphore, #tpu.memory_space<semaphore_mem>> -> memref<!tpu.dma_semaphore, #tpu.memory_space<semaphore_mem>>
    %dma_start3A_328 = arith.constant 0 : i32
    %dma_start3A_329 = arith.constant 0 : i32
    %dma_start3A_330 = tpu.memref_slice %arg7[%dma_start3A_316, %dma_start3A_328, %dma_start3A_329] : memref<2x2000x16xf32, #tpu.memory_space<vmem>> -> memref<1x2000x16xf32, #tpu.memory_space<vmem>>
    %dma_start3A_331 = tpu.memref_squeeze %dma_start3A_330 : memref<1x2000x16xf32, #tpu.memory_space<vmem>> -> memref<2000x16xf32, #tpu.memory_space<vmem>>
    %dma_start3A_332 = arith.constant 0 : i32
    %dma_start3A_333 = arith.constant 0 : i32
    %dma_start3A_334 = tpu.memref_slice %arg2[%add3A_315, %dma_start3A_332, %dma_start3A_333] : memref<160x2000x16xf32, #tpu.memory_space<hbm>> -> memref<1x2000x16xf32, #tpu.memory_space<hbm>>
    %dma_start3A_335 = tpu.memref_squeeze %dma_start3A_334 : memref<1x2000x16xf32, #tpu.memory_space<hbm>> -> memref<2000x16xf32, #tpu.memory_space<hbm>>
    tpu.enqueue_dma source(%dma_start3A_335 : memref<2000x16xf32, #tpu.memory_space<hbm>>) target(%dma_start3A_331 : memref<2000x16xf32, #tpu.memory_space<vmem>>) target_semaphore(%dma_start3A_327 : memref<!tpu.dma_semaphore, #tpu.memory_space<semaphore_mem>>)
    %run_scoped3A_336 = arith.constant 1 : i32
    %run_scoped3A_337 = arith.constant 1 : i32
    "tpu.region"() ({
      %run_scoped3A_379 = tpu.sem_alloc : memref<!tpu.dma_semaphore, #tpu.memory_space<semaphore_mem>>
      %dma_start3A_380 = arith.constant 0 : i32
      %dma_start3A_381 = arith.constant 0 : i32
      %dma_start3A_382 = tpu.memref_slice %arg7[%run_scoped3A_336, %dma_start3A_380, %dma_start3A_381] : memref<2x2000x16xf32, #tpu.memory_space<vmem>> -> memref<1x2000x16xf32, #tpu.memory_space<vmem>>
      %dma_start3A_383 = tpu.memref_squeeze %dma_start3A_382 : memref<1x2000x16xf32, #tpu.memory_space<vmem>> -> memref<2000x16xf32, #tpu.memory_space<vmem>>
      %dma_start3A_384 = arith.constant 0 : i32
      %dma_start3A_385 = tpu.memref_slice %arg6[%run_scoped3A_337, %dma_start3A_384] : memref<2x2000xi32, #tpu.memory_space<vmem>> -> memref<1x2000xi32, #tpu.memory_space<vmem>>
      %dma_start3A_386 = tpu.memref_squeeze %dma_start3A_385 : memref<1x2000xi32, #tpu.memory_space<vmem>> -> memref<2000xi32, #tpu.memory_space<vmem>>
      %dma_start3A_387 = arith.constant 0 : i32
      %dma_start3A_388 = arith.constant 0 : i32
      %dma_start3A_389 = tpu.memref_slice %arg8[%dma_start3A_387, %dma_start3A_388] : memref<10000x16xf32, #tpu.memory_space<vmem_shared>> -> memref<10000x16xf32, #tpu.memory_space<vmem_shared>>
      tpu.enqueue_indirect_dma source(%dma_start3A_383 : memref<2000x16xf32, #tpu.memory_space<vmem>>) target(%dma_start3A_389 : memref<10000x16xf32, #tpu.memory_space<vmem_shared>>) offsets(%dma_start3A_386 : memref<2000xi32, #tpu.memory_space<vmem>>) semaphore(%run_scoped3A_379 : memref<!tpu.dma_semaphore, #tpu.memory_space<semaphore_mem>>) {add = true}
      %dma_wait3A_390 = arith.constant 0 : i32
      %dma_wait3A_391 = arith.constant 0 : i32
      %dma_wait3A_392 = tpu.memref_slice %arg7[%run_scoped3A_336, %dma_wait3A_390, %dma_wait3A_391] : memref<2x2000x16xf32, #tpu.memory_space<vmem>> -> memref<1x2000x16xf32, #tpu.memory_space<vmem>>
      %dma_wait3A_393 = tpu.memref_squeeze %dma_wait3A_392 : memref<1x2000x16xf32, #tpu.memory_space<vmem>> -> memref<2000x16xf32, #tpu.memory_space<vmem>>
      %dma_wait3A_394 = arith.constant 0 : i32
      %dma_wait3A_395 = tpu.memref_slice %arg6[%run_scoped3A_337, %dma_wait3A_394] : memref<2x2000xi32, #tpu.memory_space<vmem>> -> memref<1x2000xi32, #tpu.memory_space<vmem>>
      %dma_wait3A_396 = tpu.memref_squeeze %dma_wait3A_395 : memref<1x2000xi32, #tpu.memory_space<vmem>> -> memref<2000xi32, #tpu.memory_space<vmem>>
      %dma_wait3A_397 = arith.constant 0 : i32
      %dma_wait3A_398 = arith.constant 0 : i32
      %dma_wait3A_399 = tpu.memref_slice %arg8[%dma_wait3A_397, %dma_wait3A_398] : memref<10000x16xf32, #tpu.memory_space<vmem_shared>> -> memref<10000x16xf32, #tpu.memory_space<vmem_shared>>
      tpu.wait_indirect_dma semaphore(%run_scoped3A_379 : memref<!tpu.dma_semaphore, #tpu.memory_space<semaphore_mem>>) src(%dma_wait3A_393 : memref<2000x16xf32, #tpu.memory_space<vmem>>) dst(%dma_wait3A_399 : memref<10000x16xf32, #tpu.memory_space<vmem_shared>>)
      tpu.yield
    }) : () -> ()
    %dma_wait3A_338 = arith.constant 0 : i32
    %dma_wait3A_339 = arith.constant 0 : i32
    %dma_wait3A_340 = arith.constant 0 : i32
    %dma_wait3A_341 = tpu.memref_slice %arg6[%dma_wait3A_338, %dma_wait3A_340] : memref<2x2000xi32, #tpu.memory_space<vmem>> -> memref<1x2000xi32, #tpu.memory_space<vmem>>
    %dma_wait3A_342 = tpu.memref_squeeze %dma_wait3A_341 : memref<1x2000xi32, #tpu.memory_space<vmem>> -> memref<2000xi32, #tpu.memory_space<vmem>>
    %dma_wait3A_343 = tpu.memref_slice %arg3[%mul3A_6] : memref<320000xi32, #tpu.memory_space<hbm>> -> memref<2000xi32, #tpu.memory_space<hbm>>
    %dma_wait3A_344 = tpu.memref_slice %arg9[%dma_wait3A_339] : memref<2x!tpu.dma_semaphore, #tpu.memory_space<semaphore_mem>> -> memref<1x!tpu.dma_semaphore, #tpu.memory_space<semaphore_mem>>
    %dma_wait3A_345 = tpu.memref_squeeze %dma_wait3A_344 : memref<1x!tpu.dma_semaphore, #tpu.memory_space<semaphore_mem>> -> memref<!tpu.dma_semaphore, #tpu.memory_space<semaphore_mem>>
    %dma_wait3A_346 = arith.constant 0 : i32
    %dma_wait3A_347 = tpu.memref_slice %arg6[%dma_wait3A_338, %dma_wait3A_346] : memref<2x2000xi32, #tpu.memory_space<vmem>> -> memref<1x2000xi32, #tpu.memory_space<vmem>>
    %dma_wait3A_348 = tpu.memref_squeeze %dma_wait3A_347 : memref<1x2000xi32, #tpu.memory_space<vmem>> -> memref<2000xi32, #tpu.memory_space<vmem>>
    %dma_wait3A_349 = tpu.memref_slice %arg3[%mul3A_6] : memref<320000xi32, #tpu.memory_space<hbm>> -> memref<2000xi32, #tpu.memory_space<hbm>>
    tpu.wait_dma2 semaphore(%dma_wait3A_345 : memref<!tpu.dma_semaphore, #tpu.memory_space<semaphore_mem>>) src(%dma_wait3A_349 : memref<2000xi32, #tpu.memory_space<hbm>>) dst(%dma_wait3A_348 : memref<2000xi32, #tpu.memory_space<vmem>>)
    %mul3A_350 = arith.constant 5 : i32
    %mul3A_351 = arith.muli %add3A, %mul3A_350 : i32
    %dma_wait3A_352 = arith.constant 0 : i32
    %dma_wait3A_353 = arith.constant 0 : i32
    %dma_wait3A_354 = arith.constant 0 : i32
    %dma_wait3A_355 = arith.constant 0 : i32
    %dma_wait3A_356 = tpu.memref_slice %arg7[%dma_wait3A_352, %dma_wait3A_354, %dma_wait3A_355] : memref<2x2000x16xf32, #tpu.memory_space<vmem>> -> memref<1x2000x16xf32, #tpu.memory_space<vmem>>
    %dma_wait3A_357 = tpu.memref_squeeze %dma_wait3A_356 : memref<1x2000x16xf32, #tpu.memory_space<vmem>> -> memref<2000x16xf32, #tpu.memory_space<vmem>>
    %dma_wait3A_358 = arith.constant 0 : i32
    %dma_wait3A_359 = arith.constant 0 : i32
    %dma_wait3A_360 = tpu.memref_slice %arg2[%mul3A_351, %dma_wait3A_358, %dma_wait3A_359] : memref<160x2000x16xf32, #tpu.memory_space<hbm>> -> memref<1x2000x16xf32, #tpu.memory_space<hbm>>
    %dma_wait3A_361 = tpu.memref_squeeze %dma_wait3A_360 : memref<1x2000x16xf32, #tpu.memory_space<hbm>> -> memref<2000x16xf32, #tpu.memory_space<hbm>>
    %dma_wait3A_362 = tpu.memref_slice %arg9[%dma_wait3A_353] : memref<2x!tpu.dma_semaphore, #tpu.memory_space<semaphore_mem>> -> memref<1x!tpu.dma_semaphore, #tpu.memory_space<semaphore_mem>>
    %dma_wait3A_363 = tpu.memref_squeeze %dma_wait3A_362 : memref<1x!tpu.dma_semaphore, #tpu.memory_space<semaphore_mem>> -> memref<!tpu.dma_semaphore, #tpu.memory_space<semaphore_mem>>
    %dma_wait3A_364 = arith.constant 0 : i32
    %dma_wait3A_365 = arith.constant 0 : i32
    %dma_wait3A_366 = tpu.memref_slice %arg7[%dma_wait3A_352, %dma_wait3A_364, %dma_wait3A_365] : memref<2x2000x16xf32, #tpu.memory_space<vmem>> -> memref<1x2000x16xf32, #tpu.memory_space<vmem>>
    %dma_wait3A_367 = tpu.memref_squeeze %dma_wait3A_366 : memref<1x2000x16xf32, #tpu.memory_space<vmem>> -> memref<2000x16xf32, #tpu.memory_space<vmem>>
    %dma_wait3A_368 = arith.constant 0 : i32
    %dma_wait3A_369 = arith.constant 0 : i32
    %dma_wait3A_370 = tpu.memref_slice %arg2[%mul3A_351, %dma_wait3A_368, %dma_wait3A_369] : memref<160x2000x16xf32, #tpu.memory_space<hbm>> -> memref<1x2000x16xf32, #tpu.memory_space<hbm>>
    %dma_wait3A_371 = tpu.memref_squeeze %dma_wait3A_370 : memref<1x2000x16xf32, #tpu.memory_space<hbm>> -> memref<2000x16xf32, #tpu.memory_space<hbm>>
    tpu.wait_dma2 semaphore(%dma_wait3A_363 : memref<!tpu.dma_semaphore, #tpu.memory_space<semaphore_mem>>) src(%dma_wait3A_371 : memref<2000x16xf32, #tpu.memory_space<hbm>>) dst(%dma_wait3A_367 : memref<2000x16xf32, #tpu.memory_space<vmem>>)
    %run_scoped3A_372 = arith.constant 0 : i32
    %run_scoped3A_373 = arith.constant 0 : i32
    "tpu.region"() ({
      %run_scoped3A_379 = tpu.sem_alloc : memref<!tpu.dma_semaphore, #tpu.memory_space<semaphore_mem>>
      %dma_start3A_380 = arith.constant 0 : i32
      %dma_start3A_381 = arith.constant 0 : i32
      %dma_start3A_382 = tpu.memref_slice %arg7[%run_scoped3A_372, %dma_start3A_380, %dma_start3A_381] : memref<2x2000x16xf32, #tpu.memory_space<vmem>> -> memref<1x2000x16xf32, #tpu.memory_space<vmem>>
      %dma_start3A_383 = tpu.memref_squeeze %dma_start3A_382 : memref<1x2000x16xf32, #tpu.memory_space<vmem>> -> memref<2000x16xf32, #tpu.memory_space<vmem>>
      %dma_start3A_384 = arith.constant 0 : i32
      %dma_start3A_385 = tpu.memref_slice %arg6[%run_scoped3A_373, %dma_start3A_384] : memref<2x2000xi32, #tpu.memory_space<vmem>> -> memref<1x2000xi32, #tpu.memory_space<vmem>>
      %dma_start3A_386 = tpu.memref_squeeze %dma_start3A_385 : memref<1x2000xi32, #tpu.memory_space<vmem>> -> memref<2000xi32, #tpu.memory_space<vmem>>
      %dma_start3A_387 = arith.constant 0 : i32
      %dma_start3A_388 = arith.constant 0 : i32
      %dma_start3A_389 = tpu.memref_slice %arg8[%dma_start3A_387, %dma_start3A_388] : memref<10000x16xf32, #tpu.memory_space<vmem_shared>> -> memref<10000x16xf32, #tpu.memory_space<vmem_shared>>
      tpu.enqueue_indirect_dma source(%dma_start3A_383 : memref<2000x16xf32, #tpu.memory_space<vmem>>) target(%dma_start3A_389 : memref<10000x16xf32, #tpu.memory_space<vmem_shared>>) offsets(%dma_start3A_386 : memref<2000xi32, #tpu.memory_space<vmem>>) semaphore(%run_scoped3A_379 : memref<!tpu.dma_semaphore, #tpu.memory_space<semaphore_mem>>) {add = true}
      %dma_wait3A_390 = arith.constant 0 : i32
      %dma_wait3A_391 = arith.constant 0 : i32
      %dma_wait3A_392 = tpu.memref_slice %arg7[%run_scoped3A_372, %dma_wait3A_390, %dma_wait3A_391] : memref<2x2000x16xf32, #tpu.memory_space<vmem>> -> memref<1x2000x16xf32, #tpu.memory_space<vmem>>
      %dma_wait3A_393 = tpu.memref_squeeze %dma_wait3A_392 : memref<1x2000x16xf32, #tpu.memory_space<vmem>> -> memref<2000x16xf32, #tpu.memory_space<vmem>>
      %dma_wait3A_394 = arith.constant 0 : i32
      %dma_wait3A_395 = tpu.memref_slice %arg6[%run_scoped3A_373, %dma_wait3A_394] : memref<2x2000xi32, #tpu.memory_space<vmem>> -> memref<1x2000xi32, #tpu.memory_space<vmem>>
      %dma_wait3A_396 = tpu.memref_squeeze %dma_wait3A_395 : memref<1x2000xi32, #tpu.memory_space<vmem>> -> memref<2000xi32, #tpu.memory_space<vmem>>
      %dma_wait3A_397 = arith.constant 0 : i32
      %dma_wait3A_398 = arith.constant 0 : i32
      %dma_wait3A_399 = tpu.memref_slice %arg8[%dma_wait3A_397, %dma_wait3A_398] : memref<10000x16xf32, #tpu.memory_space<vmem_shared>> -> memref<10000x16xf32, #tpu.memory_space<vmem_shared>>
      tpu.wait_indirect_dma semaphore(%run_scoped3A_379 : memref<!tpu.dma_semaphore, #tpu.memory_space<semaphore_mem>>) src(%dma_wait3A_393 : memref<2000x16xf32, #tpu.memory_space<vmem>>) dst(%dma_wait3A_399 : memref<10000x16xf32, #tpu.memory_space<vmem_shared>>)
      tpu.yield
    }) : () -> ()
    %barrier3A_374 = arith.constant 0 : index
    tpu.barrier barrier_id(%barrier3A_374)
    %mul3A_375 = arith.constant 625 : i32
    %mul3A_376 = arith.muli %arg1, %mul3A_375 : i32
    %mul3A_377 = arith.constant 625 : i32
    %mul3A_378 = arith.muli %arg1, %mul3A_377 : i32
    "tpu.region"() ({
      %run_scoped3A_379 = tpu.sem_alloc : memref<!tpu.dma_semaphore, #tpu.memory_space<semaphore_mem>>
      %dma_start3A_380 = arith.constant 0 : i32
      %dma_start3A_381 = tpu.memref_slice %arg5[%arg0, %mul3A_378, %dma_start3A_380] : memref<2x10000x16xf32, #tpu.memory_space<hbm>> -> memref<1x625x16xf32, #tpu.memory_space<hbm>>
      %dma_start3A_382 = tpu.memref_squeeze %dma_start3A_381 : memref<1x625x16xf32, #tpu.memory_space<hbm>> -> memref<625x16xf32, #tpu.memory_space<hbm>>
      %dma_start3A_383 = arith.constant 0 : i32
      %dma_start3A_384 = tpu.memref_slice %arg8[%mul3A_376, %dma_start3A_383] : memref<10000x16xf32, #tpu.memory_space<vmem_shared>> -> memref<625x16xf32, #tpu.memory_space<vmem_shared>>
      tpu.enqueue_dma source(%dma_start3A_384 : memref<625x16xf32, #tpu.memory_space<vmem_shared>>) target(%dma_start3A_382 : memref<625x16xf32, #tpu.memory_space<hbm>>) target_semaphore(%run_scoped3A_379 : memref<!tpu.dma_semaphore, #tpu.memory_space<semaphore_mem>>)
      %dma_wait3A_385 = arith.constant 0 : i32
      %dma_wait3A_386 = tpu.memref_slice %arg5[%arg0, %mul3A_378, %dma_wait3A_385] : memref<2x10000x16xf32, #tpu.memory_space<hbm>> -> memref<1x625x16xf32, #tpu.memory_space<hbm>>
      %dma_wait3A_387 = tpu.memref_squeeze %dma_wait3A_386 : memref<1x625x16xf32, #tpu.memory_space<hbm>> -> memref<625x16xf32, #tpu.memory_space<hbm>>
      %dma_wait3A_388 = arith.constant 0 : i32
      %dma_wait3A_389 = tpu.memref_slice %arg8[%mul3A_376, %dma_wait3A_388] : memref<10000x16xf32, #tpu.memory_space<vmem_shared>> -> memref<625x16xf32, #tpu.memory_space<vmem_shared>>
      tpu.wait_dma2 semaphore(%run_scoped3A_379 : memref<!tpu.dma_semaphore, #tpu.memory_space<semaphore_mem>>) src(%dma_wait3A_389 : memref<625x16xf32, #tpu.memory_space<vmem_shared>>) dst(%dma_wait3A_387 : memref<625x16xf32, #tpu.memory_space<hbm>>)
      tpu.yield
    }) : () -> ()
    return
  }
}

#map = affine_map<(d0, d1) -> (0, 0)>
#map1 = affine_map<(d0, d1) -> (0)>
#map2 = affine_map<(d0, d1) -> (0, 0, 0)>
module attributes {stable_mosaic.version = 14 : i64} {
  func.func @_gather_body(%arg0: i32, %arg1: i32, %arg2: memref<10000x16xf32, #tpu.memory_space<hbm>>, %arg3: memref<320000xi32, #tpu.memory_space<hbm>>, %arg4: memref<160x2000x16xf32, #tpu.memory_space<hbm>>, %arg5: memref<10000xi32, #tpu.memory_space<vmem>>, %arg6: memref<2x2000x16xf32, #tpu.memory_space<vmem>>, %arg7: memref<!tpu.dma_semaphore, #tpu.memory_space<semaphore_mem>>, %arg8: memref<2x!tpu.dma_semaphore, #tpu.memory_space<semaphore_mem>>) attributes {dimension_semantics = [#tpu.dimension_semantics<core_parallel>, #tpu.dimension_semantics<subcore_parallel>], iteration_bounds = array<i64: 2, 16>, scalar_prefetch = 0 : i64, scratch_operands = 4 : i64, tpu.core_type = #tpu.core_type<sc_vector_subcore>, window_params = [{transform_indices = #map}, {transform_indices = #map1}, {transform_indices = #map2}]} {
    %mul3A = arith.constant 16 : i32
    %mul3A_0 = arith.muli %arg0, %mul3A : i32
    %add3A = arith.addi %mul3A_0, %arg1 : i32
    %mul3A_1 = arith.constant 10000 : i32
    %mul3A_2 = arith.muli %add3A, %mul3A_1 : i32
    "tpu.region"() ({
      %run_scoped3A = tpu.sem_alloc : memref<!tpu.dma_semaphore, #tpu.memory_space<semaphore_mem>>
      %dma_start3A_321 = tpu.memref_slice %arg3[%mul3A_2] : memref<320000xi32, #tpu.memory_space<hbm>> -> memref<10000xi32, #tpu.memory_space<hbm>>
      %dma_start3A_322 = tpu.memref_slice %arg3[%mul3A_2] : memref<320000xi32, #tpu.memory_space<hbm>> -> memref<10000xi32, #tpu.memory_space<hbm>>
      tpu.enqueue_dma source(%dma_start3A_322 : memref<10000xi32, #tpu.memory_space<hbm>>) target(%arg5 : memref<10000xi32, #tpu.memory_space<vmem>>) target_semaphore(%run_scoped3A : memref<!tpu.dma_semaphore, #tpu.memory_space<semaphore_mem>>)
      %dma_wait3A_323 = tpu.memref_slice %arg3[%mul3A_2] : memref<320000xi32, #tpu.memory_space<hbm>> -> memref<10000xi32, #tpu.memory_space<hbm>>
      %dma_wait3A_324 = tpu.memref_slice %arg3[%mul3A_2] : memref<320000xi32, #tpu.memory_space<hbm>> -> memref<10000xi32, #tpu.memory_space<hbm>>
      tpu.wait_dma2 semaphore(%run_scoped3A : memref<!tpu.dma_semaphore, #tpu.memory_space<semaphore_mem>>) src(%dma_wait3A_324 : memref<10000xi32, #tpu.memory_space<hbm>>) dst(%arg5 : memref<10000xi32, #tpu.memory_space<vmem>>)
      tpu.yield
    }) : () -> ()
    %dma_start3A = arith.constant 0 : i32
    %dma_start3A_3 = arith.constant 0 : i32
    %dma_start3A_4 = arith.constant 0 : i32
    %dma_start3A_5 = tpu.memref_slice %arg6[%dma_start3A, %dma_start3A_3, %dma_start3A_4] : memref<2x2000x16xf32, #tpu.memory_space<vmem>> -> memref<1x2000x16xf32, #tpu.memory_space<vmem>>
    %dma_start3A_6 = tpu.memref_squeeze %dma_start3A_5 : memref<1x2000x16xf32, #tpu.memory_space<vmem>> -> memref<2000x16xf32, #tpu.memory_space<vmem>>
    %dma_start3A_7 = arith.constant 0 : i32
    %dma_start3A_8 = tpu.memref_slice %arg5[%dma_start3A_7] : memref<10000xi32, #tpu.memory_space<vmem>> -> memref<2000xi32, #tpu.memory_space<vmem>>
    %dma_start3A_9 = arith.constant 0 : i32
    %dma_start3A_10 = arith.constant 0 : i32
    %dma_start3A_11 = tpu.memref_slice %arg2[%dma_start3A_9, %dma_start3A_10] : memref<10000x16xf32, #tpu.memory_space<hbm>> -> memref<10000x16xf32, #tpu.memory_space<hbm>>
    tpu.enqueue_indirect_dma source(%dma_start3A_11 : memref<10000x16xf32, #tpu.memory_space<hbm>>) target(%dma_start3A_6 : memref<2000x16xf32, #tpu.memory_space<vmem>>) offsets(%dma_start3A_8 : memref<2000xi32, #tpu.memory_space<vmem>>) semaphore(%arg7 : memref<!tpu.dma_semaphore, #tpu.memory_space<semaphore_mem>>)
    %dma_wait3A = arith.constant 0 : i32
    %dma_wait3A_12 = arith.constant 0 : i32
    %dma_wait3A_13 = arith.constant 0 : i32
    %dma_wait3A_14 = tpu.memref_slice %arg6[%dma_wait3A, %dma_wait3A_12, %dma_wait3A_13] : memref<2x2000x16xf32, #tpu.memory_space<vmem>> -> memref<1x2000x16xf32, #tpu.memory_space<vmem>>
    %dma_wait3A_15 = tpu.memref_squeeze %dma_wait3A_14 : memref<1x2000x16xf32, #tpu.memory_space<vmem>> -> memref<2000x16xf32, #tpu.memory_space<vmem>>
    %dma_wait3A_16 = arith.constant 0 : i32
    %dma_wait3A_17 = tpu.memref_slice %arg5[%dma_wait3A_16] : memref<10000xi32, #tpu.memory_space<vmem>> -> memref<2000xi32, #tpu.memory_space<vmem>>
    %dma_wait3A_18 = arith.constant 0 : i32
    %dma_wait3A_19 = arith.constant 0 : i32
    %dma_wait3A_20 = tpu.memref_slice %arg2[%dma_wait3A_18, %dma_wait3A_19] : memref<10000x16xf32, #tpu.memory_space<hbm>> -> memref<10000x16xf32, #tpu.memory_space<hbm>>
    tpu.wait_indirect_dma semaphore(%arg7 : memref<!tpu.dma_semaphore, #tpu.memory_space<semaphore_mem>>) src(%dma_wait3A_20 : memref<10000x16xf32, #tpu.memory_space<hbm>>) dst(%dma_wait3A_15 : memref<2000x16xf32, #tpu.memory_space<vmem>>)
    %mul3A_21 = arith.constant 5 : i32
    %mul3A_22 = arith.muli %add3A, %mul3A_21 : i32
    %add3A_23 = arith.constant 0 : i32
    %add3A_24 = arith.addi %mul3A_22, %add3A_23 : i32
    %dma_start3A_25 = arith.constant 0 : i32
    %dma_start3A_26 = arith.constant 0 : i32
    %dma_start3A_27 = arith.constant 0 : i32
    %dma_start3A_28 = arith.constant 0 : i32
    %dma_start3A_29 = tpu.memref_slice %arg6[%dma_start3A_25, %dma_start3A_27, %dma_start3A_28] : memref<2x2000x16xf32, #tpu.memory_space<vmem>> -> memref<1x2000x16xf32, #tpu.memory_space<vmem>>
    %dma_start3A_30 = tpu.memref_squeeze %dma_start3A_29 : memref<1x2000x16xf32, #tpu.memory_space<vmem>> -> memref<2000x16xf32, #tpu.memory_space<vmem>>
    %dma_start3A_31 = arith.constant 0 : i32
    %dma_start3A_32 = arith.constant 0 : i32
    %dma_start3A_33 = tpu.memref_slice %arg4[%add3A_24, %dma_start3A_31, %dma_start3A_32] : memref<160x2000x16xf32, #tpu.memory_space<hbm>> -> memref<1x2000x16xf32, #tpu.memory_space<hbm>>
    %dma_start3A_34 = tpu.memref_squeeze %dma_start3A_33 : memref<1x2000x16xf32, #tpu.memory_space<hbm>> -> memref<2000x16xf32, #tpu.memory_space<hbm>>
    %dma_start3A_35 = tpu.memref_slice %arg8[%dma_start3A_26] : memref<2x!tpu.dma_semaphore, #tpu.memory_space<semaphore_mem>> -> memref<1x!tpu.dma_semaphore, #tpu.memory_space<semaphore_mem>>
    %dma_start3A_36 = tpu.memref_squeeze %dma_start3A_35 : memref<1x!tpu.dma_semaphore, #tpu.memory_space<semaphore_mem>> -> memref<!tpu.dma_semaphore, #tpu.memory_space<semaphore_mem>>
    %dma_start3A_37 = arith.constant 0 : i32
    %dma_start3A_38 = arith.constant 0 : i32
    %dma_start3A_39 = tpu.memref_slice %arg4[%add3A_24, %dma_start3A_37, %dma_start3A_38] : memref<160x2000x16xf32, #tpu.memory_space<hbm>> -> memref<1x2000x16xf32, #tpu.memory_space<hbm>>
    %dma_start3A_40 = tpu.memref_squeeze %dma_start3A_39 : memref<1x2000x16xf32, #tpu.memory_space<hbm>> -> memref<2000x16xf32, #tpu.memory_space<hbm>>
    %dma_start3A_41 = arith.constant 0 : i32
    %dma_start3A_42 = arith.constant 0 : i32
    %dma_start3A_43 = tpu.memref_slice %arg6[%dma_start3A_25, %dma_start3A_41, %dma_start3A_42] : memref<2x2000x16xf32, #tpu.memory_space<vmem>> -> memref<1x2000x16xf32, #tpu.memory_space<vmem>>
    %dma_start3A_44 = tpu.memref_squeeze %dma_start3A_43 : memref<1x2000x16xf32, #tpu.memory_space<vmem>> -> memref<2000x16xf32, #tpu.memory_space<vmem>>
    tpu.enqueue_dma source(%dma_start3A_44 : memref<2000x16xf32, #tpu.memory_space<vmem>>) target(%dma_start3A_40 : memref<2000x16xf32, #tpu.memory_space<hbm>>) target_semaphore(%dma_start3A_36 : memref<!tpu.dma_semaphore, #tpu.memory_space<semaphore_mem>>)
    %dma_start3A_45 = arith.constant 1 : i32
    %dma_start3A_46 = arith.constant 0 : i32
    %dma_start3A_47 = arith.constant 0 : i32
    %dma_start3A_48 = tpu.memref_slice %arg6[%dma_start3A_45, %dma_start3A_46, %dma_start3A_47] : memref<2x2000x16xf32, #tpu.memory_space<vmem>> -> memref<1x2000x16xf32, #tpu.memory_space<vmem>>
    %dma_start3A_49 = tpu.memref_squeeze %dma_start3A_48 : memref<1x2000x16xf32, #tpu.memory_space<vmem>> -> memref<2000x16xf32, #tpu.memory_space<vmem>>
    %dma_start3A_50 = arith.constant 2000 : i32
    %dma_start3A_51 = tpu.memref_slice %arg5[%dma_start3A_50] : memref<10000xi32, #tpu.memory_space<vmem>> -> memref<2000xi32, #tpu.memory_space<vmem>>
    %dma_start3A_52 = arith.constant 0 : i32
    %dma_start3A_53 = arith.constant 0 : i32
    %dma_start3A_54 = tpu.memref_slice %arg2[%dma_start3A_52, %dma_start3A_53] : memref<10000x16xf32, #tpu.memory_space<hbm>> -> memref<10000x16xf32, #tpu.memory_space<hbm>>
    tpu.enqueue_indirect_dma source(%dma_start3A_54 : memref<10000x16xf32, #tpu.memory_space<hbm>>) target(%dma_start3A_49 : memref<2000x16xf32, #tpu.memory_space<vmem>>) offsets(%dma_start3A_51 : memref<2000xi32, #tpu.memory_space<vmem>>) semaphore(%arg7 : memref<!tpu.dma_semaphore, #tpu.memory_space<semaphore_mem>>)
    %dma_wait3A_55 = arith.constant 1 : i32
    %dma_wait3A_56 = arith.constant 0 : i32
    %dma_wait3A_57 = arith.constant 0 : i32
    %dma_wait3A_58 = tpu.memref_slice %arg6[%dma_wait3A_55, %dma_wait3A_56, %dma_wait3A_57] : memref<2x2000x16xf32, #tpu.memory_space<vmem>> -> memref<1x2000x16xf32, #tpu.memory_space<vmem>>
    %dma_wait3A_59 = tpu.memref_squeeze %dma_wait3A_58 : memref<1x2000x16xf32, #tpu.memory_space<vmem>> -> memref<2000x16xf32, #tpu.memory_space<vmem>>
    %dma_wait3A_60 = arith.constant 2000 : i32
    %dma_wait3A_61 = tpu.memref_slice %arg5[%dma_wait3A_60] : memref<10000xi32, #tpu.memory_space<vmem>> -> memref<2000xi32, #tpu.memory_space<vmem>>
    %dma_wait3A_62 = arith.constant 0 : i32
    %dma_wait3A_63 = arith.constant 0 : i32
    %dma_wait3A_64 = tpu.memref_slice %arg2[%dma_wait3A_62, %dma_wait3A_63] : memref<10000x16xf32, #tpu.memory_space<hbm>> -> memref<10000x16xf32, #tpu.memory_space<hbm>>
    tpu.wait_indirect_dma semaphore(%arg7 : memref<!tpu.dma_semaphore, #tpu.memory_space<semaphore_mem>>) src(%dma_wait3A_64 : memref<10000x16xf32, #tpu.memory_space<hbm>>) dst(%dma_wait3A_59 : memref<2000x16xf32, #tpu.memory_space<vmem>>)
    %mul3A_65 = arith.constant 5 : i32
    %mul3A_66 = arith.muli %add3A, %mul3A_65 : i32
    %add3A_67 = arith.constant 1 : i32
    %add3A_68 = arith.addi %mul3A_66, %add3A_67 : i32
    %dma_start3A_69 = arith.constant 1 : i32
    %dma_start3A_70 = arith.constant 1 : i32
    %dma_start3A_71 = arith.constant 0 : i32
    %dma_start3A_72 = arith.constant 0 : i32
    %dma_start3A_73 = tpu.memref_slice %arg6[%dma_start3A_69, %dma_start3A_71, %dma_start3A_72] : memref<2x2000x16xf32, #tpu.memory_space<vmem>> -> memref<1x2000x16xf32, #tpu.memory_space<vmem>>
    %dma_start3A_74 = tpu.memref_squeeze %dma_start3A_73 : memref<1x2000x16xf32, #tpu.memory_space<vmem>> -> memref<2000x16xf32, #tpu.memory_space<vmem>>
    %dma_start3A_75 = arith.constant 0 : i32
    %dma_start3A_76 = arith.constant 0 : i32
    %dma_start3A_77 = tpu.memref_slice %arg4[%add3A_68, %dma_start3A_75, %dma_start3A_76] : memref<160x2000x16xf32, #tpu.memory_space<hbm>> -> memref<1x2000x16xf32, #tpu.memory_space<hbm>>
    %dma_start3A_78 = tpu.memref_squeeze %dma_start3A_77 : memref<1x2000x16xf32, #tpu.memory_space<hbm>> -> memref<2000x16xf32, #tpu.memory_space<hbm>>
    %dma_start3A_79 = tpu.memref_slice %arg8[%dma_start3A_70] : memref<2x!tpu.dma_semaphore, #tpu.memory_space<semaphore_mem>> -> memref<1x!tpu.dma_semaphore, #tpu.memory_space<semaphore_mem>>
    %dma_start3A_80 = tpu.memref_squeeze %dma_start3A_79 : memref<1x!tpu.dma_semaphore, #tpu.memory_space<semaphore_mem>> -> memref<!tpu.dma_semaphore, #tpu.memory_space<semaphore_mem>>
    %dma_start3A_81 = arith.constant 0 : i32
    %dma_start3A_82 = arith.constant 0 : i32
    %dma_start3A_83 = tpu.memref_slice %arg4[%add3A_68, %dma_start3A_81, %dma_start3A_82] : memref<160x2000x16xf32, #tpu.memory_space<hbm>> -> memref<1x2000x16xf32, #tpu.memory_space<hbm>>
    %dma_start3A_84 = tpu.memref_squeeze %dma_start3A_83 : memref<1x2000x16xf32, #tpu.memory_space<hbm>> -> memref<2000x16xf32, #tpu.memory_space<hbm>>
    %dma_start3A_85 = arith.constant 0 : i32
    %dma_start3A_86 = arith.constant 0 : i32
    %dma_start3A_87 = tpu.memref_slice %arg6[%dma_start3A_69, %dma_start3A_85, %dma_start3A_86] : memref<2x2000x16xf32, #tpu.memory_space<vmem>> -> memref<1x2000x16xf32, #tpu.memory_space<vmem>>
    %dma_start3A_88 = tpu.memref_squeeze %dma_start3A_87 : memref<1x2000x16xf32, #tpu.memory_space<vmem>> -> memref<2000x16xf32, #tpu.memory_space<vmem>>
    tpu.enqueue_dma source(%dma_start3A_88 : memref<2000x16xf32, #tpu.memory_space<vmem>>) target(%dma_start3A_84 : memref<2000x16xf32, #tpu.memory_space<hbm>>) target_semaphore(%dma_start3A_80 : memref<!tpu.dma_semaphore, #tpu.memory_space<semaphore_mem>>)
    %dma_wait3A_89 = arith.constant 0 : i32
    %dma_wait3A_90 = arith.constant 0 : i32
    %dma_wait3A_91 = arith.constant 0 : i32
    %dma_wait3A_92 = arith.constant 0 : i32
    %dma_wait3A_93 = tpu.memref_slice %arg6[%dma_wait3A_89, %dma_wait3A_91, %dma_wait3A_92] : memref<2x2000x16xf32, #tpu.memory_space<vmem>> -> memref<1x2000x16xf32, #tpu.memory_space<vmem>>
    %dma_wait3A_94 = tpu.memref_squeeze %dma_wait3A_93 : memref<1x2000x16xf32, #tpu.memory_space<vmem>> -> memref<2000x16xf32, #tpu.memory_space<vmem>>
    %dma_wait3A_95 = arith.constant 0 : i32
    %dma_wait3A_96 = arith.constant 0 : i32
    %dma_wait3A_97 = tpu.memref_slice %arg4[%add3A_24, %dma_wait3A_95, %dma_wait3A_96] : memref<160x2000x16xf32, #tpu.memory_space<hbm>> -> memref<1x2000x16xf32, #tpu.memory_space<hbm>>
    %dma_wait3A_98 = tpu.memref_squeeze %dma_wait3A_97 : memref<1x2000x16xf32, #tpu.memory_space<hbm>> -> memref<2000x16xf32, #tpu.memory_space<hbm>>
    %dma_wait3A_99 = tpu.memref_slice %arg8[%dma_wait3A_90] : memref<2x!tpu.dma_semaphore, #tpu.memory_space<semaphore_mem>> -> memref<1x!tpu.dma_semaphore, #tpu.memory_space<semaphore_mem>>
    %dma_wait3A_100 = tpu.memref_squeeze %dma_wait3A_99 : memref<1x!tpu.dma_semaphore, #tpu.memory_space<semaphore_mem>> -> memref<!tpu.dma_semaphore, #tpu.memory_space<semaphore_mem>>
    %dma_wait3A_101 = arith.constant 0 : i32
    %dma_wait3A_102 = arith.constant 0 : i32
    %dma_wait3A_103 = tpu.memref_slice %arg4[%add3A_24, %dma_wait3A_101, %dma_wait3A_102] : memref<160x2000x16xf32, #tpu.memory_space<hbm>> -> memref<1x2000x16xf32, #tpu.memory_space<hbm>>
    %dma_wait3A_104 = tpu.memref_squeeze %dma_wait3A_103 : memref<1x2000x16xf32, #tpu.memory_space<hbm>> -> memref<2000x16xf32, #tpu.memory_space<hbm>>
    %dma_wait3A_105 = arith.constant 0 : i32
    %dma_wait3A_106 = arith.constant 0 : i32
    %dma_wait3A_107 = tpu.memref_slice %arg6[%dma_wait3A_89, %dma_wait3A_105, %dma_wait3A_106] : memref<2x2000x16xf32, #tpu.memory_space<vmem>> -> memref<1x2000x16xf32, #tpu.memory_space<vmem>>
    %dma_wait3A_108 = tpu.memref_squeeze %dma_wait3A_107 : memref<1x2000x16xf32, #tpu.memory_space<vmem>> -> memref<2000x16xf32, #tpu.memory_space<vmem>>
    tpu.wait_dma2 semaphore(%dma_wait3A_100 : memref<!tpu.dma_semaphore, #tpu.memory_space<semaphore_mem>>) src(%dma_wait3A_108 : memref<2000x16xf32, #tpu.memory_space<vmem>>) dst(%dma_wait3A_104 : memref<2000x16xf32, #tpu.memory_space<hbm>>)
    %dma_start3A_109 = arith.constant 0 : i32
    %dma_start3A_110 = arith.constant 0 : i32
    %dma_start3A_111 = arith.constant 0 : i32
    %dma_start3A_112 = tpu.memref_slice %arg6[%dma_start3A_109, %dma_start3A_110, %dma_start3A_111] : memref<2x2000x16xf32, #tpu.memory_space<vmem>> -> memref<1x2000x16xf32, #tpu.memory_space<vmem>>
    %dma_start3A_113 = tpu.memref_squeeze %dma_start3A_112 : memref<1x2000x16xf32, #tpu.memory_space<vmem>> -> memref<2000x16xf32, #tpu.memory_space<vmem>>
    %dma_start3A_114 = arith.constant 4000 : i32
    %dma_start3A_115 = tpu.memref_slice %arg5[%dma_start3A_114] : memref<10000xi32, #tpu.memory_space<vmem>> -> memref<2000xi32, #tpu.memory_space<vmem>>
    %dma_start3A_116 = arith.constant 0 : i32
    %dma_start3A_117 = arith.constant 0 : i32
    %dma_start3A_118 = tpu.memref_slice %arg2[%dma_start3A_116, %dma_start3A_117] : memref<10000x16xf32, #tpu.memory_space<hbm>> -> memref<10000x16xf32, #tpu.memory_space<hbm>>
    tpu.enqueue_indirect_dma source(%dma_start3A_118 : memref<10000x16xf32, #tpu.memory_space<hbm>>) target(%dma_start3A_113 : memref<2000x16xf32, #tpu.memory_space<vmem>>) offsets(%dma_start3A_115 : memref<2000xi32, #tpu.memory_space<vmem>>) semaphore(%arg7 : memref<!tpu.dma_semaphore, #tpu.memory_space<semaphore_mem>>)
    %dma_wait3A_119 = arith.constant 0 : i32
    %dma_wait3A_120 = arith.constant 0 : i32
    %dma_wait3A_121 = arith.constant 0 : i32
    %dma_wait3A_122 = tpu.memref_slice %arg6[%dma_wait3A_119, %dma_wait3A_120, %dma_wait3A_121] : memref<2x2000x16xf32, #tpu.memory_space<vmem>> -> memref<1x2000x16xf32, #tpu.memory_space<vmem>>
    %dma_wait3A_123 = tpu.memref_squeeze %dma_wait3A_122 : memref<1x2000x16xf32, #tpu.memory_space<vmem>> -> memref<2000x16xf32, #tpu.memory_space<vmem>>
    %dma_wait3A_124 = arith.constant 4000 : i32
    %dma_wait3A_125 = tpu.memref_slice %arg5[%dma_wait3A_124] : memref<10000xi32, #tpu.memory_space<vmem>> -> memref<2000xi32, #tpu.memory_space<vmem>>
    %dma_wait3A_126 = arith.constant 0 : i32
    %dma_wait3A_127 = arith.constant 0 : i32
    %dma_wait3A_128 = tpu.memref_slice %arg2[%dma_wait3A_126, %dma_wait3A_127] : memref<10000x16xf32, #tpu.memory_space<hbm>> -> memref<10000x16xf32, #tpu.memory_space<hbm>>
    tpu.wait_indirect_dma semaphore(%arg7 : memref<!tpu.dma_semaphore, #tpu.memory_space<semaphore_mem>>) src(%dma_wait3A_128 : memref<10000x16xf32, #tpu.memory_space<hbm>>) dst(%dma_wait3A_123 : memref<2000x16xf32, #tpu.memory_space<vmem>>)
    %mul3A_129 = arith.constant 5 : i32
    %mul3A_130 = arith.muli %add3A, %mul3A_129 : i32
    %add3A_131 = arith.constant 2 : i32
    %add3A_132 = arith.addi %mul3A_130, %add3A_131 : i32
    %dma_start3A_133 = arith.constant 0 : i32
    %dma_start3A_134 = arith.constant 0 : i32
    %dma_start3A_135 = arith.constant 0 : i32
    %dma_start3A_136 = arith.constant 0 : i32
    %dma_start3A_137 = tpu.memref_slice %arg6[%dma_start3A_133, %dma_start3A_135, %dma_start3A_136] : memref<2x2000x16xf32, #tpu.memory_space<vmem>> -> memref<1x2000x16xf32, #tpu.memory_space<vmem>>
    %dma_start3A_138 = tpu.memref_squeeze %dma_start3A_137 : memref<1x2000x16xf32, #tpu.memory_space<vmem>> -> memref<2000x16xf32, #tpu.memory_space<vmem>>
    %dma_start3A_139 = arith.constant 0 : i32
    %dma_start3A_140 = arith.constant 0 : i32
    %dma_start3A_141 = tpu.memref_slice %arg4[%add3A_132, %dma_start3A_139, %dma_start3A_140] : memref<160x2000x16xf32, #tpu.memory_space<hbm>> -> memref<1x2000x16xf32, #tpu.memory_space<hbm>>
    %dma_start3A_142 = tpu.memref_squeeze %dma_start3A_141 : memref<1x2000x16xf32, #tpu.memory_space<hbm>> -> memref<2000x16xf32, #tpu.memory_space<hbm>>
    %dma_start3A_143 = tpu.memref_slice %arg8[%dma_start3A_134] : memref<2x!tpu.dma_semaphore, #tpu.memory_space<semaphore_mem>> -> memref<1x!tpu.dma_semaphore, #tpu.memory_space<semaphore_mem>>
    %dma_start3A_144 = tpu.memref_squeeze %dma_start3A_143 : memref<1x!tpu.dma_semaphore, #tpu.memory_space<semaphore_mem>> -> memref<!tpu.dma_semaphore, #tpu.memory_space<semaphore_mem>>
    %dma_start3A_145 = arith.constant 0 : i32
    %dma_start3A_146 = arith.constant 0 : i32
    %dma_start3A_147 = tpu.memref_slice %arg4[%add3A_132, %dma_start3A_145, %dma_start3A_146] : memref<160x2000x16xf32, #tpu.memory_space<hbm>> -> memref<1x2000x16xf32, #tpu.memory_space<hbm>>
    %dma_start3A_148 = tpu.memref_squeeze %dma_start3A_147 : memref<1x2000x16xf32, #tpu.memory_space<hbm>> -> memref<2000x16xf32, #tpu.memory_space<hbm>>
    %dma_start3A_149 = arith.constant 0 : i32
    %dma_start3A_150 = arith.constant 0 : i32
    %dma_start3A_151 = tpu.memref_slice %arg6[%dma_start3A_133, %dma_start3A_149, %dma_start3A_150] : memref<2x2000x16xf32, #tpu.memory_space<vmem>> -> memref<1x2000x16xf32, #tpu.memory_space<vmem>>
    %dma_start3A_152 = tpu.memref_squeeze %dma_start3A_151 : memref<1x2000x16xf32, #tpu.memory_space<vmem>> -> memref<2000x16xf32, #tpu.memory_space<vmem>>
    tpu.enqueue_dma source(%dma_start3A_152 : memref<2000x16xf32, #tpu.memory_space<vmem>>) target(%dma_start3A_148 : memref<2000x16xf32, #tpu.memory_space<hbm>>) target_semaphore(%dma_start3A_144 : memref<!tpu.dma_semaphore, #tpu.memory_space<semaphore_mem>>)
    %dma_wait3A_153 = arith.constant 1 : i32
    %dma_wait3A_154 = arith.constant 1 : i32
    %dma_wait3A_155 = arith.constant 0 : i32
    %dma_wait3A_156 = arith.constant 0 : i32
    %dma_wait3A_157 = tpu.memref_slice %arg6[%dma_wait3A_153, %dma_wait3A_155, %dma_wait3A_156] : memref<2x2000x16xf32, #tpu.memory_space<vmem>> -> memref<1x2000x16xf32, #tpu.memory_space<vmem>>
    %dma_wait3A_158 = tpu.memref_squeeze %dma_wait3A_157 : memref<1x2000x16xf32, #tpu.memory_space<vmem>> -> memref<2000x16xf32, #tpu.memory_space<vmem>>
    %dma_wait3A_159 = arith.constant 0 : i32
    %dma_wait3A_160 = arith.constant 0 : i32
    %dma_wait3A_161 = tpu.memref_slice %arg4[%add3A_68, %dma_wait3A_159, %dma_wait3A_160] : memref<160x2000x16xf32, #tpu.memory_space<hbm>> -> memref<1x2000x16xf32, #tpu.memory_space<hbm>>
    %dma_wait3A_162 = tpu.memref_squeeze %dma_wait3A_161 : memref<1x2000x16xf32, #tpu.memory_space<hbm>> -> memref<2000x16xf32, #tpu.memory_space<hbm>>
    %dma_wait3A_163 = tpu.memref_slice %arg8[%dma_wait3A_154] : memref<2x!tpu.dma_semaphore, #tpu.memory_space<semaphore_mem>> -> memref<1x!tpu.dma_semaphore, #tpu.memory_space<semaphore_mem>>
    %dma_wait3A_164 = tpu.memref_squeeze %dma_wait3A_163 : memref<1x!tpu.dma_semaphore, #tpu.memory_space<semaphore_mem>> -> memref<!tpu.dma_semaphore, #tpu.memory_space<semaphore_mem>>
    %dma_wait3A_165 = arith.constant 0 : i32
    %dma_wait3A_166 = arith.constant 0 : i32
    %dma_wait3A_167 = tpu.memref_slice %arg4[%add3A_68, %dma_wait3A_165, %dma_wait3A_166] : memref<160x2000x16xf32, #tpu.memory_space<hbm>> -> memref<1x2000x16xf32, #tpu.memory_space<hbm>>
    %dma_wait3A_168 = tpu.memref_squeeze %dma_wait3A_167 : memref<1x2000x16xf32, #tpu.memory_space<hbm>> -> memref<2000x16xf32, #tpu.memory_space<hbm>>
    %dma_wait3A_169 = arith.constant 0 : i32
    %dma_wait3A_170 = arith.constant 0 : i32
    %dma_wait3A_171 = tpu.memref_slice %arg6[%dma_wait3A_153, %dma_wait3A_169, %dma_wait3A_170] : memref<2x2000x16xf32, #tpu.memory_space<vmem>> -> memref<1x2000x16xf32, #tpu.memory_space<vmem>>
    %dma_wait3A_172 = tpu.memref_squeeze %dma_wait3A_171 : memref<1x2000x16xf32, #tpu.memory_space<vmem>> -> memref<2000x16xf32, #tpu.memory_space<vmem>>
    tpu.wait_dma2 semaphore(%dma_wait3A_164 : memref<!tpu.dma_semaphore, #tpu.memory_space<semaphore_mem>>) src(%dma_wait3A_172 : memref<2000x16xf32, #tpu.memory_space<vmem>>) dst(%dma_wait3A_168 : memref<2000x16xf32, #tpu.memory_space<hbm>>)
    %dma_start3A_173 = arith.constant 1 : i32
    %dma_start3A_174 = arith.constant 0 : i32
    %dma_start3A_175 = arith.constant 0 : i32
    %dma_start3A_176 = tpu.memref_slice %arg6[%dma_start3A_173, %dma_start3A_174, %dma_start3A_175] : memref<2x2000x16xf32, #tpu.memory_space<vmem>> -> memref<1x2000x16xf32, #tpu.memory_space<vmem>>
    %dma_start3A_177 = tpu.memref_squeeze %dma_start3A_176 : memref<1x2000x16xf32, #tpu.memory_space<vmem>> -> memref<2000x16xf32, #tpu.memory_space<vmem>>
    %dma_start3A_178 = arith.constant 6000 : i32
    %dma_start3A_179 = tpu.memref_slice %arg5[%dma_start3A_178] : memref<10000xi32, #tpu.memory_space<vmem>> -> memref<2000xi32, #tpu.memory_space<vmem>>
    %dma_start3A_180 = arith.constant 0 : i32
    %dma_start3A_181 = arith.constant 0 : i32
    %dma_start3A_182 = tpu.memref_slice %arg2[%dma_start3A_180, %dma_start3A_181] : memref<10000x16xf32, #tpu.memory_space<hbm>> -> memref<10000x16xf32, #tpu.memory_space<hbm>>
    tpu.enqueue_indirect_dma source(%dma_start3A_182 : memref<10000x16xf32, #tpu.memory_space<hbm>>) target(%dma_start3A_177 : memref<2000x16xf32, #tpu.memory_space<vmem>>) offsets(%dma_start3A_179 : memref<2000xi32, #tpu.memory_space<vmem>>) semaphore(%arg7 : memref<!tpu.dma_semaphore, #tpu.memory_space<semaphore_mem>>)
    %dma_wait3A_183 = arith.constant 1 : i32
    %dma_wait3A_184 = arith.constant 0 : i32
    %dma_wait3A_185 = arith.constant 0 : i32
    %dma_wait3A_186 = tpu.memref_slice %arg6[%dma_wait3A_183, %dma_wait3A_184, %dma_wait3A_185] : memref<2x2000x16xf32, #tpu.memory_space<vmem>> -> memref<1x2000x16xf32, #tpu.memory_space<vmem>>
    %dma_wait3A_187 = tpu.memref_squeeze %dma_wait3A_186 : memref<1x2000x16xf32, #tpu.memory_space<vmem>> -> memref<2000x16xf32, #tpu.memory_space<vmem>>
    %dma_wait3A_188 = arith.constant 6000 : i32
    %dma_wait3A_189 = tpu.memref_slice %arg5[%dma_wait3A_188] : memref<10000xi32, #tpu.memory_space<vmem>> -> memref<2000xi32, #tpu.memory_space<vmem>>
    %dma_wait3A_190 = arith.constant 0 : i32
    %dma_wait3A_191 = arith.constant 0 : i32
    %dma_wait3A_192 = tpu.memref_slice %arg2[%dma_wait3A_190, %dma_wait3A_191] : memref<10000x16xf32, #tpu.memory_space<hbm>> -> memref<10000x16xf32, #tpu.memory_space<hbm>>
    tpu.wait_indirect_dma semaphore(%arg7 : memref<!tpu.dma_semaphore, #tpu.memory_space<semaphore_mem>>) src(%dma_wait3A_192 : memref<10000x16xf32, #tpu.memory_space<hbm>>) dst(%dma_wait3A_187 : memref<2000x16xf32, #tpu.memory_space<vmem>>)
    %mul3A_193 = arith.constant 5 : i32
    %mul3A_194 = arith.muli %add3A, %mul3A_193 : i32
    %add3A_195 = arith.constant 3 : i32
    %add3A_196 = arith.addi %mul3A_194, %add3A_195 : i32
    %dma_start3A_197 = arith.constant 1 : i32
    %dma_start3A_198 = arith.constant 1 : i32
    %dma_start3A_199 = arith.constant 0 : i32
    %dma_start3A_200 = arith.constant 0 : i32
    %dma_start3A_201 = tpu.memref_slice %arg6[%dma_start3A_197, %dma_start3A_199, %dma_start3A_200] : memref<2x2000x16xf32, #tpu.memory_space<vmem>> -> memref<1x2000x16xf32, #tpu.memory_space<vmem>>
    %dma_start3A_202 = tpu.memref_squeeze %dma_start3A_201 : memref<1x2000x16xf32, #tpu.memory_space<vmem>> -> memref<2000x16xf32, #tpu.memory_space<vmem>>
    %dma_start3A_203 = arith.constant 0 : i32
    %dma_start3A_204 = arith.constant 0 : i32
    %dma_start3A_205 = tpu.memref_slice %arg4[%add3A_196, %dma_start3A_203, %dma_start3A_204] : memref<160x2000x16xf32, #tpu.memory_space<hbm>> -> memref<1x2000x16xf32, #tpu.memory_space<hbm>>
    %dma_start3A_206 = tpu.memref_squeeze %dma_start3A_205 : memref<1x2000x16xf32, #tpu.memory_space<hbm>> -> memref<2000x16xf32, #tpu.memory_space<hbm>>
    %dma_start3A_207 = tpu.memref_slice %arg8[%dma_start3A_198] : memref<2x!tpu.dma_semaphore, #tpu.memory_space<semaphore_mem>> -> memref<1x!tpu.dma_semaphore, #tpu.memory_space<semaphore_mem>>
    %dma_start3A_208 = tpu.memref_squeeze %dma_start3A_207 : memref<1x!tpu.dma_semaphore, #tpu.memory_space<semaphore_mem>> -> memref<!tpu.dma_semaphore, #tpu.memory_space<semaphore_mem>>
    %dma_start3A_209 = arith.constant 0 : i32
    %dma_start3A_210 = arith.constant 0 : i32
    %dma_start3A_211 = tpu.memref_slice %arg4[%add3A_196, %dma_start3A_209, %dma_start3A_210] : memref<160x2000x16xf32, #tpu.memory_space<hbm>> -> memref<1x2000x16xf32, #tpu.memory_space<hbm>>
    %dma_start3A_212 = tpu.memref_squeeze %dma_start3A_211 : memref<1x2000x16xf32, #tpu.memory_space<hbm>> -> memref<2000x16xf32, #tpu.memory_space<hbm>>
    %dma_start3A_213 = arith.constant 0 : i32
    %dma_start3A_214 = arith.constant 0 : i32
    %dma_start3A_215 = tpu.memref_slice %arg6[%dma_start3A_197, %dma_start3A_213, %dma_start3A_214] : memref<2x2000x16xf32, #tpu.memory_space<vmem>> -> memref<1x2000x16xf32, #tpu.memory_space<vmem>>
    %dma_start3A_216 = tpu.memref_squeeze %dma_start3A_215 : memref<1x2000x16xf32, #tpu.memory_space<vmem>> -> memref<2000x16xf32, #tpu.memory_space<vmem>>
    tpu.enqueue_dma source(%dma_start3A_216 : memref<2000x16xf32, #tpu.memory_space<vmem>>) target(%dma_start3A_212 : memref<2000x16xf32, #tpu.memory_space<hbm>>) target_semaphore(%dma_start3A_208 : memref<!tpu.dma_semaphore, #tpu.memory_space<semaphore_mem>>)
    %dma_wait3A_217 = arith.constant 0 : i32
    %dma_wait3A_218 = arith.constant 0 : i32
    %dma_wait3A_219 = arith.constant 0 : i32
    %dma_wait3A_220 = arith.constant 0 : i32
    %dma_wait3A_221 = tpu.memref_slice %arg6[%dma_wait3A_217, %dma_wait3A_219, %dma_wait3A_220] : memref<2x2000x16xf32, #tpu.memory_space<vmem>> -> memref<1x2000x16xf32, #tpu.memory_space<vmem>>
    %dma_wait3A_222 = tpu.memref_squeeze %dma_wait3A_221 : memref<1x2000x16xf32, #tpu.memory_space<vmem>> -> memref<2000x16xf32, #tpu.memory_space<vmem>>
    %dma_wait3A_223 = arith.constant 0 : i32
    %dma_wait3A_224 = arith.constant 0 : i32
    %dma_wait3A_225 = tpu.memref_slice %arg4[%add3A_132, %dma_wait3A_223, %dma_wait3A_224] : memref<160x2000x16xf32, #tpu.memory_space<hbm>> -> memref<1x2000x16xf32, #tpu.memory_space<hbm>>
    %dma_wait3A_226 = tpu.memref_squeeze %dma_wait3A_225 : memref<1x2000x16xf32, #tpu.memory_space<hbm>> -> memref<2000x16xf32, #tpu.memory_space<hbm>>
    %dma_wait3A_227 = tpu.memref_slice %arg8[%dma_wait3A_218] : memref<2x!tpu.dma_semaphore, #tpu.memory_space<semaphore_mem>> -> memref<1x!tpu.dma_semaphore, #tpu.memory_space<semaphore_mem>>
    %dma_wait3A_228 = tpu.memref_squeeze %dma_wait3A_227 : memref<1x!tpu.dma_semaphore, #tpu.memory_space<semaphore_mem>> -> memref<!tpu.dma_semaphore, #tpu.memory_space<semaphore_mem>>
    %dma_wait3A_229 = arith.constant 0 : i32
    %dma_wait3A_230 = arith.constant 0 : i32
    %dma_wait3A_231 = tpu.memref_slice %arg4[%add3A_132, %dma_wait3A_229, %dma_wait3A_230] : memref<160x2000x16xf32, #tpu.memory_space<hbm>> -> memref<1x2000x16xf32, #tpu.memory_space<hbm>>
    %dma_wait3A_232 = tpu.memref_squeeze %dma_wait3A_231 : memref<1x2000x16xf32, #tpu.memory_space<hbm>> -> memref<2000x16xf32, #tpu.memory_space<hbm>>
    %dma_wait3A_233 = arith.constant 0 : i32
    %dma_wait3A_234 = arith.constant 0 : i32
    %dma_wait3A_235 = tpu.memref_slice %arg6[%dma_wait3A_217, %dma_wait3A_233, %dma_wait3A_234] : memref<2x2000x16xf32, #tpu.memory_space<vmem>> -> memref<1x2000x16xf32, #tpu.memory_space<vmem>>
    %dma_wait3A_236 = tpu.memref_squeeze %dma_wait3A_235 : memref<1x2000x16xf32, #tpu.memory_space<vmem>> -> memref<2000x16xf32, #tpu.memory_space<vmem>>
    tpu.wait_dma2 semaphore(%dma_wait3A_228 : memref<!tpu.dma_semaphore, #tpu.memory_space<semaphore_mem>>) src(%dma_wait3A_236 : memref<2000x16xf32, #tpu.memory_space<vmem>>) dst(%dma_wait3A_232 : memref<2000x16xf32, #tpu.memory_space<hbm>>)
    %dma_start3A_237 = arith.constant 0 : i32
    %dma_start3A_238 = arith.constant 0 : i32
    %dma_start3A_239 = arith.constant 0 : i32
    %dma_start3A_240 = tpu.memref_slice %arg6[%dma_start3A_237, %dma_start3A_238, %dma_start3A_239] : memref<2x2000x16xf32, #tpu.memory_space<vmem>> -> memref<1x2000x16xf32, #tpu.memory_space<vmem>>
    %dma_start3A_241 = tpu.memref_squeeze %dma_start3A_240 : memref<1x2000x16xf32, #tpu.memory_space<vmem>> -> memref<2000x16xf32, #tpu.memory_space<vmem>>
    %dma_start3A_242 = arith.constant 8000 : i32
    %dma_start3A_243 = tpu.memref_slice %arg5[%dma_start3A_242] : memref<10000xi32, #tpu.memory_space<vmem>> -> memref<2000xi32, #tpu.memory_space<vmem>>
    %dma_start3A_244 = arith.constant 0 : i32
    %dma_start3A_245 = arith.constant 0 : i32
    %dma_start3A_246 = tpu.memref_slice %arg2[%dma_start3A_244, %dma_start3A_245] : memref<10000x16xf32, #tpu.memory_space<hbm>> -> memref<10000x16xf32, #tpu.memory_space<hbm>>
    tpu.enqueue_indirect_dma source(%dma_start3A_246 : memref<10000x16xf32, #tpu.memory_space<hbm>>) target(%dma_start3A_241 : memref<2000x16xf32, #tpu.memory_space<vmem>>) offsets(%dma_start3A_243 : memref<2000xi32, #tpu.memory_space<vmem>>) semaphore(%arg7 : memref<!tpu.dma_semaphore, #tpu.memory_space<semaphore_mem>>)
    %dma_wait3A_247 = arith.constant 0 : i32
    %dma_wait3A_248 = arith.constant 0 : i32
    %dma_wait3A_249 = arith.constant 0 : i32
    %dma_wait3A_250 = tpu.memref_slice %arg6[%dma_wait3A_247, %dma_wait3A_248, %dma_wait3A_249] : memref<2x2000x16xf32, #tpu.memory_space<vmem>> -> memref<1x2000x16xf32, #tpu.memory_space<vmem>>
    %dma_wait3A_251 = tpu.memref_squeeze %dma_wait3A_250 : memref<1x2000x16xf32, #tpu.memory_space<vmem>> -> memref<2000x16xf32, #tpu.memory_space<vmem>>
    %dma_wait3A_252 = arith.constant 8000 : i32
    %dma_wait3A_253 = tpu.memref_slice %arg5[%dma_wait3A_252] : memref<10000xi32, #tpu.memory_space<vmem>> -> memref<2000xi32, #tpu.memory_space<vmem>>
    %dma_wait3A_254 = arith.constant 0 : i32
    %dma_wait3A_255 = arith.constant 0 : i32
    %dma_wait3A_256 = tpu.memref_slice %arg2[%dma_wait3A_254, %dma_wait3A_255] : memref<10000x16xf32, #tpu.memory_space<hbm>> -> memref<10000x16xf32, #tpu.memory_space<hbm>>
    tpu.wait_indirect_dma semaphore(%arg7 : memref<!tpu.dma_semaphore, #tpu.memory_space<semaphore_mem>>) src(%dma_wait3A_256 : memref<10000x16xf32, #tpu.memory_space<hbm>>) dst(%dma_wait3A_251 : memref<2000x16xf32, #tpu.memory_space<vmem>>)
    %mul3A_257 = arith.constant 5 : i32
    %mul3A_258 = arith.muli %add3A, %mul3A_257 : i32
    %add3A_259 = arith.constant 4 : i32
    %add3A_260 = arith.addi %mul3A_258, %add3A_259 : i32
    %dma_start3A_261 = arith.constant 0 : i32
    %dma_start3A_262 = arith.constant 0 : i32
    %dma_start3A_263 = arith.constant 0 : i32
    %dma_start3A_264 = arith.constant 0 : i32
    %dma_start3A_265 = tpu.memref_slice %arg6[%dma_start3A_261, %dma_start3A_263, %dma_start3A_264] : memref<2x2000x16xf32, #tpu.memory_space<vmem>> -> memref<1x2000x16xf32, #tpu.memory_space<vmem>>
    %dma_start3A_266 = tpu.memref_squeeze %dma_start3A_265 : memref<1x2000x16xf32, #tpu.memory_space<vmem>> -> memref<2000x16xf32, #tpu.memory_space<vmem>>
    %dma_start3A_267 = arith.constant 0 : i32
    %dma_start3A_268 = arith.constant 0 : i32
    %dma_start3A_269 = tpu.memref_slice %arg4[%add3A_260, %dma_start3A_267, %dma_start3A_268] : memref<160x2000x16xf32, #tpu.memory_space<hbm>> -> memref<1x2000x16xf32, #tpu.memory_space<hbm>>
    %dma_start3A_270 = tpu.memref_squeeze %dma_start3A_269 : memref<1x2000x16xf32, #tpu.memory_space<hbm>> -> memref<2000x16xf32, #tpu.memory_space<hbm>>
    %dma_start3A_271 = tpu.memref_slice %arg8[%dma_start3A_262] : memref<2x!tpu.dma_semaphore, #tpu.memory_space<semaphore_mem>> -> memref<1x!tpu.dma_semaphore, #tpu.memory_space<semaphore_mem>>
    %dma_start3A_272 = tpu.memref_squeeze %dma_start3A_271 : memref<1x!tpu.dma_semaphore, #tpu.memory_space<semaphore_mem>> -> memref<!tpu.dma_semaphore, #tpu.memory_space<semaphore_mem>>
    %dma_start3A_273 = arith.constant 0 : i32
    %dma_start3A_274 = arith.constant 0 : i32
    %dma_start3A_275 = tpu.memref_slice %arg4[%add3A_260, %dma_start3A_273, %dma_start3A_274] : memref<160x2000x16xf32, #tpu.memory_space<hbm>> -> memref<1x2000x16xf32, #tpu.memory_space<hbm>>
    %dma_start3A_276 = tpu.memref_squeeze %dma_start3A_275 : memref<1x2000x16xf32, #tpu.memory_space<hbm>> -> memref<2000x16xf32, #tpu.memory_space<hbm>>
    %dma_start3A_277 = arith.constant 0 : i32
    %dma_start3A_278 = arith.constant 0 : i32
    %dma_start3A_279 = tpu.memref_slice %arg6[%dma_start3A_261, %dma_start3A_277, %dma_start3A_278] : memref<2x2000x16xf32, #tpu.memory_space<vmem>> -> memref<1x2000x16xf32, #tpu.memory_space<vmem>>
    %dma_start3A_280 = tpu.memref_squeeze %dma_start3A_279 : memref<1x2000x16xf32, #tpu.memory_space<vmem>> -> memref<2000x16xf32, #tpu.memory_space<vmem>>
    tpu.enqueue_dma source(%dma_start3A_280 : memref<2000x16xf32, #tpu.memory_space<vmem>>) target(%dma_start3A_276 : memref<2000x16xf32, #tpu.memory_space<hbm>>) target_semaphore(%dma_start3A_272 : memref<!tpu.dma_semaphore, #tpu.memory_space<semaphore_mem>>)
    %dma_wait3A_281 = arith.constant 0 : i32
    %dma_wait3A_282 = arith.constant 0 : i32
    %dma_wait3A_283 = arith.constant 0 : i32
    %dma_wait3A_284 = arith.constant 0 : i32
    %dma_wait3A_285 = tpu.memref_slice %arg6[%dma_wait3A_281, %dma_wait3A_283, %dma_wait3A_284] : memref<2x2000x16xf32, #tpu.memory_space<vmem>> -> memref<1x2000x16xf32, #tpu.memory_space<vmem>>
    %dma_wait3A_286 = tpu.memref_squeeze %dma_wait3A_285 : memref<1x2000x16xf32, #tpu.memory_space<vmem>> -> memref<2000x16xf32, #tpu.memory_space<vmem>>
    %dma_wait3A_287 = arith.constant 0 : i32
    %dma_wait3A_288 = arith.constant 0 : i32
    %dma_wait3A_289 = tpu.memref_slice %arg4[%add3A_260, %dma_wait3A_287, %dma_wait3A_288] : memref<160x2000x16xf32, #tpu.memory_space<hbm>> -> memref<1x2000x16xf32, #tpu.memory_space<hbm>>
    %dma_wait3A_290 = tpu.memref_squeeze %dma_wait3A_289 : memref<1x2000x16xf32, #tpu.memory_space<hbm>> -> memref<2000x16xf32, #tpu.memory_space<hbm>>
    %dma_wait3A_291 = tpu.memref_slice %arg8[%dma_wait3A_282] : memref<2x!tpu.dma_semaphore, #tpu.memory_space<semaphore_mem>> -> memref<1x!tpu.dma_semaphore, #tpu.memory_space<semaphore_mem>>
    %dma_wait3A_292 = tpu.memref_squeeze %dma_wait3A_291 : memref<1x!tpu.dma_semaphore, #tpu.memory_space<semaphore_mem>> -> memref<!tpu.dma_semaphore, #tpu.memory_space<semaphore_mem>>
    %dma_wait3A_293 = arith.constant 0 : i32
    %dma_wait3A_294 = arith.constant 0 : i32
    %dma_wait3A_295 = tpu.memref_slice %arg4[%add3A_260, %dma_wait3A_293, %dma_wait3A_294] : memref<160x2000x16xf32, #tpu.memory_space<hbm>> -> memref<1x2000x16xf32, #tpu.memory_space<hbm>>
    %dma_wait3A_296 = tpu.memref_squeeze %dma_wait3A_295 : memref<1x2000x16xf32, #tpu.memory_space<hbm>> -> memref<2000x16xf32, #tpu.memory_space<hbm>>
    %dma_wait3A_297 = arith.constant 0 : i32
    %dma_wait3A_298 = arith.constant 0 : i32
    %dma_wait3A_299 = tpu.memref_slice %arg6[%dma_wait3A_281, %dma_wait3A_297, %dma_wait3A_298] : memref<2x2000x16xf32, #tpu.memory_space<vmem>> -> memref<1x2000x16xf32, #tpu.memory_space<vmem>>
    %dma_wait3A_300 = tpu.memref_squeeze %dma_wait3A_299 : memref<1x2000x16xf32, #tpu.memory_space<vmem>> -> memref<2000x16xf32, #tpu.memory_space<vmem>>
    tpu.wait_dma2 semaphore(%dma_wait3A_292 : memref<!tpu.dma_semaphore, #tpu.memory_space<semaphore_mem>>) src(%dma_wait3A_300 : memref<2000x16xf32, #tpu.memory_space<vmem>>) dst(%dma_wait3A_296 : memref<2000x16xf32, #tpu.memory_space<hbm>>)
    %dma_wait3A_301 = arith.constant 1 : i32
    %dma_wait3A_302 = arith.constant 1 : i32
    %dma_wait3A_303 = arith.constant 0 : i32
    %dma_wait3A_304 = arith.constant 0 : i32
    %dma_wait3A_305 = tpu.memref_slice %arg6[%dma_wait3A_301, %dma_wait3A_303, %dma_wait3A_304] : memref<2x2000x16xf32, #tpu.memory_space<vmem>> -> memref<1x2000x16xf32, #tpu.memory_space<vmem>>
    %dma_wait3A_306 = tpu.memref_squeeze %dma_wait3A_305 : memref<1x2000x16xf32, #tpu.memory_space<vmem>> -> memref<2000x16xf32, #tpu.memory_space<vmem>>
    %dma_wait3A_307 = arith.constant 0 : i32
    %dma_wait3A_308 = arith.constant 0 : i32
    %dma_wait3A_309 = tpu.memref_slice %arg4[%add3A_196, %dma_wait3A_307, %dma_wait3A_308] : memref<160x2000x16xf32, #tpu.memory_space<hbm>> -> memref<1x2000x16xf32, #tpu.memory_space<hbm>>
    %dma_wait3A_310 = tpu.memref_squeeze %dma_wait3A_309 : memref<1x2000x16xf32, #tpu.memory_space<hbm>> -> memref<2000x16xf32, #tpu.memory_space<hbm>>
    %dma_wait3A_311 = tpu.memref_slice %arg8[%dma_wait3A_302] : memref<2x!tpu.dma_semaphore, #tpu.memory_space<semaphore_mem>> -> memref<1x!tpu.dma_semaphore, #tpu.memory_space<semaphore_mem>>
    %dma_wait3A_312 = tpu.memref_squeeze %dma_wait3A_311 : memref<1x!tpu.dma_semaphore, #tpu.memory_space<semaphore_mem>> -> memref<!tpu.dma_semaphore, #tpu.memory_space<semaphore_mem>>
    %dma_wait3A_313 = arith.constant 0 : i32
    %dma_wait3A_314 = arith.constant 0 : i32
    %dma_wait3A_315 = tpu.memref_slice %arg4[%add3A_196, %dma_wait3A_313, %dma_wait3A_314] : memref<160x2000x16xf32, #tpu.memory_space<hbm>> -> memref<1x2000x16xf32, #tpu.memory_space<hbm>>
    %dma_wait3A_316 = tpu.memref_squeeze %dma_wait3A_315 : memref<1x2000x16xf32, #tpu.memory_space<hbm>> -> memref<2000x16xf32, #tpu.memory_space<hbm>>
    %dma_wait3A_317 = arith.constant 0 : i32
    %dma_wait3A_318 = arith.constant 0 : i32
    %dma_wait3A_319 = tpu.memref_slice %arg6[%dma_wait3A_301, %dma_wait3A_317, %dma_wait3A_318] : memref<2x2000x16xf32, #tpu.memory_space<vmem>> -> memref<1x2000x16xf32, #tpu.memory_space<vmem>>
    %dma_wait3A_320 = tpu.memref_squeeze %dma_wait3A_319 : memref<1x2000x16xf32, #tpu.memory_space<vmem>> -> memref<2000x16xf32, #tpu.memory_space<vmem>>
    tpu.wait_dma2 semaphore(%dma_wait3A_312 : memref<!tpu.dma_semaphore, #tpu.memory_space<semaphore_mem>>) src(%dma_wait3A_320 : memref<2000x16xf32, #tpu.memory_space<vmem>>) dst(%dma_wait3A_316 : memref<2000x16xf32, #tpu.memory_space<hbm>>)
    return
  }
}

#map = affine_map<(d0, d1) -> (0, 0)>
#map1 = affine_map<(d0, d1) -> (0)>
#map2 = affine_map<(d0, d1) -> (0, 0, 0)>
module attributes {stable_mosaic.version = 14 : i64} {
  func.func @_gather_body(%arg0: i32, %arg1: i32, %arg2: memref<10000x16xf32, #tpu.memory_space<hbm>>, %arg3: memref<320000xi32, #tpu.memory_space<hbm>>, %arg4: memref<160x2000x16xf32, #tpu.memory_space<hbm>>, %arg5: memref<10000xi32, #tpu.memory_space<vmem>>, %arg6: memref<2x2000x16xf32, #tpu.memory_space<vmem>>, %arg7: memref<!tpu.dma_semaphore, #tpu.memory_space<semaphore_mem>>, %arg8: memref<2x!tpu.dma_semaphore, #tpu.memory_space<semaphore_mem>>) attributes {dimension_semantics = [#tpu.dimension_semantics<core_parallel>, #tpu.dimension_semantics<subcore_parallel>], iteration_bounds = array<i64: 2, 16>, scalar_prefetch = 0 : i64, scratch_operands = 4 : i64, tpu.core_type = #tpu.core_type<sc_vector_subcore>, window_params = [{transform_indices = #map}, {transform_indices = #map1}, {transform_indices = #map2}]} {
    %mul3A = arith.constant 16 : i32
    %mul3A_0 = arith.muli %arg0, %mul3A : i32
    %add3A = arith.addi %mul3A_0, %arg1 : i32
    %mul3A_1 = arith.constant 10000 : i32
    %mul3A_2 = arith.muli %add3A, %mul3A_1 : i32
    "tpu.region"() ({
      %run_scoped3A = tpu.sem_alloc : memref<!tpu.dma_semaphore, #tpu.memory_space<semaphore_mem>>
      %dma_start3A_321 = tpu.memref_slice %arg3[%mul3A_2] : memref<320000xi32, #tpu.memory_space<hbm>> -> memref<10000xi32, #tpu.memory_space<hbm>>
      %dma_start3A_322 = tpu.memref_slice %arg3[%mul3A_2] : memref<320000xi32, #tpu.memory_space<hbm>> -> memref<10000xi32, #tpu.memory_space<hbm>>
      tpu.enqueue_dma source(%dma_start3A_322 : memref<10000xi32, #tpu.memory_space<hbm>>) target(%arg5 : memref<10000xi32, #tpu.memory_space<vmem>>) target_semaphore(%run_scoped3A : memref<!tpu.dma_semaphore, #tpu.memory_space<semaphore_mem>>)
      %dma_wait3A_323 = tpu.memref_slice %arg3[%mul3A_2] : memref<320000xi32, #tpu.memory_space<hbm>> -> memref<10000xi32, #tpu.memory_space<hbm>>
      %dma_wait3A_324 = tpu.memref_slice %arg3[%mul3A_2] : memref<320000xi32, #tpu.memory_space<hbm>> -> memref<10000xi32, #tpu.memory_space<hbm>>
      tpu.wait_dma2 semaphore(%run_scoped3A : memref<!tpu.dma_semaphore, #tpu.memory_space<semaphore_mem>>) src(%dma_wait3A_324 : memref<10000xi32, #tpu.memory_space<hbm>>) dst(%arg5 : memref<10000xi32, #tpu.memory_space<vmem>>)
      tpu.yield
    }) : () -> ()
    %dma_start3A = arith.constant 0 : i32
    %dma_start3A_3 = arith.constant 0 : i32
    %dma_start3A_4 = arith.constant 0 : i32
    %dma_start3A_5 = tpu.memref_slice %arg6[%dma_start3A, %dma_start3A_3, %dma_start3A_4] : memref<2x2000x16xf32, #tpu.memory_space<vmem>> -> memref<1x2000x16xf32, #tpu.memory_space<vmem>>
    %dma_start3A_6 = tpu.memref_squeeze %dma_start3A_5 : memref<1x2000x16xf32, #tpu.memory_space<vmem>> -> memref<2000x16xf32, #tpu.memory_space<vmem>>
    %dma_start3A_7 = arith.constant 0 : i32
    %dma_start3A_8 = tpu.memref_slice %arg5[%dma_start3A_7] : memref<10000xi32, #tpu.memory_space<vmem>> -> memref<2000xi32, #tpu.memory_space<vmem>>
    %dma_start3A_9 = arith.constant 0 : i32
    %dma_start3A_10 = arith.constant 0 : i32
    %dma_start3A_11 = tpu.memref_slice %arg2[%dma_start3A_9, %dma_start3A_10] : memref<10000x16xf32, #tpu.memory_space<hbm>> -> memref<10000x16xf32, #tpu.memory_space<hbm>>
    tpu.enqueue_indirect_dma source(%dma_start3A_11 : memref<10000x16xf32, #tpu.memory_space<hbm>>) target(%dma_start3A_6 : memref<2000x16xf32, #tpu.memory_space<vmem>>) offsets(%dma_start3A_8 : memref<2000xi32, #tpu.memory_space<vmem>>) semaphore(%arg7 : memref<!tpu.dma_semaphore, #tpu.memory_space<semaphore_mem>>)
    %dma_wait3A = arith.constant 0 : i32
    %dma_wait3A_12 = arith.constant 0 : i32
    %dma_wait3A_13 = arith.constant 0 : i32
    %dma_wait3A_14 = tpu.memref_slice %arg6[%dma_wait3A, %dma_wait3A_12, %dma_wait3A_13] : memref<2x2000x16xf32, #tpu.memory_space<vmem>> -> memref<1x2000x16xf32, #tpu.memory_space<vmem>>
    %dma_wait3A_15 = tpu.memref_squeeze %dma_wait3A_14 : memref<1x2000x16xf32, #tpu.memory_space<vmem>> -> memref<2000x16xf32, #tpu.memory_space<vmem>>
    %dma_wait3A_16 = arith.constant 0 : i32
    %dma_wait3A_17 = tpu.memref_slice %arg5[%dma_wait3A_16] : memref<10000xi32, #tpu.memory_space<vmem>> -> memref<2000xi32, #tpu.memory_space<vmem>>
    %dma_wait3A_18 = arith.constant 0 : i32
    %dma_wait3A_19 = arith.constant 0 : i32
    %dma_wait3A_20 = tpu.memref_slice %arg2[%dma_wait3A_18, %dma_wait3A_19] : memref<10000x16xf32, #tpu.memory_space<hbm>> -> memref<10000x16xf32, #tpu.memory_space<hbm>>
    tpu.wait_indirect_dma semaphore(%arg7 : memref<!tpu.dma_semaphore, #tpu.memory_space<semaphore_mem>>) src(%dma_wait3A_20 : memref<10000x16xf32, #tpu.memory_space<hbm>>) dst(%dma_wait3A_15 : memref<2000x16xf32, #tpu.memory_space<vmem>>)
    %mul3A_21 = arith.constant 5 : i32
    %mul3A_22 = arith.muli %add3A, %mul3A_21 : i32
    %add3A_23 = arith.constant 0 : i32
    %add3A_24 = arith.addi %mul3A_22, %add3A_23 : i32
    %dma_start3A_25 = arith.constant 0 : i32
    %dma_start3A_26 = arith.constant 0 : i32
    %dma_start3A_27 = arith.constant 0 : i32
    %dma_start3A_28 = arith.constant 0 : i32
    %dma_start3A_29 = tpu.memref_slice %arg6[%dma_start3A_25, %dma_start3A_27, %dma_start3A_28] : memref<2x2000x16xf32, #tpu.memory_space<vmem>> -> memref<1x2000x16xf32, #tpu.memory_space<vmem>>
    %dma_start3A_30 = tpu.memref_squeeze %dma_start3A_29 : memref<1x2000x16xf32, #tpu.memory_space<vmem>> -> memref<2000x16xf32, #tpu.memory_space<vmem>>
    %dma_start3A_31 = arith.constant 0 : i32
    %dma_start3A_32 = arith.constant 0 : i32
    %dma_start3A_33 = tpu.memref_slice %arg4[%add3A_24, %dma_start3A_31, %dma_start3A_32] : memref<160x2000x16xf32, #tpu.memory_space<hbm>> -> memref<1x2000x16xf32, #tpu.memory_space<hbm>>
    %dma_start3A_34 = tpu.memref_squeeze %dma_start3A_33 : memref<1x2000x16xf32, #tpu.memory_space<hbm>> -> memref<2000x16xf32, #tpu.memory_space<hbm>>
    %dma_start3A_35 = tpu.memref_slice %arg8[%dma_start3A_26] : memref<2x!tpu.dma_semaphore, #tpu.memory_space<semaphore_mem>> -> memref<1x!tpu.dma_semaphore, #tpu.memory_space<semaphore_mem>>
    %dma_start3A_36 = tpu.memref_squeeze %dma_start3A_35 : memref<1x!tpu.dma_semaphore, #tpu.memory_space<semaphore_mem>> -> memref<!tpu.dma_semaphore, #tpu.memory_space<semaphore_mem>>
    %dma_start3A_37 = arith.constant 0 : i32
    %dma_start3A_38 = arith.constant 0 : i32
    %dma_start3A_39 = tpu.memref_slice %arg4[%add3A_24, %dma_start3A_37, %dma_start3A_38] : memref<160x2000x16xf32, #tpu.memory_space<hbm>> -> memref<1x2000x16xf32, #tpu.memory_space<hbm>>
    %dma_start3A_40 = tpu.memref_squeeze %dma_start3A_39 : memref<1x2000x16xf32, #tpu.memory_space<hbm>> -> memref<2000x16xf32, #tpu.memory_space<hbm>>
    %dma_start3A_41 = arith.constant 0 : i32
    %dma_start3A_42 = arith.constant 0 : i32
    %dma_start3A_43 = tpu.memref_slice %arg6[%dma_start3A_25, %dma_start3A_41, %dma_start3A_42] : memref<2x2000x16xf32, #tpu.memory_space<vmem>> -> memref<1x2000x16xf32, #tpu.memory_space<vmem>>
    %dma_start3A_44 = tpu.memref_squeeze %dma_start3A_43 : memref<1x2000x16xf32, #tpu.memory_space<vmem>> -> memref<2000x16xf32, #tpu.memory_space<vmem>>
    tpu.enqueue_dma source(%dma_start3A_44 : memref<2000x16xf32, #tpu.memory_space<vmem>>) target(%dma_start3A_40 : memref<2000x16xf32, #tpu.memory_space<hbm>>) target_semaphore(%dma_start3A_36 : memref<!tpu.dma_semaphore, #tpu.memory_space<semaphore_mem>>)
    %dma_start3A_45 = arith.constant 1 : i32
    %dma_start3A_46 = arith.constant 0 : i32
    %dma_start3A_47 = arith.constant 0 : i32
    %dma_start3A_48 = tpu.memref_slice %arg6[%dma_start3A_45, %dma_start3A_46, %dma_start3A_47] : memref<2x2000x16xf32, #tpu.memory_space<vmem>> -> memref<1x2000x16xf32, #tpu.memory_space<vmem>>
    %dma_start3A_49 = tpu.memref_squeeze %dma_start3A_48 : memref<1x2000x16xf32, #tpu.memory_space<vmem>> -> memref<2000x16xf32, #tpu.memory_space<vmem>>
    %dma_start3A_50 = arith.constant 2000 : i32
    %dma_start3A_51 = tpu.memref_slice %arg5[%dma_start3A_50] : memref<10000xi32, #tpu.memory_space<vmem>> -> memref<2000xi32, #tpu.memory_space<vmem>>
    %dma_start3A_52 = arith.constant 0 : i32
    %dma_start3A_53 = arith.constant 0 : i32
    %dma_start3A_54 = tpu.memref_slice %arg2[%dma_start3A_52, %dma_start3A_53] : memref<10000x16xf32, #tpu.memory_space<hbm>> -> memref<10000x16xf32, #tpu.memory_space<hbm>>
    tpu.enqueue_indirect_dma source(%dma_start3A_54 : memref<10000x16xf32, #tpu.memory_space<hbm>>) target(%dma_start3A_49 : memref<2000x16xf32, #tpu.memory_space<vmem>>) offsets(%dma_start3A_51 : memref<2000xi32, #tpu.memory_space<vmem>>) semaphore(%arg7 : memref<!tpu.dma_semaphore, #tpu.memory_space<semaphore_mem>>)
    %dma_wait3A_55 = arith.constant 1 : i32
    %dma_wait3A_56 = arith.constant 0 : i32
    %dma_wait3A_57 = arith.constant 0 : i32
    %dma_wait3A_58 = tpu.memref_slice %arg6[%dma_wait3A_55, %dma_wait3A_56, %dma_wait3A_57] : memref<2x2000x16xf32, #tpu.memory_space<vmem>> -> memref<1x2000x16xf32, #tpu.memory_space<vmem>>
    %dma_wait3A_59 = tpu.memref_squeeze %dma_wait3A_58 : memref<1x2000x16xf32, #tpu.memory_space<vmem>> -> memref<2000x16xf32, #tpu.memory_space<vmem>>
    %dma_wait3A_60 = arith.constant 2000 : i32
    %dma_wait3A_61 = tpu.memref_slice %arg5[%dma_wait3A_60] : memref<10000xi32, #tpu.memory_space<vmem>> -> memref<2000xi32, #tpu.memory_space<vmem>>
    %dma_wait3A_62 = arith.constant 0 : i32
    %dma_wait3A_63 = arith.constant 0 : i32
    %dma_wait3A_64 = tpu.memref_slice %arg2[%dma_wait3A_62, %dma_wait3A_63] : memref<10000x16xf32, #tpu.memory_space<hbm>> -> memref<10000x16xf32, #tpu.memory_space<hbm>>
    tpu.wait_indirect_dma semaphore(%arg7 : memref<!tpu.dma_semaphore, #tpu.memory_space<semaphore_mem>>) src(%dma_wait3A_64 : memref<10000x16xf32, #tpu.memory_space<hbm>>) dst(%dma_wait3A_59 : memref<2000x16xf32, #tpu.memory_space<vmem>>)
    %mul3A_65 = arith.constant 5 : i32
    %mul3A_66 = arith.muli %add3A, %mul3A_65 : i32
    %add3A_67 = arith.constant 1 : i32
    %add3A_68 = arith.addi %mul3A_66, %add3A_67 : i32
    %dma_start3A_69 = arith.constant 1 : i32
    %dma_start3A_70 = arith.constant 1 : i32
    %dma_start3A_71 = arith.constant 0 : i32
    %dma_start3A_72 = arith.constant 0 : i32
    %dma_start3A_73 = tpu.memref_slice %arg6[%dma_start3A_69, %dma_start3A_71, %dma_start3A_72] : memref<2x2000x16xf32, #tpu.memory_space<vmem>> -> memref<1x2000x16xf32, #tpu.memory_space<vmem>>
    %dma_start3A_74 = tpu.memref_squeeze %dma_start3A_73 : memref<1x2000x16xf32, #tpu.memory_space<vmem>> -> memref<2000x16xf32, #tpu.memory_space<vmem>>
    %dma_start3A_75 = arith.constant 0 : i32
    %dma_start3A_76 = arith.constant 0 : i32
    %dma_start3A_77 = tpu.memref_slice %arg4[%add3A_68, %dma_start3A_75, %dma_start3A_76] : memref<160x2000x16xf32, #tpu.memory_space<hbm>> -> memref<1x2000x16xf32, #tpu.memory_space<hbm>>
    %dma_start3A_78 = tpu.memref_squeeze %dma_start3A_77 : memref<1x2000x16xf32, #tpu.memory_space<hbm>> -> memref<2000x16xf32, #tpu.memory_space<hbm>>
    %dma_start3A_79 = tpu.memref_slice %arg8[%dma_start3A_70] : memref<2x!tpu.dma_semaphore, #tpu.memory_space<semaphore_mem>> -> memref<1x!tpu.dma_semaphore, #tpu.memory_space<semaphore_mem>>
    %dma_start3A_80 = tpu.memref_squeeze %dma_start3A_79 : memref<1x!tpu.dma_semaphore, #tpu.memory_space<semaphore_mem>> -> memref<!tpu.dma_semaphore, #tpu.memory_space<semaphore_mem>>
    %dma_start3A_81 = arith.constant 0 : i32
    %dma_start3A_82 = arith.constant 0 : i32
    %dma_start3A_83 = tpu.memref_slice %arg4[%add3A_68, %dma_start3A_81, %dma_start3A_82] : memref<160x2000x16xf32, #tpu.memory_space<hbm>> -> memref<1x2000x16xf32, #tpu.memory_space<hbm>>
    %dma_start3A_84 = tpu.memref_squeeze %dma_start3A_83 : memref<1x2000x16xf32, #tpu.memory_space<hbm>> -> memref<2000x16xf32, #tpu.memory_space<hbm>>
    %dma_start3A_85 = arith.constant 0 : i32
    %dma_start3A_86 = arith.constant 0 : i32
    %dma_start3A_87 = tpu.memref_slice %arg6[%dma_start3A_69, %dma_start3A_85, %dma_start3A_86] : memref<2x2000x16xf32, #tpu.memory_space<vmem>> -> memref<1x2000x16xf32, #tpu.memory_space<vmem>>
    %dma_start3A_88 = tpu.memref_squeeze %dma_start3A_87 : memref<1x2000x16xf32, #tpu.memory_space<vmem>> -> memref<2000x16xf32, #tpu.memory_space<vmem>>
    tpu.enqueue_dma source(%dma_start3A_88 : memref<2000x16xf32, #tpu.memory_space<vmem>>) target(%dma_start3A_84 : memref<2000x16xf32, #tpu.memory_space<hbm>>) target_semaphore(%dma_start3A_80 : memref<!tpu.dma_semaphore, #tpu.memory_space<semaphore_mem>>)
    %dma_wait3A_89 = arith.constant 0 : i32
    %dma_wait3A_90 = arith.constant 0 : i32
    %dma_wait3A_91 = arith.constant 0 : i32
    %dma_wait3A_92 = arith.constant 0 : i32
    %dma_wait3A_93 = tpu.memref_slice %arg6[%dma_wait3A_89, %dma_wait3A_91, %dma_wait3A_92] : memref<2x2000x16xf32, #tpu.memory_space<vmem>> -> memref<1x2000x16xf32, #tpu.memory_space<vmem>>
    %dma_wait3A_94 = tpu.memref_squeeze %dma_wait3A_93 : memref<1x2000x16xf32, #tpu.memory_space<vmem>> -> memref<2000x16xf32, #tpu.memory_space<vmem>>
    %dma_wait3A_95 = arith.constant 0 : i32
    %dma_wait3A_96 = arith.constant 0 : i32
    %dma_wait3A_97 = tpu.memref_slice %arg4[%add3A_24, %dma_wait3A_95, %dma_wait3A_96] : memref<160x2000x16xf32, #tpu.memory_space<hbm>> -> memref<1x2000x16xf32, #tpu.memory_space<hbm>>
    %dma_wait3A_98 = tpu.memref_squeeze %dma_wait3A_97 : memref<1x2000x16xf32, #tpu.memory_space<hbm>> -> memref<2000x16xf32, #tpu.memory_space<hbm>>
    %dma_wait3A_99 = tpu.memref_slice %arg8[%dma_wait3A_90] : memref<2x!tpu.dma_semaphore, #tpu.memory_space<semaphore_mem>> -> memref<1x!tpu.dma_semaphore, #tpu.memory_space<semaphore_mem>>
    %dma_wait3A_100 = tpu.memref_squeeze %dma_wait3A_99 : memref<1x!tpu.dma_semaphore, #tpu.memory_space<semaphore_mem>> -> memref<!tpu.dma_semaphore, #tpu.memory_space<semaphore_mem>>
    %dma_wait3A_101 = arith.constant 0 : i32
    %dma_wait3A_102 = arith.constant 0 : i32
    %dma_wait3A_103 = tpu.memref_slice %arg4[%add3A_24, %dma_wait3A_101, %dma_wait3A_102] : memref<160x2000x16xf32, #tpu.memory_space<hbm>> -> memref<1x2000x16xf32, #tpu.memory_space<hbm>>
    %dma_wait3A_104 = tpu.memref_squeeze %dma_wait3A_103 : memref<1x2000x16xf32, #tpu.memory_space<hbm>> -> memref<2000x16xf32, #tpu.memory_space<hbm>>
    %dma_wait3A_105 = arith.constant 0 : i32
    %dma_wait3A_106 = arith.constant 0 : i32
    %dma_wait3A_107 = tpu.memref_slice %arg6[%dma_wait3A_89, %dma_wait3A_105, %dma_wait3A_106] : memref<2x2000x16xf32, #tpu.memory_space<vmem>> -> memref<1x2000x16xf32, #tpu.memory_space<vmem>>
    %dma_wait3A_108 = tpu.memref_squeeze %dma_wait3A_107 : memref<1x2000x16xf32, #tpu.memory_space<vmem>> -> memref<2000x16xf32, #tpu.memory_space<vmem>>
    tpu.wait_dma2 semaphore(%dma_wait3A_100 : memref<!tpu.dma_semaphore, #tpu.memory_space<semaphore_mem>>) src(%dma_wait3A_108 : memref<2000x16xf32, #tpu.memory_space<vmem>>) dst(%dma_wait3A_104 : memref<2000x16xf32, #tpu.memory_space<hbm>>)
    %dma_start3A_109 = arith.constant 0 : i32
    %dma_start3A_110 = arith.constant 0 : i32
    %dma_start3A_111 = arith.constant 0 : i32
    %dma_start3A_112 = tpu.memref_slice %arg6[%dma_start3A_109, %dma_start3A_110, %dma_start3A_111] : memref<2x2000x16xf32, #tpu.memory_space<vmem>> -> memref<1x2000x16xf32, #tpu.memory_space<vmem>>
    %dma_start3A_113 = tpu.memref_squeeze %dma_start3A_112 : memref<1x2000x16xf32, #tpu.memory_space<vmem>> -> memref<2000x16xf32, #tpu.memory_space<vmem>>
    %dma_start3A_114 = arith.constant 4000 : i32
    %dma_start3A_115 = tpu.memref_slice %arg5[%dma_start3A_114] : memref<10000xi32, #tpu.memory_space<vmem>> -> memref<2000xi32, #tpu.memory_space<vmem>>
    %dma_start3A_116 = arith.constant 0 : i32
    %dma_start3A_117 = arith.constant 0 : i32
    %dma_start3A_118 = tpu.memref_slice %arg2[%dma_start3A_116, %dma_start3A_117] : memref<10000x16xf32, #tpu.memory_space<hbm>> -> memref<10000x16xf32, #tpu.memory_space<hbm>>
    tpu.enqueue_indirect_dma source(%dma_start3A_118 : memref<10000x16xf32, #tpu.memory_space<hbm>>) target(%dma_start3A_113 : memref<2000x16xf32, #tpu.memory_space<vmem>>) offsets(%dma_start3A_115 : memref<2000xi32, #tpu.memory_space<vmem>>) semaphore(%arg7 : memref<!tpu.dma_semaphore, #tpu.memory_space<semaphore_mem>>)
    %dma_wait3A_119 = arith.constant 0 : i32
    %dma_wait3A_120 = arith.constant 0 : i32
    %dma_wait3A_121 = arith.constant 0 : i32
    %dma_wait3A_122 = tpu.memref_slice %arg6[%dma_wait3A_119, %dma_wait3A_120, %dma_wait3A_121] : memref<2x2000x16xf32, #tpu.memory_space<vmem>> -> memref<1x2000x16xf32, #tpu.memory_space<vmem>>
    %dma_wait3A_123 = tpu.memref_squeeze %dma_wait3A_122 : memref<1x2000x16xf32, #tpu.memory_space<vmem>> -> memref<2000x16xf32, #tpu.memory_space<vmem>>
    %dma_wait3A_124 = arith.constant 4000 : i32
    %dma_wait3A_125 = tpu.memref_slice %arg5[%dma_wait3A_124] : memref<10000xi32, #tpu.memory_space<vmem>> -> memref<2000xi32, #tpu.memory_space<vmem>>
    %dma_wait3A_126 = arith.constant 0 : i32
    %dma_wait3A_127 = arith.constant 0 : i32
    %dma_wait3A_128 = tpu.memref_slice %arg2[%dma_wait3A_126, %dma_wait3A_127] : memref<10000x16xf32, #tpu.memory_space<hbm>> -> memref<10000x16xf32, #tpu.memory_space<hbm>>
    tpu.wait_indirect_dma semaphore(%arg7 : memref<!tpu.dma_semaphore, #tpu.memory_space<semaphore_mem>>) src(%dma_wait3A_128 : memref<10000x16xf32, #tpu.memory_space<hbm>>) dst(%dma_wait3A_123 : memref<2000x16xf32, #tpu.memory_space<vmem>>)
    %mul3A_129 = arith.constant 5 : i32
    %mul3A_130 = arith.muli %add3A, %mul3A_129 : i32
    %add3A_131 = arith.constant 2 : i32
    %add3A_132 = arith.addi %mul3A_130, %add3A_131 : i32
    %dma_start3A_133 = arith.constant 0 : i32
    %dma_start3A_134 = arith.constant 0 : i32
    %dma_start3A_135 = arith.constant 0 : i32
    %dma_start3A_136 = arith.constant 0 : i32
    %dma_start3A_137 = tpu.memref_slice %arg6[%dma_start3A_133, %dma_start3A_135, %dma_start3A_136] : memref<2x2000x16xf32, #tpu.memory_space<vmem>> -> memref<1x2000x16xf32, #tpu.memory_space<vmem>>
    %dma_start3A_138 = tpu.memref_squeeze %dma_start3A_137 : memref<1x2000x16xf32, #tpu.memory_space<vmem>> -> memref<2000x16xf32, #tpu.memory_space<vmem>>
    %dma_start3A_139 = arith.constant 0 : i32
    %dma_start3A_140 = arith.constant 0 : i32
    %dma_start3A_141 = tpu.memref_slice %arg4[%add3A_132, %dma_start3A_139, %dma_start3A_140] : memref<160x2000x16xf32, #tpu.memory_space<hbm>> -> memref<1x2000x16xf32, #tpu.memory_space<hbm>>
    %dma_start3A_142 = tpu.memref_squeeze %dma_start3A_141 : memref<1x2000x16xf32, #tpu.memory_space<hbm>> -> memref<2000x16xf32, #tpu.memory_space<hbm>>
    %dma_start3A_143 = tpu.memref_slice %arg8[%dma_start3A_134] : memref<2x!tpu.dma_semaphore, #tpu.memory_space<semaphore_mem>> -> memref<1x!tpu.dma_semaphore, #tpu.memory_space<semaphore_mem>>
    %dma_start3A_144 = tpu.memref_squeeze %dma_start3A_143 : memref<1x!tpu.dma_semaphore, #tpu.memory_space<semaphore_mem>> -> memref<!tpu.dma_semaphore, #tpu.memory_space<semaphore_mem>>
    %dma_start3A_145 = arith.constant 0 : i32
    %dma_start3A_146 = arith.constant 0 : i32
    %dma_start3A_147 = tpu.memref_slice %arg4[%add3A_132, %dma_start3A_145, %dma_start3A_146] : memref<160x2000x16xf32, #tpu.memory_space<hbm>> -> memref<1x2000x16xf32, #tpu.memory_space<hbm>>
    %dma_start3A_148 = tpu.memref_squeeze %dma_start3A_147 : memref<1x2000x16xf32, #tpu.memory_space<hbm>> -> memref<2000x16xf32, #tpu.memory_space<hbm>>
    %dma_start3A_149 = arith.constant 0 : i32
    %dma_start3A_150 = arith.constant 0 : i32
    %dma_start3A_151 = tpu.memref_slice %arg6[%dma_start3A_133, %dma_start3A_149, %dma_start3A_150] : memref<2x2000x16xf32, #tpu.memory_space<vmem>> -> memref<1x2000x16xf32, #tpu.memory_space<vmem>>
    %dma_start3A_152 = tpu.memref_squeeze %dma_start3A_151 : memref<1x2000x16xf32, #tpu.memory_space<vmem>> -> memref<2000x16xf32, #tpu.memory_space<vmem>>
    tpu.enqueue_dma source(%dma_start3A_152 : memref<2000x16xf32, #tpu.memory_space<vmem>>) target(%dma_start3A_148 : memref<2000x16xf32, #tpu.memory_space<hbm>>) target_semaphore(%dma_start3A_144 : memref<!tpu.dma_semaphore, #tpu.memory_space<semaphore_mem>>)
    %dma_wait3A_153 = arith.constant 1 : i32
    %dma_wait3A_154 = arith.constant 1 : i32
    %dma_wait3A_155 = arith.constant 0 : i32
    %dma_wait3A_156 = arith.constant 0 : i32
    %dma_wait3A_157 = tpu.memref_slice %arg6[%dma_wait3A_153, %dma_wait3A_155, %dma_wait3A_156] : memref<2x2000x16xf32, #tpu.memory_space<vmem>> -> memref<1x2000x16xf32, #tpu.memory_space<vmem>>
    %dma_wait3A_158 = tpu.memref_squeeze %dma_wait3A_157 : memref<1x2000x16xf32, #tpu.memory_space<vmem>> -> memref<2000x16xf32, #tpu.memory_space<vmem>>
    %dma_wait3A_159 = arith.constant 0 : i32
    %dma_wait3A_160 = arith.constant 0 : i32
    %dma_wait3A_161 = tpu.memref_slice %arg4[%add3A_68, %dma_wait3A_159, %dma_wait3A_160] : memref<160x2000x16xf32, #tpu.memory_space<hbm>> -> memref<1x2000x16xf32, #tpu.memory_space<hbm>>
    %dma_wait3A_162 = tpu.memref_squeeze %dma_wait3A_161 : memref<1x2000x16xf32, #tpu.memory_space<hbm>> -> memref<2000x16xf32, #tpu.memory_space<hbm>>
    %dma_wait3A_163 = tpu.memref_slice %arg8[%dma_wait3A_154] : memref<2x!tpu.dma_semaphore, #tpu.memory_space<semaphore_mem>> -> memref<1x!tpu.dma_semaphore, #tpu.memory_space<semaphore_mem>>
    %dma_wait3A_164 = tpu.memref_squeeze %dma_wait3A_163 : memref<1x!tpu.dma_semaphore, #tpu.memory_space<semaphore_mem>> -> memref<!tpu.dma_semaphore, #tpu.memory_space<semaphore_mem>>
    %dma_wait3A_165 = arith.constant 0 : i32
    %dma_wait3A_166 = arith.constant 0 : i32
    %dma_wait3A_167 = tpu.memref_slice %arg4[%add3A_68, %dma_wait3A_165, %dma_wait3A_166] : memref<160x2000x16xf32, #tpu.memory_space<hbm>> -> memref<1x2000x16xf32, #tpu.memory_space<hbm>>
    %dma_wait3A_168 = tpu.memref_squeeze %dma_wait3A_167 : memref<1x2000x16xf32, #tpu.memory_space<hbm>> -> memref<2000x16xf32, #tpu.memory_space<hbm>>
    %dma_wait3A_169 = arith.constant 0 : i32
    %dma_wait3A_170 = arith.constant 0 : i32
    %dma_wait3A_171 = tpu.memref_slice %arg6[%dma_wait3A_153, %dma_wait3A_169, %dma_wait3A_170] : memref<2x2000x16xf32, #tpu.memory_space<vmem>> -> memref<1x2000x16xf32, #tpu.memory_space<vmem>>
    %dma_wait3A_172 = tpu.memref_squeeze %dma_wait3A_171 : memref<1x2000x16xf32, #tpu.memory_space<vmem>> -> memref<2000x16xf32, #tpu.memory_space<vmem>>
    tpu.wait_dma2 semaphore(%dma_wait3A_164 : memref<!tpu.dma_semaphore, #tpu.memory_space<semaphore_mem>>) src(%dma_wait3A_172 : memref<2000x16xf32, #tpu.memory_space<vmem>>) dst(%dma_wait3A_168 : memref<2000x16xf32, #tpu.memory_space<hbm>>)
    %dma_start3A_173 = arith.constant 1 : i32
    %dma_start3A_174 = arith.constant 0 : i32
    %dma_start3A_175 = arith.constant 0 : i32
    %dma_start3A_176 = tpu.memref_slice %arg6[%dma_start3A_173, %dma_start3A_174, %dma_start3A_175] : memref<2x2000x16xf32, #tpu.memory_space<vmem>> -> memref<1x2000x16xf32, #tpu.memory_space<vmem>>
    %dma_start3A_177 = tpu.memref_squeeze %dma_start3A_176 : memref<1x2000x16xf32, #tpu.memory_space<vmem>> -> memref<2000x16xf32, #tpu.memory_space<vmem>>
    %dma_start3A_178 = arith.constant 6000 : i32
    %dma_start3A_179 = tpu.memref_slice %arg5[%dma_start3A_178] : memref<10000xi32, #tpu.memory_space<vmem>> -> memref<2000xi32, #tpu.memory_space<vmem>>
    %dma_start3A_180 = arith.constant 0 : i32
    %dma_start3A_181 = arith.constant 0 : i32
    %dma_start3A_182 = tpu.memref_slice %arg2[%dma_start3A_180, %dma_start3A_181] : memref<10000x16xf32, #tpu.memory_space<hbm>> -> memref<10000x16xf32, #tpu.memory_space<hbm>>
    tpu.enqueue_indirect_dma source(%dma_start3A_182 : memref<10000x16xf32, #tpu.memory_space<hbm>>) target(%dma_start3A_177 : memref<2000x16xf32, #tpu.memory_space<vmem>>) offsets(%dma_start3A_179 : memref<2000xi32, #tpu.memory_space<vmem>>) semaphore(%arg7 : memref<!tpu.dma_semaphore, #tpu.memory_space<semaphore_mem>>)
    %dma_wait3A_183 = arith.constant 1 : i32
    %dma_wait3A_184 = arith.constant 0 : i32
    %dma_wait3A_185 = arith.constant 0 : i32
    %dma_wait3A_186 = tpu.memref_slice %arg6[%dma_wait3A_183, %dma_wait3A_184, %dma_wait3A_185] : memref<2x2000x16xf32, #tpu.memory_space<vmem>> -> memref<1x2000x16xf32, #tpu.memory_space<vmem>>
    %dma_wait3A_187 = tpu.memref_squeeze %dma_wait3A_186 : memref<1x2000x16xf32, #tpu.memory_space<vmem>> -> memref<2000x16xf32, #tpu.memory_space<vmem>>
    %dma_wait3A_188 = arith.constant 6000 : i32
    %dma_wait3A_189 = tpu.memref_slice %arg5[%dma_wait3A_188] : memref<10000xi32, #tpu.memory_space<vmem>> -> memref<2000xi32, #tpu.memory_space<vmem>>
    %dma_wait3A_190 = arith.constant 0 : i32
    %dma_wait3A_191 = arith.constant 0 : i32
    %dma_wait3A_192 = tpu.memref_slice %arg2[%dma_wait3A_190, %dma_wait3A_191] : memref<10000x16xf32, #tpu.memory_space<hbm>> -> memref<10000x16xf32, #tpu.memory_space<hbm>>
    tpu.wait_indirect_dma semaphore(%arg7 : memref<!tpu.dma_semaphore, #tpu.memory_space<semaphore_mem>>) src(%dma_wait3A_192 : memref<10000x16xf32, #tpu.memory_space<hbm>>) dst(%dma_wait3A_187 : memref<2000x16xf32, #tpu.memory_space<vmem>>)
    %mul3A_193 = arith.constant 5 : i32
    %mul3A_194 = arith.muli %add3A, %mul3A_193 : i32
    %add3A_195 = arith.constant 3 : i32
    %add3A_196 = arith.addi %mul3A_194, %add3A_195 : i32
    %dma_start3A_197 = arith.constant 1 : i32
    %dma_start3A_198 = arith.constant 1 : i32
    %dma_start3A_199 = arith.constant 0 : i32
    %dma_start3A_200 = arith.constant 0 : i32
    %dma_start3A_201 = tpu.memref_slice %arg6[%dma_start3A_197, %dma_start3A_199, %dma_start3A_200] : memref<2x2000x16xf32, #tpu.memory_space<vmem>> -> memref<1x2000x16xf32, #tpu.memory_space<vmem>>
    %dma_start3A_202 = tpu.memref_squeeze %dma_start3A_201 : memref<1x2000x16xf32, #tpu.memory_space<vmem>> -> memref<2000x16xf32, #tpu.memory_space<vmem>>
    %dma_start3A_203 = arith.constant 0 : i32
    %dma_start3A_204 = arith.constant 0 : i32
    %dma_start3A_205 = tpu.memref_slice %arg4[%add3A_196, %dma_start3A_203, %dma_start3A_204] : memref<160x2000x16xf32, #tpu.memory_space<hbm>> -> memref<1x2000x16xf32, #tpu.memory_space<hbm>>
    %dma_start3A_206 = tpu.memref_squeeze %dma_start3A_205 : memref<1x2000x16xf32, #tpu.memory_space<hbm>> -> memref<2000x16xf32, #tpu.memory_space<hbm>>
    %dma_start3A_207 = tpu.memref_slice %arg8[%dma_start3A_198] : memref<2x!tpu.dma_semaphore, #tpu.memory_space<semaphore_mem>> -> memref<1x!tpu.dma_semaphore, #tpu.memory_space<semaphore_mem>>
    %dma_start3A_208 = tpu.memref_squeeze %dma_start3A_207 : memref<1x!tpu.dma_semaphore, #tpu.memory_space<semaphore_mem>> -> memref<!tpu.dma_semaphore, #tpu.memory_space<semaphore_mem>>
    %dma_start3A_209 = arith.constant 0 : i32
    %dma_start3A_210 = arith.constant 0 : i32
    %dma_start3A_211 = tpu.memref_slice %arg4[%add3A_196, %dma_start3A_209, %dma_start3A_210] : memref<160x2000x16xf32, #tpu.memory_space<hbm>> -> memref<1x2000x16xf32, #tpu.memory_space<hbm>>
    %dma_start3A_212 = tpu.memref_squeeze %dma_start3A_211 : memref<1x2000x16xf32, #tpu.memory_space<hbm>> -> memref<2000x16xf32, #tpu.memory_space<hbm>>
    %dma_start3A_213 = arith.constant 0 : i32
    %dma_start3A_214 = arith.constant 0 : i32
    %dma_start3A_215 = tpu.memref_slice %arg6[%dma_start3A_197, %dma_start3A_213, %dma_start3A_214] : memref<2x2000x16xf32, #tpu.memory_space<vmem>> -> memref<1x2000x16xf32, #tpu.memory_space<vmem>>
    %dma_start3A_216 = tpu.memref_squeeze %dma_start3A_215 : memref<1x2000x16xf32, #tpu.memory_space<vmem>> -> memref<2000x16xf32, #tpu.memory_space<vmem>>
    tpu.enqueue_dma source(%dma_start3A_216 : memref<2000x16xf32, #tpu.memory_space<vmem>>) target(%dma_start3A_212 : memref<2000x16xf32, #tpu.memory_space<hbm>>) target_semaphore(%dma_start3A_208 : memref<!tpu.dma_semaphore, #tpu.memory_space<semaphore_mem>>)
    %dma_wait3A_217 = arith.constant 0 : i32
    %dma_wait3A_218 = arith.constant 0 : i32
    %dma_wait3A_219 = arith.constant 0 : i32
    %dma_wait3A_220 = arith.constant 0 : i32
    %dma_wait3A_221 = tpu.memref_slice %arg6[%dma_wait3A_217, %dma_wait3A_219, %dma_wait3A_220] : memref<2x2000x16xf32, #tpu.memory_space<vmem>> -> memref<1x2000x16xf32, #tpu.memory_space<vmem>>
    %dma_wait3A_222 = tpu.memref_squeeze %dma_wait3A_221 : memref<1x2000x16xf32, #tpu.memory_space<vmem>> -> memref<2000x16xf32, #tpu.memory_space<vmem>>
    %dma_wait3A_223 = arith.constant 0 : i32
    %dma_wait3A_224 = arith.constant 0 : i32
    %dma_wait3A_225 = tpu.memref_slice %arg4[%add3A_132, %dma_wait3A_223, %dma_wait3A_224] : memref<160x2000x16xf32, #tpu.memory_space<hbm>> -> memref<1x2000x16xf32, #tpu.memory_space<hbm>>
    %dma_wait3A_226 = tpu.memref_squeeze %dma_wait3A_225 : memref<1x2000x16xf32, #tpu.memory_space<hbm>> -> memref<2000x16xf32, #tpu.memory_space<hbm>>
    %dma_wait3A_227 = tpu.memref_slice %arg8[%dma_wait3A_218] : memref<2x!tpu.dma_semaphore, #tpu.memory_space<semaphore_mem>> -> memref<1x!tpu.dma_semaphore, #tpu.memory_space<semaphore_mem>>
    %dma_wait3A_228 = tpu.memref_squeeze %dma_wait3A_227 : memref<1x!tpu.dma_semaphore, #tpu.memory_space<semaphore_mem>> -> memref<!tpu.dma_semaphore, #tpu.memory_space<semaphore_mem>>
    %dma_wait3A_229 = arith.constant 0 : i32
    %dma_wait3A_230 = arith.constant 0 : i32
    %dma_wait3A_231 = tpu.memref_slice %arg4[%add3A_132, %dma_wait3A_229, %dma_wait3A_230] : memref<160x2000x16xf32, #tpu.memory_space<hbm>> -> memref<1x2000x16xf32, #tpu.memory_space<hbm>>
    %dma_wait3A_232 = tpu.memref_squeeze %dma_wait3A_231 : memref<1x2000x16xf32, #tpu.memory_space<hbm>> -> memref<2000x16xf32, #tpu.memory_space<hbm>>
    %dma_wait3A_233 = arith.constant 0 : i32
    %dma_wait3A_234 = arith.constant 0 : i32
    %dma_wait3A_235 = tpu.memref_slice %arg6[%dma_wait3A_217, %dma_wait3A_233, %dma_wait3A_234] : memref<2x2000x16xf32, #tpu.memory_space<vmem>> -> memref<1x2000x16xf32, #tpu.memory_space<vmem>>
    %dma_wait3A_236 = tpu.memref_squeeze %dma_wait3A_235 : memref<1x2000x16xf32, #tpu.memory_space<vmem>> -> memref<2000x16xf32, #tpu.memory_space<vmem>>
    tpu.wait_dma2 semaphore(%dma_wait3A_228 : memref<!tpu.dma_semaphore, #tpu.memory_space<semaphore_mem>>) src(%dma_wait3A_236 : memref<2000x16xf32, #tpu.memory_space<vmem>>) dst(%dma_wait3A_232 : memref<2000x16xf32, #tpu.memory_space<hbm>>)
    %dma_start3A_237 = arith.constant 0 : i32
    %dma_start3A_238 = arith.constant 0 : i32
    %dma_start3A_239 = arith.constant 0 : i32
    %dma_start3A_240 = tpu.memref_slice %arg6[%dma_start3A_237, %dma_start3A_238, %dma_start3A_239] : memref<2x2000x16xf32, #tpu.memory_space<vmem>> -> memref<1x2000x16xf32, #tpu.memory_space<vmem>>
    %dma_start3A_241 = tpu.memref_squeeze %dma_start3A_240 : memref<1x2000x16xf32, #tpu.memory_space<vmem>> -> memref<2000x16xf32, #tpu.memory_space<vmem>>
    %dma_start3A_242 = arith.constant 8000 : i32
    %dma_start3A_243 = tpu.memref_slice %arg5[%dma_start3A_242] : memref<10000xi32, #tpu.memory_space<vmem>> -> memref<2000xi32, #tpu.memory_space<vmem>>
    %dma_start3A_244 = arith.constant 0 : i32
    %dma_start3A_245 = arith.constant 0 : i32
    %dma_start3A_246 = tpu.memref_slice %arg2[%dma_start3A_244, %dma_start3A_245] : memref<10000x16xf32, #tpu.memory_space<hbm>> -> memref<10000x16xf32, #tpu.memory_space<hbm>>
    tpu.enqueue_indirect_dma source(%dma_start3A_246 : memref<10000x16xf32, #tpu.memory_space<hbm>>) target(%dma_start3A_241 : memref<2000x16xf32, #tpu.memory_space<vmem>>) offsets(%dma_start3A_243 : memref<2000xi32, #tpu.memory_space<vmem>>) semaphore(%arg7 : memref<!tpu.dma_semaphore, #tpu.memory_space<semaphore_mem>>)
    %dma_wait3A_247 = arith.constant 0 : i32
    %dma_wait3A_248 = arith.constant 0 : i32
    %dma_wait3A_249 = arith.constant 0 : i32
    %dma_wait3A_250 = tpu.memref_slice %arg6[%dma_wait3A_247, %dma_wait3A_248, %dma_wait3A_249] : memref<2x2000x16xf32, #tpu.memory_space<vmem>> -> memref<1x2000x16xf32, #tpu.memory_space<vmem>>
    %dma_wait3A_251 = tpu.memref_squeeze %dma_wait3A_250 : memref<1x2000x16xf32, #tpu.memory_space<vmem>> -> memref<2000x16xf32, #tpu.memory_space<vmem>>
    %dma_wait3A_252 = arith.constant 8000 : i32
    %dma_wait3A_253 = tpu.memref_slice %arg5[%dma_wait3A_252] : memref<10000xi32, #tpu.memory_space<vmem>> -> memref<2000xi32, #tpu.memory_space<vmem>>
    %dma_wait3A_254 = arith.constant 0 : i32
    %dma_wait3A_255 = arith.constant 0 : i32
    %dma_wait3A_256 = tpu.memref_slice %arg2[%dma_wait3A_254, %dma_wait3A_255] : memref<10000x16xf32, #tpu.memory_space<hbm>> -> memref<10000x16xf32, #tpu.memory_space<hbm>>
    tpu.wait_indirect_dma semaphore(%arg7 : memref<!tpu.dma_semaphore, #tpu.memory_space<semaphore_mem>>) src(%dma_wait3A_256 : memref<10000x16xf32, #tpu.memory_space<hbm>>) dst(%dma_wait3A_251 : memref<2000x16xf32, #tpu.memory_space<vmem>>)
    %mul3A_257 = arith.constant 5 : i32
    %mul3A_258 = arith.muli %add3A, %mul3A_257 : i32
    %add3A_259 = arith.constant 4 : i32
    %add3A_260 = arith.addi %mul3A_258, %add3A_259 : i32
    %dma_start3A_261 = arith.constant 0 : i32
    %dma_start3A_262 = arith.constant 0 : i32
    %dma_start3A_263 = arith.constant 0 : i32
    %dma_start3A_264 = arith.constant 0 : i32
    %dma_start3A_265 = tpu.memref_slice %arg6[%dma_start3A_261, %dma_start3A_263, %dma_start3A_264] : memref<2x2000x16xf32, #tpu.memory_space<vmem>> -> memref<1x2000x16xf32, #tpu.memory_space<vmem>>
    %dma_start3A_266 = tpu.memref_squeeze %dma_start3A_265 : memref<1x2000x16xf32, #tpu.memory_space<vmem>> -> memref<2000x16xf32, #tpu.memory_space<vmem>>
    %dma_start3A_267 = arith.constant 0 : i32
    %dma_start3A_268 = arith.constant 0 : i32
    %dma_start3A_269 = tpu.memref_slice %arg4[%add3A_260, %dma_start3A_267, %dma_start3A_268] : memref<160x2000x16xf32, #tpu.memory_space<hbm>> -> memref<1x2000x16xf32, #tpu.memory_space<hbm>>
    %dma_start3A_270 = tpu.memref_squeeze %dma_start3A_269 : memref<1x2000x16xf32, #tpu.memory_space<hbm>> -> memref<2000x16xf32, #tpu.memory_space<hbm>>
    %dma_start3A_271 = tpu.memref_slice %arg8[%dma_start3A_262] : memref<2x!tpu.dma_semaphore, #tpu.memory_space<semaphore_mem>> -> memref<1x!tpu.dma_semaphore, #tpu.memory_space<semaphore_mem>>
    %dma_start3A_272 = tpu.memref_squeeze %dma_start3A_271 : memref<1x!tpu.dma_semaphore, #tpu.memory_space<semaphore_mem>> -> memref<!tpu.dma_semaphore, #tpu.memory_space<semaphore_mem>>
    %dma_start3A_273 = arith.constant 0 : i32
    %dma_start3A_274 = arith.constant 0 : i32
    %dma_start3A_275 = tpu.memref_slice %arg4[%add3A_260, %dma_start3A_273, %dma_start3A_274] : memref<160x2000x16xf32, #tpu.memory_space<hbm>> -> memref<1x2000x16xf32, #tpu.memory_space<hbm>>
    %dma_start3A_276 = tpu.memref_squeeze %dma_start3A_275 : memref<1x2000x16xf32, #tpu.memory_space<hbm>> -> memref<2000x16xf32, #tpu.memory_space<hbm>>
    %dma_start3A_277 = arith.constant 0 : i32
    %dma_start3A_278 = arith.constant 0 : i32
    %dma_start3A_279 = tpu.memref_slice %arg6[%dma_start3A_261, %dma_start3A_277, %dma_start3A_278] : memref<2x2000x16xf32, #tpu.memory_space<vmem>> -> memref<1x2000x16xf32, #tpu.memory_space<vmem>>
    %dma_start3A_280 = tpu.memref_squeeze %dma_start3A_279 : memref<1x2000x16xf32, #tpu.memory_space<vmem>> -> memref<2000x16xf32, #tpu.memory_space<vmem>>
    tpu.enqueue_dma source(%dma_start3A_280 : memref<2000x16xf32, #tpu.memory_space<vmem>>) target(%dma_start3A_276 : memref<2000x16xf32, #tpu.memory_space<hbm>>) target_semaphore(%dma_start3A_272 : memref<!tpu.dma_semaphore, #tpu.memory_space<semaphore_mem>>)
    %dma_wait3A_281 = arith.constant 0 : i32
    %dma_wait3A_282 = arith.constant 0 : i32
    %dma_wait3A_283 = arith.constant 0 : i32
    %dma_wait3A_284 = arith.constant 0 : i32
    %dma_wait3A_285 = tpu.memref_slice %arg6[%dma_wait3A_281, %dma_wait3A_283, %dma_wait3A_284] : memref<2x2000x16xf32, #tpu.memory_space<vmem>> -> memref<1x2000x16xf32, #tpu.memory_space<vmem>>
    %dma_wait3A_286 = tpu.memref_squeeze %dma_wait3A_285 : memref<1x2000x16xf32, #tpu.memory_space<vmem>> -> memref<2000x16xf32, #tpu.memory_space<vmem>>
    %dma_wait3A_287 = arith.constant 0 : i32
    %dma_wait3A_288 = arith.constant 0 : i32
    %dma_wait3A_289 = tpu.memref_slice %arg4[%add3A_260, %dma_wait3A_287, %dma_wait3A_288] : memref<160x2000x16xf32, #tpu.memory_space<hbm>> -> memref<1x2000x16xf32, #tpu.memory_space<hbm>>
    %dma_wait3A_290 = tpu.memref_squeeze %dma_wait3A_289 : memref<1x2000x16xf32, #tpu.memory_space<hbm>> -> memref<2000x16xf32, #tpu.memory_space<hbm>>
    %dma_wait3A_291 = tpu.memref_slice %arg8[%dma_wait3A_282] : memref<2x!tpu.dma_semaphore, #tpu.memory_space<semaphore_mem>> -> memref<1x!tpu.dma_semaphore, #tpu.memory_space<semaphore_mem>>
    %dma_wait3A_292 = tpu.memref_squeeze %dma_wait3A_291 : memref<1x!tpu.dma_semaphore, #tpu.memory_space<semaphore_mem>> -> memref<!tpu.dma_semaphore, #tpu.memory_space<semaphore_mem>>
    %dma_wait3A_293 = arith.constant 0 : i32
    %dma_wait3A_294 = arith.constant 0 : i32
    %dma_wait3A_295 = tpu.memref_slice %arg4[%add3A_260, %dma_wait3A_293, %dma_wait3A_294] : memref<160x2000x16xf32, #tpu.memory_space<hbm>> -> memref<1x2000x16xf32, #tpu.memory_space<hbm>>
    %dma_wait3A_296 = tpu.memref_squeeze %dma_wait3A_295 : memref<1x2000x16xf32, #tpu.memory_space<hbm>> -> memref<2000x16xf32, #tpu.memory_space<hbm>>
    %dma_wait3A_297 = arith.constant 0 : i32
    %dma_wait3A_298 = arith.constant 0 : i32
    %dma_wait3A_299 = tpu.memref_slice %arg6[%dma_wait3A_281, %dma_wait3A_297, %dma_wait3A_298] : memref<2x2000x16xf32, #tpu.memory_space<vmem>> -> memref<1x2000x16xf32, #tpu.memory_space<vmem>>
    %dma_wait3A_300 = tpu.memref_squeeze %dma_wait3A_299 : memref<1x2000x16xf32, #tpu.memory_space<vmem>> -> memref<2000x16xf32, #tpu.memory_space<vmem>>
    tpu.wait_dma2 semaphore(%dma_wait3A_292 : memref<!tpu.dma_semaphore, #tpu.memory_space<semaphore_mem>>) src(%dma_wait3A_300 : memref<2000x16xf32, #tpu.memory_space<vmem>>) dst(%dma_wait3A_296 : memref<2000x16xf32, #tpu.memory_space<hbm>>)
    %dma_wait3A_301 = arith.constant 1 : i32
    %dma_wait3A_302 = arith.constant 1 : i32
    %dma_wait3A_303 = arith.constant 0 : i32
    %dma_wait3A_304 = arith.constant 0 : i32
    %dma_wait3A_305 = tpu.memref_slice %arg6[%dma_wait3A_301, %dma_wait3A_303, %dma_wait3A_304] : memref<2x2000x16xf32, #tpu.memory_space<vmem>> -> memref<1x2000x16xf32, #tpu.memory_space<vmem>>
    %dma_wait3A_306 = tpu.memref_squeeze %dma_wait3A_305 : memref<1x2000x16xf32, #tpu.memory_space<vmem>> -> memref<2000x16xf32, #tpu.memory_space<vmem>>
    %dma_wait3A_307 = arith.constant 0 : i32
    %dma_wait3A_308 = arith.constant 0 : i32
    %dma_wait3A_309 = tpu.memref_slice %arg4[%add3A_196, %dma_wait3A_307, %dma_wait3A_308] : memref<160x2000x16xf32, #tpu.memory_space<hbm>> -> memref<1x2000x16xf32, #tpu.memory_space<hbm>>
    %dma_wait3A_310 = tpu.memref_squeeze %dma_wait3A_309 : memref<1x2000x16xf32, #tpu.memory_space<hbm>> -> memref<2000x16xf32, #tpu.memory_space<hbm>>
    %dma_wait3A_311 = tpu.memref_slice %arg8[%dma_wait3A_302] : memref<2x!tpu.dma_semaphore, #tpu.memory_space<semaphore_mem>> -> memref<1x!tpu.dma_semaphore, #tpu.memory_space<semaphore_mem>>
    %dma_wait3A_312 = tpu.memref_squeeze %dma_wait3A_311 : memref<1x!tpu.dma_semaphore, #tpu.memory_space<semaphore_mem>> -> memref<!tpu.dma_semaphore, #tpu.memory_space<semaphore_mem>>
    %dma_wait3A_313 = arith.constant 0 : i32
    %dma_wait3A_314 = arith.constant 0 : i32
    %dma_wait3A_315 = tpu.memref_slice %arg4[%add3A_196, %dma_wait3A_313, %dma_wait3A_314] : memref<160x2000x16xf32, #tpu.memory_space<hbm>> -> memref<1x2000x16xf32, #tpu.memory_space<hbm>>
    %dma_wait3A_316 = tpu.memref_squeeze %dma_wait3A_315 : memref<1x2000x16xf32, #tpu.memory_space<hbm>> -> memref<2000x16xf32, #tpu.memory_space<hbm>>
    %dma_wait3A_317 = arith.constant 0 : i32
    %dma_wait3A_318 = arith.constant 0 : i32
    %dma_wait3A_319 = tpu.memref_slice %arg6[%dma_wait3A_301, %dma_wait3A_317, %dma_wait3A_318] : memref<2x2000x16xf32, #tpu.memory_space<vmem>> -> memref<1x2000x16xf32, #tpu.memory_space<vmem>>
    %dma_wait3A_320 = tpu.memref_squeeze %dma_wait3A_319 : memref<1x2000x16xf32, #tpu.memory_space<vmem>> -> memref<2000x16xf32, #tpu.memory_space<vmem>>
    tpu.wait_dma2 semaphore(%dma_wait3A_312 : memref<!tpu.dma_semaphore, #tpu.memory_space<semaphore_mem>>) src(%dma_wait3A_320 : memref<2000x16xf32, #tpu.memory_space<vmem>>) dst(%dma_wait3A_316 : memref<2000x16xf32, #tpu.memory_space<hbm>>)
    return
  }
}

module attributes {stable_mosaic.version = 14 : i64} {
  func.func @_msg1_body(%arg0: i32, %arg1: memref<1000x128xf32, #tpu.memory_space<vmem>>, %arg2: memref<8000x16xf32, #tpu.memory_space<vmem>>, %arg3: memref<16x256xf32, #tpu.memory_space<vmem>>, %arg4: memref<1x256xf32, #tpu.memory_space<vmem>>, %arg5: memref<16x256xf32, #tpu.memory_space<vmem>>, %arg6: memref<256x16xf32, #tpu.memory_space<vmem>>, %arg7: memref<1000x128xf32, #tpu.memory_space<vmem>>, %arg8: memref<1000x128xf32, #tpu.memory_space<vmem>>) attributes {dimension_semantics = [#tpu.dimension_semantics<arbitrary>], iteration_bounds = array<i64: 40>, scalar_prefetch = 0 : i64, scratch_operands = 0 : i64, tpu.core_type = #tpu.core_type<tc>, window_params = [{transform_indices = @transform_0, window_bounds = array<i64: 1000, 128>}, {transform_indices = @transform_1, window_bounds = array<i64: 8000, 16>}, {pipeline_mode = #tpu.pipeline_mode<synchronous>, transform_indices = @transform_2, window_bounds = array<i64: 16, 256>}, {pipeline_mode = #tpu.pipeline_mode<synchronous>, transform_indices = @transform_3, window_bounds = array<i64: 1, 256>}, {pipeline_mode = #tpu.pipeline_mode<synchronous>, transform_indices = @transform_4, window_bounds = array<i64: 16, 256>}, {pipeline_mode = #tpu.pipeline_mode<synchronous>, transform_indices = @transform_5, window_bounds = array<i64: 256, 16>}, {transform_indices = @transform_6, window_bounds = array<i64: 1000, 128>}, {transform_indices = @transform_7, window_bounds = array<i64: 1000, 128>}]} {
    %get3A = arith.constant 0 : index
    %get3A_0 = arith.constant 0 : index
    %get3A_1 = vector.load %arg2[%get3A, %get3A_0] : memref<8000x16xf32, #tpu.memory_space<vmem>>, vector<8000x16xf32>
    %get3A_2 = arith.constant 0 : index
    %get3A_3 = arith.constant 0 : index
    %get3A_4 = vector.load %arg1[%get3A_2, %get3A_3] : memref<1000x128xf32, #tpu.memory_space<vmem>>, vector<1000x128xf32>
    %slice3A = vector.extract_strided_slice %get3A_4 {offsets = [0, 0], sizes = [1000, 16], strides = [1, 1]} : vector<1000x128xf32> to vector<1000x16xf32>
    %slice3A_5 = vector.extract_strided_slice %get3A_4 {offsets = [0, 16], sizes = [1000, 16], strides = [1, 1]} : vector<1000x128xf32> to vector<1000x16xf32>
    %slice3A_6 = vector.extract_strided_slice %get3A_4 {offsets = [0, 32], sizes = [1000, 16], strides = [1, 1]} : vector<1000x128xf32> to vector<1000x16xf32>
    %slice3A_7 = vector.extract_strided_slice %get3A_4 {offsets = [0, 48], sizes = [1000, 16], strides = [1, 1]} : vector<1000x128xf32> to vector<1000x16xf32>
    %slice3A_8 = vector.extract_strided_slice %get3A_4 {offsets = [0, 64], sizes = [1000, 16], strides = [1, 1]} : vector<1000x128xf32> to vector<1000x16xf32>
    %slice3A_9 = vector.extract_strided_slice %get3A_4 {offsets = [0, 80], sizes = [1000, 16], strides = [1, 1]} : vector<1000x128xf32> to vector<1000x16xf32>
    %slice3A_10 = vector.extract_strided_slice %get3A_4 {offsets = [0, 96], sizes = [1000, 16], strides = [1, 1]} : vector<1000x128xf32> to vector<1000x16xf32>
    %slice3A_11 = vector.extract_strided_slice %get3A_4 {offsets = [0, 112], sizes = [1000, 16], strides = [1, 1]} : vector<1000x128xf32> to vector<1000x16xf32>
    %concatenate3A = tpu.concatenate %slice3A, %slice3A_5, %slice3A_6, %slice3A_7, %slice3A_8, %slice3A_9, %slice3A_10, %slice3A_11 in 0 : vector<1000x16xf32>, vector<1000x16xf32>, vector<1000x16xf32>, vector<1000x16xf32>, vector<1000x16xf32>, vector<1000x16xf32>, vector<1000x16xf32>, vector<1000x16xf32> -> vector<8000x16xf32>
    %get3A_12 = arith.constant 0 : index
    %get3A_13 = arith.constant 0 : index
    %get3A_14 = vector.load %arg3[%get3A_12, %get3A_13] : memref<16x256xf32, #tpu.memory_space<vmem>>, vector<16x256xf32>
    %get3A_15 = arith.constant 0 : index
    %get3A_16 = arith.constant 0 : index
    %get3A_17 = vector.load %arg4[%get3A_15, %get3A_16] : memref<1x256xf32, #tpu.memory_space<vmem>>, vector<1x256xf32>
    %get3A_18 = arith.constant 0 : index
    %get3A_19 = arith.constant 0 : index
    %get3A_20 = vector.load %arg5[%get3A_18, %get3A_19] : memref<16x256xf32, #tpu.memory_space<vmem>>, vector<16x256xf32>
    %get3A_21 = arith.constant 0 : index
    %get3A_22 = arith.constant 0 : index
    %get3A_23 = vector.load %arg6[%get3A_21, %get3A_22] : memref<256x16xf32, #tpu.memory_space<vmem>>, vector<256x16xf32>
    %dot_general3A = arith.constant dense<0.000000e+00> : vector<8000x256xf32>
    %dot_general3A_24 = tpu.matmul %get3A_1, %get3A_14, %dot_general3A {dimension_numbers = #tpu.dot_dimension_numbers<[1], [0], [0], [1], [0, 0, 1, 1], [], []>, transpose_lhs_hint = false} : vector<8000x16xf32>, vector<16x256xf32>, vector<8000x256xf32> -> vector<8000x256xf32>
    %add3A = vector.broadcast %get3A_17 : vector<1x256xf32> to vector<8000x256xf32>
    %add3A_25 = arith.addf %dot_general3A_24, %add3A : vector<8000x256xf32>
    %dot_general3A_26 = arith.constant dense<0.000000e+00> : vector<8000x256xf32>
    %dot_general3A_27 = tpu.matmul %concatenate3A, %get3A_20, %dot_general3A_26 {dimension_numbers = #tpu.dot_dimension_numbers<[1], [0], [0], [1], [0, 0, 1, 1], [], []>, transpose_lhs_hint = false} : vector<8000x16xf32>, vector<16x256xf32>, vector<8000x256xf32> -> vector<8000x256xf32>
    %mul3A = arith.mulf %dot_general3A_27, %add3A_25 : vector<8000x256xf32>
    %dot_general3A_28 = arith.constant dense<0.000000e+00> : vector<8000x16xf32>
    %dot_general3A_29 = tpu.matmul %mul3A, %get3A_23, %dot_general3A_28 {dimension_numbers = #tpu.dot_dimension_numbers<[1], [0], [0], [1], [0, 0, 1, 1], [], []>, transpose_lhs_hint = false} : vector<8000x256xf32>, vector<256x16xf32>, vector<8000x16xf32> -> vector<8000x16xf32>
    %slice3A_30 = vector.extract_strided_slice %dot_general3A_29 {offsets = [0, 0], sizes = [1000, 16], strides = [1, 1]} : vector<8000x16xf32> to vector<1000x16xf32>
    %slice3A_31 = vector.extract_strided_slice %dot_general3A_29 {offsets = [1000, 0], sizes = [1000, 16], strides = [1, 1]} : vector<8000x16xf32> to vector<1000x16xf32>
    %slice3A_32 = vector.extract_strided_slice %dot_general3A_29 {offsets = [2000, 0], sizes = [1000, 16], strides = [1, 1]} : vector<8000x16xf32> to vector<1000x16xf32>
    %slice3A_33 = vector.extract_strided_slice %dot_general3A_29 {offsets = [3000, 0], sizes = [1000, 16], strides = [1, 1]} : vector<8000x16xf32> to vector<1000x16xf32>
    %slice3A_34 = vector.extract_strided_slice %dot_general3A_29 {offsets = [4000, 0], sizes = [1000, 16], strides = [1, 1]} : vector<8000x16xf32> to vector<1000x16xf32>
    %slice3A_35 = vector.extract_strided_slice %dot_general3A_29 {offsets = [5000, 0], sizes = [1000, 16], strides = [1, 1]} : vector<8000x16xf32> to vector<1000x16xf32>
    %slice3A_36 = vector.extract_strided_slice %dot_general3A_29 {offsets = [6000, 0], sizes = [1000, 16], strides = [1, 1]} : vector<8000x16xf32> to vector<1000x16xf32>
    %slice3A_37 = vector.extract_strided_slice %dot_general3A_29 {offsets = [7000, 0], sizes = [1000, 16], strides = [1, 1]} : vector<8000x16xf32> to vector<1000x16xf32>
    %concatenate3A_38 = tpu.concatenate %slice3A_30, %slice3A_31, %slice3A_32, %slice3A_33, %slice3A_34, %slice3A_35, %slice3A_36, %slice3A_37 in 1 : vector<1000x16xf32>, vector<1000x16xf32>, vector<1000x16xf32>, vector<1000x16xf32>, vector<1000x16xf32>, vector<1000x16xf32>, vector<1000x16xf32>, vector<1000x16xf32> -> vector<1000x128xf32>
    %swap3A = arith.constant 0 : index
    %swap3A_39 = arith.constant 0 : index
    %swap3A_40 = vector.load %arg7[%swap3A, %swap3A_39] : memref<1000x128xf32, #tpu.memory_space<vmem>>, vector<1000x128xf32>
    tpu.vector_store %arg7[%swap3A, %swap3A_39], %concatenate3A_38 {strides = array<i32>} : memref<1000x128xf32, #tpu.memory_space<vmem>>, vector<1000x128xf32>,
    %slice3A_41 = vector.extract_strided_slice %get3A_1 {offsets = [0, 0], sizes = [1000, 16], strides = [1, 1]} : vector<8000x16xf32> to vector<1000x16xf32>
    %slice3A_42 = vector.extract_strided_slice %get3A_1 {offsets = [1000, 0], sizes = [1000, 16], strides = [1, 1]} : vector<8000x16xf32> to vector<1000x16xf32>
    %slice3A_43 = vector.extract_strided_slice %get3A_1 {offsets = [2000, 0], sizes = [1000, 16], strides = [1, 1]} : vector<8000x16xf32> to vector<1000x16xf32>
    %slice3A_44 = vector.extract_strided_slice %get3A_1 {offsets = [3000, 0], sizes = [1000, 16], strides = [1, 1]} : vector<8000x16xf32> to vector<1000x16xf32>
    %slice3A_45 = vector.extract_strided_slice %get3A_1 {offsets = [4000, 0], sizes = [1000, 16], strides = [1, 1]} : vector<8000x16xf32> to vector<1000x16xf32>
    %slice3A_46 = vector.extract_strided_slice %get3A_1 {offsets = [5000, 0], sizes = [1000, 16], strides = [1, 1]} : vector<8000x16xf32> to vector<1000x16xf32>
    %slice3A_47 = vector.extract_strided_slice %get3A_1 {offsets = [6000, 0], sizes = [1000, 16], strides = [1, 1]} : vector<8000x16xf32> to vector<1000x16xf32>
    %slice3A_48 = vector.extract_strided_slice %get3A_1 {offsets = [7000, 0], sizes = [1000, 16], strides = [1, 1]} : vector<8000x16xf32> to vector<1000x16xf32>
    %concatenate3A_49 = tpu.concatenate %slice3A_41, %slice3A_42, %slice3A_43, %slice3A_44, %slice3A_45, %slice3A_46, %slice3A_47, %slice3A_48 in 1 : vector<1000x16xf32>, vector<1000x16xf32>, vector<1000x16xf32>, vector<1000x16xf32>, vector<1000x16xf32>, vector<1000x16xf32>, vector<1000x16xf32>, vector<1000x16xf32> -> vector<1000x128xf32>
    %swap3A_50 = arith.constant 0 : index
    %swap3A_51 = arith.constant 0 : index
    %swap3A_52 = vector.load %arg8[%swap3A_50, %swap3A_51] : memref<1000x128xf32, #tpu.memory_space<vmem>>, vector<1000x128xf32>
    tpu.vector_store %arg8[%swap3A_50, %swap3A_51], %concatenate3A_49 {strides = array<i32>} : memref<1000x128xf32, #tpu.memory_space<vmem>>, vector<1000x128xf32>,
    return
  }
  func.func @transform_0(%arg0: i32) -> (i32, i32) {
    %c0_i32 = arith.constant 0 : i32
    %c0_i32_0 = arith.constant 0 : i32
    return %arg0, %c0_i32 : i32, i32
  }
  func.func @transform_1(%arg0: i32) -> (i32, i32) {
    %c0_i32 = arith.constant 0 : i32
    %c0_i32_0 = arith.constant 0 : i32
    return %arg0, %c0_i32 : i32, i32
  }
  func.func @transform_2(%arg0: i32) -> (i32, i32) {
    %c0_i32 = arith.constant 0 : i32
    %c0_i32_0 = arith.constant 0 : i32
    %c0_i32_1 = arith.constant 0 : i32
    return %c0_i32, %c0_i32_0 : i32, i32
  }
  func.func @transform_3(%arg0: i32) -> (i32, i32) {
    %c0_i32 = arith.constant 0 : i32
    %c0_i32_0 = arith.constant 0 : i32
    %c0_i32_1 = arith.constant 0 : i32
    return %c0_i32, %c0_i32_0 : i32, i32
  }
  func.func @transform_4(%arg0: i32) -> (i32, i32) {
    %c0_i32 = arith.constant 0 : i32
    %c0_i32_0 = arith.constant 0 : i32
    %c0_i32_1 = arith.constant 0 : i32
    return %c0_i32, %c0_i32_0 : i32, i32
  }
  func.func @transform_5(%arg0: i32) -> (i32, i32) {
    %c0_i32 = arith.constant 0 : i32
    %c0_i32_0 = arith.constant 0 : i32
    %c0_i32_1 = arith.constant 0 : i32
    return %c0_i32, %c0_i32_0 : i32, i32
  }
  func.func @transform_6(%arg0: i32) -> (i32, i32) {
    %c0_i32 = arith.constant 0 : i32
    %c0_i32_0 = arith.constant 0 : i32
    return %arg0, %c0_i32 : i32, i32
  }
  func.func @transform_7(%arg0: i32) -> (i32, i32) {
    %c0_i32 = arith.constant 0 : i32
    %c0_i32_0 = arith.constant 0 : i32
    return %arg0, %c0_i32 : i32, i32
  }
}

module attributes {stable_mosaic.version = 14 : i64} {
  func.func @_gru_body(%arg0: memref<2500x128xf32, #tpu.memory_space<vmem>>, %arg1: memref<1250x128xf32, #tpu.memory_space<vmem>>, %arg2: memref<16x48xf32, #tpu.memory_space<vmem>>, %arg3: memref<16x48xf32, #tpu.memory_space<vmem>>, %arg4: memref<1x48xf32, #tpu.memory_space<vmem>>, %arg5: memref<1x48xf32, #tpu.memory_space<vmem>>, %arg6: memref<1250x128xf32, #tpu.memory_space<vmem>>) attributes {dimension_semantics = [], scalar_prefetch = 0 : i64, scratch_operands = 0 : i64, tpu.core_type = #tpu.core_type<tc>} {
    %get3A = arith.constant 0 : index
    %get3A_0 = arith.constant 0 : index
    %get3A_1 = vector.load %arg0[%get3A, %get3A_0] : memref<2500x128xf32, #tpu.memory_space<vmem>>, vector<1250x128xf32>
    %get3A_2 = arith.constant 1250 : index
    %get3A_3 = arith.constant 0 : index
    %get3A_4 = vector.load %arg0[%get3A_2, %get3A_3] : memref<2500x128xf32, #tpu.memory_space<vmem>>, vector<1250x128xf32>
    %add3A = arith.addf %get3A_1, %get3A_4 : vector<1250x128xf32>
    %slice3A = vector.extract_strided_slice %add3A {offsets = [0, 0], sizes = [1250, 16], strides = [1, 1]} : vector<1250x128xf32> to vector<1250x16xf32>
    %slice3A_5 = vector.extract_strided_slice %add3A {offsets = [0, 16], sizes = [1250, 16], strides = [1, 1]} : vector<1250x128xf32> to vector<1250x16xf32>
    %slice3A_6 = vector.extract_strided_slice %add3A {offsets = [0, 32], sizes = [1250, 16], strides = [1, 1]} : vector<1250x128xf32> to vector<1250x16xf32>
    %slice3A_7 = vector.extract_strided_slice %add3A {offsets = [0, 48], sizes = [1250, 16], strides = [1, 1]} : vector<1250x128xf32> to vector<1250x16xf32>
    %slice3A_8 = vector.extract_strided_slice %add3A {offsets = [0, 64], sizes = [1250, 16], strides = [1, 1]} : vector<1250x128xf32> to vector<1250x16xf32>
    %slice3A_9 = vector.extract_strided_slice %add3A {offsets = [0, 80], sizes = [1250, 16], strides = [1, 1]} : vector<1250x128xf32> to vector<1250x16xf32>
    %slice3A_10 = vector.extract_strided_slice %add3A {offsets = [0, 96], sizes = [1250, 16], strides = [1, 1]} : vector<1250x128xf32> to vector<1250x16xf32>
    %slice3A_11 = vector.extract_strided_slice %add3A {offsets = [0, 112], sizes = [1250, 16], strides = [1, 1]} : vector<1250x128xf32> to vector<1250x16xf32>
    %concatenate3A = tpu.concatenate %slice3A, %slice3A_5, %slice3A_6, %slice3A_7, %slice3A_8, %slice3A_9, %slice3A_10, %slice3A_11 in 0 : vector<1250x16xf32>, vector<1250x16xf32>, vector<1250x16xf32>, vector<1250x16xf32>, vector<1250x16xf32>, vector<1250x16xf32>, vector<1250x16xf32>, vector<1250x16xf32> -> vector<10000x16xf32>
    %get3A_12 = arith.constant 0 : index
    %get3A_13 = arith.constant 0 : index
    %get3A_14 = vector.load %arg1[%get3A_12, %get3A_13] : memref<1250x128xf32, #tpu.memory_space<vmem>>, vector<1250x128xf32>
    %slice3A_15 = vector.extract_strided_slice %get3A_14 {offsets = [0, 0], sizes = [1250, 16], strides = [1, 1]} : vector<1250x128xf32> to vector<1250x16xf32>
    %slice3A_16 = vector.extract_strided_slice %get3A_14 {offsets = [0, 16], sizes = [1250, 16], strides = [1, 1]} : vector<1250x128xf32> to vector<1250x16xf32>
    %slice3A_17 = vector.extract_strided_slice %get3A_14 {offsets = [0, 32], sizes = [1250, 16], strides = [1, 1]} : vector<1250x128xf32> to vector<1250x16xf32>
    %slice3A_18 = vector.extract_strided_slice %get3A_14 {offsets = [0, 48], sizes = [1250, 16], strides = [1, 1]} : vector<1250x128xf32> to vector<1250x16xf32>
    %slice3A_19 = vector.extract_strided_slice %get3A_14 {offsets = [0, 64], sizes = [1250, 16], strides = [1, 1]} : vector<1250x128xf32> to vector<1250x16xf32>
    %slice3A_20 = vector.extract_strided_slice %get3A_14 {offsets = [0, 80], sizes = [1250, 16], strides = [1, 1]} : vector<1250x128xf32> to vector<1250x16xf32>
    %slice3A_21 = vector.extract_strided_slice %get3A_14 {offsets = [0, 96], sizes = [1250, 16], strides = [1, 1]} : vector<1250x128xf32> to vector<1250x16xf32>
    %slice3A_22 = vector.extract_strided_slice %get3A_14 {offsets = [0, 112], sizes = [1250, 16], strides = [1, 1]} : vector<1250x128xf32> to vector<1250x16xf32>
    %concatenate3A_23 = tpu.concatenate %slice3A_15, %slice3A_16, %slice3A_17, %slice3A_18, %slice3A_19, %slice3A_20, %slice3A_21, %slice3A_22 in 0 : vector<1250x16xf32>, vector<1250x16xf32>, vector<1250x16xf32>, vector<1250x16xf32>, vector<1250x16xf32>, vector<1250x16xf32>, vector<1250x16xf32>, vector<1250x16xf32> -> vector<10000x16xf32>
    %get3A_24 = arith.constant 0 : index
    %get3A_25 = arith.constant 0 : index
    %get3A_26 = vector.load %arg2[%get3A_24, %get3A_25] : memref<16x48xf32, #tpu.memory_space<vmem>>, vector<16x48xf32>
    %dot_general3A = arith.constant dense<0.000000e+00> : vector<10000x48xf32>
    %dot_general3A_27 = tpu.matmul %concatenate3A, %get3A_26, %dot_general3A {dimension_numbers = #tpu.dot_dimension_numbers<[1], [0], [0], [1], [0, 0, 1, 1], [], []>, transpose_lhs_hint = false} : vector<10000x16xf32>, vector<16x48xf32>, vector<10000x48xf32> -> vector<10000x48xf32>
    %get3A_28 = arith.constant 0 : index
    %get3A_29 = arith.constant 0 : index
    %get3A_30 = vector.load %arg4[%get3A_28, %get3A_29] : memref<1x48xf32, #tpu.memory_space<vmem>>, vector<1x48xf32>
    %add3A_31 = vector.broadcast %get3A_30 : vector<1x48xf32> to vector<10000x48xf32>
    %add3A_32 = arith.addf %dot_general3A_27, %add3A_31 : vector<10000x48xf32>
    %get3A_33 = arith.constant 0 : index
    %get3A_34 = arith.constant 0 : index
    %get3A_35 = vector.load %arg3[%get3A_33, %get3A_34] : memref<16x48xf32, #tpu.memory_space<vmem>>, vector<16x48xf32>
    %dot_general3A_36 = arith.constant dense<0.000000e+00> : vector<10000x48xf32>
    %dot_general3A_37 = tpu.matmul %concatenate3A_23, %get3A_35, %dot_general3A_36 {dimension_numbers = #tpu.dot_dimension_numbers<[1], [0], [0], [1], [0, 0, 1, 1], [], []>, transpose_lhs_hint = false} : vector<10000x16xf32>, vector<16x48xf32>, vector<10000x48xf32> -> vector<10000x48xf32>
    %get3A_38 = arith.constant 0 : index
    %get3A_39 = arith.constant 0 : index
    %get3A_40 = vector.load %arg5[%get3A_38, %get3A_39] : memref<1x48xf32, #tpu.memory_space<vmem>>, vector<1x48xf32>
    %add3A_41 = vector.broadcast %get3A_40 : vector<1x48xf32> to vector<10000x48xf32>
    %add3A_42 = arith.addf %dot_general3A_37, %add3A_41 : vector<10000x48xf32>
    %slice3A_43 = vector.extract_strided_slice %add3A_32 {offsets = [0, 0], sizes = [10000, 16], strides = [1, 1]} : vector<10000x48xf32> to vector<10000x16xf32>
    %slice3A_44 = vector.extract_strided_slice %add3A_42 {offsets = [0, 0], sizes = [10000, 16], strides = [1, 1]} : vector<10000x48xf32> to vector<10000x16xf32>
    %add3A_45 = arith.addf %slice3A_43, %slice3A_44 : vector<10000x16xf32>
    %logistic3A = arith.negf %add3A_45 : vector<10000x16xf32>
    %logistic3A_46 = math.exp %logistic3A : vector<10000x16xf32>
    %logistic3A_47 = arith.constant 1.000000e+00 : f32
    %logistic3A_48 = vector.broadcast %logistic3A_47 : f32 to vector<10000x16xf32>
    %logistic3A_49 = arith.addf %logistic3A_48, %logistic3A_46 : vector<10000x16xf32>
    %logistic3A_50 = arith.divf %logistic3A_48, %logistic3A_49 : vector<10000x16xf32>
    %slice3A_51 = vector.extract_strided_slice %add3A_32 {offsets = [0, 16], sizes = [10000, 16], strides = [1, 1]} : vector<10000x48xf32> to vector<10000x16xf32>
    %slice3A_52 = vector.extract_strided_slice %add3A_42 {offsets = [0, 16], sizes = [10000, 16], strides = [1, 1]} : vector<10000x48xf32> to vector<10000x16xf32>
    %add3A_53 = arith.addf %slice3A_51, %slice3A_52 : vector<10000x16xf32>
    %logistic3A_54 = arith.negf %add3A_53 : vector<10000x16xf32>
    %logistic3A_55 = math.exp %logistic3A_54 : vector<10000x16xf32>
    %logistic3A_56 = arith.constant 1.000000e+00 : f32
    %logistic3A_57 = vector.broadcast %logistic3A_56 : f32 to vector<10000x16xf32>
    %logistic3A_58 = arith.addf %logistic3A_57, %logistic3A_55 : vector<10000x16xf32>
    %logistic3A_59 = arith.divf %logistic3A_57, %logistic3A_58 : vector<10000x16xf32>
    %slice3A_60 = vector.extract_strided_slice %add3A_32 {offsets = [0, 32], sizes = [10000, 16], strides = [1, 1]} : vector<10000x48xf32> to vector<10000x16xf32>
    %slice3A_61 = vector.extract_strided_slice %add3A_42 {offsets = [0, 32], sizes = [10000, 16], strides = [1, 1]} : vector<10000x48xf32> to vector<10000x16xf32>
    %mul3A = arith.mulf %logistic3A_50, %slice3A_61 : vector<10000x16xf32>
    %add3A_62 = arith.addf %slice3A_60, %mul3A : vector<10000x16xf32>
    %tanh3A = math.tanh %add3A_62 : vector<10000x16xf32>
    %sub3A = arith.constant 1.000000e+00 : f32
    %sub3A_63 = vector.broadcast %sub3A : f32 to vector<10000x16xf32>
    %sub3A_64 = arith.subf %sub3A_63, %logistic3A_59 : vector<10000x16xf32>
    %mul3A_65 = arith.mulf %sub3A_64, %tanh3A : vector<10000x16xf32>
    %mul3A_66 = arith.mulf %logistic3A_59, %concatenate3A_23 : vector<10000x16xf32>
    %add3A_67 = arith.addf %mul3A_65, %mul3A_66 : vector<10000x16xf32>
    %slice3A_68 = vector.extract_strided_slice %add3A_67 {offsets = [0, 0], sizes = [1250, 16], strides = [1, 1]} : vector<10000x16xf32> to vector<1250x16xf32>
    %slice3A_69 = vector.extract_strided_slice %add3A_67 {offsets = [1250, 0], sizes = [1250, 16], strides = [1, 1]} : vector<10000x16xf32> to vector<1250x16xf32>
    %slice3A_70 = vector.extract_strided_slice %add3A_67 {offsets = [2500, 0], sizes = [1250, 16], strides = [1, 1]} : vector<10000x16xf32> to vector<1250x16xf32>
    %slice3A_71 = vector.extract_strided_slice %add3A_67 {offsets = [3750, 0], sizes = [1250, 16], strides = [1, 1]} : vector<10000x16xf32> to vector<1250x16xf32>
    %slice3A_72 = vector.extract_strided_slice %add3A_67 {offsets = [5000, 0], sizes = [1250, 16], strides = [1, 1]} : vector<10000x16xf32> to vector<1250x16xf32>
    %slice3A_73 = vector.extract_strided_slice %add3A_67 {offsets = [6250, 0], sizes = [1250, 16], strides = [1, 1]} : vector<10000x16xf32> to vector<1250x16xf32>
    %slice3A_74 = vector.extract_strided_slice %add3A_67 {offsets = [7500, 0], sizes = [1250, 16], strides = [1, 1]} : vector<10000x16xf32> to vector<1250x16xf32>
    %slice3A_75 = vector.extract_strided_slice %add3A_67 {offsets = [8750, 0], sizes = [1250, 16], strides = [1, 1]} : vector<10000x16xf32> to vector<1250x16xf32>
    %concatenate3A_76 = tpu.concatenate %slice3A_68, %slice3A_69, %slice3A_70, %slice3A_71, %slice3A_72, %slice3A_73, %slice3A_74, %slice3A_75 in 1 : vector<1250x16xf32>, vector<1250x16xf32>, vector<1250x16xf32>, vector<1250x16xf32>, vector<1250x16xf32>, vector<1250x16xf32>, vector<1250x16xf32>, vector<1250x16xf32> -> vector<1250x128xf32>
    %swap3A = arith.constant 0 : index
    %swap3A_77 = arith.constant 0 : index
    %swap3A_78 = vector.load %arg6[%swap3A, %swap3A_77] : memref<1250x128xf32, #tpu.memory_space<vmem>>, vector<1250x128xf32>
    tpu.vector_store %arg6[%swap3A, %swap3A_77], %concatenate3A_76 {strides = array<i32>} : memref<1250x128xf32, #tpu.memory_space<vmem>>, vector<1250x128xf32>,
    return
  }
}

module attributes {stable_mosaic.version = 14 : i64} {
  func.func @_msg2_body(%arg0: i32, %arg1: memref<1000x128xf32, #tpu.memory_space<vmem>>, %arg2: memref<1000x128xf32, #tpu.memory_space<vmem>>, %arg3: memref<16x256xf32, #tpu.memory_space<vmem>>, %arg4: memref<1x256xf32, #tpu.memory_space<vmem>>, %arg5: memref<16x256xf32, #tpu.memory_space<vmem>>, %arg6: memref<256x16xf32, #tpu.memory_space<vmem>>, %arg7: memref<1000x128xf32, #tpu.memory_space<vmem>>) attributes {dimension_semantics = [#tpu.dimension_semantics<arbitrary>], iteration_bounds = array<i64: 40>, scalar_prefetch = 0 : i64, scratch_operands = 0 : i64, tpu.core_type = #tpu.core_type<tc>, window_params = [{transform_indices = @transform_0, window_bounds = array<i64: 1000, 128>}, {transform_indices = @transform_1, window_bounds = array<i64: 1000, 128>}, {pipeline_mode = #tpu.pipeline_mode<synchronous>, transform_indices = @transform_2, window_bounds = array<i64: 16, 256>}, {pipeline_mode = #tpu.pipeline_mode<synchronous>, transform_indices = @transform_3, window_bounds = array<i64: 1, 256>}, {pipeline_mode = #tpu.pipeline_mode<synchronous>, transform_indices = @transform_4, window_bounds = array<i64: 16, 256>}, {pipeline_mode = #tpu.pipeline_mode<synchronous>, transform_indices = @transform_5, window_bounds = array<i64: 256, 16>}, {transform_indices = @transform_6, window_bounds = array<i64: 1000, 128>}]} {
    %get3A = arith.constant 0 : index
    %get3A_0 = arith.constant 0 : index
    %get3A_1 = vector.load %arg2[%get3A, %get3A_0] : memref<1000x128xf32, #tpu.memory_space<vmem>>, vector<1000x128xf32>
    %slice3A = vector.extract_strided_slice %get3A_1 {offsets = [0, 0], sizes = [1000, 16], strides = [1, 1]} : vector<1000x128xf32> to vector<1000x16xf32>
    %slice3A_2 = vector.extract_strided_slice %get3A_1 {offsets = [0, 16], sizes = [1000, 16], strides = [1, 1]} : vector<1000x128xf32> to vector<1000x16xf32>
    %slice3A_3 = vector.extract_strided_slice %get3A_1 {offsets = [0, 32], sizes = [1000, 16], strides = [1, 1]} : vector<1000x128xf32> to vector<1000x16xf32>
    %slice3A_4 = vector.extract_strided_slice %get3A_1 {offsets = [0, 48], sizes = [1000, 16], strides = [1, 1]} : vector<1000x128xf32> to vector<1000x16xf32>
    %slice3A_5 = vector.extract_strided_slice %get3A_1 {offsets = [0, 64], sizes = [1000, 16], strides = [1, 1]} : vector<1000x128xf32> to vector<1000x16xf32>
    %slice3A_6 = vector.extract_strided_slice %get3A_1 {offsets = [0, 80], sizes = [1000, 16], strides = [1, 1]} : vector<1000x128xf32> to vector<1000x16xf32>
    %slice3A_7 = vector.extract_strided_slice %get3A_1 {offsets = [0, 96], sizes = [1000, 16], strides = [1, 1]} : vector<1000x128xf32> to vector<1000x16xf32>
    %slice3A_8 = vector.extract_strided_slice %get3A_1 {offsets = [0, 112], sizes = [1000, 16], strides = [1, 1]} : vector<1000x128xf32> to vector<1000x16xf32>
    %concatenate3A = tpu.concatenate %slice3A, %slice3A_2, %slice3A_3, %slice3A_4, %slice3A_5, %slice3A_6, %slice3A_7, %slice3A_8 in 0 : vector<1000x16xf32>, vector<1000x16xf32>, vector<1000x16xf32>, vector<1000x16xf32>, vector<1000x16xf32>, vector<1000x16xf32>, vector<1000x16xf32>, vector<1000x16xf32> -> vector<8000x16xf32>
    %get3A_9 = arith.constant 0 : index
    %get3A_10 = arith.constant 0 : index
    %get3A_11 = vector.load %arg1[%get3A_9, %get3A_10] : memref<1000x128xf32, #tpu.memory_space<vmem>>, vector<1000x128xf32>
    %slice3A_12 = vector.extract_strided_slice %get3A_11 {offsets = [0, 0], sizes = [1000, 16], strides = [1, 1]} : vector<1000x128xf32> to vector<1000x16xf32>
    %slice3A_13 = vector.extract_strided_slice %get3A_11 {offsets = [0, 16], sizes = [1000, 16], strides = [1, 1]} : vector<1000x128xf32> to vector<1000x16xf32>
    %slice3A_14 = vector.extract_strided_slice %get3A_11 {offsets = [0, 32], sizes = [1000, 16], strides = [1, 1]} : vector<1000x128xf32> to vector<1000x16xf32>
    %slice3A_15 = vector.extract_strided_slice %get3A_11 {offsets = [0, 48], sizes = [1000, 16], strides = [1, 1]} : vector<1000x128xf32> to vector<1000x16xf32>
    %slice3A_16 = vector.extract_strided_slice %get3A_11 {offsets = [0, 64], sizes = [1000, 16], strides = [1, 1]} : vector<1000x128xf32> to vector<1000x16xf32>
    %slice3A_17 = vector.extract_strided_slice %get3A_11 {offsets = [0, 80], sizes = [1000, 16], strides = [1, 1]} : vector<1000x128xf32> to vector<1000x16xf32>
    %slice3A_18 = vector.extract_strided_slice %get3A_11 {offsets = [0, 96], sizes = [1000, 16], strides = [1, 1]} : vector<1000x128xf32> to vector<1000x16xf32>
    %slice3A_19 = vector.extract_strided_slice %get3A_11 {offsets = [0, 112], sizes = [1000, 16], strides = [1, 1]} : vector<1000x128xf32> to vector<1000x16xf32>
    %concatenate3A_20 = tpu.concatenate %slice3A_12, %slice3A_13, %slice3A_14, %slice3A_15, %slice3A_16, %slice3A_17, %slice3A_18, %slice3A_19 in 0 : vector<1000x16xf32>, vector<1000x16xf32>, vector<1000x16xf32>, vector<1000x16xf32>, vector<1000x16xf32>, vector<1000x16xf32>, vector<1000x16xf32>, vector<1000x16xf32> -> vector<8000x16xf32>
    %get3A_21 = arith.constant 0 : index
    %get3A_22 = arith.constant 0 : index
    %get3A_23 = vector.load %arg3[%get3A_21, %get3A_22] : memref<16x256xf32, #tpu.memory_space<vmem>>, vector<16x256xf32>
    %get3A_24 = arith.constant 0 : index
    %get3A_25 = arith.constant 0 : index
    %get3A_26 = vector.load %arg4[%get3A_24, %get3A_25] : memref<1x256xf32, #tpu.memory_space<vmem>>, vector<1x256xf32>
    %get3A_27 = arith.constant 0 : index
    %get3A_28 = arith.constant 0 : index
    %get3A_29 = vector.load %arg5[%get3A_27, %get3A_28] : memref<16x256xf32, #tpu.memory_space<vmem>>, vector<16x256xf32>
    %get3A_30 = arith.constant 0 : index
    %get3A_31 = arith.constant 0 : index
    %get3A_32 = vector.load %arg6[%get3A_30, %get3A_31] : memref<256x16xf32, #tpu.memory_space<vmem>>, vector<256x16xf32>
    %dot_general3A = arith.constant dense<0.000000e+00> : vector<8000x256xf32>
    %dot_general3A_33 = tpu.matmul %concatenate3A, %get3A_23, %dot_general3A {dimension_numbers = #tpu.dot_dimension_numbers<[1], [0], [0], [1], [0, 0, 1, 1], [], []>, transpose_lhs_hint = false} : vector<8000x16xf32>, vector<16x256xf32>, vector<8000x256xf32> -> vector<8000x256xf32>
    %add3A = vector.broadcast %get3A_26 : vector<1x256xf32> to vector<8000x256xf32>
    %add3A_34 = arith.addf %dot_general3A_33, %add3A : vector<8000x256xf32>
    %dot_general3A_35 = arith.constant dense<0.000000e+00> : vector<8000x256xf32>
    %dot_general3A_36 = tpu.matmul %concatenate3A_20, %get3A_29, %dot_general3A_35 {dimension_numbers = #tpu.dot_dimension_numbers<[1], [0], [0], [1], [0, 0, 1, 1], [], []>, transpose_lhs_hint = false} : vector<8000x16xf32>, vector<16x256xf32>, vector<8000x256xf32> -> vector<8000x256xf32>
    %mul3A = arith.mulf %dot_general3A_36, %add3A_34 : vector<8000x256xf32>
    %dot_general3A_37 = arith.constant dense<0.000000e+00> : vector<8000x16xf32>
    %dot_general3A_38 = tpu.matmul %mul3A, %get3A_32, %dot_general3A_37 {dimension_numbers = #tpu.dot_dimension_numbers<[1], [0], [0], [1], [0, 0, 1, 1], [], []>, transpose_lhs_hint = false} : vector<8000x256xf32>, vector<256x16xf32>, vector<8000x16xf32> -> vector<8000x16xf32>
    %slice3A_39 = vector.extract_strided_slice %dot_general3A_38 {offsets = [0, 0], sizes = [1000, 16], strides = [1, 1]} : vector<8000x16xf32> to vector<1000x16xf32>
    %slice3A_40 = vector.extract_strided_slice %dot_general3A_38 {offsets = [1000, 0], sizes = [1000, 16], strides = [1, 1]} : vector<8000x16xf32> to vector<1000x16xf32>
    %slice3A_41 = vector.extract_strided_slice %dot_general3A_38 {offsets = [2000, 0], sizes = [1000, 16], strides = [1, 1]} : vector<8000x16xf32> to vector<1000x16xf32>
    %slice3A_42 = vector.extract_strided_slice %dot_general3A_38 {offsets = [3000, 0], sizes = [1000, 16], strides = [1, 1]} : vector<8000x16xf32> to vector<1000x16xf32>
    %slice3A_43 = vector.extract_strided_slice %dot_general3A_38 {offsets = [4000, 0], sizes = [1000, 16], strides = [1, 1]} : vector<8000x16xf32> to vector<1000x16xf32>
    %slice3A_44 = vector.extract_strided_slice %dot_general3A_38 {offsets = [5000, 0], sizes = [1000, 16], strides = [1, 1]} : vector<8000x16xf32> to vector<1000x16xf32>
    %slice3A_45 = vector.extract_strided_slice %dot_general3A_38 {offsets = [6000, 0], sizes = [1000, 16], strides = [1, 1]} : vector<8000x16xf32> to vector<1000x16xf32>
    %slice3A_46 = vector.extract_strided_slice %dot_general3A_38 {offsets = [7000, 0], sizes = [1000, 16], strides = [1, 1]} : vector<8000x16xf32> to vector<1000x16xf32>
    %concatenate3A_47 = tpu.concatenate %slice3A_39, %slice3A_40, %slice3A_41, %slice3A_42, %slice3A_43, %slice3A_44, %slice3A_45, %slice3A_46 in 1 : vector<1000x16xf32>, vector<1000x16xf32>, vector<1000x16xf32>, vector<1000x16xf32>, vector<1000x16xf32>, vector<1000x16xf32>, vector<1000x16xf32>, vector<1000x16xf32> -> vector<1000x128xf32>
    %swap3A = arith.constant 0 : index
    %swap3A_48 = arith.constant 0 : index
    %swap3A_49 = vector.load %arg7[%swap3A, %swap3A_48] : memref<1000x128xf32, #tpu.memory_space<vmem>>, vector<1000x128xf32>
    tpu.vector_store %arg7[%swap3A, %swap3A_48], %concatenate3A_47 {strides = array<i32>} : memref<1000x128xf32, #tpu.memory_space<vmem>>, vector<1000x128xf32>,
    return
  }
  func.func @transform_0(%arg0: i32) -> (i32, i32) {
    %c0_i32 = arith.constant 0 : i32
    %c0_i32_0 = arith.constant 0 : i32
    return %arg0, %c0_i32 : i32, i32
  }
  func.func @transform_1(%arg0: i32) -> (i32, i32) {
    %c0_i32 = arith.constant 0 : i32
    %c0_i32_0 = arith.constant 0 : i32
    return %arg0, %c0_i32 : i32, i32
  }
  func.func @transform_2(%arg0: i32) -> (i32, i32) {
    %c0_i32 = arith.constant 0 : i32
    %c0_i32_0 = arith.constant 0 : i32
    %c0_i32_1 = arith.constant 0 : i32
    return %c0_i32, %c0_i32_0 : i32, i32
  }
  func.func @transform_3(%arg0: i32) -> (i32, i32) {
    %c0_i32 = arith.constant 0 : i32
    %c0_i32_0 = arith.constant 0 : i32
    %c0_i32_1 = arith.constant 0 : i32
    return %c0_i32, %c0_i32_0 : i32, i32
  }
  func.func @transform_4(%arg0: i32) -> (i32, i32) {
    %c0_i32 = arith.constant 0 : i32
    %c0_i32_0 = arith.constant 0 : i32
    %c0_i32_1 = arith.constant 0 : i32
    return %c0_i32, %c0_i32_0 : i32, i32
  }
  func.func @transform_5(%arg0: i32) -> (i32, i32) {
    %c0_i32 = arith.constant 0 : i32
    %c0_i32_0 = arith.constant 0 : i32
    %c0_i32_1 = arith.constant 0 : i32
    return %c0_i32, %c0_i32_0 : i32, i32
  }
  func.func @transform_6(%arg0: i32) -> (i32, i32) {
    %c0_i32 = arith.constant 0 : i32
    %c0_i32_0 = arith.constant 0 : i32
    return %arg0, %c0_i32 : i32, i32
  }
}

</mosaic_0001>

<sc_bundles>
// kernel: kernel.10.cloned.1.call-start
scs
__scs_entry_jumppad:
0x0: {  	(pc) =	sbr.rel $0x88, $3  }
0x1: {  	(tag) =	ssettag $0x0;
	lr =	simm.s32 $0x1  }
0x2: {  	[smem:$0x3F98] =	sst lr;
	_ =	strace $0xD0000000  }
0x3: {  	_ = 	snop  }
0x4: {  	_ = 	snop  }
0x5: {  	_ = 	snop  }
0x6: {  	_ = 	snop  }
0x7: {  	_ = 	snop  }
__scs_overlays_trampoline_lowered:
0x8: {  	[smem:$0x3FA7] =	sst s0  }
0x9: {  	[smem:$0x3FA8] =	sst s1  }
0xa: {  	[smem:$0x3FA9] =	sst s2  }
0xb: {  	[smem:$0x3FAA] =	sst s3  }
0xc: {  	[smem:$0x3FAB] =	sst s4  }
0xd: {  	[smem:$0x3FAC] =	sst s5  }
0xe: {  	[smem:$0x3FAD] =	sst s6  }
0xf: {  	[smem:$0x3FAE] =	sst s7  }
0x10: {  	[smem:$0x3FAF] =	sst s8  }
0x11: {  	[smem:$0x3FB0] =	sst s9;
	s0 =	simm.s32 @!p0 $0x0  }
0x12: {  	s1 =	sld [smem:$0x3F96];
	s0 =	simm.s32 @p0 $0x1  }
0x13: {  	[smem:$0x3FB1] =	sst s0;
	s0 =	simm.s32 @!p1 $0x0  }
0x14: {  	s2 =	sld [smem:$0x3F95];
	s0 =	simm.s32 @p1 $0x1  }
0x15: {  	[smem:$0x3FB2] =	sst s0;
	s0 =	simm.s32 @!p2 $0x0  }
0x16: {  	s3 =	sld [smem:$0x3FDB];
	s0 =	simm.s32 @p2 $0x1  }
0x17: {  	s4 =	simm.s32 $0x1BF5;
	[smem:$0x3FB4] =	sst s0  }
0x18: {  	s0 =	sld [smem:$0x3F97];
	_ =	swait.ge [sflag:s4], $0x0  }
0x19: {  	s7 =	sld [smem:$0x3F98]  }
0x1a: {  	s8 =	sadd.s32 $0xFFFFE003, lr  }
0x1b: {  	s9 =	sadd.s32 $0xFFFFFEF7, lr;
	s5 =	simm.s32 $0xFFFFFFFF;
	p2 =	slt.u32 s8, $0xFFFFF086  }
0x1c: {  	p1 =	slt.u32 s9, $0xF7A;
	s5 =	simm.s32 @!p2 $0x0  }
0x1d: {  	s5 =	simm.s32 @p1 $0x1;
	p0 =	seq.s32 s7, s2  }
0x1e: {  	s7 =	smul.u32 @!p0 $0xF7A, s2;
	p2 =	seq.s32 @!p0 s5, $0x0  }
0x1f: {  	s9 =	smul.u32 $0xF7A, s1;
	s8 =	simm.s32 @!p0 $0x1BF5;
	p2 =	por !p2, p0  }
0x20: {  	[sflag:s8] =	ssyncset.s32 @!p0 $0xFFFFF086;
	s6 =	sadd.s32 @!p0 s3, s7;
	s7 =	simm.s32 @!p0 $0x108  }
0x21: {  	s3 =	sadd.s32 s3, s9;
	s6 =	sadd.s32 @!p0 $0x88, s6;
	s7 =	simm.s32 @p2 $0x1082  }
0x22: {  	[simem:s7], [sflag:s8] =	dma.local @!p0 [hbm:s6], $0xF7A  }
0x23: {  	s9 =	sor.u32 $0xD0000000, s2;
	s6 =	simm.s32 $0x108;
	_ =	swait.ge @!p0 [sflag:s8], $0x0  }
0x24: {  	s3 =	sadd.s32 $0x88, s3;
	s6 =	simm.s32 @!p1 $0x1082;
	[sflag:s4] =	ssyncset.s32 $0xFFFFF086  }
0x25: {  	[simem:s6], [sflag:s4] =	dma.local [hbm:s3], $0xF7A  }
0x26: {  	[smem:$0x3F98] =	sst s1;
	(tag) =	ssettag s2;
	_ =	strace s9  }
0x27: {  	s1 =	sld [smem:$0x3FA8]  }
0x28: {  	s2 =	sld [smem:$0x3FA9]  }
0x29: {  	s4 =	sld [smem:$0x3FAB]  }
0x2a: {  	p0 =	seq.s32 s5, $0x0;
	s5 =	sld [smem:$0x3FAC]  }
0x2b: {  	s6 =	sld [smem:$0x3FAD]  }
0x2c: {  	s7 =	sld [smem:$0x3FAE]  }
0x2d: {  	s3 =	simm.s32 $0x108;
	s8 =	sld [smem:$0x3FAF]  }
0x2e: {  	s3 =	simm.s32 @!p0 $0x1082;
	s9 =	sld [smem:$0x3FB0]  }
0x2f: {  	lr =	sadd.s32 s0, s3;
	s0 =	sld [smem:$0x3FA7]  }
0x30: {  	s3 =	sld [smem:$0x3FAA]  }
0x31: {  	[smem:$0x3FB3] =	sst s10  }
0x32: {  	s10 =	sld [smem:$0x3FB1];
	_ =	sdelay $0x3  }
0x33: {  	p0 =	seq.s32 s10, $0x1;
	s10 =	sld [smem:$0x3FB3];
	_ =	sdelay $0x3  }
0x34: {  	[smem:$0x3FB3] =	sst s10  }
0x35: {  	s10 =	sld [smem:$0x3FB2];
	_ =	sdelay $0x3  }
0x36: {  	p1 =	seq.s32 s10, $0x1;
	s10 =	sld [smem:$0x3FB3];
	_ =	sdelay $0x3  }
0x37: {  	[smem:$0x3FB3] =	sst s10  }
0x38: {  	s10 =	sld [smem:$0x3FB4]  }
0x39: {  	_ = 	snop;
	(pc) =	sbr.ind lr, $3  }
0x3a: {  	_ = 	snop  }
0x3b: {  	_ = 	snop  }
0x3c: {  	p2 =	seq.s32 s10, $0x1;
	s10 =	sld [smem:$0x3FB3]  }
0x3d: {  	_ =	shalt  }
0x3e: {  	_ =	shalt  }
0x3f: {  	_ =	shalt  }
0x40: {  	_ =	shalt  }
0x41: {  	_ =	shalt  }
0x42: {  	_ =	shalt  }
0x43: {  	_ =	shalt  }
0x44: {  	_ =	shalt  }
0x45: {  	_ =	shalt  }
0x46: {  	_ =	shalt  }
0x47: {  	_ =	shalt  }
0x48: {  	_ =	shalt  }
0x49: {  	_ =	shalt  }
0x4a: {  	_ =	shalt  }
0x4b: {  	_ =	shalt  }
0x4c: {  	_ =	shalt  }
0x4d: {  	_ =	shalt  }
0x4e: {  	_ =	shalt  }
0x4f: {  	_ =	shalt  }
0x50: {  	_ =	shalt  }
0x51: {  	_ =	shalt  }
0x52: {  	_ =	shalt  }
0x53: {  	_ =	shalt  }
0x54: {  	_ =	shalt  }
0x55: {  	_ =	shalt  }
0x56: {  	_ =	shalt  }
0x57: {  	_ =	shalt  }
0x58: {  	_ =	shalt  }
0x59: {  	_ =	shalt  }
0x5a: {  	_ =	shalt  }
0x5b: {  	_ =	shalt  }
0x5c: {  	_ =	shalt  }
0x5d: {  	_ =	shalt  }
0x5e: {  	_ =	shalt  }
0x5f: {  	_ =	shalt  }
0x60: {  	_ =	shalt  }
0x61: {  	_ =	shalt  }
0x62: {  	_ =	shalt  }
0x63: {  	_ =	shalt  }
0x64: {  	_ =	shalt  }
0x65: {  	_ =	shalt  }
0x66: {  	_ =	shalt  }
0x67: {  	_ =	shalt  }
0x68: {  	_ =	shalt  }
0x69: {  	_ =	shalt  }
0x6a: {  	_ =	shalt  }
0x6b: {  	_ =	shalt  }
0x6c: {  	_ =	shalt  }
0x6d: {  	_ =	shalt  }
0x6e: {  	_ =	shalt  }
0x6f: {  	_ =	shalt  }
0x70: {  	_ =	shalt  }
0x71: {  	_ =	shalt  }
0x72: {  	_ =	shalt  }
0x73: {  	_ =	shalt  }
0x74: {  	_ =	shalt  }
0x75: {  	_ =	shalt  }
0x76: {  	_ =	shalt  }
0x77: {  	_ =	shalt  }
0x78: {  	_ =	shalt  }
0x79: {  	_ =	shalt  }
0x7a: {  	_ =	shalt  }
0x7b: {  	_ =	shalt  }
0x7c: {  	_ =	shalt  }
0x7d: {  	_ =	shalt  }
0x7e: {  	_ =	shalt  }
0x7f: {  	_ =	shalt  }
0x80: {  	_ =	shalt  }
0x81: {  	_ =	shalt  }
0x82: {  	_ =	shalt  }
0x83: {  	_ =	shalt  }
0x84: {  	_ =	shalt  }
0x85: {  	_ =	shalt  }
0x86: {  	_ =	shalt  }
0x87: {  	_ =	shalt  }
.Lfunc_end0:
.L_simem_size_0:
called_computation_lowered:
.L_overlay_start_0:
0x88: {  	s2 =	sld [smem:$0x3FD9]  }
0x89: {  	s3 =	sld [smem:$0x3FFE];
	_ =	sdelay $0x1  }
0x8a: {  	s1 =	srdreg.scid  }
0x8b: {  	s0 =	sand.u32 $0x1, s1  }
0x8c: {  	s17 =	sshll.u32 s0, $0xA;
	s2 =	sadd.s32 s3, s2  }
0x8d: {  	s2 =	sadd.s32 s2, s17  }
0x8e: {  	[smem:$0x3FBF] =	sst s2  }
0x8f: {  	_ = 	snop  }
0x90: {  	s2 =	sld [smem:$0x3FD0];
	(tm) =	ssettm $0x1  }
0x91: {  	s18 =	sld [smem:$0x3FFB];
	_ =	sdelay $0x3  }
0x92: {  	_ =	strace s18  }
0x93: {  	s3 =	sld [smem:$0x3FFC];
	_ =	sdelay $0x3  }
0x94: {  	_ =	strace s3  }
0x95: {  	s3 =	sld [smem:$0x3FFD];
	_ =	sdelay $0x3  }
0x96: {  	_ =	strace s3  }
0x97: {  	_ =	strace $0x8FFFFFFF  }
0x98: {  	s19 =	sld [smem:$0x3FDB];
	_ =	sdelay $0x1  }
0x99: {  	s4 =	simm.s32 $_scs_section_size  }
0x9a: {  	s5 =	simm.s32 $_size__tile_overlayer_lowered;
	s6 =	simm.s32 $_tile_overlayer_lowered  }
0x9b: {  	s22 =	simm.s32 $0x1BFF;
	s21 =	sshll.u32 s6, $0x1;
	s3 =	sadd.s32 s4, s19  }
0x9c: {  	s7 =	simm.s32 $0x0;
	s20 =	sshll.u32 s5, $0x1;
	s5 =	sadd.s32 s21, s3  }
0x9d: {  	[timem:s7], [sflag:s22] =	dma.local [hbm:s5], s20  }
0x9e: {  	_ =	swait.ge [sflag:s22], s20  }
0x9f: {  	s4 =	ssub.s32 $0x0, s20;
	[sflag:s22] =	ssyncset.done $0x0  }
0xa0: {  	[sflag:s22] =	ssyncadd.s32 s4;
	_ =	sdelay $0x1  }
0xa1: {  	s23 =	simm.s32 $0x1B8B  }
0xa2: {  	_ =	swait.ge [sflag:s23], $0x1  }
0xa3: {  	[sflag:s23] =	ssyncset.done $0x0  }
0xa4: {  	s25 =	simm.s32 $0x1B8E;
	s24 =	sld [smem:$0x3FFE];
	[sflag:s23] =	ssyncadd.s32 $0xFFFFFFFF  }
0xa5: {  	s26 =	simm.s32 $execute0_lowered;
	[smem:$0x3FD2] =	sst s25  }
0xa6: {  	s5 =	sshll.u32 s26, $0x1;
	_ =	strace $0x80000046;
	[dreg:$0x1] =	wrdreg $0xFFFFFFFF  }
0xa7: {  	s28 =	simm.s32 $_size_execute0_lowered;
	s3 =	sadd.s32 s3, s5;
	[dreg:$0x0] =	wrdreg $0x0  }
0xa8: {  	s5 =	sshll.u32 s28, $0x1;
	[dreg:$0x2] =	wrdreg s3  }
0xa9: {  	[dreg:$0x3] =	wrdreg s5  }
0xaa: {  	[dreg:$0x4] =	wrdreg $0xC0  }
0xab: {  	_ =	task [dreg:s7], $0x5FFFF  }
0xac: {  	[dreg:$0x1] =	wrdreg $0xFFFFFFFF  }
0xad: {  	[dreg:$0x0] =	wrdreg $0x60  }
0xae: {  	[dreg:$0x2] =	wrdreg s2  }
0xaf: {  	[dreg:$0x3] =	wrdreg s24  }
0xb0: {  	[dreg:$0x4] =	wrdreg $0x9  }
0xb1: {  	_ =	task.clear_ibuf [dreg:s7], $0x5FFFF;
	_ =	strace $0x90000046  }
0xb2: {  	s29 =	simm.s32 $0x9;
	_ =	strace $0x80000048  }
0xb3: {  	_ =	swait.ge [sflag:s29], $0x1  }
0xb4: {  	[sflag:s29] =	ssyncadd.s32 $0xFFFFFFFF  }
0xb5: {  	_ =	strace $0x90000048  }
0xb6: {  	_ =	sfence  }
0xb7: {  	s30 =	sld [smem:$0x0];
	_ =	sdelay $0x2  }
0xb8: {  	s31 =	sshll.u32 s1, $0xD;
	s1 =	sshrl.u32 s1, $0x2  }
0xb9: {  	s3 =	sand.u32 $0x4000, s31;
	s1 =	sadd.s32 s1, s30  }
0xba: {  	s0 =	sor.u32 s3, s0;
	s1 =	sshll.u32 s1, $0x11  }
0xbb: {  	s0 =	sor.u32 s1, s0  }
0xbc: {  	s0 =	sadd.s32 $0x8F2B, s0  }
0xbd: {  	[sflag:s0] =	ssyncadd.remote.s32 $0x1  }
0xbe: {  	_ =	sfence.sel $0xFFFF  }
0xbf: {  	[dreg:$0x0] =	wrdreg $0xFFFFFFFF;
	(pc) =	sbr.abs _section_cstart, $3  }
0xc0: {  	[dreg:$0x1] =	wrdreg $0xFFFFFFFF  }
0xc1: {  	_ =	task.clear_ibuf [dreg:s7], $0x2FFFF;
	_ =	strace $0x9FFFFFFF  }
0xc2: {  	(tm) =	ssettm $0x7FFFFFFF  }
0xc3: {  	_ =	shalt  }
tec
execute0_lowered:
.L_overlay_start_1:
0x0: {  	(tag) =	ssettag $0x1  }
0x1: {  	s0 =	srdreg.scid  }
0x2: {  	s19 =	sand.u32 $0x1, s0  }
0x3: {  	s0 =	stileid.u32;
	s1 =	sshll.u32 s19, $0x4  }
0x4: {  	s10 =	sor.u32 s0, s1  }
0x5: {  	s2 =	rddreg [dreg:$0x0];
	s4 =	smul.u32 $0x4E2, s10  }
0x6: {  	s9 =	rddreg [dreg:$0x1];
	s3 =	simm.s32 $0x0  }
0x7: {  	s5 =	simm.s32 $0x4;
	[smem:$0x7FF] =	sst s3;
	s4 =	sadd.s32 s4, s9  }
0x8: {  	s1 =	rddreg [dreg:$0x2];
	_ =	strace $0x80000047;
	s4 =	sadd.s32 $0x2A400, s4  }
0x9: {  	[tilespmem:s3], [sflag:$0x4] =	stream.linear.gather [hbm4b:s4+s3], $0x2710, $0x38;
	[tilespmem:$0x12110] =	vst v63  }
0xa: {  	_ =	swait.ge [sflag:s5], $0x2710  }
0xb: {  	s6 =	simm.s32 $0x7D0;
	[sflag:s5] =	ssyncset.done $0x0  }
0xc: {  	s7 =	simm.s32 $0x2710;
	s8 =	simm.s32 $0x1;
	[sflag:s5] =	ssyncadd.s32 $0xFFFFD8F0  }
0xd: {  	[tilespmem:s7], [sflag:$0x1] =	stream.indirect.gather [hbm4b:s2+s6], $0x10, s3, s6, $0xb8;
	[tilespmem:$0x12110] =	vst v63  }
0xe: {  	s11 =	smul.u32 $0x4E20, s10;
	_ =	swait.ge [sflag:s8], $0x7D00  }
0xf: {  	s12 =	sadd.s32 $0x34200, s9;
	[sflag:s8] =	ssyncset.done $0x0  }
0x10: {  	s9 =	sadd.s32 s12, s11;
	[sflag:s8] =	ssyncadd.s32 $0xFFFF8300  }
0x11: {  	[hbm4b:s9+s3] =	stream.linear.scatter [tilespmem:s7], [sflag:$0x2], $0x7D00, $0x38;
	[tilespmem:$0x12110] =	vst v63  }
0x12: {  	s30 =	smul.u32 $0x27100, s10;
	s10 =	simm.s32 $0xA410  }
0x13: {  	[tilespmem:s10], [sflag:$0x1] =	stream.indirect.gather [hbm4b:s2+s6], $0x10, s6, s6, $0xb8;
	[tilespmem:$0x12110] =	vst v63  }
0x14: {  	s11 =	sshrl.u32 s30, $0x3;
	_ =	swait.ge [sflag:s8], $0x7D00  }
0x15: {  	s20 =	sadd.s32 s12, s11;
	[sflag:s8] =	ssyncset.done $0x0  }
0x16: {  	s12 =	simm.s32 $0x2;
	s11 =	sadd.s32 $0xFA0, s20;
	[sflag:s8] =	ssyncadd.s32 $0xFFFF8300  }
0x17: {  	[hbm4b:s11+s3] =	stream.linear.scatter [tilespmem:s10], [sflag:$0x3], $0x7D00, $0x38;
	[tilespmem:$0x12110] =	vst v63  }
0x18: {  	_ =	swait.ge [sflag:s12], $0x7D00  }
0x19: {  	[sflag:s12] =	ssyncset.done $0x0  }
0x1a: {  	s13 =	simm.s32 $0xFA0;
	[sflag:s12] =	ssyncadd.s32 $0xFFFF8300  }
0x1b: {  	[tilespmem:s7], [sflag:$0x1] =	stream.indirect.gather [hbm4b:s2+s6], $0x10, s13, s6, $0xb8;
	[tilespmem:$0x12110] =	vst v63  }
0x1c: {  	_ =	swait.ge [sflag:s8], $0x7D00  }
0x1d: {  	[sflag:s8] =	ssyncset.done $0x0  }
0x1e: {  	s14 =	simm.s32 $0x3;
	s15 =	sadd.s32 $0x1F40, s20;
	[sflag:s8] =	ssyncadd.s32 $0xFFFF8300  }
0x1f: {  	[hbm4b:s15+s3] =	stream.linear.scatter [tilespmem:s7], [sflag:$0x2], $0x7D00, $0x38;
	[tilespmem:$0x12110] =	vst v63  }
0x20: {  	_ =	swait.ge [sflag:s14], $0x7D00  }
0x21: {  	[sflag:s14] =	ssyncset.done $0x0  }
0x22: {  	s16 =	simm.s32 $0x1770;
	[sflag:s14] =	ssyncadd.s32 $0xFFFF8300  }
0x23: {  	[tilespmem:s10], [sflag:$0x1] =	stream.indirect.gather [hbm4b:s2+s6], $0x10, s16, s6, $0xb8;
	[tilespmem:$0x12110] =	vst v63  }
0x24: {  	_ =	swait.ge [sflag:s8], $0x7D00  }
0x25: {  	[sflag:s8] =	ssyncset.done $0x0  }
0x26: {  	s17 =	sadd.s32 $0x2EE0, s20;
	[sflag:s8] =	ssyncadd.s32 $0xFFFF8300  }
0x27: {  	[hbm4b:s17+s3] =	stream.linear.scatter [tilespmem:s10], [sflag:$0x3], $0x7D00, $0x38;
	[tilespmem:$0x12110] =	vst v63  }
0x28: {  	_ =	swait.ge [sflag:s12], $0x7D00  }
0x29: {  	s21 =	ssub.s32 $0x2, s19;
	[sflag:s12] =	ssyncset.done $0x0  }
0x2a: {  	s18 =	simm.s32 $0x1F40;
	s31 =	sshrl.u32 s21, $0x1;
	[sflag:s12] =	ssyncadd.s32 $0xFFFF8300  }
0x2b: {  	[tilespmem:s7], [sflag:$0x1] =	stream.indirect.gather [hbm4b:s2+s6], $0x10, s18, s6, $0xb8;
	[tilespmem:$0x12110] =	vst v63  }
0x2c: {  	s19 =	sadd.s32 $0x3E80, s20;
	s20 =	ssub.s32 s21, s31;
	_ =	swait.ge [sflag:s8], $0x7D00  }
0x2d: {  	s20 =	smax.u32 s20, $0x1;
	[sflag:s8] =	ssyncset.done $0x0  }
0x2e: {  	p0 =	sne.s32 s20, $0x1;
	[sflag:s8] =	ssyncadd.s32 $0xFFFF8300  }
0x2f: {  	[hbm4b:s19+s3] =	stream.linear.scatter [tilespmem:s7], [sflag:$0x2], $0x7D00, $0x38;
	[tilespmem:$0x12110] =	vst v63  }
.Ltmp0:
0x30: {  	_ =	swait.ge [sflag:s12], $0x7D00;
	(pc) =	sbr.rel @!p0 .LBB2_2-.Ltmp0, $4  }
0x31: {  	[sflag:s12] =	ssyncset.done $0x0  }
0x32: {  	[sflag:s12] =	ssyncadd.s32 $0xFFFF8300  }
0x33: {  	_ =	swait.ge [sflag:s14], $0x7D00  }
0x34: {  	s20 =	sadd.s32 $0xFFFFFFFF, s20;
	[sflag:s14] =	ssyncset.done $0x0  }
.LBB2_1:
0x35: {  	p0 =	sne.s32 s20, $0x1;
	s20 =	sadd.s32 $0xFFFFFFFF, s20;
	[sflag:s14] =	ssyncadd.s32 $0xFFFF8300  }
0x36: {  	[tilespmem:s3], [sflag:$0x4] =	stream.linear.gather [hbm4b:s4+s3], $0x2710, $0x38;
	[tilespmem:$0x12110] =	vst v63  }
0x37: {  	_ =	swait.ge [sflag:s5], $0x2710  }
0x38: {  	[sflag:s5] =	ssyncset.done $0x0  }
0x39: {  	[sflag:s5] =	ssyncadd.s32 $0xFFFFD8F0  }
0x3a: {  	[tilespmem:s7], [sflag:$0x1] =	stream.indirect.gather [hbm4b:s2+s6], $0x10, s3, s6, $0xb8;
	[tilespmem:$0x12110] =	vst v63  }
0x3b: {  	_ =	swait.ge [sflag:s8], $0x7D00  }
0x3c: {  	[sflag:s8] =	ssyncset.done $0x0  }
0x3d: {  	[sflag:s8] =	ssyncadd.s32 $0xFFFF8300  }
0x3e: {  	[hbm4b:s9+s3] =	stream.linear.scatter [tilespmem:s7], [sflag:$0x2], $0x7D00, $0x38;
	[tilespmem:$0x12110] =	vst v63  }
0x3f: {  	_ = 	snop  }
0x40: {  	[tilespmem:s10], [sflag:$0x1] =	stream.indirect.gather [hbm4b:s2+s6], $0x10, s6, s6, $0xb8;
	[tilespmem:$0x12110] =	vst v63  }
0x41: {  	_ =	swait.ge [sflag:s8], $0x7D00  }
0x42: {  	[sflag:s8] =	ssyncset.done $0x0  }
0x43: {  	[sflag:s8] =	ssyncadd.s32 $0xFFFF8300  }
0x44: {  	[hbm4b:s11+s3] =	stream.linear.scatter [tilespmem:s10], [sflag:$0x3], $0x7D00, $0x38;
	[tilespmem:$0x12110] =	vst v63  }
0x45: {  	_ =	swait.ge [sflag:s12], $0x7D00  }
0x46: {  	[sflag:s12] =	ssyncset.done $0x0  }
0x47: {  	[sflag:s12] =	ssyncadd.s32 $0xFFFF8300  }
0x48: {  	[tilespmem:s7], [sflag:$0x1] =	stream.indirect.gather [hbm4b:s2+s6], $0x10, s13, s6, $0xb8;
	[tilespmem:$0x12110] =	vst v63  }
0x49: {  	_ =	swait.ge [sflag:s8], $0x7D00  }
0x4a: {  	[sflag:s8] =	ssyncset.done $0x0  }
0x4b: {  	[sflag:s8] =	ssyncadd.s32 $0xFFFF8300  }
0x4c: {  	[hbm4b:s15+s3] =	stream.linear.scatter [tilespmem:s7], [sflag:$0x2], $0x7D00, $0x38;
	[tilespmem:$0x12110] =	vst v63  }
0x4d: {  	_ =	swait.ge [sflag:s14], $0x7D00  }
0x4e: {  	[sflag:s14] =	ssyncset.done $0x0  }
0x4f: {  	[sflag:s14] =	ssyncadd.s32 $0xFFFF8300  }
0x50: {  	[tilespmem:s10], [sflag:$0x1] =	stream.indirect.gather [hbm4b:s2+s6], $0x10, s16, s6, $0xb8;
	[tilespmem:$0x12110] =	vst v63  }
0x51: {  	_ =	swait.ge [sflag:s8], $0x7D00  }
0x52: {  	[sflag:s8] =	ssyncset.done $0x0  }
0x53: {  	[sflag:s8] =	ssyncadd.s32 $0xFFFF8300  }
0x54: {  	[hbm4b:s17+s3] =	stream.linear.scatter [tilespmem:s10], [sflag:$0x3], $0x7D00, $0x38;
	[tilespmem:$0x12110] =	vst v63  }
0x55: {  	_ =	swait.ge [sflag:s12], $0x7D00  }
0x56: {  	[sflag:s12] =	ssyncset.done $0x0  }
0x57: {  	[sflag:s12] =	ssyncadd.s32 $0xFFFF8300  }
0x58: {  	[tilespmem:s7], [sflag:$0x1] =	stream.indirect.gather [hbm4b:s2+s6], $0x10, s18, s6, $0xb8;
	[tilespmem:$0x12110] =	vst v63  }
0x59: {  	_ =	swait.ge [sflag:s8], $0x7D00  }
0x5a: {  	[sflag:s8] =	ssyncset.done $0x0  }
0x5b: {  	[sflag:s8] =	ssyncadd.s32 $0xFFFF8300  }
0x5c: {  	[hbm4b:s19+s3] =	stream.linear.scatter [tilespmem:s7], [sflag:$0x2], $0x7D00, $0x38;
	[tilespmem:$0x12110] =	vst v63  }
.Ltmp1:
0x5d: {  	_ =	swait.ge [sflag:s12], $0x7D00;
	(pc) =	sbr.rel @p0 .LBB2_1-.Ltmp1, $4  }
0x5e: {  	[sflag:s12] =	ssyncset.done $0x0  }
0x5f: {  	[sflag:s12] =	ssyncadd.s32 $0xFFFF8300  }
0x60: {  	_ =	swait.ge [sflag:s14], $0x7D00  }
0x61: {  	[sflag:s14] =	ssyncset.done $0x0  }
.LBB2_2:
0x62: {  	[sflag:s14] =	ssyncadd.s32 $0xFFFF8300  }
0x63: {  	_ =	sfence.sel $0x180000  }
0x64: {  	[bflag:$0x0] =	sbarrier.arrive $0xFFFF  }
0x65: {  	p0 =	sne.s32 s0, $0x0;
	_ =	strace $0x90000047  }
0x66: {  	s0 =	sadd.s32 @!p0 $0x100000, s1;
	[bflag:$0x2] =	sbarrier.arrive $0xFFFF  }
0x67: {  	[sflag:s0] =	ssyncadd.tile.s32 @!p0 $0x1;
	_ =	shalt  }
.Lfunc_end2:
_tile_overlayer_lowered:
.L_overlay_start_2:
0x68: {  	(tag) =	ssettag $0x2  }
0x69: {  	s0 =	rddreg [dreg:$0x0];
	s2 =	stileid.u32  }
0x6a: {  	s1 =	rddreg [dreg:$0x1];
	p0 =	sne.s32 s2, $0x0  }
0x6b: {  	s3 =	rddreg [dreg:$0x2];
	[bflag:$0x3] =	sbarrier.arrive $0xFFFF;
	s2 =	simm.s32 @!p0 $0x1C04  }
0x6c: {  	[timem:s3], [sflag:s2] =	dma.local @!p0 [hbm:s0], s1  }
0x6d: {  	s0 =	simm.s32 @!p0 $0x4  }
0x6e: {  	_ =	swait.ge @!p0 [sflag:s0], s1  }
0x6f: {  	s1 =	ssub.s32 @!p0 $0x0, s1;
	[sflag:s0] =	ssyncset.done @!p0 $0x0  }
0x70: {  	[sflag:s0] =	ssyncadd.s32 @!p0 s1  }
0x71: {  	[bflag:$0x3] =	sbarrier.arrive $0xFFFF  }
0x72: {  	_ =	shalt  }

// kernel: kernel.13.cloned.1.call-start
scs
__scs_entry_jumppad:
0x0: {  	(pc) =	sbr.rel $0x88, $3  }
0x1: {  	(tag) =	ssettag $0x0;
	lr =	simm.s32 $0x1  }
0x2: {  	[smem:$0x3F98] =	sst lr;
	_ =	strace $0xD0000000  }
0x3: {  	_ = 	snop  }
0x4: {  	_ = 	snop  }
0x5: {  	_ = 	snop  }
0x6: {  	_ = 	snop  }
0x7: {  	_ = 	snop  }
__scs_overlays_trampoline_lowered:
0x8: {  	[smem:$0x3FA7] =	sst s0  }
0x9: {  	[smem:$0x3FA8] =	sst s1  }
0xa: {  	[smem:$0x3FA9] =	sst s2  }
0xb: {  	[smem:$0x3FAA] =	sst s3  }
0xc: {  	[smem:$0x3FAB] =	sst s4  }
0xd: {  	[smem:$0x3FAC] =	sst s5  }
0xe: {  	[smem:$0x3FAD] =	sst s6  }
0xf: {  	[smem:$0x3FAE] =	sst s7  }
0x10: {  	[smem:$0x3FAF] =	sst s8  }
0x11: {  	[smem:$0x3FB0] =	sst s9;
	s0 =	simm.s32 @!p0 $0x0  }
0x12: {  	s1 =	sld [smem:$0x3F96];
	s0 =	simm.s32 @p0 $0x1  }
0x13: {  	[smem:$0x3FB1] =	sst s0;
	s0 =	simm.s32 @!p1 $0x0  }
0x14: {  	s2 =	sld [smem:$0x3F95];
	s0 =	simm.s32 @p1 $0x1  }
0x15: {  	[smem:$0x3FB2] =	sst s0;
	s0 =	simm.s32 @!p2 $0x0  }
0x16: {  	s3 =	sld [smem:$0x3FDB];
	s0 =	simm.s32 @p2 $0x1  }
0x17: {  	s4 =	simm.s32 $0x1BF5;
	[smem:$0x3FB4] =	sst s0  }
0x18: {  	s0 =	sld [smem:$0x3F97];
	_ =	swait.ge [sflag:s4], $0x0  }
0x19: {  	s7 =	sld [smem:$0x3F98]  }
0x1a: {  	s8 =	sadd.s32 $0xFFFFE003, lr  }
0x1b: {  	s9 =	sadd.s32 $0xFFFFFEF7, lr;
	s5 =	simm.s32 $0xFFFFFFFF;
	p2 =	slt.u32 s8, $0xFFFFF086  }
0x1c: {  	p1 =	slt.u32 s9, $0xF7A;
	s5 =	simm.s32 @!p2 $0x0  }
0x1d: {  	s5 =	simm.s32 @p1 $0x1;
	p0 =	seq.s32 s7, s2  }
0x1e: {  	s7 =	smul.u32 @!p0 $0xF7A, s2;
	p2 =	seq.s32 @!p0 s5, $0x0  }
0x1f: {  	s9 =	smul.u32 $0xF7A, s1;
	s8 =	simm.s32 @!p0 $0x1BF5;
	p2 =	por !p2, p0  }
0x20: {  	[sflag:s8] =	ssyncset.s32 @!p0 $0xFFFFF086;
	s6 =	sadd.s32 @!p0 s3, s7;
	s7 =	simm.s32 @!p0 $0x108  }
0x21: {  	s3 =	sadd.s32 s3, s9;
	s6 =	sadd.s32 @!p0 $0x88, s6;
	s7 =	simm.s32 @p2 $0x1082  }
0x22: {  	[simem:s7], [sflag:s8] =	dma.local @!p0 [hbm:s6], $0xF7A  }
0x23: {  	s9 =	sor.u32 $0xD0000000, s2;
	s6 =	simm.s32 $0x108;
	_ =	swait.ge @!p0 [sflag:s8], $0x0  }
0x24: {  	s3 =	sadd.s32 $0x88, s3;
	s6 =	simm.s32 @!p1 $0x1082;
	[sflag:s4] =	ssyncset.s32 $0xFFFFF086  }
0x25: {  	[simem:s6], [sflag:s4] =	dma.local [hbm:s3], $0xF7A  }
0x26: {  	[smem:$0x3F98] =	sst s1;
	(tag) =	ssettag s2;
	_ =	strace s9  }
0x27: {  	s1 =	sld [smem:$0x3FA8]  }
0x28: {  	s2 =	sld [smem:$0x3FA9]  }
0x29: {  	s4 =	sld [smem:$0x3FAB]  }
0x2a: {  	p0 =	seq.s32 s5, $0x0;
	s5 =	sld [smem:$0x3FAC]  }
0x2b: {  	s6 =	sld [smem:$0x3FAD]  }
0x2c: {  	s7 =	sld [smem:$0x3FAE]  }
0x2d: {  	s3 =	simm.s32 $0x108;
	s8 =	sld [smem:$0x3FAF]  }
0x2e: {  	s3 =	simm.s32 @!p0 $0x1082;
	s9 =	sld [smem:$0x3FB0]  }
0x2f: {  	lr =	sadd.s32 s0, s3;
	s0 =	sld [smem:$0x3FA7]  }
0x30: {  	s3 =	sld [smem:$0x3FAA]  }
0x31: {  	[smem:$0x3FB3] =	sst s10  }
0x32: {  	s10 =	sld [smem:$0x3FB1];
	_ =	sdelay $0x3  }
0x33: {  	p0 =	seq.s32 s10, $0x1;
	s10 =	sld [smem:$0x3FB3];
	_ =	sdelay $0x3  }
0x34: {  	[smem:$0x3FB3] =	sst s10  }
0x35: {  	s10 =	sld [smem:$0x3FB2];
	_ =	sdelay $0x3  }
0x36: {  	p1 =	seq.s32 s10, $0x1;
	s10 =	sld [smem:$0x3FB3];
	_ =	sdelay $0x3  }
0x37: {  	[smem:$0x3FB3] =	sst s10  }
0x38: {  	s10 =	sld [smem:$0x3FB4]  }
0x39: {  	_ = 	snop;
	(pc) =	sbr.ind lr, $3  }
0x3a: {  	_ = 	snop  }
0x3b: {  	_ = 	snop  }
0x3c: {  	p2 =	seq.s32 s10, $0x1;
	s10 =	sld [smem:$0x3FB3]  }
0x3d: {  	_ =	shalt  }
0x3e: {  	_ =	shalt  }
0x3f: {  	_ =	shalt  }
0x40: {  	_ =	shalt  }
0x41: {  	_ =	shalt  }
0x42: {  	_ =	shalt  }
0x43: {  	_ =	shalt  }
0x44: {  	_ =	shalt  }
0x45: {  	_ =	shalt  }
0x46: {  	_ =	shalt  }
0x47: {  	_ =	shalt  }
0x48: {  	_ =	shalt  }
0x49: {  	_ =	shalt  }
0x4a: {  	_ =	shalt  }
0x4b: {  	_ =	shalt  }
0x4c: {  	_ =	shalt  }
0x4d: {  	_ =	shalt  }
0x4e: {  	_ =	shalt  }
0x4f: {  	_ =	shalt  }
0x50: {  	_ =	shalt  }
0x51: {  	_ =	shalt  }
0x52: {  	_ =	shalt  }
0x53: {  	_ =	shalt  }
0x54: {  	_ =	shalt  }
0x55: {  	_ =	shalt  }
0x56: {  	_ =	shalt  }
0x57: {  	_ =	shalt  }
0x58: {  	_ =	shalt  }
0x59: {  	_ =	shalt  }
0x5a: {  	_ =	shalt  }
0x5b: {  	_ =	shalt  }
0x5c: {  	_ =	shalt  }
0x5d: {  	_ =	shalt  }
0x5e: {  	_ =	shalt  }
0x5f: {  	_ =	shalt  }
0x60: {  	_ =	shalt  }
0x61: {  	_ =	shalt  }
0x62: {  	_ =	shalt  }
0x63: {  	_ =	shalt  }
0x64: {  	_ =	shalt  }
0x65: {  	_ =	shalt  }
0x66: {  	_ =	shalt  }
0x67: {  	_ =	shalt  }
0x68: {  	_ =	shalt  }
0x69: {  	_ =	shalt  }
0x6a: {  	_ =	shalt  }
0x6b: {  	_ =	shalt  }
0x6c: {  	_ =	shalt  }
0x6d: {  	_ =	shalt  }
0x6e: {  	_ =	shalt  }
0x6f: {  	_ =	shalt  }
0x70: {  	_ =	shalt  }
0x71: {  	_ =	shalt  }
0x72: {  	_ =	shalt  }
0x73: {  	_ =	shalt  }
0x74: {  	_ =	shalt  }
0x75: {  	_ =	shalt  }
0x76: {  	_ =	shalt  }
0x77: {  	_ =	shalt  }
0x78: {  	_ =	shalt  }
0x79: {  	_ =	shalt  }
0x7a: {  	_ =	shalt  }
0x7b: {  	_ =	shalt  }
0x7c: {  	_ =	shalt  }
0x7d: {  	_ =	shalt  }
0x7e: {  	_ =	shalt  }
0x7f: {  	_ =	shalt  }
0x80: {  	_ =	shalt  }
0x81: {  	_ =	shalt  }
0x82: {  	_ =	shalt  }
0x83: {  	_ =	shalt  }
0x84: {  	_ =	shalt  }
0x85: {  	_ =	shalt  }
0x86: {  	_ =	shalt  }
0x87: {  	_ =	shalt  }
.Lfunc_end0:
.L_simem_size_0:
called_computation.1_lowered:
.L_overlay_start_0:
0x88: {  	s2 =	sld [smem:$0x3FD9]  }
0x89: {  	s3 =	sld [smem:$0x3FFE];
	_ =	sdelay $0x1  }
0x8a: {  	s1 =	srdreg.scid  }
0x8b: {  	s0 =	sand.u32 $0x1, s1  }
0x8c: {  	s17 =	sshll.u32 s0, $0xA;
	s2 =	sadd.s32 s3, s2  }
0x8d: {  	s2 =	sadd.s32 s2, s17  }
0x8e: {  	[smem:$0x3FBF] =	sst s2  }
0x8f: {  	_ = 	snop  }
0x90: {  	s2 =	sld [smem:$0x3FD0];
	(tm) =	ssettm $0x1  }
0x91: {  	s18 =	sld [smem:$0x3FFB];
	_ =	sdelay $0x3  }
0x92: {  	_ =	strace s18  }
0x93: {  	s3 =	sld [smem:$0x3FFC];
	_ =	sdelay $0x3  }
0x94: {  	_ =	strace s3  }
0x95: {  	s3 =	sld [smem:$0x3FFD];
	_ =	sdelay $0x3  }
0x96: {  	_ =	strace s3  }
0x97: {  	_ =	strace $0x8FFFFFFF  }
0x98: {  	s19 =	sld [smem:$0x3FDB];
	_ =	sdelay $0x1  }
0x99: {  	s4 =	simm.s32 $_scs_section_size  }
0x9a: {  	s5 =	simm.s32 $_size__tile_overlayer_lowered;
	s6 =	simm.s32 $_tile_overlayer_lowered  }
0x9b: {  	s22 =	simm.s32 $0x1BFF;
	s21 =	sshll.u32 s6, $0x1;
	s3 =	sadd.s32 s4, s19  }
0x9c: {  	s7 =	simm.s32 $0x0;
	s20 =	sshll.u32 s5, $0x1;
	s5 =	sadd.s32 s21, s3  }
0x9d: {  	[timem:s7], [sflag:s22] =	dma.local [hbm:s5], s20  }
0x9e: {  	_ =	swait.ge [sflag:s22], s20  }
0x9f: {  	s4 =	ssub.s32 $0x0, s20;
	[sflag:s22] =	ssyncset.done $0x0  }
0xa0: {  	[sflag:s22] =	ssyncadd.s32 s4;
	_ =	sdelay $0x1  }
0xa1: {  	s23 =	simm.s32 $0x1B8B  }
0xa2: {  	_ =	swait.ge [sflag:s23], $0x1  }
0xa3: {  	[sflag:s23] =	ssyncset.done $0x0  }
0xa4: {  	s25 =	simm.s32 $0x1B8E;
	s24 =	sld [smem:$0x3FFE];
	[sflag:s23] =	ssyncadd.s32 $0xFFFFFFFF  }
0xa5: {  	s26 =	simm.s32 $execute0_lowered;
	[smem:$0x3FD2] =	sst s25  }
0xa6: {  	s5 =	sshll.u32 s26, $0x1;
	_ =	strace $0x80000049;
	[dreg:$0x1] =	wrdreg $0xFFFFFFFF  }
0xa7: {  	s28 =	simm.s32 $_size_execute0_lowered;
	s3 =	sadd.s32 s3, s5;
	[dreg:$0x0] =	wrdreg $0x0  }
0xa8: {  	s5 =	sshll.u32 s28, $0x1;
	[dreg:$0x2] =	wrdreg s3  }
0xa9: {  	[dreg:$0x3] =	wrdreg s5  }
0xaa: {  	[dreg:$0x4] =	wrdreg $0xC0  }
0xab: {  	_ =	task [dreg:s7], $0x5FFFF  }
0xac: {  	[dreg:$0x1] =	wrdreg $0xFFFFFFFF  }
0xad: {  	[dreg:$0x0] =	wrdreg $0x60  }
0xae: {  	[dreg:$0x2] =	wrdreg s24  }
0xaf: {  	[dreg:$0x3] =	wrdreg s2  }
0xb0: {  	[dreg:$0x4] =	wrdreg $0x109A00  }
0xb1: {  	[dreg:$0x5] =	wrdreg $0x9  }
0xb2: {  	_ =	task.clear_ibuf [dreg:s7], $0x6FFFF;
	_ =	strace $0x90000049  }
0xb3: {  	s29 =	simm.s32 $0x9;
	_ =	strace $0x8000004B  }
0xb4: {  	_ =	swait.ge [sflag:s29], $0x1  }
0xb5: {  	[sflag:s29] =	ssyncadd.s32 $0xFFFFFFFF  }
0xb6: {  	_ =	strace $0x9000004B  }
0xb7: {  	_ =	sfence  }
0xb8: {  	s30 =	sld [smem:$0x0];
	_ =	sdelay $0x2  }
0xb9: {  	s31 =	sshll.u32 s1, $0xD;
	s1 =	sshrl.u32 s1, $0x2  }
0xba: {  	s3 =	sand.u32 $0x4000, s31;
	s1 =	sadd.s32 s1, s30  }
0xbb: {  	s0 =	sor.u32 s3, s0;
	s1 =	sshll.u32 s1, $0x11  }
0xbc: {  	s0 =	sor.u32 s1, s0  }
0xbd: {  	s0 =	sadd.s32 $0x8F2B, s0  }
0xbe: {  	[sflag:s0] =	ssyncadd.remote.s32 $0x1  }
0xbf: {  	_ =	sfence.sel $0xFFFF  }
0xc0: {  	[dreg:$0x0] =	wrdreg $0xFFFFFFFF;
	(pc) =	sbr.abs _section_cstart, $3  }
0xc1: {  	[dreg:$0x1] =	wrdreg $0xFFFFFFFF  }
0xc2: {  	_ =	task.clear_ibuf [dreg:s7], $0x2FFFF;
	_ =	strace $0x9FFFFFFF  }
0xc3: {  	(tm) =	ssettm $0x7FFFFFFF  }
tec
execute0_lowered:
.L_overlay_start_1:
0x0: {  	(tag) =	ssettag $0x1  }
0x1: {  	s23 =	rddreg [dreg:$0x0]  }
0x2: {  	s4 =	rddreg [dreg:$0x1]  }
0x3: {  	s2 =	rddreg [dreg:$0x2];
	s3 =	srdreg.scid  }
0x4: {  	s0 =	rddreg [dreg:$0x3];
	s1 =	stileid.u32  }
0x5: {  	s24 =	sand.u32 $0x1, s3;
	s3 =	simm.s32 $0x0;
	s25 =	smul.u32 $0x2710, s1  }
0x6: {  	s30 =	sshll.u32 s1, $0x6;
	s5 =	sshll.u32 s24, $0x4;
	[smem:$0x7FF] =	sst s3  }
0x7: {  	s12 =	sor.u32 s1, s5;
	_ =	strace $0x8000004A;
	s29 =	sshrl.u32 s25, $0x3  }
0x8: {  	s6 =	sadd.s32 s25, s2;
	s5 =	sor.u32 $0x1C03, s30;
	s8 =	smul.u32 $0x2710, s12  }
0x9: {  	s4 =	sadd.s32 s4, s29;
	s7 =	sshrl.u32 s6, $0x3;
	s6 =	simm.s32 $0x3  }
0xa: {  	[spmem:s7], [sflag:s5] =	dma.local [hbm:s4], $0x4E2  }
0xb: {  	s8 =	sshrl.u32 s8, $0x3;
	_ =	swait.ge [sflag:s6], $0x4E2  }
0xc: {  	s13 =	sadd.s32 $0x34200, s23;
	s21 =	sadd.s32 s8, s23;
	[sflag:s6] =	ssyncset.done $0x0  }
0xd: {  	s9 =	smul.u32 $0x4E20, s12;
	s8 =	sadd.s32 $0xD0600, s21;
	[sflag:s6] =	ssyncadd.s32 $0xFFFFFB1E  }
0xe: {  	[tilespmem:s3], [sflag:$0x1] =	stream.linear.gather [hbm4b:s8+s3], $0x7D0, $0x38;
	[tilespmem:$0x130B0] =	vst v63  }
0xf: {  	s10 =	simm.s32 $0xFA0;
	s9 =	sadd.s32 s13, s9  }
0x10: {  	[tilespmem:s10], [sflag:$0x1] =	stream.linear.gather [hbm4b:s9+s3], $0x7D00, $0x38;
	[tilespmem:$0x130B0] =	vst v63  }
0x11: {  	s11 =	simm.s32 $0x1;
	[bflag:$0x0] =	sbarrier.arrive $0xFFFF  }
0x12: {  	_ =	swait.ge [sflag:s11], $0x7D0  }
0x13: {  	s14 =	smul.u32 $0x27100, s12;
	[sflag:s11] =	ssyncset.done $0x0  }
0x14: {  	[sflag:s11] =	ssyncadd.s32 $0xFFFFF830  }
0x15: {  	s14 =	sshrl.u32 s14, $0x3;
	_ =	swait.ge [sflag:s11], $0x7D00  }
0x16: {  	s22 =	sadd.s32 s13, s14;
	[sflag:s11] =	ssyncset.done $0x0  }
0x17: {  	s13 =	simm.s32 $0x7D0;
	s12 =	sadd.s32 $0xD06FA, s21;
	[sflag:s11] =	ssyncadd.s32 $0xFFFF8300  }
0x18: {  	[tilespmem:s13], [sflag:$0x2] =	stream.linear.gather [hbm4b:s12+s3], $0x7D0, $0x38;
	[tilespmem:$0x130B0] =	vst v63  }
0x19: {  	s15 =	simm.s32 $0x8CA0;
	s14 =	sadd.s32 $0xFA0, s22  }
0x1a: {  	[tilespmem:s15], [sflag:$0x2] =	stream.linear.gather [hbm4b:s14+s3], $0x7D00, $0x38;
	[tilespmem:$0x130B0] =	vst v63  }
0x1b: {  	_ = 	snop  }
0x1c: {  	[spmem:s2] =	stream.indirect.scatter.add.f32 [tilespmem:s10], [sflag:$0x3], $0x10, s3, s13, $0xb8;
	[tilespmem:$0x130B0] =	vst v63  }
0x1d: {  	_ =	swait.ge [sflag:s6], $0x7D00  }
0x1e: {  	[sflag:s6] =	ssyncset.done $0x0  }
0x1f: {  	s16 =	simm.s32 $0x2;
	[sflag:s6] =	ssyncadd.s32 $0xFFFF8300  }
0x20: {  	_ =	swait.ge [sflag:s16], $0x7D0  }
0x21: {  	[sflag:s16] =	ssyncset.done $0x0  }
0x22: {  	[sflag:s16] =	ssyncadd.s32 $0xFFFFF830  }
0x23: {  	_ =	swait.ge [sflag:s16], $0x7D00  }
0x24: {  	[sflag:s16] =	ssyncset.done $0x0  }
0x25: {  	s17 =	sadd.s32 $0xD07F4, s21;
	[sflag:s16] =	ssyncadd.s32 $0xFFFF8300  }
0x26: {  	[tilespmem:s3], [sflag:$0x1] =	stream.linear.gather [hbm4b:s17+s3], $0x7D0, $0x38;
	[tilespmem:$0x130B0] =	vst v63  }
0x27: {  	s18 =	sadd.s32 $0x1F40, s22  }
0x28: {  	[tilespmem:s10], [sflag:$0x1] =	stream.linear.gather [hbm4b:s18+s3], $0x7D00, $0x38;
	[tilespmem:$0x130B0] =	vst v63  }
0x29: {  	_ = 	snop  }
0x2a: {  	[spmem:s2] =	stream.indirect.scatter.add.f32 [tilespmem:s15], [sflag:$0x3], $0x10, s13, s13, $0xb8;
	[tilespmem:$0x130B0] =	vst v63  }
0x2b: {  	_ =	swait.ge [sflag:s6], $0x7D00  }
0x2c: {  	[sflag:s6] =	ssyncset.done $0x0  }
0x2d: {  	[sflag:s6] =	ssyncadd.s32 $0xFFFF8300  }
0x2e: {  	_ =	swait.ge [sflag:s11], $0x7D0  }
0x2f: {  	[sflag:s11] =	ssyncset.done $0x0  }
0x30: {  	[sflag:s11] =	ssyncadd.s32 $0xFFFFF830  }
0x31: {  	_ =	swait.ge [sflag:s11], $0x7D00  }
0x32: {  	[sflag:s11] =	ssyncset.done $0x0  }
0x33: {  	s19 =	sadd.s32 $0xD08EE, s21;
	[sflag:s11] =	ssyncadd.s32 $0xFFFF8300  }
0x34: {  	[tilespmem:s13], [sflag:$0x2] =	stream.linear.gather [hbm4b:s19+s3], $0x7D0, $0x38;
	[tilespmem:$0x130B0] =	vst v63  }
0x35: {  	s20 =	sadd.s32 $0x2EE0, s22  }
0x36: {  	[tilespmem:s15], [sflag:$0x2] =	stream.linear.gather [hbm4b:s20+s3], $0x7D00, $0x38;
	[tilespmem:$0x130B0] =	vst v63  }
0x37: {  	_ = 	snop  }
0x38: {  	[spmem:s2] =	stream.indirect.scatter.add.f32 [tilespmem:s10], [sflag:$0x3], $0x10, s3, s13, $0xb8;
	[tilespmem:$0x130B0] =	vst v63  }
0x39: {  	_ =	swait.ge [sflag:s6], $0x7D00  }
0x3a: {  	[sflag:s6] =	ssyncset.done $0x0  }
0x3b: {  	[sflag:s6] =	ssyncadd.s32 $0xFFFF8300  }
0x3c: {  	_ =	swait.ge [sflag:s16], $0x7D0  }
0x3d: {  	[sflag:s16] =	ssyncset.done $0x0  }
0x3e: {  	[sflag:s16] =	ssyncadd.s32 $0xFFFFF830  }
0x3f: {  	_ =	swait.ge [sflag:s16], $0x7D00  }
0x40: {  	[sflag:s16] =	ssyncset.done $0x0  }
0x41: {  	s21 =	sadd.s32 $0xD09E8, s21;
	[sflag:s16] =	ssyncadd.s32 $0xFFFF8300  }
0x42: {  	[tilespmem:s3], [sflag:$0x1] =	stream.linear.gather [hbm4b:s21+s3], $0x7D0, $0x38;
	[tilespmem:$0x130B0] =	vst v63  }
0x43: {  	s22 =	sadd.s32 $0x3E80, s22  }
0x44: {  	[tilespmem:s10], [sflag:$0x1] =	stream.linear.gather [hbm4b:s22+s3], $0x7D00, $0x38;
	[tilespmem:$0x130B0] =	vst v63  }
0x45: {  	_ = 	snop  }
0x46: {  	[spmem:s2] =	stream.indirect.scatter.add.f32 [tilespmem:s15], [sflag:$0x3], $0x10, s13, s13, $0xb8;
	[tilespmem:$0x130B0] =	vst v63  }
0x47: {  	_ =	swait.ge [sflag:s6], $0x7D00  }
0x48: {  	[sflag:s6] =	ssyncset.done $0x0  }
0x49: {  	[sflag:s6] =	ssyncadd.s32 $0xFFFF8300  }
0x4a: {  	_ =	swait.ge [sflag:s11], $0x7D0  }
0x4b: {  	[sflag:s11] =	ssyncset.done $0x0  }
0x4c: {  	[sflag:s11] =	ssyncadd.s32 $0xFFFFF830  }
0x4d: {  	s26 =	smul.u32 $0x27100, s24;
	s24 =	ssub.s32 $0x2, s24;
	_ =	swait.ge [sflag:s11], $0x7D00  }
0x4e: {  	s31 =	sshrl.u32 s24, $0x1;
	[sflag:s11] =	ssyncset.done $0x0  }
0x4f: {  	s24 =	ssub.s32 s24, s31;
	[sflag:s11] =	ssyncadd.s32 $0xFFFF8300  }
0x50: {  	[spmem:s2] =	stream.indirect.scatter.add.f32 [tilespmem:s10], [sflag:$0x3], $0x10, s3, s13, $0xb8;
	[tilespmem:$0x130B0] =	vst v63  }
0x51: {  	s25 =	sadd.s32 s25, s26;
	s24 =	smax.u32 s24, $0x1;
	_ =	swait.ge [sflag:s6], $0x7D00  }
0x52: {  	s25 =	sshrl.u32 s25, $0x3;
	p0 =	sne.s32 s24, $0x1;
	[sflag:s6] =	ssyncset.done $0x0  }
.Ltmp0:
0x53: {  	s23 =	sadd.s32 s25, s23;
	[sflag:s6] =	ssyncadd.s32 $0xFFFF8300;
	(pc) =	sbr.rel @!p0 .LBB2_2-.Ltmp0, $4  }
0x54: {  	s23 =	sadd.s32 $0xDA400, s23;
	[bflag:$0x0] =	sbarrier.arrive $0xFFFF  }
0x55: {  	[hbm:s23], [sflag:s5] =	dma.local [spmem:s7], $0x4E2  }
0x56: {  	_ =	swait.ge [sflag:s6], $0x4E2  }
0x57: {  	s24 =	sadd.s32 $0xFFFFFFFF, s24;
	[sflag:s6] =	ssyncset.done $0x0  }
.LBB2_1:
0x58: {  	p0 =	sne.s32 s24, $0x1;
	s24 =	sadd.s32 $0xFFFFFFFF, s24;
	[sflag:s6] =	ssyncadd.s32 $0xFFFFFB1E  }
0x59: {  	[spmem:s7], [sflag:s5] =	dma.local [hbm:s4], $0x4E2  }
0x5a: {  	_ =	swait.ge [sflag:s6], $0x4E2  }
0x5b: {  	[sflag:s6] =	ssyncset.done $0x0  }
0x5c: {  	[sflag:s6] =	ssyncadd.s32 $0xFFFFFB1E  }
0x5d: {  	[tilespmem:s3], [sflag:$0x1] =	stream.linear.gather [hbm4b:s8+s3], $0x7D0, $0x38;
	[tilespmem:$0x130B0] =	vst v63  }
0x5e: {  	_ = 	snop  }
0x5f: {  	[tilespmem:s10], [sflag:$0x1] =	stream.linear.gather [hbm4b:s9+s3], $0x7D00, $0x38;
	[tilespmem:$0x130B0] =	vst v63  }
0x60: {  	[bflag:$0x0] =	sbarrier.arrive $0xFFFF  }
0x61: {  	_ =	swait.ge [sflag:s11], $0x7D0  }
0x62: {  	[sflag:s11] =	ssyncset.done $0x0  }
0x63: {  	[sflag:s11] =	ssyncadd.s32 $0xFFFFF830  }
0x64: {  	_ =	swait.ge [sflag:s11], $0x7D00  }
0x65: {  	[sflag:s11] =	ssyncset.done $0x0  }
0x66: {  	[sflag:s11] =	ssyncadd.s32 $0xFFFF8300  }
0x67: {  	[tilespmem:s13], [sflag:$0x2] =	stream.linear.gather [hbm4b:s12+s3], $0x7D0, $0x38;
	[tilespmem:$0x130B0] =	vst v63  }
0x68: {  	_ = 	snop  }
0x69: {  	[tilespmem:s15], [sflag:$0x2] =	stream.linear.gather [hbm4b:s14+s3], $0x7D00, $0x38;
	[tilespmem:$0x130B0] =	vst v63  }
0x6a: {  	_ = 	snop  }
0x6b: {  	[spmem:s2] =	stream.indirect.scatter.add.f32 [tilespmem:s10], [sflag:$0x3], $0x10, s3, s13, $0xb8;
	[tilespmem:$0x130B0] =	vst v63  }
0x6c: {  	_ =	swait.ge [sflag:s6], $0x7D00  }
0x6d: {  	[sflag:s6] =	ssyncset.done $0x0  }
0x6e: {  	[sflag:s6] =	ssyncadd.s32 $0xFFFF8300  }
0x6f: {  	_ =	swait.ge [sflag:s16], $0x7D0  }
0x70: {  	[sflag:s16] =	ssyncset.done $0x0  }
0x71: {  	[sflag:s16] =	ssyncadd.s32 $0xFFFFF830  }
0x72: {  	_ =	swait.ge [sflag:s16], $0x7D00  }
0x73: {  	[sflag:s16] =	ssyncset.done $0x0  }
0x74: {  	[sflag:s16] =	ssyncadd.s32 $0xFFFF8300  }
0x75: {  	[tilespmem:s3], [sflag:$0x1] =	stream.linear.gather [hbm4b:s17+s3], $0x7D0, $0x38;
	[tilespmem:$0x130B0] =	vst v63  }
0x76: {  	_ = 	snop  }
0x77: {  	[tilespmem:s10], [sflag:$0x1] =	stream.linear.gather [hbm4b:s18+s3], $0x7D00, $0x38;
	[tilespmem:$0x130B0] =	vst v63  }
0x78: {  	_ = 	snop  }
0x79: {  	[spmem:s2] =	stream.indirect.scatter.add.f32 [tilespmem:s15], [sflag:$0x3], $0x10, s13, s13, $0xb8;
	[tilespmem:$0x130B0] =	vst v63  }
0x7a: {  	_ =	swait.ge [sflag:s6], $0x7D00  }
0x7b: {  	[sflag:s6] =	ssyncset.done $0x0  }
0x7c: {  	[sflag:s6] =	ssyncadd.s32 $0xFFFF8300  }
0x7d: {  	_ =	swait.ge [sflag:s11], $0x7D0  }
0x7e: {  	[sflag:s11] =	ssyncset.done $0x0  }
0x7f: {  	[sflag:s11] =	ssyncadd.s32 $0xFFFFF830  }
0x80: {  	_ =	swait.ge [sflag:s11], $0x7D00  }
0x81: {  	[sflag:s11] =	ssyncset.done $0x0  }
0x82: {  	[sflag:s11] =	ssyncadd.s32 $0xFFFF8300  }
0x83: {  	[tilespmem:s13], [sflag:$0x2] =	stream.linear.gather [hbm4b:s19+s3], $0x7D0, $0x38;
	[tilespmem:$0x130B0] =	vst v63  }
0x84: {  	_ = 	snop  }
0x85: {  	[tilespmem:s15], [sflag:$0x2] =	stream.linear.gather [hbm4b:s20+s3], $0x7D00, $0x38;
	[tilespmem:$0x130B0] =	vst v63  }
0x86: {  	_ = 	snop  }
0x87: {  	[spmem:s2] =	stream.indirect.scatter.add.f32 [tilespmem:s10], [sflag:$0x3], $0x10, s3, s13, $0xb8;
	[tilespmem:$0x130B0] =	vst v63  }
0x88: {  	_ =	swait.ge [sflag:s6], $0x7D00  }
0x89: {  	[sflag:s6] =	ssyncset.done $0x0  }
0x8a: {  	[sflag:s6] =	ssyncadd.s32 $0xFFFF8300  }
0x8b: {  	_ =	swait.ge [sflag:s16], $0x7D0  }
0x8c: {  	[sflag:s16] =	ssyncset.done $0x0  }
0x8d: {  	[sflag:s16] =	ssyncadd.s32 $0xFFFFF830  }
0x8e: {  	_ =	swait.ge [sflag:s16], $0x7D00  }
0x8f: {  	[sflag:s16] =	ssyncset.done $0x0  }
0x90: {  	[sflag:s16] =	ssyncadd.s32 $0xFFFF8300  }
0x91: {  	[tilespmem:s3], [sflag:$0x1] =	stream.linear.gather [hbm4b:s21+s3], $0x7D0, $0x38;
	[tilespmem:$0x130B0] =	vst v63  }
0x92: {  	_ = 	snop  }
0x93: {  	[tilespmem:s10], [sflag:$0x1] =	stream.linear.gather [hbm4b:s22+s3], $0x7D00, $0x38;
	[tilespmem:$0x130B0] =	vst v63  }
0x94: {  	_ = 	snop  }
0x95: {  	[spmem:s2] =	stream.indirect.scatter.add.f32 [tilespmem:s15], [sflag:$0x3], $0x10, s13, s13, $0xb8;
	[tilespmem:$0x130B0] =	vst v63  }
0x96: {  	_ =	swait.ge [sflag:s6], $0x7D00  }
0x97: {  	[sflag:s6] =	ssyncset.done $0x0  }
0x98: {  	[sflag:s6] =	ssyncadd.s32 $0xFFFF8300  }
0x99: {  	_ =	swait.ge [sflag:s11], $0x7D0  }
0x9a: {  	[sflag:s11] =	ssyncset.done $0x0  }
0x9b: {  	[sflag:s11] =	ssyncadd.s32 $0xFFFFF830  }
0x9c: {  	_ =	swait.ge [sflag:s11], $0x7D00  }
0x9d: {  	[sflag:s11] =	ssyncset.done $0x0  }
0x9e: {  	[sflag:s11] =	ssyncadd.s32 $0xFFFF8300  }
0x9f: {  	[spmem:s2] =	stream.indirect.scatter.add.f32 [tilespmem:s10], [sflag:$0x3], $0x10, s3, s13, $0xb8;
	[tilespmem:$0x130B0] =	vst v63  }
0xa0: {  	_ =	swait.ge [sflag:s6], $0x7D00  }
0xa1: {  	[sflag:s6] =	ssyncset.done $0x0  }
.Ltmp1:
0xa2: {  	[sflag:s6] =	ssyncadd.s32 $0xFFFF8300;
	(pc) =	sbr.rel @p0 .LBB2_1-.Ltmp1, $4  }
0xa3: {  	[bflag:$0x0] =	sbarrier.arrive $0xFFFF  }
0xa4: {  	[hbm:s23], [sflag:s5] =	dma.local [spmem:s7], $0x4E2  }
0xa5: {  	_ =	swait.ge [sflag:s6], $0x4E2  }
0xa6: {  	[sflag:s6] =	ssyncset.done $0x0  }
.LBB2_2:
0xa7: {  	[sflag:s6] =	ssyncadd.s32 $0xFFFFFB1E  }
0xa8: {  	_ =	sfence.sel $0x180000  }
0xa9: {  	[bflag:$0x0] =	sbarrier.arrive $0xFFFF  }
0xaa: {  	p0 =	sne.s32 s1, $0x0;
	_ =	strace $0x9000004A  }
0xab: {  	s0 =	sadd.s32 @!p0 $0x100000, s0;
	[bflag:$0x2] =	sbarrier.arrive $0xFFFF  }
0xac: {  	[sflag:s0] =	ssyncadd.tile.s32 @!p0 $0x1;
	_ =	shalt  }
.Lfunc_end2:
_tile_overlayer_lowered:
.L_overlay_start_2:
0xad: {  	(tag) =	ssettag $0x2  }
0xae: {  	s0 =	rddreg [dreg:$0x0];
	s2 =	stileid.u32  }
0xaf: {  	s1 =	rddreg [dreg:$0x1];
	p0 =	sne.s32 s2, $0x0  }
0xb0: {  	s3 =	rddreg [dreg:$0x2];
	[bflag:$0x3] =	sbarrier.arrive $0xFFFF;
	s2 =	simm.s32 @!p0 $0x1C03  }
0xb1: {  	[timem:s3], [sflag:s2] =	dma.local @!p0 [hbm:s0], s1  }
0xb2: {  	s0 =	simm.s32 @!p0 $0x3  }
0xb3: {  	_ =	swait.ge @!p0 [sflag:s0], s1  }
0xb4: {  	s1 =	ssub.s32 @!p0 $0x0, s1;
	[sflag:s0] =	ssyncset.done @!p0 $0x0  }
0xb5: {  	[sflag:s0] =	ssyncadd.s32 @!p0 s1  }
0xb6: {  	[bflag:$0x3] =	sbarrier.arrive $0xFFFF  }
0xb7: {  	_ =	shalt  }

// kernel: kernel.16.cloned.1.call-start
scs
__scs_entry_jumppad:
0x0: {  	(pc) =	sbr.rel $0x88, $3  }
0x1: {  	(tag) =	ssettag $0x0;
	lr =	simm.s32 $0x1  }
0x2: {  	[smem:$0x3F98] =	sst lr;
	_ =	strace $0xD0000000  }
0x3: {  	_ = 	snop  }
0x4: {  	_ = 	snop  }
0x5: {  	_ = 	snop  }
0x6: {  	_ = 	snop  }
0x7: {  	_ = 	snop  }
__scs_overlays_trampoline_lowered:
0x8: {  	[smem:$0x3FA7] =	sst s0  }
0x9: {  	[smem:$0x3FA8] =	sst s1  }
0xa: {  	[smem:$0x3FA9] =	sst s2  }
0xb: {  	[smem:$0x3FAA] =	sst s3  }
0xc: {  	[smem:$0x3FAB] =	sst s4  }
0xd: {  	[smem:$0x3FAC] =	sst s5  }
0xe: {  	[smem:$0x3FAD] =	sst s6  }
0xf: {  	[smem:$0x3FAE] =	sst s7  }
0x10: {  	[smem:$0x3FAF] =	sst s8  }
0x11: {  	[smem:$0x3FB0] =	sst s9;
	s0 =	simm.s32 @!p0 $0x0  }
0x12: {  	s1 =	sld [smem:$0x3F96];
	s0 =	simm.s32 @p0 $0x1  }
0x13: {  	[smem:$0x3FB1] =	sst s0;
	s0 =	simm.s32 @!p1 $0x0  }
0x14: {  	s2 =	sld [smem:$0x3F95];
	s0 =	simm.s32 @p1 $0x1  }
0x15: {  	[smem:$0x3FB2] =	sst s0;
	s0 =	simm.s32 @!p2 $0x0  }
0x16: {  	s3 =	sld [smem:$0x3FDB];
	s0 =	simm.s32 @p2 $0x1  }
0x17: {  	s4 =	simm.s32 $0x1BF5;
	[smem:$0x3FB4] =	sst s0  }
0x18: {  	s0 =	sld [smem:$0x3F97];
	_ =	swait.ge [sflag:s4], $0x0  }
0x19: {  	s7 =	sld [smem:$0x3F98]  }
0x1a: {  	s8 =	sadd.s32 $0xFFFFE003, lr  }
0x1b: {  	s9 =	sadd.s32 $0xFFFFFEF7, lr;
	s5 =	simm.s32 $0xFFFFFFFF;
	p2 =	slt.u32 s8, $0xFFFFF086  }
0x1c: {  	p1 =	slt.u32 s9, $0xF7A;
	s5 =	simm.s32 @!p2 $0x0  }
0x1d: {  	s5 =	simm.s32 @p1 $0x1;
	p0 =	seq.s32 s7, s2  }
0x1e: {  	s7 =	smul.u32 @!p0 $0xF7A, s2;
	p2 =	seq.s32 @!p0 s5, $0x0  }
0x1f: {  	s9 =	smul.u32 $0xF7A, s1;
	s8 =	simm.s32 @!p0 $0x1BF5;
	p2 =	por !p2, p0  }
0x20: {  	[sflag:s8] =	ssyncset.s32 @!p0 $0xFFFFF086;
	s6 =	sadd.s32 @!p0 s3, s7;
	s7 =	simm.s32 @!p0 $0x108  }
0x21: {  	s3 =	sadd.s32 s3, s9;
	s6 =	sadd.s32 @!p0 $0x88, s6;
	s7 =	simm.s32 @p2 $0x1082  }
0x22: {  	[simem:s7], [sflag:s8] =	dma.local @!p0 [hbm:s6], $0xF7A  }
0x23: {  	s9 =	sor.u32 $0xD0000000, s2;
	s6 =	simm.s32 $0x108;
	_ =	swait.ge @!p0 [sflag:s8], $0x0  }
0x24: {  	s3 =	sadd.s32 $0x88, s3;
	s6 =	simm.s32 @!p1 $0x1082;
	[sflag:s4] =	ssyncset.s32 $0xFFFFF086  }
0x25: {  	[simem:s6], [sflag:s4] =	dma.local [hbm:s3], $0xF7A  }
0x26: {  	[smem:$0x3F98] =	sst s1;
	(tag) =	ssettag s2;
	_ =	strace s9  }
0x27: {  	s1 =	sld [smem:$0x3FA8]  }
0x28: {  	s2 =	sld [smem:$0x3FA9]  }
0x29: {  	s4 =	sld [smem:$0x3FAB]  }
0x2a: {  	p0 =	seq.s32 s5, $0x0;
	s5 =	sld [smem:$0x3FAC]  }
0x2b: {  	s6 =	sld [smem:$0x3FAD]  }
0x2c: {  	s7 =	sld [smem:$0x3FAE]  }
0x2d: {  	s3 =	simm.s32 $0x108;
	s8 =	sld [smem:$0x3FAF]  }
0x2e: {  	s3 =	simm.s32 @!p0 $0x1082;
	s9 =	sld [smem:$0x3FB0]  }
0x2f: {  	lr =	sadd.s32 s0, s3;
	s0 =	sld [smem:$0x3FA7]  }
0x30: {  	s3 =	sld [smem:$0x3FAA]  }
0x31: {  	[smem:$0x3FB3] =	sst s10  }
0x32: {  	s10 =	sld [smem:$0x3FB1];
	_ =	sdelay $0x3  }
0x33: {  	p0 =	seq.s32 s10, $0x1;
	s10 =	sld [smem:$0x3FB3];
	_ =	sdelay $0x3  }
0x34: {  	[smem:$0x3FB3] =	sst s10  }
0x35: {  	s10 =	sld [smem:$0x3FB2];
	_ =	sdelay $0x3  }
0x36: {  	p1 =	seq.s32 s10, $0x1;
	s10 =	sld [smem:$0x3FB3];
	_ =	sdelay $0x3  }
0x37: {  	[smem:$0x3FB3] =	sst s10  }
0x38: {  	s10 =	sld [smem:$0x3FB4]  }
0x39: {  	_ = 	snop;
	(pc) =	sbr.ind lr, $3  }
0x3a: {  	_ = 	snop  }
0x3b: {  	_ = 	snop  }
0x3c: {  	p2 =	seq.s32 s10, $0x1;
	s10 =	sld [smem:$0x3FB3]  }
0x3d: {  	_ =	shalt  }
0x3e: {  	_ =	shalt  }
0x3f: {  	_ =	shalt  }
0x40: {  	_ =	shalt  }
0x41: {  	_ =	shalt  }
0x42: {  	_ =	shalt  }
0x43: {  	_ =	shalt  }
0x44: {  	_ =	shalt  }
0x45: {  	_ =	shalt  }
0x46: {  	_ =	shalt  }
0x47: {  	_ =	shalt  }
0x48: {  	_ =	shalt  }
0x49: {  	_ =	shalt  }
0x4a: {  	_ =	shalt  }
0x4b: {  	_ =	shalt  }
0x4c: {  	_ =	shalt  }
0x4d: {  	_ =	shalt  }
0x4e: {  	_ =	shalt  }
0x4f: {  	_ =	shalt  }
0x50: {  	_ =	shalt  }
0x51: {  	_ =	shalt  }
0x52: {  	_ =	shalt  }
0x53: {  	_ =	shalt  }
0x54: {  	_ =	shalt  }
0x55: {  	_ =	shalt  }
0x56: {  	_ =	shalt  }
0x57: {  	_ =	shalt  }
0x58: {  	_ =	shalt  }
0x59: {  	_ =	shalt  }
0x5a: {  	_ =	shalt  }
0x5b: {  	_ =	shalt  }
0x5c: {  	_ =	shalt  }
0x5d: {  	_ =	shalt  }
0x5e: {  	_ =	shalt  }
0x5f: {  	_ =	shalt  }
0x60: {  	_ =	shalt  }
0x61: {  	_ =	shalt  }
0x62: {  	_ =	shalt  }
0x63: {  	_ =	shalt  }
0x64: {  	_ =	shalt  }
0x65: {  	_ =	shalt  }
0x66: {  	_ =	shalt  }
0x67: {  	_ =	shalt  }
0x68: {  	_ =	shalt  }
0x69: {  	_ =	shalt  }
0x6a: {  	_ =	shalt  }
0x6b: {  	_ =	shalt  }
0x6c: {  	_ =	shalt  }
0x6d: {  	_ =	shalt  }
0x6e: {  	_ =	shalt  }
0x6f: {  	_ =	shalt  }
0x70: {  	_ =	shalt  }
0x71: {  	_ =	shalt  }
0x72: {  	_ =	shalt  }
0x73: {  	_ =	shalt  }
0x74: {  	_ =	shalt  }
0x75: {  	_ =	shalt  }
0x76: {  	_ =	shalt  }
0x77: {  	_ =	shalt  }
0x78: {  	_ =	shalt  }
0x79: {  	_ =	shalt  }
0x7a: {  	_ =	shalt  }
0x7b: {  	_ =	shalt  }
0x7c: {  	_ =	shalt  }
0x7d: {  	_ =	shalt  }
0x7e: {  	_ =	shalt  }
0x7f: {  	_ =	shalt  }
0x80: {  	_ =	shalt  }
0x81: {  	_ =	shalt  }
0x82: {  	_ =	shalt  }
0x83: {  	_ =	shalt  }
0x84: {  	_ =	shalt  }
0x85: {  	_ =	shalt  }
0x86: {  	_ =	shalt  }
0x87: {  	_ =	shalt  }
.Lfunc_end0:
.L_simem_size_0:
called_computation.2_lowered:
.L_overlay_start_0:
0x88: {  	s2 =	sld [smem:$0x3FD9]  }
0x89: {  	s3 =	sld [smem:$0x3FFE];
	_ =	sdelay $0x1  }
0x8a: {  	s1 =	srdreg.scid  }
0x8b: {  	s0 =	sand.u32 $0x1, s1  }
0x8c: {  	s16 =	sshll.u32 s0, $0xA;
	s2 =	sadd.s32 s3, s2  }
0x8d: {  	s2 =	sadd.s32 s2, s16  }
0x8e: {  	[smem:$0x3FBF] =	sst s2  }
0x8f: {  	_ = 	snop  }
0x90: {  	(tm) =	ssettm $0x1  }
0x91: {  	s17 =	sld [smem:$0x3FFB];
	_ =	sdelay $0x3  }
0x92: {  	_ =	strace s17  }
0x93: {  	s2 =	sld [smem:$0x3FFC];
	_ =	sdelay $0x3  }
0x94: {  	_ =	strace s2  }
0x95: {  	s2 =	sld [smem:$0x3FFD];
	_ =	sdelay $0x3  }
0x96: {  	_ =	strace s2  }
0x97: {  	_ =	strace $0x8FFFFFFF  }
0x98: {  	s18 =	sld [smem:$0x3FDB];
	_ =	sdelay $0x1  }
0x99: {  	s19 =	simm.s32 $_scs_section_size  }
0x9a: {  	s4 =	simm.s32 $_size__tile_overlayer_lowered;
	s5 =	simm.s32 $_tile_overlayer_lowered  }
0x9b: {  	s22 =	simm.s32 $0x1BFF;
	s21 =	sshll.u32 s5, $0x1;
	s2 =	sadd.s32 s19, s18  }
0x9c: {  	s6 =	simm.s32 $0x0;
	s20 =	sshll.u32 s4, $0x1;
	s4 =	sadd.s32 s21, s2  }
0x9d: {  	[timem:s6], [sflag:s22] =	dma.local [hbm:s4], s20  }
0x9e: {  	_ =	swait.ge [sflag:s22], s20  }
0x9f: {  	s3 =	ssub.s32 $0x0, s20;
	[sflag:s22] =	ssyncset.done $0x0  }
0xa0: {  	[sflag:s22] =	ssyncadd.s32 s3;
	_ =	sdelay $0x1  }
0xa1: {  	s23 =	simm.s32 $0x1B8B  }
0xa2: {  	_ =	swait.ge [sflag:s23], $0x1  }
0xa3: {  	[sflag:s23] =	ssyncset.done $0x0  }
0xa4: {  	s25 =	simm.s32 $0x1B8E;
	s24 =	sld [smem:$0x3FFE];
	[sflag:s23] =	ssyncadd.s32 $0xFFFFFFFF  }
0xa5: {  	s26 =	simm.s32 $execute0_lowered;
	[smem:$0x3FD2] =	sst s25  }
0xa6: {  	s4 =	sshll.u32 s26, $0x1;
	_ =	strace $0x8000004C;
	[dreg:$0x1] =	wrdreg $0xFFFFFFFF  }
0xa7: {  	s28 =	simm.s32 $_size_execute0_lowered;
	s2 =	sadd.s32 s2, s4;
	[dreg:$0x0] =	wrdreg $0x0  }
0xa8: {  	s4 =	sshll.u32 s28, $0x1;
	[dreg:$0x2] =	wrdreg s2  }
0xa9: {  	[dreg:$0x3] =	wrdreg s4  }
0xaa: {  	[dreg:$0x4] =	wrdreg $0xC0  }
0xab: {  	_ =	task [dreg:s6], $0x5FFFF  }
0xac: {  	[dreg:$0x1] =	wrdreg $0xFFFFFFFF  }
0xad: {  	[dreg:$0x0] =	wrdreg $0x60  }
0xae: {  	[dreg:$0x2] =	wrdreg s24  }
0xaf: {  	[dreg:$0x3] =	wrdreg $0x9  }
0xb0: {  	_ =	task.clear_ibuf [dreg:s6], $0x4FFFF;
	_ =	strace $0x9000004C  }
0xb1: {  	s29 =	simm.s32 $0x9;
	_ =	strace $0x8000004E  }
0xb2: {  	_ =	swait.ge [sflag:s29], $0x1  }
0xb3: {  	[sflag:s29] =	ssyncadd.s32 $0xFFFFFFFF  }
0xb4: {  	_ =	strace $0x9000004E  }
0xb5: {  	_ =	sfence  }
0xb6: {  	s30 =	sld [smem:$0x0];
	_ =	sdelay $0x2  }
0xb7: {  	s31 =	sshll.u32 s1, $0xD;
	s1 =	sshrl.u32 s1, $0x2  }
0xb8: {  	s3 =	sand.u32 $0x4000, s31;
	s1 =	sadd.s32 s1, s30  }
0xb9: {  	s0 =	sor.u32 s3, s0;
	s1 =	sshll.u32 s1, $0x11  }
0xba: {  	s0 =	sor.u32 s1, s0  }
0xbb: {  	s0 =	sadd.s32 $0x8F2B, s0  }
0xbc: {  	[sflag:s0] =	ssyncadd.remote.s32 $0x1  }
0xbd: {  	_ =	sfence.sel $0xFFFF  }
0xbe: {  	[dreg:$0x0] =	wrdreg $0xFFFFFFFF;
	(pc) =	sbr.abs _section_cstart, $3  }
0xbf: {  	[dreg:$0x1] =	wrdreg $0xFFFFFFFF  }
0xc0: {  	_ =	task.clear_ibuf [dreg:s6], $0x2FFFF;
	_ =	strace $0x9FFFFFFF  }
0xc1: {  	(tm) =	ssettm $0x7FFFFFFF  }
tec
execute0_lowered:
.L_overlay_start_1:
0x0: {  	(tag) =	ssettag $0x1  }
0x1: {  	s0 =	srdreg.scid  }
0x2: {  	s19 =	sand.u32 $0x1, s0  }
0x3: {  	s0 =	stileid.u32;
	s1 =	sshll.u32 s19, $0x4  }
0x4: {  	s10 =	sor.u32 s0, s1  }
0x5: {  	s3 =	smul.u32 $0x4E2, s10  }
0x6: {  	s9 =	rddreg [dreg:$0x0];
	s2 =	simm.s32 $0x0  }
0x7: {  	s4 =	simm.s32 $0x4;
	[smem:$0x7FF] =	sst s2;
	s3 =	sadd.s32 s3, s9  }
0x8: {  	s1 =	rddreg [dreg:$0x1];
	_ =	strace $0x8000004D;
	s3 =	sadd.s32 $0x2A400, s3  }
0x9: {  	[tilespmem:s2], [sflag:$0x4] =	stream.linear.gather [hbm4b:s3+s2], $0x2710, $0x38;
	[tilespmem:$0x12110] =	vst v63  }
0xa: {  	_ =	swait.ge [sflag:s4], $0x2710  }
0xb: {  	s6 =	simm.s32 $0x7D0;
	s7 =	simm.s32 $0x2710;
	[sflag:s4] =	ssyncset.done $0x0  }
0xc: {  	s8 =	simm.s32 $0x1;
	s5 =	sadd.s32 $0x3200, s9;
	[sflag:s4] =	ssyncadd.s32 $0xFFFFD8F0  }
0xd: {  	[tilespmem:s7], [sflag:$0x1] =	stream.indirect.gather [hbm4b:s5+s6], $0x10, s2, s6, $0xb8;
	[tilespmem:$0x12110] =	vst v63  }
0xe: {  	s11 =	smul.u32 $0x4E20, s10;
	_ =	swait.ge [sflag:s8], $0x7D00  }
0xf: {  	s12 =	sadd.s32 $0x34200, s9;
	[sflag:s8] =	ssyncset.done $0x0  }
0x10: {  	s9 =	sadd.s32 s12, s11;
	[sflag:s8] =	ssyncadd.s32 $0xFFFF8300  }
0x11: {  	[hbm4b:s9+s2] =	stream.linear.scatter [tilespmem:s7], [sflag:$0x2], $0x7D00, $0x38;
	[tilespmem:$0x12110] =	vst v63  }
0x12: {  	s30 =	smul.u32 $0x27100, s10;
	s10 =	simm.s32 $0xA410  }
0x13: {  	[tilespmem:s10], [sflag:$0x1] =	stream.indirect.gather [hbm4b:s5+s6], $0x10, s6, s6, $0xb8;
	[tilespmem:$0x12110] =	vst v63  }
0x14: {  	s11 =	sshrl.u32 s30, $0x3;
	_ =	swait.ge [sflag:s8], $0x7D00  }
0x15: {  	s20 =	sadd.s32 s12, s11;
	[sflag:s8] =	ssyncset.done $0x0  }
0x16: {  	s12 =	simm.s32 $0x2;
	s11 =	sadd.s32 $0xFA0, s20;
	[sflag:s8] =	ssyncadd.s32 $0xFFFF8300  }
0x17: {  	[hbm4b:s11+s2] =	stream.linear.scatter [tilespmem:s10], [sflag:$0x3], $0x7D00, $0x38;
	[tilespmem:$0x12110] =	vst v63  }
0x18: {  	_ =	swait.ge [sflag:s12], $0x7D00  }
0x19: {  	[sflag:s12] =	ssyncset.done $0x0  }
0x1a: {  	s13 =	simm.s32 $0xFA0;
	[sflag:s12] =	ssyncadd.s32 $0xFFFF8300  }
0x1b: {  	[tilespmem:s7], [sflag:$0x1] =	stream.indirect.gather [hbm4b:s5+s6], $0x10, s13, s6, $0xb8;
	[tilespmem:$0x12110] =	vst v63  }
0x1c: {  	_ =	swait.ge [sflag:s8], $0x7D00  }
0x1d: {  	[sflag:s8] =	ssyncset.done $0x0  }
0x1e: {  	s14 =	simm.s32 $0x3;
	s15 =	sadd.s32 $0x1F40, s20;
	[sflag:s8] =	ssyncadd.s32 $0xFFFF8300  }
0x1f: {  	[hbm4b:s15+s2] =	stream.linear.scatter [tilespmem:s7], [sflag:$0x2], $0x7D00, $0x38;
	[tilespmem:$0x12110] =	vst v63  }
0x20: {  	_ =	swait.ge [sflag:s14], $0x7D00  }
0x21: {  	[sflag:s14] =	ssyncset.done $0x0  }
0x22: {  	s16 =	simm.s32 $0x1770;
	[sflag:s14] =	ssyncadd.s32 $0xFFFF8300  }
0x23: {  	[tilespmem:s10], [sflag:$0x1] =	stream.indirect.gather [hbm4b:s5+s6], $0x10, s16, s6, $0xb8;
	[tilespmem:$0x12110] =	vst v63  }
0x24: {  	_ =	swait.ge [sflag:s8], $0x7D00  }
0x25: {  	[sflag:s8] =	ssyncset.done $0x0  }
0x26: {  	s17 =	sadd.s32 $0x2EE0, s20;
	[sflag:s8] =	ssyncadd.s32 $0xFFFF8300  }
0x27: {  	[hbm4b:s17+s2] =	stream.linear.scatter [tilespmem:s10], [sflag:$0x3], $0x7D00, $0x38;
	[tilespmem:$0x12110] =	vst v63  }
0x28: {  	_ =	swait.ge [sflag:s12], $0x7D00  }
0x29: {  	s21 =	ssub.s32 $0x2, s19;
	[sflag:s12] =	ssyncset.done $0x0  }
0x2a: {  	s18 =	simm.s32 $0x1F40;
	s31 =	sshrl.u32 s21, $0x1;
	[sflag:s12] =	ssyncadd.s32 $0xFFFF8300  }
0x2b: {  	[tilespmem:s7], [sflag:$0x1] =	stream.indirect.gather [hbm4b:s5+s6], $0x10, s18, s6, $0xb8;
	[tilespmem:$0x12110] =	vst v63  }
0x2c: {  	s19 =	sadd.s32 $0x3E80, s20;
	s20 =	ssub.s32 s21, s31;
	_ =	swait.ge [sflag:s8], $0x7D00  }
0x2d: {  	s20 =	smax.u32 s20, $0x1;
	[sflag:s8] =	ssyncset.done $0x0  }
0x2e: {  	p0 =	sne.s32 s20, $0x1;
	[sflag:s8] =	ssyncadd.s32 $0xFFFF8300  }
0x2f: {  	[hbm4b:s19+s2] =	stream.linear.scatter [tilespmem:s7], [sflag:$0x2], $0x7D00, $0x38;
	[tilespmem:$0x12110] =	vst v63  }
.Ltmp0:
0x30: {  	_ =	swait.ge [sflag:s12], $0x7D00;
	(pc) =	sbr.rel @!p0 .LBB2_2-.Ltmp0, $4  }
0x31: {  	[sflag:s12] =	ssyncset.done $0x0  }
0x32: {  	[sflag:s12] =	ssyncadd.s32 $0xFFFF8300  }
0x33: {  	_ =	swait.ge [sflag:s14], $0x7D00  }
0x34: {  	s20 =	sadd.s32 $0xFFFFFFFF, s20;
	[sflag:s14] =	ssyncset.done $0x0  }
.LBB2_1:
0x35: {  	p0 =	sne.s32 s20, $0x1;
	s20 =	sadd.s32 $0xFFFFFFFF, s20;
	[sflag:s14] =	ssyncadd.s32 $0xFFFF8300  }
0x36: {  	[tilespmem:s2], [sflag:$0x4] =	stream.linear.gather [hbm4b:s3+s2], $0x2710, $0x38;
	[tilespmem:$0x12110] =	vst v63  }
0x37: {  	_ =	swait.ge [sflag:s4], $0x2710  }
0x38: {  	[sflag:s4] =	ssyncset.done $0x0  }
0x39: {  	[sflag:s4] =	ssyncadd.s32 $0xFFFFD8F0  }
0x3a: {  	[tilespmem:s7], [sflag:$0x1] =	stream.indirect.gather [hbm4b:s5+s6], $0x10, s2, s6, $0xb8;
	[tilespmem:$0x12110] =	vst v63  }
0x3b: {  	_ =	swait.ge [sflag:s8], $0x7D00  }
0x3c: {  	[sflag:s8] =	ssyncset.done $0x0  }
0x3d: {  	[sflag:s8] =	ssyncadd.s32 $0xFFFF8300  }
0x3e: {  	[hbm4b:s9+s2] =	stream.linear.scatter [tilespmem:s7], [sflag:$0x2], $0x7D00, $0x38;
	[tilespmem:$0x12110] =	vst v63  }
0x3f: {  	_ = 	snop  }
0x40: {  	[tilespmem:s10], [sflag:$0x1] =	stream.indirect.gather [hbm4b:s5+s6], $0x10, s6, s6, $0xb8;
	[tilespmem:$0x12110] =	vst v63  }
0x41: {  	_ =	swait.ge [sflag:s8], $0x7D00  }
0x42: {  	[sflag:s8] =	ssyncset.done $0x0  }
0x43: {  	[sflag:s8] =	ssyncadd.s32 $0xFFFF8300  }
0x44: {  	[hbm4b:s11+s2] =	stream.linear.scatter [tilespmem:s10], [sflag:$0x3], $0x7D00, $0x38;
	[tilespmem:$0x12110] =	vst v63  }
0x45: {  	_ =	swait.ge [sflag:s12], $0x7D00  }
0x46: {  	[sflag:s12] =	ssyncset.done $0x0  }
0x47: {  	[sflag:s12] =	ssyncadd.s32 $0xFFFF8300  }
0x48: {  	[tilespmem:s7], [sflag:$0x1] =	stream.indirect.gather [hbm4b:s5+s6], $0x10, s13, s6, $0xb8;
	[tilespmem:$0x12110] =	vst v63  }
0x49: {  	_ =	swait.ge [sflag:s8], $0x7D00  }
0x4a: {  	[sflag:s8] =	ssyncset.done $0x0  }
0x4b: {  	[sflag:s8] =	ssyncadd.s32 $0xFFFF8300  }
0x4c: {  	[hbm4b:s15+s2] =	stream.linear.scatter [tilespmem:s7], [sflag:$0x2], $0x7D00, $0x38;
	[tilespmem:$0x12110] =	vst v63  }
0x4d: {  	_ =	swait.ge [sflag:s14], $0x7D00  }
0x4e: {  	[sflag:s14] =	ssyncset.done $0x0  }
0x4f: {  	[sflag:s14] =	ssyncadd.s32 $0xFFFF8300  }
0x50: {  	[tilespmem:s10], [sflag:$0x1] =	stream.indirect.gather [hbm4b:s5+s6], $0x10, s16, s6, $0xb8;
	[tilespmem:$0x12110] =	vst v63  }
0x51: {  	_ =	swait.ge [sflag:s8], $0x7D00  }
0x52: {  	[sflag:s8] =	ssyncset.done $0x0  }
0x53: {  	[sflag:s8] =	ssyncadd.s32 $0xFFFF8300  }
0x54: {  	[hbm4b:s17+s2] =	stream.linear.scatter [tilespmem:s10], [sflag:$0x3], $0x7D00, $0x38;
	[tilespmem:$0x12110] =	vst v63  }
0x55: {  	_ =	swait.ge [sflag:s12], $0x7D00  }
0x56: {  	[sflag:s12] =	ssyncset.done $0x0  }
0x57: {  	[sflag:s12] =	ssyncadd.s32 $0xFFFF8300  }
0x58: {  	[tilespmem:s7], [sflag:$0x1] =	stream.indirect.gather [hbm4b:s5+s6], $0x10, s18, s6, $0xb8;
	[tilespmem:$0x12110] =	vst v63  }
0x59: {  	_ =	swait.ge [sflag:s8], $0x7D00  }
0x5a: {  	[sflag:s8] =	ssyncset.done $0x0  }
0x5b: {  	[sflag:s8] =	ssyncadd.s32 $0xFFFF8300  }
0x5c: {  	[hbm4b:s19+s2] =	stream.linear.scatter [tilespmem:s7], [sflag:$0x2], $0x7D00, $0x38;
	[tilespmem:$0x12110] =	vst v63  }
.Ltmp1:
0x5d: {  	_ =	swait.ge [sflag:s12], $0x7D00;
	(pc) =	sbr.rel @p0 .LBB2_1-.Ltmp1, $4  }
0x5e: {  	[sflag:s12] =	ssyncset.done $0x0  }
0x5f: {  	[sflag:s12] =	ssyncadd.s32 $0xFFFF8300  }
0x60: {  	_ =	swait.ge [sflag:s14], $0x7D00  }
0x61: {  	[sflag:s14] =	ssyncset.done $0x0  }
.LBB2_2:
0x62: {  	[sflag:s14] =	ssyncadd.s32 $0xFFFF8300  }
0x63: {  	_ =	sfence.sel $0x180000  }
0x64: {  	[bflag:$0x0] =	sbarrier.arrive $0xFFFF  }
0x65: {  	p0 =	sne.s32 s0, $0x0;
	_ =	strace $0x9000004D  }
0x66: {  	s0 =	sadd.s32 @!p0 $0x100000, s1;
	[bflag:$0x2] =	sbarrier.arrive $0xFFFF  }
0x67: {  	[sflag:s0] =	ssyncadd.tile.s32 @!p0 $0x1;
	_ =	shalt  }
.Lfunc_end2:
_tile_overlayer_lowered:
.L_overlay_start_2:
0x68: {  	(tag) =	ssettag $0x2  }
0x69: {  	s0 =	rddreg [dreg:$0x0];
	s2 =	stileid.u32  }
0x6a: {  	s1 =	rddreg [dreg:$0x1];
	p0 =	sne.s32 s2, $0x0  }
0x6b: {  	s3 =	rddreg [dreg:$0x2];
	[bflag:$0x3] =	sbarrier.arrive $0xFFFF;
	s2 =	simm.s32 @!p0 $0x1C04  }
0x6c: {  	[timem:s3], [sflag:s2] =	dma.local @!p0 [hbm:s0], s1  }
0x6d: {  	s0 =	simm.s32 @!p0 $0x4  }
0x6e: {  	_ =	swait.ge @!p0 [sflag:s0], s1  }
0x6f: {  	s1 =	ssub.s32 @!p0 $0x0, s1;
	[sflag:s0] =	ssyncset.done @!p0 $0x0  }
0x70: {  	[sflag:s0] =	ssyncadd.s32 @!p0 s1  }
0x71: {  	[bflag:$0x3] =	sbarrier.arrive $0xFFFF  }
0x72: {  	_ =	shalt  }

// kernel: kernel.19.cloned.1.call-start
scs
__scs_entry_jumppad:
0x0: {  	(pc) =	sbr.rel $0x88, $3  }
0x1: {  	(tag) =	ssettag $0x0;
	lr =	simm.s32 $0x1  }
0x2: {  	[smem:$0x3F98] =	sst lr;
	_ =	strace $0xD0000000  }
0x3: {  	_ = 	snop  }
0x4: {  	_ = 	snop  }
0x5: {  	_ = 	snop  }
0x6: {  	_ = 	snop  }
0x7: {  	_ = 	snop  }
__scs_overlays_trampoline_lowered:
0x8: {  	[smem:$0x3FA7] =	sst s0  }
0x9: {  	[smem:$0x3FA8] =	sst s1  }
0xa: {  	[smem:$0x3FA9] =	sst s2  }
0xb: {  	[smem:$0x3FAA] =	sst s3  }
0xc: {  	[smem:$0x3FAB] =	sst s4  }
0xd: {  	[smem:$0x3FAC] =	sst s5  }
0xe: {  	[smem:$0x3FAD] =	sst s6  }
0xf: {  	[smem:$0x3FAE] =	sst s7  }
0x10: {  	[smem:$0x3FAF] =	sst s8  }
0x11: {  	[smem:$0x3FB0] =	sst s9;
	s0 =	simm.s32 @!p0 $0x0  }
0x12: {  	s1 =	sld [smem:$0x3F96];
	s0 =	simm.s32 @p0 $0x1  }
0x13: {  	[smem:$0x3FB1] =	sst s0;
	s0 =	simm.s32 @!p1 $0x0  }
0x14: {  	s2 =	sld [smem:$0x3F95];
	s0 =	simm.s32 @p1 $0x1  }
0x15: {  	[smem:$0x3FB2] =	sst s0;
	s0 =	simm.s32 @!p2 $0x0  }
0x16: {  	s3 =	sld [smem:$0x3FDB];
	s0 =	simm.s32 @p2 $0x1  }
0x17: {  	s4 =	simm.s32 $0x1BF5;
	[smem:$0x3FB4] =	sst s0  }
0x18: {  	s0 =	sld [smem:$0x3F97];
	_ =	swait.ge [sflag:s4], $0x0  }
0x19: {  	s7 =	sld [smem:$0x3F98]  }
0x1a: {  	s8 =	sadd.s32 $0xFFFFE003, lr  }
0x1b: {  	s9 =	sadd.s32 $0xFFFFFEF7, lr;
	s5 =	simm.s32 $0xFFFFFFFF;
	p2 =	slt.u32 s8, $0xFFFFF086  }
0x1c: {  	p1 =	slt.u32 s9, $0xF7A;
	s5 =	simm.s32 @!p2 $0x0  }
0x1d: {  	s5 =	simm.s32 @p1 $0x1;
	p0 =	seq.s32 s7, s2  }
0x1e: {  	s7 =	smul.u32 @!p0 $0xF7A, s2;
	p2 =	seq.s32 @!p0 s5, $0x0  }
0x1f: {  	s9 =	smul.u32 $0xF7A, s1;
	s8 =	simm.s32 @!p0 $0x1BF5;
	p2 =	por !p2, p0  }
0x20: {  	[sflag:s8] =	ssyncset.s32 @!p0 $0xFFFFF086;
	s6 =	sadd.s32 @!p0 s3, s7;
	s7 =	simm.s32 @!p0 $0x108  }
0x21: {  	s3 =	sadd.s32 s3, s9;
	s6 =	sadd.s32 @!p0 $0x88, s6;
	s7 =	simm.s32 @p2 $0x1082  }
0x22: {  	[simem:s7], [sflag:s8] =	dma.local @!p0 [hbm:s6], $0xF7A  }
0x23: {  	s9 =	sor.u32 $0xD0000000, s2;
	s6 =	simm.s32 $0x108;
	_ =	swait.ge @!p0 [sflag:s8], $0x0  }
0x24: {  	s3 =	sadd.s32 $0x88, s3;
	s6 =	simm.s32 @!p1 $0x1082;
	[sflag:s4] =	ssyncset.s32 $0xFFFFF086  }
0x25: {  	[simem:s6], [sflag:s4] =	dma.local [hbm:s3], $0xF7A  }
0x26: {  	[smem:$0x3F98] =	sst s1;
	(tag) =	ssettag s2;
	_ =	strace s9  }
0x27: {  	s1 =	sld [smem:$0x3FA8]  }
0x28: {  	s2 =	sld [smem:$0x3FA9]  }
0x29: {  	s4 =	sld [smem:$0x3FAB]  }
0x2a: {  	p0 =	seq.s32 s5, $0x0;
	s5 =	sld [smem:$0x3FAC]  }
0x2b: {  	s6 =	sld [smem:$0x3FAD]  }
0x2c: {  	s7 =	sld [smem:$0x3FAE]  }
0x2d: {  	s3 =	simm.s32 $0x108;
	s8 =	sld [smem:$0x3FAF]  }
0x2e: {  	s3 =	simm.s32 @!p0 $0x1082;
	s9 =	sld [smem:$0x3FB0]  }
0x2f: {  	lr =	sadd.s32 s0, s3;
	s0 =	sld [smem:$0x3FA7]  }
0x30: {  	s3 =	sld [smem:$0x3FAA]  }
0x31: {  	[smem:$0x3FB3] =	sst s10  }
0x32: {  	s10 =	sld [smem:$0x3FB1];
	_ =	sdelay $0x3  }
0x33: {  	p0 =	seq.s32 s10, $0x1;
	s10 =	sld [smem:$0x3FB3];
	_ =	sdelay $0x3  }
0x34: {  	[smem:$0x3FB3] =	sst s10  }
0x35: {  	s10 =	sld [smem:$0x3FB2];
	_ =	sdelay $0x3  }
0x36: {  	p1 =	seq.s32 s10, $0x1;
	s10 =	sld [smem:$0x3FB3];
	_ =	sdelay $0x3  }
0x37: {  	[smem:$0x3FB3] =	sst s10  }
0x38: {  	s10 =	sld [smem:$0x3FB4]  }
0x39: {  	_ = 	snop;
	(pc) =	sbr.ind lr, $3  }
0x3a: {  	_ = 	snop  }
0x3b: {  	_ = 	snop  }
0x3c: {  	p2 =	seq.s32 s10, $0x1;
	s10 =	sld [smem:$0x3FB3]  }
0x3d: {  	_ =	shalt  }
0x3e: {  	_ =	shalt  }
0x3f: {  	_ =	shalt  }
0x40: {  	_ =	shalt  }
0x41: {  	_ =	shalt  }
0x42: {  	_ =	shalt  }
0x43: {  	_ =	shalt  }
0x44: {  	_ =	shalt  }
0x45: {  	_ =	shalt  }
0x46: {  	_ =	shalt  }
0x47: {  	_ =	shalt  }
0x48: {  	_ =	shalt  }
0x49: {  	_ =	shalt  }
0x4a: {  	_ =	shalt  }
0x4b: {  	_ =	shalt  }
0x4c: {  	_ =	shalt  }
0x4d: {  	_ =	shalt  }
0x4e: {  	_ =	shalt  }
0x4f: {  	_ =	shalt  }
0x50: {  	_ =	shalt  }
0x51: {  	_ =	shalt  }
0x52: {  	_ =	shalt  }
0x53: {  	_ =	shalt  }
0x54: {  	_ =	shalt  }
0x55: {  	_ =	shalt  }
0x56: {  	_ =	shalt  }
0x57: {  	_ =	shalt  }
0x58: {  	_ =	shalt  }
0x59: {  	_ =	shalt  }
0x5a: {  	_ =	shalt  }
0x5b: {  	_ =	shalt  }
0x5c: {  	_ =	shalt  }
0x5d: {  	_ =	shalt  }
0x5e: {  	_ =	shalt  }
0x5f: {  	_ =	shalt  }
0x60: {  	_ =	shalt  }
0x61: {  	_ =	shalt  }
0x62: {  	_ =	shalt  }
0x63: {  	_ =	shalt  }
0x64: {  	_ =	shalt  }
0x65: {  	_ =	shalt  }
0x66: {  	_ =	shalt  }
0x67: {  	_ =	shalt  }
0x68: {  	_ =	shalt  }
0x69: {  	_ =	shalt  }
0x6a: {  	_ =	shalt  }
0x6b: {  	_ =	shalt  }
0x6c: {  	_ =	shalt  }
0x6d: {  	_ =	shalt  }
0x6e: {  	_ =	shalt  }
0x6f: {  	_ =	shalt  }
0x70: {  	_ =	shalt  }
0x71: {  	_ =	shalt  }
0x72: {  	_ =	shalt  }
0x73: {  	_ =	shalt  }
0x74: {  	_ =	shalt  }
0x75: {  	_ =	shalt  }
0x76: {  	_ =	shalt  }
0x77: {  	_ =	shalt  }
0x78: {  	_ =	shalt  }
0x79: {  	_ =	shalt  }
0x7a: {  	_ =	shalt  }
0x7b: {  	_ =	shalt  }
0x7c: {  	_ =	shalt  }
0x7d: {  	_ =	shalt  }
0x7e: {  	_ =	shalt  }
0x7f: {  	_ =	shalt  }
0x80: {  	_ =	shalt  }
0x81: {  	_ =	shalt  }
0x82: {  	_ =	shalt  }
0x83: {  	_ =	shalt  }
0x84: {  	_ =	shalt  }
0x85: {  	_ =	shalt  }
0x86: {  	_ =	shalt  }
0x87: {  	_ =	shalt  }
.Lfunc_end0:
.L_simem_size_0:
called_computation.3_lowered:
.L_overlay_start_0:
0x88: {  	s2 =	sld [smem:$0x3FD9]  }
0x89: {  	s3 =	sld [smem:$0x3FFE];
	_ =	sdelay $0x1  }
0x8a: {  	s1 =	srdreg.scid  }
0x8b: {  	s0 =	sand.u32 $0x1, s1  }
0x8c: {  	s17 =	sshll.u32 s0, $0xA;
	s2 =	sadd.s32 s3, s2  }
0x8d: {  	s2 =	sadd.s32 s2, s17  }
0x8e: {  	[smem:$0x3FBF] =	sst s2  }
0x8f: {  	_ = 	snop  }
0x90: {  	s2 =	sld [smem:$0x3FD0];
	(tm) =	ssettm $0x1  }
0x91: {  	s18 =	sld [smem:$0x3FFB];
	_ =	sdelay $0x3  }
0x92: {  	_ =	strace s18  }
0x93: {  	s3 =	sld [smem:$0x3FFC];
	_ =	sdelay $0x3  }
0x94: {  	_ =	strace s3  }
0x95: {  	s3 =	sld [smem:$0x3FFD];
	_ =	sdelay $0x3  }
0x96: {  	_ =	strace s3  }
0x97: {  	_ =	strace $0x8FFFFFFF  }
0x98: {  	s19 =	sld [smem:$0x3FDB];
	_ =	sdelay $0x1  }
0x99: {  	s4 =	simm.s32 $_scs_section_size  }
0x9a: {  	s5 =	simm.s32 $_size__tile_overlayer_lowered;
	s6 =	simm.s32 $_tile_overlayer_lowered  }
0x9b: {  	s22 =	simm.s32 $0x1BFF;
	s21 =	sshll.u32 s6, $0x1;
	s3 =	sadd.s32 s4, s19  }
0x9c: {  	s7 =	simm.s32 $0x0;
	s20 =	sshll.u32 s5, $0x1;
	s5 =	sadd.s32 s21, s3  }
0x9d: {  	[timem:s7], [sflag:s22] =	dma.local [hbm:s5], s20  }
0x9e: {  	_ =	swait.ge [sflag:s22], s20  }
0x9f: {  	s4 =	ssub.s32 $0x0, s20;
	[sflag:s22] =	ssyncset.done $0x0  }
0xa0: {  	[sflag:s22] =	ssyncadd.s32 s4;
	_ =	sdelay $0x1  }
0xa1: {  	s23 =	simm.s32 $0x1B8B  }
0xa2: {  	_ =	swait.ge [sflag:s23], $0x1  }
0xa3: {  	[sflag:s23] =	ssyncset.done $0x0  }
0xa4: {  	s25 =	simm.s32 $0x1B8E;
	s24 =	sld [smem:$0x3FFE];
	[sflag:s23] =	ssyncadd.s32 $0xFFFFFFFF  }
0xa5: {  	s26 =	simm.s32 $execute0_lowered;
	[smem:$0x3FD2] =	sst s25  }
0xa6: {  	s5 =	sshll.u32 s26, $0x1;
	_ =	strace $0x8000004F;
	[dreg:$0x1] =	wrdreg $0xFFFFFFFF  }
0xa7: {  	s28 =	simm.s32 $_size_execute0_lowered;
	s3 =	sadd.s32 s3, s5;
	[dreg:$0x0] =	wrdreg $0x0  }
0xa8: {  	s5 =	sshll.u32 s28, $0x1;
	[dreg:$0x2] =	wrdreg s3  }
0xa9: {  	[dreg:$0x3] =	wrdreg s5  }
0xaa: {  	[dreg:$0x4] =	wrdreg $0xC0  }
0xab: {  	_ =	task [dreg:s7], $0x5FFFF  }
0xac: {  	[dreg:$0x1] =	wrdreg $0xFFFFFFFF  }
0xad: {  	[dreg:$0x0] =	wrdreg $0x60  }
0xae: {  	[dreg:$0x2] =	wrdreg s24  }
0xaf: {  	[dreg:$0x3] =	wrdreg s2  }
0xb0: {  	[dreg:$0x4] =	wrdreg $0x109A00  }
0xb1: {  	[dreg:$0x5] =	wrdreg $0x9  }
0xb2: {  	_ =	task.clear_ibuf [dreg:s7], $0x6FFFF;
	_ =	strace $0x9000004F  }
0xb3: {  	s29 =	simm.s32 $0x9;
	_ =	strace $0x80000051  }
0xb4: {  	_ =	swait.ge [sflag:s29], $0x1  }
0xb5: {  	[sflag:s29] =	ssyncadd.s32 $0xFFFFFFFF  }
0xb6: {  	_ =	strace $0x90000051  }
0xb7: {  	_ =	sfence  }
0xb8: {  	s30 =	sld [smem:$0x0];
	_ =	sdelay $0x2  }
0xb9: {  	s31 =	sshll.u32 s1, $0xD;
	s1 =	sshrl.u32 s1, $0x2  }
0xba: {  	s3 =	sand.u32 $0x4000, s31;
	s1 =	sadd.s32 s1, s30  }
0xbb: {  	s0 =	sor.u32 s3, s0;
	s1 =	sshll.u32 s1, $0x11  }
0xbc: {  	s0 =	sor.u32 s1, s0  }
0xbd: {  	s0 =	sadd.s32 $0x8F2B, s0  }
0xbe: {  	[sflag:s0] =	ssyncadd.remote.s32 $0x1  }
0xbf: {  	_ =	sfence.sel $0xFFFF  }
0xc0: {  	[dreg:$0x0] =	wrdreg $0xFFFFFFFF;
	(pc) =	sbr.abs _section_cstart, $3  }
0xc1: {  	[dreg:$0x1] =	wrdreg $0xFFFFFFFF  }
0xc2: {  	_ =	task.clear_ibuf [dreg:s7], $0x2FFFF;
	_ =	strace $0x9FFFFFFF  }
0xc3: {  	(tm) =	ssettm $0x7FFFFFFF  }
tec
execute0_lowered:
.L_overlay_start_1:
0x0: {  	(tag) =	ssettag $0x1  }
0x1: {  	s23 =	rddreg [dreg:$0x0]  }
0x2: {  	s4 =	rddreg [dreg:$0x1]  }
0x3: {  	s2 =	rddreg [dreg:$0x2];
	s3 =	srdreg.scid  }
0x4: {  	s0 =	rddreg [dreg:$0x3];
	s1 =	stileid.u32  }
0x5: {  	s24 =	sand.u32 $0x1, s3;
	s3 =	simm.s32 $0x0;
	s25 =	smul.u32 $0x2710, s1  }
0x6: {  	s30 =	sshll.u32 s1, $0x6;
	s5 =	sshll.u32 s24, $0x4;
	[smem:$0x7FF] =	sst s3  }
0x7: {  	s12 =	sor.u32 s1, s5;
	_ =	strace $0x80000050;
	s29 =	sshrl.u32 s25, $0x3  }
0x8: {  	s6 =	sadd.s32 s25, s2;
	s5 =	sor.u32 $0x1C03, s30;
	s8 =	smul.u32 $0x2710, s12  }
0x9: {  	s4 =	sadd.s32 s4, s29;
	s7 =	sshrl.u32 s6, $0x3;
	s6 =	simm.s32 $0x3  }
0xa: {  	[spmem:s7], [sflag:s5] =	dma.local [hbm:s4], $0x4E2  }
0xb: {  	s8 =	sshrl.u32 s8, $0x3;
	_ =	swait.ge [sflag:s6], $0x4E2  }
0xc: {  	s13 =	sadd.s32 $0x8200, s23;
	s21 =	sadd.s32 s8, s23;
	[sflag:s6] =	ssyncset.done $0x0  }
0xd: {  	s9 =	smul.u32 $0x4E20, s12;
	s8 =	sadd.s32 $0xD0600, s21;
	[sflag:s6] =	ssyncadd.s32 $0xFFFFFB1E  }
0xe: {  	[tilespmem:s3], [sflag:$0x1] =	stream.linear.gather [hbm4b:s8+s3], $0x7D0, $0x38;
	[tilespmem:$0x130B0] =	vst v63  }
0xf: {  	s10 =	simm.s32 $0xFA0;
	s9 =	sadd.s32 s13, s9  }
0x10: {  	[tilespmem:s10], [sflag:$0x1] =	stream.linear.gather [hbm4b:s9+s3], $0x7D00, $0x38;
	[tilespmem:$0x130B0] =	vst v63  }
0x11: {  	s11 =	simm.s32 $0x1;
	[bflag:$0x0] =	sbarrier.arrive $0xFFFF  }
0x12: {  	_ =	swait.ge [sflag:s11], $0x7D0  }
0x13: {  	s14 =	smul.u32 $0x27100, s12;
	[sflag:s11] =	ssyncset.done $0x0  }
0x14: {  	[sflag:s11] =	ssyncadd.s32 $0xFFFFF830  }
0x15: {  	s14 =	sshrl.u32 s14, $0x3;
	_ =	swait.ge [sflag:s11], $0x7D00  }
0x16: {  	s22 =	sadd.s32 s13, s14;
	[sflag:s11] =	ssyncset.done $0x0  }
0x17: {  	s13 =	simm.s32 $0x7D0;
	s12 =	sadd.s32 $0xD06FA, s21;
	[sflag:s11] =	ssyncadd.s32 $0xFFFF8300  }
0x18: {  	[tilespmem:s13], [sflag:$0x2] =	stream.linear.gather [hbm4b:s12+s3], $0x7D0, $0x38;
	[tilespmem:$0x130B0] =	vst v63  }
0x19: {  	s15 =	simm.s32 $0x8CA0;
	s14 =	sadd.s32 $0xFA0, s22  }
0x1a: {  	[tilespmem:s15], [sflag:$0x2] =	stream.linear.gather [hbm4b:s14+s3], $0x7D00, $0x38;
	[tilespmem:$0x130B0] =	vst v63  }
0x1b: {  	_ = 	snop  }
0x1c: {  	[spmem:s2] =	stream.indirect.scatter.add.f32 [tilespmem:s10], [sflag:$0x3], $0x10, s3, s13, $0xb8;
	[tilespmem:$0x130B0] =	vst v63  }
0x1d: {  	_ =	swait.ge [sflag:s6], $0x7D00  }
0x1e: {  	[sflag:s6] =	ssyncset.done $0x0  }
0x1f: {  	s16 =	simm.s32 $0x2;
	[sflag:s6] =	ssyncadd.s32 $0xFFFF8300  }
0x20: {  	_ =	swait.ge [sflag:s16], $0x7D0  }
0x21: {  	[sflag:s16] =	ssyncset.done $0x0  }
0x22: {  	[sflag:s16] =	ssyncadd.s32 $0xFFFFF830  }
0x23: {  	_ =	swait.ge [sflag:s16], $0x7D00  }
0x24: {  	[sflag:s16] =	ssyncset.done $0x0  }
0x25: {  	s17 =	sadd.s32 $0xD07F4, s21;
	[sflag:s16] =	ssyncadd.s32 $0xFFFF8300  }
0x26: {  	[tilespmem:s3], [sflag:$0x1] =	stream.linear.gather [hbm4b:s17+s3], $0x7D0, $0x38;
	[tilespmem:$0x130B0] =	vst v63  }
0x27: {  	s18 =	sadd.s32 $0x1F40, s22  }
0x28: {  	[tilespmem:s10], [sflag:$0x1] =	stream.linear.gather [hbm4b:s18+s3], $0x7D00, $0x38;
	[tilespmem:$0x130B0] =	vst v63  }
0x29: {  	_ = 	snop  }
0x2a: {  	[spmem:s2] =	stream.indirect.scatter.add.f32 [tilespmem:s15], [sflag:$0x3], $0x10, s13, s13, $0xb8;
	[tilespmem:$0x130B0] =	vst v63  }
0x2b: {  	_ =	swait.ge [sflag:s6], $0x7D00  }
0x2c: {  	[sflag:s6] =	ssyncset.done $0x0  }
0x2d: {  	[sflag:s6] =	ssyncadd.s32 $0xFFFF8300  }
0x2e: {  	_ =	swait.ge [sflag:s11], $0x7D0  }
0x2f: {  	[sflag:s11] =	ssyncset.done $0x0  }
0x30: {  	[sflag:s11] =	ssyncadd.s32 $0xFFFFF830  }
0x31: {  	_ =	swait.ge [sflag:s11], $0x7D00  }
0x32: {  	[sflag:s11] =	ssyncset.done $0x0  }
0x33: {  	s19 =	sadd.s32 $0xD08EE, s21;
	[sflag:s11] =	ssyncadd.s32 $0xFFFF8300  }
0x34: {  	[tilespmem:s13], [sflag:$0x2] =	stream.linear.gather [hbm4b:s19+s3], $0x7D0, $0x38;
	[tilespmem:$0x130B0] =	vst v63  }
0x35: {  	s20 =	sadd.s32 $0x2EE0, s22  }
0x36: {  	[tilespmem:s15], [sflag:$0x2] =	stream.linear.gather [hbm4b:s20+s3], $0x7D00, $0x38;
	[tilespmem:$0x130B0] =	vst v63  }
0x37: {  	_ = 	snop  }
0x38: {  	[spmem:s2] =	stream.indirect.scatter.add.f32 [tilespmem:s10], [sflag:$0x3], $0x10, s3, s13, $0xb8;
	[tilespmem:$0x130B0] =	vst v63  }
0x39: {  	_ =	swait.ge [sflag:s6], $0x7D00  }
0x3a: {  	[sflag:s6] =	ssyncset.done $0x0  }
0x3b: {  	[sflag:s6] =	ssyncadd.s32 $0xFFFF8300  }
0x3c: {  	_ =	swait.ge [sflag:s16], $0x7D0  }
0x3d: {  	[sflag:s16] =	ssyncset.done $0x0  }
0x3e: {  	[sflag:s16] =	ssyncadd.s32 $0xFFFFF830  }
0x3f: {  	_ =	swait.ge [sflag:s16], $0x7D00  }
0x40: {  	[sflag:s16] =	ssyncset.done $0x0  }
0x41: {  	s21 =	sadd.s32 $0xD09E8, s21;
	[sflag:s16] =	ssyncadd.s32 $0xFFFF8300  }
0x42: {  	[tilespmem:s3], [sflag:$0x1] =	stream.linear.gather [hbm4b:s21+s3], $0x7D0, $0x38;
	[tilespmem:$0x130B0] =	vst v63  }
0x43: {  	s22 =	sadd.s32 $0x3E80, s22  }
0x44: {  	[tilespmem:s10], [sflag:$0x1] =	stream.linear.gather [hbm4b:s22+s3], $0x7D00, $0x38;
	[tilespmem:$0x130B0] =	vst v63  }
0x45: {  	_ = 	snop  }
0x46: {  	[spmem:s2] =	stream.indirect.scatter.add.f32 [tilespmem:s15], [sflag:$0x3], $0x10, s13, s13, $0xb8;
	[tilespmem:$0x130B0] =	vst v63  }
0x47: {  	_ =	swait.ge [sflag:s6], $0x7D00  }
0x48: {  	[sflag:s6] =	ssyncset.done $0x0  }
0x49: {  	[sflag:s6] =	ssyncadd.s32 $0xFFFF8300  }
0x4a: {  	_ =	swait.ge [sflag:s11], $0x7D0  }
0x4b: {  	[sflag:s11] =	ssyncset.done $0x0  }
0x4c: {  	[sflag:s11] =	ssyncadd.s32 $0xFFFFF830  }
0x4d: {  	s26 =	smul.u32 $0x27100, s24;
	s24 =	ssub.s32 $0x2, s24;
	_ =	swait.ge [sflag:s11], $0x7D00  }
0x4e: {  	s31 =	sshrl.u32 s24, $0x1;
	[sflag:s11] =	ssyncset.done $0x0  }
0x4f: {  	s24 =	ssub.s32 s24, s31;
	[sflag:s11] =	ssyncadd.s32 $0xFFFF8300  }
0x50: {  	[spmem:s2] =	stream.indirect.scatter.add.f32 [tilespmem:s10], [sflag:$0x3], $0x10, s3, s13, $0xb8;
	[tilespmem:$0x130B0] =	vst v63  }
0x51: {  	s25 =	sadd.s32 s25, s26;
	s24 =	smax.u32 s24, $0x1;
	_ =	swait.ge [sflag:s6], $0x7D00  }
0x52: {  	s25 =	sshrl.u32 s25, $0x3;
	p0 =	sne.s32 s24, $0x1;
	[sflag:s6] =	ssyncset.done $0x0  }
.Ltmp0:
0x53: {  	s23 =	sadd.s32 s25, s23;
	[sflag:s6] =	ssyncadd.s32 $0xFFFF8300;
	(pc) =	sbr.rel @!p0 .LBB2_2-.Ltmp0, $4  }
0x54: {  	s23 =	sadd.s32 $0xA4600, s23;
	[bflag:$0x0] =	sbarrier.arrive $0xFFFF  }
0x55: {  	[hbm:s23], [sflag:s5] =	dma.local [spmem:s7], $0x4E2  }
0x56: {  	_ =	swait.ge [sflag:s6], $0x4E2  }
0x57: {  	s24 =	sadd.s32 $0xFFFFFFFF, s24;
	[sflag:s6] =	ssyncset.done $0x0  }
.LBB2_1:
0x58: {  	p0 =	sne.s32 s24, $0x1;
	s24 =	sadd.s32 $0xFFFFFFFF, s24;
	[sflag:s6] =	ssyncadd.s32 $0xFFFFFB1E  }
0x59: {  	[spmem:s7], [sflag:s5] =	dma.local [hbm:s4], $0x4E2  }
0x5a: {  	_ =	swait.ge [sflag:s6], $0x4E2  }
0x5b: {  	[sflag:s6] =	ssyncset.done $0x0  }
0x5c: {  	[sflag:s6] =	ssyncadd.s32 $0xFFFFFB1E  }
0x5d: {  	[tilespmem:s3], [sflag:$0x1] =	stream.linear.gather [hbm4b:s8+s3], $0x7D0, $0x38;
	[tilespmem:$0x130B0] =	vst v63  }
0x5e: {  	_ = 	snop  }
0x5f: {  	[tilespmem:s10], [sflag:$0x1] =	stream.linear.gather [hbm4b:s9+s3], $0x7D00, $0x38;
	[tilespmem:$0x130B0] =	vst v63  }
0x60: {  	[bflag:$0x0] =	sbarrier.arrive $0xFFFF  }
0x61: {  	_ =	swait.ge [sflag:s11], $0x7D0  }
0x62: {  	[sflag:s11] =	ssyncset.done $0x0  }
0x63: {  	[sflag:s11] =	ssyncadd.s32 $0xFFFFF830  }
0x64: {  	_ =	swait.ge [sflag:s11], $0x7D00  }
0x65: {  	[sflag:s11] =	ssyncset.done $0x0  }
0x66: {  	[sflag:s11] =	ssyncadd.s32 $0xFFFF8300  }
0x67: {  	[tilespmem:s13], [sflag:$0x2] =	stream.linear.gather [hbm4b:s12+s3], $0x7D0, $0x38;
	[tilespmem:$0x130B0] =	vst v63  }
0x68: {  	_ = 	snop  }
0x69: {  	[tilespmem:s15], [sflag:$0x2] =	stream.linear.gather [hbm4b:s14+s3], $0x7D00, $0x38;
	[tilespmem:$0x130B0] =	vst v63  }
0x6a: {  	_ = 	snop  }
0x6b: {  	[spmem:s2] =	stream.indirect.scatter.add.f32 [tilespmem:s10], [sflag:$0x3], $0x10, s3, s13, $0xb8;
	[tilespmem:$0x130B0] =	vst v63  }
0x6c: {  	_ =	swait.ge [sflag:s6], $0x7D00  }
0x6d: {  	[sflag:s6] =	ssyncset.done $0x0  }
0x6e: {  	[sflag:s6] =	ssyncadd.s32 $0xFFFF8300  }
0x6f: {  	_ =	swait.ge [sflag:s16], $0x7D0  }
0x70: {  	[sflag:s16] =	ssyncset.done $0x0  }
0x71: {  	[sflag:s16] =	ssyncadd.s32 $0xFFFFF830  }
0x72: {  	_ =	swait.ge [sflag:s16], $0x7D00  }
0x73: {  	[sflag:s16] =	ssyncset.done $0x0  }
0x74: {  	[sflag:s16] =	ssyncadd.s32 $0xFFFF8300  }
0x75: {  	[tilespmem:s3], [sflag:$0x1] =	stream.linear.gather [hbm4b:s17+s3], $0x7D0, $0x38;
	[tilespmem:$0x130B0] =	vst v63  }
0x76: {  	_ = 	snop  }
0x77: {  	[tilespmem:s10], [sflag:$0x1] =	stream.linear.gather [hbm4b:s18+s3], $0x7D00, $0x38;
	[tilespmem:$0x130B0] =	vst v63  }
0x78: {  	_ = 	snop  }
0x79: {  	[spmem:s2] =	stream.indirect.scatter.add.f32 [tilespmem:s15], [sflag:$0x3], $0x10, s13, s13, $0xb8;
	[tilespmem:$0x130B0] =	vst v63  }
0x7a: {  	_ =	swait.ge [sflag:s6], $0x7D00  }
0x7b: {  	[sflag:s6] =	ssyncset.done $0x0  }
0x7c: {  	[sflag:s6] =	ssyncadd.s32 $0xFFFF8300  }
0x7d: {  	_ =	swait.ge [sflag:s11], $0x7D0  }
0x7e: {  	[sflag:s11] =	ssyncset.done $0x0  }
0x7f: {  	[sflag:s11] =	ssyncadd.s32 $0xFFFFF830  }
0x80: {  	_ =	swait.ge [sflag:s11], $0x7D00  }
0x81: {  	[sflag:s11] =	ssyncset.done $0x0  }
0x82: {  	[sflag:s11] =	ssyncadd.s32 $0xFFFF8300  }
0x83: {  	[tilespmem:s13], [sflag:$0x2] =	stream.linear.gather [hbm4b:s19+s3], $0x7D0, $0x38;
	[tilespmem:$0x130B0] =	vst v63  }
0x84: {  	_ = 	snop  }
0x85: {  	[tilespmem:s15], [sflag:$0x2] =	stream.linear.gather [hbm4b:s20+s3], $0x7D00, $0x38;
	[tilespmem:$0x130B0] =	vst v63  }
0x86: {  	_ = 	snop  }
0x87: {  	[spmem:s2] =	stream.indirect.scatter.add.f32 [tilespmem:s10], [sflag:$0x3], $0x10, s3, s13, $0xb8;
	[tilespmem:$0x130B0] =	vst v63  }
0x88: {  	_ =	swait.ge [sflag:s6], $0x7D00  }
0x89: {  	[sflag:s6] =	ssyncset.done $0x0  }
0x8a: {  	[sflag:s6] =	ssyncadd.s32 $0xFFFF8300  }
0x8b: {  	_ =	swait.ge [sflag:s16], $0x7D0  }
0x8c: {  	[sflag:s16] =	ssyncset.done $0x0  }
0x8d: {  	[sflag:s16] =	ssyncadd.s32 $0xFFFFF830  }
0x8e: {  	_ =	swait.ge [sflag:s16], $0x7D00  }
0x8f: {  	[sflag:s16] =	ssyncset.done $0x0  }
0x90: {  	[sflag:s16] =	ssyncadd.s32 $0xFFFF8300  }
0x91: {  	[tilespmem:s3], [sflag:$0x1] =	stream.linear.gather [hbm4b:s21+s3], $0x7D0, $0x38;
	[tilespmem:$0x130B0] =	vst v63  }
0x92: {  	_ = 	snop  }
0x93: {  	[tilespmem:s10], [sflag:$0x1] =	stream.linear.gather [hbm4b:s22+s3], $0x7D00, $0x38;
	[tilespmem:$0x130B0] =	vst v63  }
0x94: {  	_ = 	snop  }
0x95: {  	[spmem:s2] =	stream.indirect.scatter.add.f32 [tilespmem:s15], [sflag:$0x3], $0x10, s13, s13, $0xb8;
	[tilespmem:$0x130B0] =	vst v63  }
0x96: {  	_ =	swait.ge [sflag:s6], $0x7D00  }
0x97: {  	[sflag:s6] =	ssyncset.done $0x0  }
0x98: {  	[sflag:s6] =	ssyncadd.s32 $0xFFFF8300  }
0x99: {  	_ =	swait.ge [sflag:s11], $0x7D0  }
0x9a: {  	[sflag:s11] =	ssyncset.done $0x0  }
0x9b: {  	[sflag:s11] =	ssyncadd.s32 $0xFFFFF830  }
0x9c: {  	_ =	swait.ge [sflag:s11], $0x7D00  }
0x9d: {  	[sflag:s11] =	ssyncset.done $0x0  }
0x9e: {  	[sflag:s11] =	ssyncadd.s32 $0xFFFF8300  }
0x9f: {  	[spmem:s2] =	stream.indirect.scatter.add.f32 [tilespmem:s10], [sflag:$0x3], $0x10, s3, s13, $0xb8;
	[tilespmem:$0x130B0] =	vst v63  }
0xa0: {  	_ =	swait.ge [sflag:s6], $0x7D00  }
0xa1: {  	[sflag:s6] =	ssyncset.done $0x0  }
.Ltmp1:
0xa2: {  	[sflag:s6] =	ssyncadd.s32 $0xFFFF8300;
	(pc) =	sbr.rel @p0 .LBB2_1-.Ltmp1, $4  }
0xa3: {  	[bflag:$0x0] =	sbarrier.arrive $0xFFFF  }
0xa4: {  	[hbm:s23], [sflag:s5] =	dma.local [spmem:s7], $0x4E2  }
0xa5: {  	_ =	swait.ge [sflag:s6], $0x4E2  }
0xa6: {  	[sflag:s6] =	ssyncset.done $0x0  }
.LBB2_2:
0xa7: {  	[sflag:s6] =	ssyncadd.s32 $0xFFFFFB1E  }
0xa8: {  	_ =	sfence.sel $0x180000  }
0xa9: {  	[bflag:$0x0] =	sbarrier.arrive $0xFFFF  }
0xaa: {  	p0 =	sne.s32 s1, $0x0;
	_ =	strace $0x90000050  }
0xab: {  	s0 =	sadd.s32 @!p0 $0x100000, s0;
	[bflag:$0x2] =	sbarrier.arrive $0xFFFF  }
0xac: {  	[sflag:s0] =	ssyncadd.tile.s32 @!p0 $0x1;
	_ =	shalt  }
.Lfunc_end2:
_tile_overlayer_lowered:
.L_overlay_start_2:
0xad: {  	(tag) =	ssettag $0x2  }
0xae: {  	s0 =	rddreg [dreg:$0x0];
	s2 =	stileid.u32  }
0xaf: {  	s1 =	rddreg [dreg:$0x1];
	p0 =	sne.s32 s2, $0x0  }
0xb0: {  	s3 =	rddreg [dreg:$0x2];
	[bflag:$0x3] =	sbarrier.arrive $0xFFFF;
	s2 =	simm.s32 @!p0 $0x1C03  }
0xb1: {  	[timem:s3], [sflag:s2] =	dma.local @!p0 [hbm:s0], s1  }
0xb2: {  	s0 =	simm.s32 @!p0 $0x3  }
0xb3: {  	_ =	swait.ge @!p0 [sflag:s0], s1  }
0xb4: {  	s1 =	ssub.s32 @!p0 $0x0, s1;
	[sflag:s0] =	ssyncset.done @!p0 $0x0  }
0xb5: {  	[sflag:s0] =	ssyncadd.s32 @!p0 s1  }
0xb6: {  	[bflag:$0x3] =	sbarrier.arrive $0xFFFF  }
0xb7: {  	_ =	shalt  }

</sc_bundles>
